<compile_context>
chip_gen: v7x
topology: tpu7x:2x2x1
jax: 0.10.2.dev20260603
libtpu: 0.0.44.dev20260713+nightly
codegen_flags: <defaults>
</compile_context>

<pallas_src>
import functools

import jax
import jax.numpy as jnp
from jax import lax
from jax.experimental import pallas as pl
from jax.experimental.pallas import tpu as pltpu
from jax.experimental.pallas import tpu_sc as plsc

N_NODES = 10000
N_EDGES = 320000
NFEAT = 128
NGRAPH = 16

NC = 2
NS = 16
NW = NC * NS
CHUNK = 128
NCHUNKS_PAD = 2560
N_EDGES_PAD = NCHUNKS_PAD * CHUNK
CPT_DEG = NCHUNKS_PAD // NW
CPT = NCHUNKS_PAD // NW
NPAD = 10240
ROWS_PER_TILE = NPAD // NS
CPT0 = 112
DEGW = 16


def _ids():
  sid = lax.axis_index("s")
  cid = lax.axis_index("c")
  return sid, cid, sid * NC + cid


def _sc_deg_body(ew_hbm, col_hbm, out_hbm, ewv, cv0, cv1, v0, v1, jc0, jc1, acc):
  sid, cid, wid = _ids()
  base = wid * CPT_DEG
  zeros16 = jnp.zeros((16,), jnp.float32)

  pltpu.sync_copy(ew_hbm.at[pl.ds(base, CPT_DEG)], ewv)

  def zrow(i, _):
    v0[i, :] = zeros16
    return 0
  lax.fori_loop(0, CHUNK, zrow, 0, unroll=4)
  for t in range(ROWS_PER_TILE // CHUNK):
    pltpu.sync_copy(v0, acc.at[pl.ds(sid * ROWS_PER_TILE + t * CHUNK, CHUNK)])
  plsc.subcore_barrier()

  def fill(k, vb):
    kk = jnp.full((16,), k, jnp.int32)

    def fbody(i, _):
      vb[i, :] = plsc.load_gather(ewv, [kk, jnp.full((16,), i, jnp.int32)])
      return 0

    lax.fori_loop(0, CHUNK, fbody, 0, unroll=8)

  def body(g, _):
    k0 = 2 * g
    c0 = pltpu.async_copy(col_hbm.at[base + k0], cv0, jc0)
    c1 = pltpu.async_copy(col_hbm.at[base + k0 + 1], cv1, jc1)
    fill(k0, v0)
    c0.wait()
    pltpu.sync_copy(v0, acc.at[cv0], add=True)
    fill(k0 + 1, v1)
    c1.wait()
    pltpu.sync_copy(v1, acc.at[cv1], add=True)
    return 0

  lax.fori_loop(0, CPT_DEG // 2, body, 0)
  plsc.subcore_barrier()
  pltpu.sync_copy(acc.at[pl.ds(sid * ROWS_PER_TILE, ROWS_PER_TILE)],
                  out_hbm.at[cid, pl.ds(sid * ROWS_PER_TILE, ROWS_PER_TILE)])


def _sc_deg(ew2d, col2d):
  mesh = plsc.VectorSubcoreMesh(core_axis_name="c", subcore_axis_name="s")
  return pl.kernel(
      _sc_deg_body,
      out_type=jax.ShapeDtypeStruct((NC, NPAD, DEGW), jnp.float32),
      mesh=mesh,
      compiler_params=pltpu.CompilerParams(needs_layout_passes=False),
      scratch_types=[
          pltpu.VMEM((CPT_DEG, CHUNK), jnp.float32),
          pltpu.VMEM((CHUNK,), jnp.int32),
          pltpu.VMEM((CHUNK,), jnp.int32),
          pltpu.VMEM((CHUNK, DEGW), jnp.float32),
          pltpu.VMEM((CHUNK, DEGW), jnp.float32),
          pltpu.SemaphoreType.DMA,
          pltpu.SemaphoreType.DMA,
          pltpu.VMEM_SHARED((NPAD, DEGW), jnp.float32),
      ],
  )(ew2d, col2d)


def _sc_msg_body(xn_hbm, row_hbm, col_hbm, ew_hbm, out_hbm,
                 rv0, rv1, cv0, cv1, ev0, ev1, r0, r1,
                 ji0, ji1, jc0, jc1, je0, je1, g0, g1, acc):
  sid, cid, wid = _ids()
  base = sid * (2 * CPT) + jnp.where(cid == 0, 0, CPT0)
  cpt_me = jnp.where(cid == 0, CPT0, 2 * CPT - CPT0)
  zeros16 = jnp.zeros((16,), jnp.float32)

  def zrow(i, _):
    for j in range(NFEAT // 16):
      r0[i, pl.ds(j * 16, 16)] = zeros16
    return 0
  lax.fori_loop(0, CHUNK, zrow, 0, unroll=4)
  for t in range(ROWS_PER_TILE // CHUNK):
    pltpu.sync_copy(r0, acc.at[pl.ds(sid * ROWS_PER_TILE + t * CHUNK, CHUNK)])
  plsc.subcore_barrier()

  def scale(ev, rr):
    def sbody(i, _):
      coef = plsc.load_gather(ev, [jnp.full((16,), i, jnp.int32)])
      for j in range(NFEAT // 16):
        sl = pl.ds(j * 16, 16)
        rr[i, sl] = rr[i, sl] * coef
      return 0

    lax.fori_loop(0, CHUNK, sbody, 0, unroll=2)

  def body(g, _):
    k0 = 2 * g
    i0 = pltpu.async_copy(row_hbm.at[base + k0], rv0, ji0)
    i1 = pltpu.async_copy(row_hbm.at[base + k0 + 1], rv1, ji1)
    c0 = pltpu.async_copy(col_hbm.at[base + k0], cv0, jc0)
    c1 = pltpu.async_copy(col_hbm.at[base + k0 + 1], cv1, jc1)
    e0 = pltpu.async_copy(ew_hbm.at[base + k0], ev0, je0)
    e1 = pltpu.async_copy(ew_hbm.at[base + k0 + 1], ev1, je1)
    i0.wait()
    d0 = pltpu.async_copy(xn_hbm.at[rv0], r0, g0)
    e0.wait()
    e1.wait()
    c0.wait()
    c1.wait()
    d0.wait()
    i1.wait()
    d1 = pltpu.async_copy(xn_hbm.at[rv1], r1, g1)
    scale(ev0, r0)
    pltpu.sync_copy(r0, acc.at[cv0], add=True)
    d1.wait()
    scale(ev1, r1)
    pltpu.sync_copy(r1, acc.at[cv1], add=True)
    return 0

  @pl.when(cid == 0)
  def _():
    lax.fori_loop(0, CPT0 // 2, body, 0)

  @pl.when(cid == 1)
  def _():
    lax.fori_loop(0, (2 * CPT - CPT0) // 2, body, 0)

  plsc.subcore_barrier()
  pltpu.sync_copy(acc.at[pl.ds(sid * ROWS_PER_TILE, ROWS_PER_TILE)],
                  out_hbm.at[cid, pl.ds(sid * ROWS_PER_TILE, ROWS_PER_TILE)])


def _sc_msg(xn, row2d, col2d, ew2d):
  mesh = plsc.VectorSubcoreMesh(core_axis_name="c", subcore_axis_name="s")
  return pl.kernel(
      _sc_msg_body,
      out_type=jax.ShapeDtypeStruct((NC, NPAD, NFEAT), jnp.float32),
      mesh=mesh,
      compiler_params=pltpu.CompilerParams(needs_layout_passes=False),
      scratch_types=(
          [pltpu.VMEM((CHUNK,), jnp.int32)] * 4
          + [pltpu.VMEM((CHUNK,), jnp.float32)] * 2
          + [pltpu.VMEM((CHUNK, NFEAT), jnp.float32)] * 2
          + [pltpu.SemaphoreType.DMA] * 8
          + [pltpu.VMEM_SHARED((NPAD, NFEAT), jnp.float32)]
      ),
  )(xn, row2d, col2d, ew2d)


def _tc_a_body(x_ref, w1_ref, degp_ref, xw_ref, xn_ref, dis_ref):
  xw = jnp.dot(x_ref[...], w1_ref[...], preferred_element_type=jnp.float32)
  deg = degp_ref[0, :, 0:1] + degp_ref[1, :, 0:1] + 1.0
  dis = lax.rsqrt(deg)
  xw_ref[...] = xw
  xn_ref[...] = xw * dis
  dis_ref[...] = dis


def _tc_a(x, W1, degp):
  nb = 10
  blk = N_NODES // nb
  return pl.pallas_call(
      _tc_a_body,
      grid=(nb,),
      in_specs=[
          pl.BlockSpec((blk, NFEAT), lambda i: (i, 0)),
          pl.BlockSpec((NFEAT, NFEAT), lambda i: (0, 0)),
          pl.BlockSpec((NC, blk, DEGW), lambda i: (0, i, 0)),
      ],
      out_specs=[
          pl.BlockSpec((blk, NFEAT), lambda i: (i, 0)),
          pl.BlockSpec((blk, NFEAT), lambda i: (i, 0)),
          pl.BlockSpec((blk, 1), lambda i: (i, 0)),
      ],
      out_shape=[
          jax.ShapeDtypeStruct((N_NODES, NFEAT), jnp.float32),
          jax.ShapeDtypeStruct((N_NODES, NFEAT), jnp.float32),
          jax.ShapeDtypeStruct((N_NODES, 1), jnp.float32),
      ],
  )(x, W1, degp)


def _tc_b_body(accp_ref, xw1_ref, dis_ref, b1_ref, w2_ref, xw2_ref, xn2_ref):
  dis = dis_ref[...]
  acc = accp_ref[0] + accp_ref[1]
  h1 = jax.nn.relu(dis * acc + xw1_ref[...] * dis * dis + b1_ref[...])
  xw2 = jnp.dot(h1, w2_ref[...], preferred_element_type=jnp.float32)
  xw2_ref[...] = xw2
  xn2_ref[...] = xw2 * dis


def _tc_b(accp, xw1, dis, b1r, W2):
  nb = 10
  blk = N_NODES // nb
  return pl.pallas_call(
      _tc_b_body,
      grid=(nb,),
      in_specs=[
          pl.BlockSpec((NC, blk, NFEAT), lambda i: (0, i, 0)),
          pl.BlockSpec((blk, NFEAT), lambda i: (i, 0)),
          pl.BlockSpec((blk, 1), lambda i: (i, 0)),
          pl.BlockSpec((1, NFEAT), lambda i: (0, 0)),
          pl.BlockSpec((NFEAT, NFEAT), lambda i: (0, 0)),
      ],
      out_specs=[
          pl.BlockSpec((blk, NFEAT), lambda i: (i, 0)),
          pl.BlockSpec((blk, NFEAT), lambda i: (i, 0)),
      ],
      out_shape=[
          jax.ShapeDtypeStruct((N_NODES, NFEAT), jnp.float32),
          jax.ShapeDtypeStruct((N_NODES, NFEAT), jnp.float32),
      ],
  )(accp, xw1, dis, b1r, W2)


def _tc_c_body(accp_ref, xw2_ref, dis_ref, b2_ref, batch_ref, smri_ref,
               ws_ref, bs_ref, wf1_ref, wf2_ref, bf_ref, out_ref,
               pooled_ref, counts_ref):
  i = pl.program_id(0)
  nb = pl.num_programs(0)

  @pl.when(i == 0)
  def _():
    pooled_ref[...] = jnp.zeros_like(pooled_ref)
    counts_ref[...] = jnp.zeros_like(counts_ref)

  dis = dis_ref[...]
  acc = accp_ref[0] + accp_ref[1]
  h2 = jax.nn.relu(dis * acc + xw2_ref[...] * dis * dis + b2_ref[...])

  bt = batch_ref[0, 0, :]
  blk = h2.shape[0]
  onehot = (bt[:, None] == lax.broadcasted_iota(jnp.int32, (blk, NGRAPH), 1))
  onehot = onehot.astype(jnp.float32)
  pooled_ref[...] += lax.dot_general(
      onehot, h2, (((0,), (0,)), ((), ())), preferred_element_type=jnp.float32)
  ones8 = jnp.ones((blk, 8), jnp.float32)
  counts_ref[...] += lax.dot_general(
      onehot, ones8, (((0,), (0,)), ((), ())), preferred_element_type=jnp.float32)

  @pl.when(i == nb - 1)
  def _():
    cnt = jnp.maximum(counts_ref[:, 0:1], 1.0)
    mean = pooled_ref[...] / cnt
    semb = jax.nn.relu(
        jnp.dot(smri_ref[...], ws_ref[...], preferred_element_type=jnp.float32)
        + bs_ref[...])
    out = (jnp.dot(mean, wf1_ref[...], preferred_element_type=jnp.float32)
           + jnp.dot(semb, wf2_ref[...], preferred_element_type=jnp.float32)
           + bf_ref[...])
    out_ref[...] = out


def _tc_c(accp, xw2, dis, b2r, batch3, smri, Ws, bsr, Wf1, Wf2, bfr):
  nb = 10
  blk = N_NODES // nb
  return pl.pallas_call(
      _tc_c_body,
      grid=(nb,),
      in_specs=[
          pl.BlockSpec((NC, blk, NFEAT), lambda i: (0, i, 0)),
          pl.BlockSpec((blk, NFEAT), lambda i: (i, 0)),
          pl.BlockSpec((blk, 1), lambda i: (i, 0)),
          pl.BlockSpec((1, NFEAT), lambda i: (0, 0)),
          pl.BlockSpec((1, 1, blk), lambda i: (i, 0, 0)),
          pl.BlockSpec(smri.shape, lambda i: (0, 0)),
          pl.BlockSpec(Ws.shape, lambda i: (0, 0)),
          pl.BlockSpec(bsr.shape, lambda i: (0, 0)),
          pl.BlockSpec(Wf1.shape, lambda i: (0, 0)),
          pl.BlockSpec(Wf2.shape, lambda i: (0, 0)),
          pl.BlockSpec(bfr.shape, lambda i: (0, 0)),
      ],
      out_specs=pl.BlockSpec((NGRAPH, 2), lambda i: (0, 0)),
      out_shape=jax.ShapeDtypeStruct((NGRAPH, 2), jnp.float32),
      scratch_shapes=[
          pltpu.VMEM((NGRAPH, NFEAT), jnp.float32),
          pltpu.VMEM((NGRAPH, 8), jnp.float32),
      ],
  )(accp, xw2, dis, b2r, batch3, smri, Ws, bsr, Wf1, Wf2, bfr)


@jax.jit
def kernel(x, edge_index, edge_weight, batch, smri_data,
           W1, b1, W2, b2, Ws, bs, Wf, bf):
  x = x.astype(jnp.float32)
  ew = edge_weight.astype(jnp.float32)

  npadi = jnp.zeros((N_EDGES_PAD - N_EDGES,), jnp.int32)
  npadf = jnp.zeros((N_EDGES_PAD - N_EDGES,), jnp.float32)
  padcol = N_NODES + (jnp.arange(N_EDGES_PAD - N_EDGES, dtype=jnp.int32)
                      % (NPAD - N_NODES))
  row2d = jnp.concatenate([edge_index[0].astype(jnp.int32), npadi]
                          ).reshape(NCHUNKS_PAD, CHUNK)
  col2d = jnp.concatenate([edge_index[1].astype(jnp.int32), padcol]
                          ).reshape(NCHUNKS_PAD, CHUNK)
  ew2d = jnp.concatenate([ew, npadf]).reshape(NCHUNKS_PAD, CHUNK)
  batch3 = batch.astype(jnp.int32).reshape(10, 1, N_NODES // 10)

  b1r = b1.reshape(1, NFEAT)
  b2r = b2.reshape(1, NFEAT)
  bsr = bs.reshape(1, -1)
  bfr = bf.reshape(1, -1)
  Wf1 = Wf[:NFEAT]
  Wf2 = Wf[NFEAT:]

  degp = _sc_deg(ew2d, col2d)
  xw1, xn1, dis = _tc_a(x, W1, degp)
  acc1 = _sc_msg(xn1, row2d, col2d, ew2d)
  xw2, xn2 = _tc_b(acc1, xw1, dis, b1r, W2)
  acc2 = _sc_msg(xn2, row2d, col2d, ew2d)
  out = _tc_c(acc2, xw2, dis, b2r, batch3, smri_data.astype(jnp.float32),
              Ws, bsr, Wf1, Wf2, bfr)
  return out

# --- scband reference (transcript-rebuilt; emitter-appended) ---
"""Pipeline reference for scband-model-36464272343064 (READ-ONLY COPY).

The authoritative reference and input builder live on the scoring server;
editing this copy changes nothing except your own understanding.
"""

import jax, jax.numpy as jnp
import numpy as np

N_NODES = 10000
N_EDGES = 320000
NFEAT = 128
NHID = 128
NCLASS = 2
SMRI_IN = 256
SMRI_HID = 64
NUM_GRAPHS = 16


def setup_inputs(seed: int = 0) -> dict:
    key = jax.random.key(seed)
    ks = jax.random.split(key, 16)
    x = jax.random.normal(ks[0], (N_NODES, NFEAT), dtype=jnp.float32)
    edge_index = jax.random.randint(ks[1], (2, N_EDGES), 0, N_NODES, dtype=jnp.int64)
    edge_weight = jax.random.uniform(ks[2], (N_EDGES,), dtype=jnp.float32)
    batch = jnp.sort(jax.random.randint(ks[3], (N_NODES,), 0, NUM_GRAPHS, dtype=jnp.int64))
    smri_data = jax.random.normal(ks[4], (NUM_GRAPHS, SMRI_IN), dtype=jnp.float32)
    s1 = 1.0 / np.sqrt(NFEAT)
    W1 = jax.random.uniform(ks[5], (NFEAT, NHID), jnp.float32, -s1, s1)
    b1 = jax.random.uniform(ks[6], (NHID,), jnp.float32, -s1, s1)
    s2 = 1.0 / np.sqrt(NHID)
    W2 = jax.random.uniform(ks[7], (NHID, NHID), jnp.float32, -s2, s2)
    b2 = jax.random.uniform(ks[8], (NHID,), jnp.float32, -s2, s2)
    ss = 1.0 / np.sqrt(SMRI_IN)
    Ws = jax.random.uniform(ks[9], (SMRI_IN, SMRI_HID), jnp.float32, -ss, ss)
    bs = jax.random.uniform(ks[10], (SMRI_HID,), jnp.float32, -ss, ss)
    sf = 1.0 / np.sqrt(NHID + SMRI_HID)
    Wf = jax.random.uniform(ks[11], (NHID + SMRI_HID, NCLASS), jnp.float32, -sf, sf)
    bf = jax.random.uniform(ks[12], (NCLASS,), jnp.float32, -sf, sf)
    return {"x": x, "edge_index": edge_index, "edge_weight": edge_weight,
            "batch": batch, "smri_data": smri_data,
            "W1": W1, "b1": b1, "W2": W2, "b2": b2,
            "Ws": Ws, "bs": bs, "Wf": Wf, "bf": bf}


def gcn_conv(x, edge_index, edge_weight, W, b):
    # GCNConv with add_self_loops=True, symmetric normalization, edge weights
    N = x.shape[0]
    row = edge_index[0]
    col = edge_index[1]
    loop = jnp.arange(N, dtype=row.dtype)
    row_f = jnp.concatenate([row, loop])
    col_f = jnp.concatenate([col, loop])
    ew_f = jnp.concatenate([edge_weight, jnp.ones((N,), dtype=x.dtype)])
    deg = jax.ops.segment_sum(ew_f, col_f, num_segments=N)
    deg_inv_sqrt = jnp.where(deg > 0, 1.0 / jnp.sqrt(deg), 0.0)
    norm = deg_inv_sqrt[row_f] * ew_f * deg_inv_sqrt[col_f]
    xw = x @ W
    msg = xw[row_f] * norm[:, None]
    out = jax.ops.segment_sum(msg, col_f, num_segments=N)
    return out + b


def reference(x, edge_index, edge_weight, batch, smri_data,
              W1, b1, W2, b2, Ws, bs, Wf, bf):
    x = x.astype(jnp.float32)
    edge_weight = edge_weight.astype(jnp.float32)
    smri_embedding = jax.nn.relu(smri_data.astype(jnp.float32) @ Ws + bs)
    # conv1 + relu
    h = jax.nn.relu(gcn_conv(x, edge_index, edge_weight, W1, b1))
    # intermediate (num_layers=3 -> one extra conv) + relu (dropout is identity in eval)
    h = jax.nn.relu(gcn_conv(h, edge_index, edge_weight, W2, b2))
    # global mean pool over batch
    sums = jax.ops.segment_sum(h, batch, num_segments=NUM_GRAPHS)
    counts = jax.ops.segment_sum(jnp.ones((h.shape[0],), dtype=h.dtype), batch,
                                 num_segments=NUM_GRAPHS)
    mean = sums / jnp.maximum(counts, 1.0)[:, None]
    z = jnp.concatenate([mean, smri_embedding], axis=-1)
    return z @ Wf + bf

if __name__ == "__main__":
    import jax
    _d = setup_inputs()
    print(jax.jit(kernel)(*tuple(_d.values())))

</pallas_src>

<mosaic_0001>
#map = affine_map<(d0, d1) -> (0, 0)>
#map1 = affine_map<(d0, d1) -> (0, 0, 0)>
module attributes {stable_mosaic.version = 14 : i64} {
  func.func @_sc_msg_body(%arg0: i32, %arg1: i32, %arg2: memref<10000x128xf32, #tpu.memory_space<hbm>>, %arg3: memref<2560x128xi32, #tpu.memory_space<hbm>>, %arg4: memref<2560x128xi32, #tpu.memory_space<hbm>>, %arg5: memref<2560x128xf32, #tpu.memory_space<hbm>>, %arg6: memref<2x10240x128xf32, #tpu.memory_space<hbm>>, %arg7: memref<128xi32, #tpu.memory_space<vmem>>, %arg8: memref<128xi32, #tpu.memory_space<vmem>>, %arg9: memref<128xi32, #tpu.memory_space<vmem>>, %arg10: memref<128xi32, #tpu.memory_space<vmem>>, %arg11: memref<128xf32, #tpu.memory_space<vmem>>, %arg12: memref<128xf32, #tpu.memory_space<vmem>>, %arg13: memref<128x128xf32, #tpu.memory_space<vmem>>, %arg14: memref<128x128xf32, #tpu.memory_space<vmem>>, %arg15: memref<!tpu.dma_semaphore, #tpu.memory_space<semaphore_mem>>, %arg16: memref<!tpu.dma_semaphore, #tpu.memory_space<semaphore_mem>>, %arg17: memref<!tpu.dma_semaphore, #tpu.memory_space<semaphore_mem>>, %arg18: memref<!tpu.dma_semaphore, #tpu.memory_space<semaphore_mem>>, %arg19: memref<!tpu.dma_semaphore, #tpu.memory_space<semaphore_mem>>, %arg20: memref<!tpu.dma_semaphore, #tpu.memory_space<semaphore_mem>>, %arg21: memref<!tpu.dma_semaphore, #tpu.memory_space<semaphore_mem>>, %arg22: memref<!tpu.dma_semaphore, #tpu.memory_space<semaphore_mem>>, %arg23: memref<10240x128xf32, #tpu.memory_space<vmem_shared>>) attributes {dimension_semantics = [#tpu.dimension_semantics<core_parallel>, #tpu.dimension_semantics<subcore_parallel>], iteration_bounds = array<i64: 2, 16>, scalar_prefetch = 0 : i64, scratch_operands = 17 : i64, tpu.core_type = #tpu.core_type<sc_vector_subcore>, window_params = [{transform_indices = #map}, {transform_indices = #map}, {transform_indices = #map}, {transform_indices = #map}, {transform_indices = #map1}]} {
    %mul3A = arith.constant 2 : i32
    %mul3A_0 = arith.muli %arg1, %mul3A : i32
    %add3A = arith.addi %mul3A_0, %arg0 : i32
    %mul3A_1 = arith.constant 160 : i32
    %mul3A_2 = arith.muli %arg1, %mul3A_1 : i32
    %eq3A = arith.constant 0 : i32
    %eq3A_3 = arith.cmpi eq, %arg0, %eq3A : i32
    %jit3A = arith.constant 0 : i32
    %jit3A_4 = arith.constant 112 : i32
    %select_n3A = arith.select %eq3A_3, %jit3A, %jit3A_4 : i32
    %add3A_5 = arith.addi %mul3A_2, %select_n3A : i32
    %eq3A_6 = arith.constant 0 : i32
    %eq3A_7 = arith.cmpi eq, %arg0, %eq3A_6 : i32
    %jit3A_8 = arith.constant 112 : i32
    %jit3A_9 = arith.constant 48 : i32
    %select_n3A_10 = arith.select %eq3A_7, %jit3A_8, %jit3A_9 : i32
    %broadcast_in_dim3A = arith.constant 0.000000e+00 : f32
    %broadcast_in_dim3A_11 = vector.broadcast %broadcast_in_dim3A : f32 to vector<16xf32>
    %scan3A = arith.constant 0 : i32
    %scan3A_12 = arith.constant 0 : i32
    %scan3A_13 = arith.constant 128 : i32
    %scan3A_14 = arith.addi %scan3A_12, %scan3A_13 : i32
    %scan3A_15 = arith.constant 4 : i32
    %scan3A_16 = scf.for %scan3A_51 = %scan3A_12 to %scan3A_14 step %scan3A_15 iter_args(%scan3A_52 = %scan3A) -> (i32)  : i32 {
      %swap3A = arith.index_cast %scan3A_51 : i32 to index
      %swap3A_53 = arith.constant 0 : index
      %swap3A_54 = tpu.vector_load %arg13[%swap3A, %swap3A_53] {strides = array<i32>} : memref<128x128xf32, #tpu.memory_space<vmem>>, vector<16xf32>,
      tpu.vector_store %arg13[%swap3A, %swap3A_53], %broadcast_in_dim3A_11 {strides = array<i32>} : memref<128x128xf32, #tpu.memory_space<vmem>>, vector<16xf32>,
      %swap3A_55 = arith.index_cast %scan3A_51 : i32 to index
      %swap3A_56 = arith.constant 16 : index
      %swap3A_57 = tpu.vector_load %arg13[%swap3A_55, %swap3A_56] {strides = array<i32>} : memref<128x128xf32, #tpu.memory_space<vmem>>, vector<16xf32>,
      tpu.vector_store %arg13[%swap3A_55, %swap3A_56], %broadcast_in_dim3A_11 {strides = array<i32>} : memref<128x128xf32, #tpu.memory_space<vmem>>, vector<16xf32>,
      %swap3A_58 = arith.index_cast %scan3A_51 : i32 to index
      %swap3A_59 = arith.constant 32 : index
      %swap3A_60 = tpu.vector_load %arg13[%swap3A_58, %swap3A_59] {strides = array<i32>} : memref<128x128xf32, #tpu.memory_space<vmem>>, vector<16xf32>,
      tpu.vector_store %arg13[%swap3A_58, %swap3A_59], %broadcast_in_dim3A_11 {strides = array<i32>} : memref<128x128xf32, #tpu.memory_space<vmem>>, vector<16xf32>,
      %swap3A_61 = arith.index_cast %scan3A_51 : i32 to index
      %swap3A_62 = arith.constant 48 : index
      %swap3A_63 = tpu.vector_load %arg13[%swap3A_61, %swap3A_62] {strides = array<i32>} : memref<128x128xf32, #tpu.memory_space<vmem>>, vector<16xf32>,
      tpu.vector_store %arg13[%swap3A_61, %swap3A_62], %broadcast_in_dim3A_11 {strides = array<i32>} : memref<128x128xf32, #tpu.memory_space<vmem>>, vector<16xf32>,
      %swap3A_64 = arith.index_cast %scan3A_51 : i32 to index
      %swap3A_65 = arith.constant 64 : index
      %swap3A_66 = tpu.vector_load %arg13[%swap3A_64, %swap3A_65] {strides = array<i32>} : memref<128x128xf32, #tpu.memory_space<vmem>>, vector<16xf32>,
      tpu.vector_store %arg13[%swap3A_64, %swap3A_65], %broadcast_in_dim3A_11 {strides = array<i32>} : memref<128x128xf32, #tpu.memory_space<vmem>>, vector<16xf32>,
      %swap3A_67 = arith.index_cast %scan3A_51 : i32 to index
      %swap3A_68 = arith.constant 80 : index
      %swap3A_69 = tpu.vector_load %arg13[%swap3A_67, %swap3A_68] {strides = array<i32>} : memref<128x128xf32, #tpu.memory_space<vmem>>, vector<16xf32>,
      tpu.vector_store %arg13[%swap3A_67, %swap3A_68], %broadcast_in_dim3A_11 {strides = array<i32>} : memref<128x128xf32, #tpu.memory_space<vmem>>, vector<16xf32>,
      %swap3A_70 = arith.index_cast %scan3A_51 : i32 to index
      %swap3A_71 = arith.constant 96 : index
      %swap3A_72 = tpu.vector_load %arg13[%swap3A_70, %swap3A_71] {strides = array<i32>} : memref<128x128xf32, #tpu.memory_space<vmem>>, vector<16xf32>,
      tpu.vector_store %arg13[%swap3A_70, %swap3A_71], %broadcast_in_dim3A_11 {strides = array<i32>} : memref<128x128xf32, #tpu.memory_space<vmem>>, vector<16xf32>,
      %swap3A_73 = arith.index_cast %scan3A_51 : i32 to index
      %swap3A_74 = arith.constant 112 : index
      %swap3A_75 = tpu.vector_load %arg13[%swap3A_73, %swap3A_74] {strides = array<i32>} : memref<128x128xf32, #tpu.memory_space<vmem>>, vector<16xf32>,
      tpu.vector_store %arg13[%swap3A_73, %swap3A_74], %broadcast_in_dim3A_11 {strides = array<i32>} : memref<128x128xf32, #tpu.memory_space<vmem>>, vector<16xf32>,
      %scan3A_76 = arith.constant 0 : i32
      %scan3A_77 = arith.constant 1 : i32
      %scan3A_78 = arith.addi %scan3A_51, %scan3A_77 : i32
      %swap3A_79 = arith.index_cast %scan3A_78 : i32 to index
      %swap3A_80 = arith.constant 0 : index
      %swap3A_81 = tpu.vector_load %arg13[%swap3A_79, %swap3A_80] {strides = array<i32>} : memref<128x128xf32, #tpu.memory_space<vmem>>, vector<16xf32>,
      tpu.vector_store %arg13[%swap3A_79, %swap3A_80], %broadcast_in_dim3A_11 {strides = array<i32>} : memref<128x128xf32, #tpu.memory_space<vmem>>, vector<16xf32>,
      %swap3A_82 = arith.index_cast %scan3A_78 : i32 to index
      %swap3A_83 = arith.constant 16 : index
      %swap3A_84 = tpu.vector_load %arg13[%swap3A_82, %swap3A_83] {strides = array<i32>} : memref<128x128xf32, #tpu.memory_space<vmem>>, vector<16xf32>,
      tpu.vector_store %arg13[%swap3A_82, %swap3A_83], %broadcast_in_dim3A_11 {strides = array<i32>} : memref<128x128xf32, #tpu.memory_space<vmem>>, vector<16xf32>,
      %swap3A_85 = arith.index_cast %scan3A_78 : i32 to index
      %swap3A_86 = arith.constant 32 : index
      %swap3A_87 = tpu.vector_load %arg13[%swap3A_85, %swap3A_86] {strides = array<i32>} : memref<128x128xf32, #tpu.memory_space<vmem>>, vector<16xf32>,
      tpu.vector_store %arg13[%swap3A_85, %swap3A_86], %broadcast_in_dim3A_11 {strides = array<i32>} : memref<128x128xf32, #tpu.memory_space<vmem>>, vector<16xf32>,
      %swap3A_88 = arith.index_cast %scan3A_78 : i32 to index
      %swap3A_89 = arith.constant 48 : index
      %swap3A_90 = tpu.vector_load %arg13[%swap3A_88, %swap3A_89] {strides = array<i32>} : memref<128x128xf32, #tpu.memory_space<vmem>>, vector<16xf32>,
      tpu.vector_store %arg13[%swap3A_88, %swap3A_89], %broadcast_in_dim3A_11 {strides = array<i32>} : memref<128x128xf32, #tpu.memory_space<vmem>>, vector<16xf32>,
      %swap3A_91 = arith.index_cast %scan3A_78 : i32 to index
      %swap3A_92 = arith.constant 64 : index
      %swap3A_93 = tpu.vector_load %arg13[%swap3A_91, %swap3A_92] {strides = array<i32>} : memref<128x128xf32, #tpu.memory_space<vmem>>, vector<16xf32>,
      tpu.vector_store %arg13[%swap3A_91, %swap3A_92], %broadcast_in_dim3A_11 {strides = array<i32>} : memref<128x128xf32, #tpu.memory_space<vmem>>, vector<16xf32>,
      %swap3A_94 = arith.index_cast %scan3A_78 : i32 to index
      %swap3A_95 = arith.constant 80 : index
      %swap3A_96 = tpu.vector_load %arg13[%swap3A_94, %swap3A_95] {strides = array<i32>} : memref<128x128xf32, #tpu.memory_space<vmem>>, vector<16xf32>,
      tpu.vector_store %arg13[%swap3A_94, %swap3A_95], %broadcast_in_dim3A_11 {strides = array<i32>} : memref<128x128xf32, #tpu.memory_space<vmem>>, vector<16xf32>,
      %swap3A_97 = arith.index_cast %scan3A_78 : i32 to index
      %swap3A_98 = arith.constant 96 : index
      %swap3A_99 = tpu.vector_load %arg13[%swap3A_97, %swap3A_98] {strides = array<i32>} : memref<128x128xf32, #tpu.memory_space<vmem>>, vector<16xf32>,
      tpu.vector_store %arg13[%swap3A_97, %swap3A_98], %broadcast_in_dim3A_11 {strides = array<i32>} : memref<128x128xf32, #tpu.memory_space<vmem>>, vector<16xf32>,
      %swap3A_100 = arith.index_cast %scan3A_78 : i32 to index
      %swap3A_101 = arith.constant 112 : index
      %swap3A_102 = tpu.vector_load %arg13[%swap3A_100, %swap3A_101] {strides = array<i32>} : memref<128x128xf32, #tpu.memory_space<vmem>>, vector<16xf32>,
      tpu.vector_store %arg13[%swap3A_100, %swap3A_101], %broadcast_in_dim3A_11 {strides = array<i32>} : memref<128x128xf32, #tpu.memory_space<vmem>>, vector<16xf32>,
      %scan3A_103 = arith.constant 0 : i32
      %scan3A_104 = arith.constant 2 : i32
      %scan3A_105 = arith.addi %scan3A_51, %scan3A_104 : i32
      %swap3A_106 = arith.index_cast %scan3A_105 : i32 to index
      %swap3A_107 = arith.constant 0 : index
      %swap3A_108 = tpu.vector_load %arg13[%swap3A_106, %swap3A_107] {strides = array<i32>} : memref<128x128xf32, #tpu.memory_space<vmem>>, vector<16xf32>,
      tpu.vector_store %arg13[%swap3A_106, %swap3A_107], %broadcast_in_dim3A_11 {strides = array<i32>} : memref<128x128xf32, #tpu.memory_space<vmem>>, vector<16xf32>,
      %swap3A_109 = arith.index_cast %scan3A_105 : i32 to index
      %swap3A_110 = arith.constant 16 : index
      %swap3A_111 = tpu.vector_load %arg13[%swap3A_109, %swap3A_110] {strides = array<i32>} : memref<128x128xf32, #tpu.memory_space<vmem>>, vector<16xf32>,
      tpu.vector_store %arg13[%swap3A_109, %swap3A_110], %broadcast_in_dim3A_11 {strides = array<i32>} : memref<128x128xf32, #tpu.memory_space<vmem>>, vector<16xf32>,
      %swap3A_112 = arith.index_cast %scan3A_105 : i32 to index
      %swap3A_113 = arith.constant 32 : index
      %swap3A_114 = tpu.vector_load %arg13[%swap3A_112, %swap3A_113] {strides = array<i32>} : memref<128x128xf32, #tpu.memory_space<vmem>>, vector<16xf32>,
      tpu.vector_store %arg13[%swap3A_112, %swap3A_113], %broadcast_in_dim3A_11 {strides = array<i32>} : memref<128x128xf32, #tpu.memory_space<vmem>>, vector<16xf32>,
      %swap3A_115 = arith.index_cast %scan3A_105 : i32 to index
      %swap3A_116 = arith.constant 48 : index
      %swap3A_117 = tpu.vector_load %arg13[%swap3A_115, %swap3A_116] {strides = array<i32>} : memref<128x128xf32, #tpu.memory_space<vmem>>, vector<16xf32>,
      tpu.vector_store %arg13[%swap3A_115, %swap3A_116], %broadcast_in_dim3A_11 {strides = array<i32>} : memref<128x128xf32, #tpu.memory_space<vmem>>, vector<16xf32>,
      %swap3A_118 = arith.index_cast %scan3A_105 : i32 to index
      %swap3A_119 = arith.constant 64 : index
      %swap3A_120 = tpu.vector_load %arg13[%swap3A_118, %swap3A_119] {strides = array<i32>} : memref<128x128xf32, #tpu.memory_space<vmem>>, vector<16xf32>,
      tpu.vector_store %arg13[%swap3A_118, %swap3A_119], %broadcast_in_dim3A_11 {strides = array<i32>} : memref<128x128xf32, #tpu.memory_space<vmem>>, vector<16xf32>,
      %swap3A_121 = arith.index_cast %scan3A_105 : i32 to index
      %swap3A_122 = arith.constant 80 : index
      %swap3A_123 = tpu.vector_load %arg13[%swap3A_121, %swap3A_122] {strides = array<i32>} : memref<128x128xf32, #tpu.memory_space<vmem>>, vector<16xf32>,
      tpu.vector_store %arg13[%swap3A_121, %swap3A_122], %broadcast_in_dim3A_11 {strides = array<i32>} : memref<128x128xf32, #tpu.memory_space<vmem>>, vector<16xf32>,
      %swap3A_124 = arith.index_cast %scan3A_105 : i32 to index
      %swap3A_125 = arith.constant 96 : index
      %swap3A_126 = tpu.vector_load %arg13[%swap3A_124, %swap3A_125] {strides = array<i32>} : memref<128x128xf32, #tpu.memory_space<vmem>>, vector<16xf32>,
      tpu.vector_store %arg13[%swap3A_124, %swap3A_125], %broadcast_in_dim3A_11 {strides = array<i32>} : memref<128x128xf32, #tpu.memory_space<vmem>>, vector<16xf32>,
      %swap3A_127 = arith.index_cast %scan3A_105 : i32 to index
      %swap3A_128 = arith.constant 112 : index
      %swap3A_129 = tpu.vector_load %arg13[%swap3A_127, %swap3A_128] {strides = array<i32>} : memref<128x128xf32, #tpu.memory_space<vmem>>, vector<16xf32>,
      tpu.vector_store %arg13[%swap3A_127, %swap3A_128], %broadcast_in_dim3A_11 {strides = array<i32>} : memref<128x128xf32, #tpu.memory_space<vmem>>, vector<16xf32>,
      %scan3A_130 = arith.constant 0 : i32
      %scan3A_131 = arith.constant 3 : i32
      %scan3A_132 = arith.addi %scan3A_51, %scan3A_131 : i32
      %swap3A_133 = arith.index_cast %scan3A_132 : i32 to index
      %swap3A_134 = arith.constant 0 : index
      %swap3A_135 = tpu.vector_load %arg13[%swap3A_133, %swap3A_134] {strides = array<i32>} : memref<128x128xf32, #tpu.memory_space<vmem>>, vector<16xf32>,
      tpu.vector_store %arg13[%swap3A_133, %swap3A_134], %broadcast_in_dim3A_11 {strides = array<i32>} : memref<128x128xf32, #tpu.memory_space<vmem>>, vector<16xf32>,
      %swap3A_136 = arith.index_cast %scan3A_132 : i32 to index
      %swap3A_137 = arith.constant 16 : index
      %swap3A_138 = tpu.vector_load %arg13[%swap3A_136, %swap3A_137] {strides = array<i32>} : memref<128x128xf32, #tpu.memory_space<vmem>>, vector<16xf32>,
      tpu.vector_store %arg13[%swap3A_136, %swap3A_137], %broadcast_in_dim3A_11 {strides = array<i32>} : memref<128x128xf32, #tpu.memory_space<vmem>>, vector<16xf32>,
      %swap3A_139 = arith.index_cast %scan3A_132 : i32 to index
      %swap3A_140 = arith.constant 32 : index
      %swap3A_141 = tpu.vector_load %arg13[%swap3A_139, %swap3A_140] {strides = array<i32>} : memref<128x128xf32, #tpu.memory_space<vmem>>, vector<16xf32>,
      tpu.vector_store %arg13[%swap3A_139, %swap3A_140], %broadcast_in_dim3A_11 {strides = array<i32>} : memref<128x128xf32, #tpu.memory_space<vmem>>, vector<16xf32>,
      %swap3A_142 = arith.index_cast %scan3A_132 : i32 to index
      %swap3A_143 = arith.constant 48 : index
      %swap3A_144 = tpu.vector_load %arg13[%swap3A_142, %swap3A_143] {strides = array<i32>} : memref<128x128xf32, #tpu.memory_space<vmem>>, vector<16xf32>,
      tpu.vector_store %arg13[%swap3A_142, %swap3A_143], %broadcast_in_dim3A_11 {strides = array<i32>} : memref<128x128xf32, #tpu.memory_space<vmem>>, vector<16xf32>,
      %swap3A_145 = arith.index_cast %scan3A_132 : i32 to index
      %swap3A_146 = arith.constant 64 : index
      %swap3A_147 = tpu.vector_load %arg13[%swap3A_145, %swap3A_146] {strides = array<i32>} : memref<128x128xf32, #tpu.memory_space<vmem>>, vector<16xf32>,
      tpu.vector_store %arg13[%swap3A_145, %swap3A_146], %broadcast_in_dim3A_11 {strides = array<i32>} : memref<128x128xf32, #tpu.memory_space<vmem>>, vector<16xf32>,
      %swap3A_148 = arith.index_cast %scan3A_132 : i32 to index
      %swap3A_149 = arith.constant 80 : index
      %swap3A_150 = tpu.vector_load %arg13[%swap3A_148, %swap3A_149] {strides = array<i32>} : memref<128x128xf32, #tpu.memory_space<vmem>>, vector<16xf32>,
      tpu.vector_store %arg13[%swap3A_148, %swap3A_149], %broadcast_in_dim3A_11 {strides = array<i32>} : memref<128x128xf32, #tpu.memory_space<vmem>>, vector<16xf32>,
      %swap3A_151 = arith.index_cast %scan3A_132 : i32 to index
      %swap3A_152 = arith.constant 96 : index
      %swap3A_153 = tpu.vector_load %arg13[%swap3A_151, %swap3A_152] {strides = array<i32>} : memref<128x128xf32, #tpu.memory_space<vmem>>, vector<16xf32>,
      tpu.vector_store %arg13[%swap3A_151, %swap3A_152], %broadcast_in_dim3A_11 {strides = array<i32>} : memref<128x128xf32, #tpu.memory_space<vmem>>, vector<16xf32>,
      %swap3A_154 = arith.index_cast %scan3A_132 : i32 to index
      %swap3A_155 = arith.constant 112 : index
      %swap3A_156 = tpu.vector_load %arg13[%swap3A_154, %swap3A_155] {strides = array<i32>} : memref<128x128xf32, #tpu.memory_space<vmem>>, vector<16xf32>,
      tpu.vector_store %arg13[%swap3A_154, %swap3A_155], %broadcast_in_dim3A_11 {strides = array<i32>} : memref<128x128xf32, #tpu.memory_space<vmem>>, vector<16xf32>,
      %scan3A_157 = arith.constant 0 : i32
      scf.yield %scan3A_157 : i32
    }
    %scan3A_17 = arith.constant 128 : i32
    %mul3A_18 = arith.constant 640 : i32
    %mul3A_19 = arith.muli %arg1, %mul3A_18 : i32
    %add3A_20 = arith.constant 0 : i32
    %add3A_21 = arith.addi %mul3A_19, %add3A_20 : i32
    "tpu.region"() ({
      %run_scoped3A = tpu.sem_alloc : memref<!tpu.dma_semaphore, #tpu.memory_space<semaphore_mem>>
      %dma_start3A = arith.constant 0 : i32
      %dma_start3A_51 = tpu.memref_slice %arg23[%add3A_21, %dma_start3A] : memref<10240x128xf32, #tpu.memory_space<vmem_shared>> -> memref<128x128xf32, #tpu.memory_space<vmem_shared>>
      %dma_start3A_52 = arith.constant 0 : i32
      %dma_start3A_53 = tpu.memref_slice %arg23[%add3A_21, %dma_start3A_52] : memref<10240x128xf32, #tpu.memory_space<vmem_shared>> -> memref<128x128xf32, #tpu.memory_space<vmem_shared>>
      tpu.enqueue_dma source(%arg13 : memref<128x128xf32, #tpu.memory_space<vmem>>) target(%dma_start3A_53 : memref<128x128xf32, #tpu.memory_space<vmem_shared>>) target_semaphore(%run_scoped3A : memref<!tpu.dma_semaphore, #tpu.memory_space<semaphore_mem>>)
      %dma_wait3A = arith.constant 0 : i32
      %dma_wait3A_54 = tpu.memref_slice %arg23[%add3A_21, %dma_wait3A] : memref<10240x128xf32, #tpu.memory_space<vmem_shared>> -> memref<128x128xf32, #tpu.memory_space<vmem_shared>>
      %dma_wait3A_55 = arith.constant 0 : i32
      %dma_wait3A_56 = tpu.memref_slice %arg23[%add3A_21, %dma_wait3A_55] : memref<10240x128xf32, #tpu.memory_space<vmem_shared>> -> memref<128x128xf32, #tpu.memory_space<vmem_shared>>
      tpu.wait_dma2 semaphore(%run_scoped3A : memref<!tpu.dma_semaphore, #tpu.memory_space<semaphore_mem>>) src(%arg13 : memref<128x128xf32, #tpu.memory_space<vmem>>) dst(%dma_wait3A_56 : memref<128x128xf32, #tpu.memory_space<vmem_shared>>)
      tpu.yield
    }) : () -> ()
    %mul3A_22 = arith.constant 640 : i32
    %mul3A_23 = arith.muli %arg1, %mul3A_22 : i32
    %add3A_24 = arith.constant 128 : i32
    %add3A_25 = arith.addi %mul3A_23, %add3A_24 : i32
    "tpu.region"() ({
      %run_scoped3A = tpu.sem_alloc : memref<!tpu.dma_semaphore, #tpu.memory_space<semaphore_mem>>
      %dma_start3A = arith.constant 0 : i32
      %dma_start3A_51 = tpu.memref_slice %arg23[%add3A_25, %dma_start3A] : memref<10240x128xf32, #tpu.memory_space<vmem_shared>> -> memref<128x128xf32, #tpu.memory_space<vmem_shared>>
      %dma_start3A_52 = arith.constant 0 : i32
      %dma_start3A_53 = tpu.memref_slice %arg23[%add3A_25, %dma_start3A_52] : memref<10240x128xf32, #tpu.memory_space<vmem_shared>> -> memref<128x128xf32, #tpu.memory_space<vmem_shared>>
      tpu.enqueue_dma source(%arg13 : memref<128x128xf32, #tpu.memory_space<vmem>>) target(%dma_start3A_53 : memref<128x128xf32, #tpu.memory_space<vmem_shared>>) target_semaphore(%run_scoped3A : memref<!tpu.dma_semaphore, #tpu.memory_space<semaphore_mem>>)
      %dma_wait3A = arith.constant 0 : i32
      %dma_wait3A_54 = tpu.memref_slice %arg23[%add3A_25, %dma_wait3A] : memref<10240x128xf32, #tpu.memory_space<vmem_shared>> -> memref<128x128xf32, #tpu.memory_space<vmem_shared>>
      %dma_wait3A_55 = arith.constant 0 : i32
      %dma_wait3A_56 = tpu.memref_slice %arg23[%add3A_25, %dma_wait3A_55] : memref<10240x128xf32, #tpu.memory_space<vmem_shared>> -> memref<128x128xf32, #tpu.memory_space<vmem_shared>>
      tpu.wait_dma2 semaphore(%run_scoped3A : memref<!tpu.dma_semaphore, #tpu.memory_space<semaphore_mem>>) src(%arg13 : memref<128x128xf32, #tpu.memory_space<vmem>>) dst(%dma_wait3A_56 : memref<128x128xf32, #tpu.memory_space<vmem_shared>>)
      tpu.yield
    }) : () -> ()
    %mul3A_26 = arith.constant 640 : i32
    %mul3A_27 = arith.muli %arg1, %mul3A_26 : i32
    %add3A_28 = arith.constant 256 : i32
    %add3A_29 = arith.addi %mul3A_27, %add3A_28 : i32
    "tpu.region"() ({
      %run_scoped3A = tpu.sem_alloc : memref<!tpu.dma_semaphore, #tpu.memory_space<semaphore_mem>>
      %dma_start3A = arith.constant 0 : i32
      %dma_start3A_51 = tpu.memref_slice %arg23[%add3A_29, %dma_start3A] : memref<10240x128xf32, #tpu.memory_space<vmem_shared>> -> memref<128x128xf32, #tpu.memory_space<vmem_shared>>
      %dma_start3A_52 = arith.constant 0 : i32
      %dma_start3A_53 = tpu.memref_slice %arg23[%add3A_29, %dma_start3A_52] : memref<10240x128xf32, #tpu.memory_space<vmem_shared>> -> memref<128x128xf32, #tpu.memory_space<vmem_shared>>
      tpu.enqueue_dma source(%arg13 : memref<128x128xf32, #tpu.memory_space<vmem>>) target(%dma_start3A_53 : memref<128x128xf32, #tpu.memory_space<vmem_shared>>) target_semaphore(%run_scoped3A : memref<!tpu.dma_semaphore, #tpu.memory_space<semaphore_mem>>)
      %dma_wait3A = arith.constant 0 : i32
      %dma_wait3A_54 = tpu.memref_slice %arg23[%add3A_29, %dma_wait3A] : memref<10240x128xf32, #tpu.memory_space<vmem_shared>> -> memref<128x128xf32, #tpu.memory_space<vmem_shared>>
      %dma_wait3A_55 = arith.constant 0 : i32
      %dma_wait3A_56 = tpu.memref_slice %arg23[%add3A_29, %dma_wait3A_55] : memref<10240x128xf32, #tpu.memory_space<vmem_shared>> -> memref<128x128xf32, #tpu.memory_space<vmem_shared>>
      tpu.wait_dma2 semaphore(%run_scoped3A : memref<!tpu.dma_semaphore, #tpu.memory_space<semaphore_mem>>) src(%arg13 : memref<128x128xf32, #tpu.memory_space<vmem>>) dst(%dma_wait3A_56 : memref<128x128xf32, #tpu.memory_space<vmem_shared>>)
      tpu.yield
    }) : () -> ()
    %mul3A_30 = arith.constant 640 : i32
    %mul3A_31 = arith.muli %arg1, %mul3A_30 : i32
    %add3A_32 = arith.constant 384 : i32
    %add3A_33 = arith.addi %mul3A_31, %add3A_32 : i32
    "tpu.region"() ({
      %run_scoped3A = tpu.sem_alloc : memref<!tpu.dma_semaphore, #tpu.memory_space<semaphore_mem>>
      %dma_start3A = arith.constant 0 : i32
      %dma_start3A_51 = tpu.memref_slice %arg23[%add3A_33, %dma_start3A] : memref<10240x128xf32, #tpu.memory_space<vmem_shared>> -> memref<128x128xf32, #tpu.memory_space<vmem_shared>>
      %dma_start3A_52 = arith.constant 0 : i32
      %dma_start3A_53 = tpu.memref_slice %arg23[%add3A_33, %dma_start3A_52] : memref<10240x128xf32, #tpu.memory_space<vmem_shared>> -> memref<128x128xf32, #tpu.memory_space<vmem_shared>>
      tpu.enqueue_dma source(%arg13 : memref<128x128xf32, #tpu.memory_space<vmem>>) target(%dma_start3A_53 : memref<128x128xf32, #tpu.memory_space<vmem_shared>>) target_semaphore(%run_scoped3A : memref<!tpu.dma_semaphore, #tpu.memory_space<semaphore_mem>>)
      %dma_wait3A = arith.constant 0 : i32
      %dma_wait3A_54 = tpu.memref_slice %arg23[%add3A_33, %dma_wait3A] : memref<10240x128xf32, #tpu.memory_space<vmem_shared>> -> memref<128x128xf32, #tpu.memory_space<vmem_shared>>
      %dma_wait3A_55 = arith.constant 0 : i32
      %dma_wait3A_56 = tpu.memref_slice %arg23[%add3A_33, %dma_wait3A_55] : memref<10240x128xf32, #tpu.memory_space<vmem_shared>> -> memref<128x128xf32, #tpu.memory_space<vmem_shared>>
      tpu.wait_dma2 semaphore(%run_scoped3A : memref<!tpu.dma_semaphore, #tpu.memory_space<semaphore_mem>>) src(%arg13 : memref<128x128xf32, #tpu.memory_space<vmem>>) dst(%dma_wait3A_56 : memref<128x128xf32, #tpu.memory_space<vmem_shared>>)
      tpu.yield
    }) : () -> ()
    %mul3A_34 = arith.constant 640 : i32
    %mul3A_35 = arith.muli %arg1, %mul3A_34 : i32
    %add3A_36 = arith.constant 512 : i32
    %add3A_37 = arith.addi %mul3A_35, %add3A_36 : i32
    "tpu.region"() ({
      %run_scoped3A = tpu.sem_alloc : memref<!tpu.dma_semaphore, #tpu.memory_space<semaphore_mem>>
      %dma_start3A = arith.constant 0 : i32
      %dma_start3A_51 = tpu.memref_slice %arg23[%add3A_37, %dma_start3A] : memref<10240x128xf32, #tpu.memory_space<vmem_shared>> -> memref<128x128xf32, #tpu.memory_space<vmem_shared>>
      %dma_start3A_52 = arith.constant 0 : i32
      %dma_start3A_53 = tpu.memref_slice %arg23[%add3A_37, %dma_start3A_52] : memref<10240x128xf32, #tpu.memory_space<vmem_shared>> -> memref<128x128xf32, #tpu.memory_space<vmem_shared>>
      tpu.enqueue_dma source(%arg13 : memref<128x128xf32, #tpu.memory_space<vmem>>) target(%dma_start3A_53 : memref<128x128xf32, #tpu.memory_space<vmem_shared>>) target_semaphore(%run_scoped3A : memref<!tpu.dma_semaphore, #tpu.memory_space<semaphore_mem>>)
      %dma_wait3A = arith.constant 0 : i32
      %dma_wait3A_54 = tpu.memref_slice %arg23[%add3A_37, %dma_wait3A] : memref<10240x128xf32, #tpu.memory_space<vmem_shared>> -> memref<128x128xf32, #tpu.memory_space<vmem_shared>>
      %dma_wait3A_55 = arith.constant 0 : i32
      %dma_wait3A_56 = tpu.memref_slice %arg23[%add3A_37, %dma_wait3A_55] : memref<10240x128xf32, #tpu.memory_space<vmem_shared>> -> memref<128x128xf32, #tpu.memory_space<vmem_shared>>
      tpu.wait_dma2 semaphore(%run_scoped3A : memref<!tpu.dma_semaphore, #tpu.memory_space<semaphore_mem>>) src(%arg13 : memref<128x128xf32, #tpu.memory_space<vmem>>) dst(%dma_wait3A_56 : memref<128x128xf32, #tpu.memory_space<vmem_shared>>)
      tpu.yield
    }) : () -> ()
    %barrier3A = arith.constant 0 : index
    tpu.barrier barrier_id(%barrier3A)
    %eq3A_38 = arith.constant 0 : i32
    %eq3A_39 = arith.cmpi eq, %arg0, %eq3A_38 : i32
    %convert_element_type3A = arith.extui %eq3A_39 : i1 to i32
    %cond3A = arith.constant 0 : i32
    %cond3A_40 = arith.cmpi ne, %convert_element_type3A, %cond3A : i32
    scf.if %cond3A_40 {
      %scan3A_51 = arith.constant 0 : i32
      %scan3A_52 = arith.constant 0 : i32
      %scan3A_53 = arith.constant 56 : i32
      %scan3A_54 = arith.addi %scan3A_52, %scan3A_53 : i32
      %scan3A_55 = arith.constant 1 : i32
      %scan3A_56 = scf.for %scan3A_58 = %scan3A_52 to %scan3A_54 step %scan3A_55 iter_args(%scan3A_59 = %scan3A_51) -> (i32)  : i32 {
        %mul3A_60 = arith.constant 2 : i32
        %mul3A_61 = arith.muli %mul3A_60, %scan3A_58 : i32
        %add3A_62 = arith.addi %add3A_5, %mul3A_61 : i32
        %dma_start3A = arith.constant 0 : i32
        %dma_start3A_63 = tpu.memref_slice %arg3[%add3A_62, %dma_start3A] : memref<2560x128xi32, #tpu.memory_space<hbm>> -> memref<1x128xi32, #tpu.memory_space<hbm>>
        %dma_start3A_64 = tpu.memref_squeeze %dma_start3A_63 : memref<1x128xi32, #tpu.memory_space<hbm>> -> memref<128xi32, #tpu.memory_space<hbm>>
        %dma_start3A_65 = arith.constant 0 : i32
        %dma_start3A_66 = tpu.memref_slice %arg3[%add3A_62, %dma_start3A_65] : memref<2560x128xi32, #tpu.memory_space<hbm>> -> memref<1x128xi32, #tpu.memory_space<hbm>>
        %dma_start3A_67 = tpu.memref_squeeze %dma_start3A_66 : memref<1x128xi32, #tpu.memory_space<hbm>> -> memref<128xi32, #tpu.memory_space<hbm>>
        tpu.enqueue_dma source(%dma_start3A_67 : memref<128xi32, #tpu.memory_space<hbm>>) target(%arg7 : memref<128xi32, #tpu.memory_space<vmem>>) target_semaphore(%arg15 : memref<!tpu.dma_semaphore, #tpu.memory_space<semaphore_mem>>)
        %add3A_68 = arith.addi %add3A_5, %mul3A_61 : i32
        %add3A_69 = arith.constant 1 : i32
        %add3A_70 = arith.addi %add3A_68, %add3A_69 : i32
        %dma_start3A_71 = arith.constant 0 : i32
        %dma_start3A_72 = tpu.memref_slice %arg3[%add3A_70, %dma_start3A_71] : memref<2560x128xi32, #tpu.memory_space<hbm>> -> memref<1x128xi32, #tpu.memory_space<hbm>>
        %dma_start3A_73 = tpu.memref_squeeze %dma_start3A_72 : memref<1x128xi32, #tpu.memory_space<hbm>> -> memref<128xi32, #tpu.memory_space<hbm>>
        %dma_start3A_74 = arith.constant 0 : i32
        %dma_start3A_75 = tpu.memref_slice %arg3[%add3A_70, %dma_start3A_74] : memref<2560x128xi32, #tpu.memory_space<hbm>> -> memref<1x128xi32, #tpu.memory_space<hbm>>
        %dma_start3A_76 = tpu.memref_squeeze %dma_start3A_75 : memref<1x128xi32, #tpu.memory_space<hbm>> -> memref<128xi32, #tpu.memory_space<hbm>>
        tpu.enqueue_dma source(%dma_start3A_76 : memref<128xi32, #tpu.memory_space<hbm>>) target(%arg8 : memref<128xi32, #tpu.memory_space<vmem>>) target_semaphore(%arg16 : memref<!tpu.dma_semaphore, #tpu.memory_space<semaphore_mem>>)
        %add3A_77 = arith.addi %add3A_5, %mul3A_61 : i32
        %dma_start3A_78 = arith.constant 0 : i32
        %dma_start3A_79 = tpu.memref_slice %arg4[%add3A_77, %dma_start3A_78] : memref<2560x128xi32, #tpu.memory_space<hbm>> -> memref<1x128xi32, #tpu.memory_space<hbm>>
        %dma_start3A_80 = tpu.memref_squeeze %dma_start3A_79 : memref<1x128xi32, #tpu.memory_space<hbm>> -> memref<128xi32, #tpu.memory_space<hbm>>
        %dma_start3A_81 = arith.constant 0 : i32
        %dma_start3A_82 = tpu.memref_slice %arg4[%add3A_77, %dma_start3A_81] : memref<2560x128xi32, #tpu.memory_space<hbm>> -> memref<1x128xi32, #tpu.memory_space<hbm>>
        %dma_start3A_83 = tpu.memref_squeeze %dma_start3A_82 : memref<1x128xi32, #tpu.memory_space<hbm>> -> memref<128xi32, #tpu.memory_space<hbm>>
        tpu.enqueue_dma source(%dma_start3A_83 : memref<128xi32, #tpu.memory_space<hbm>>) target(%arg9 : memref<128xi32, #tpu.memory_space<vmem>>) target_semaphore(%arg17 : memref<!tpu.dma_semaphore, #tpu.memory_space<semaphore_mem>>)
        %add3A_84 = arith.addi %add3A_5, %mul3A_61 : i32
        %add3A_85 = arith.constant 1 : i32
        %add3A_86 = arith.addi %add3A_84, %add3A_85 : i32
        %dma_start3A_87 = arith.constant 0 : i32
        %dma_start3A_88 = tpu.memref_slice %arg4[%add3A_86, %dma_start3A_87] : memref<2560x128xi32, #tpu.memory_space<hbm>> -> memref<1x128xi32, #tpu.memory_space<hbm>>
        %dma_start3A_89 = tpu.memref_squeeze %dma_start3A_88 : memref<1x128xi32, #tpu.memory_space<hbm>> -> memref<128xi32, #tpu.memory_space<hbm>>
        %dma_start3A_90 = arith.constant 0 : i32
        %dma_start3A_91 = tpu.memref_slice %arg4[%add3A_86, %dma_start3A_90] : memref<2560x128xi32, #tpu.memory_space<hbm>> -> memref<1x128xi32, #tpu.memory_space<hbm>>
        %dma_start3A_92 = tpu.memref_squeeze %dma_start3A_91 : memref<1x128xi32, #tpu.memory_space<hbm>> -> memref<128xi32, #tpu.memory_space<hbm>>
        tpu.enqueue_dma source(%dma_start3A_92 : memref<128xi32, #tpu.memory_space<hbm>>) target(%arg10 : memref<128xi32, #tpu.memory_space<vmem>>) target_semaphore(%arg18 : memref<!tpu.dma_semaphore, #tpu.memory_space<semaphore_mem>>)
        %add3A_93 = arith.addi %add3A_5, %mul3A_61 : i32
        %dma_start3A_94 = arith.constant 0 : i32
        %dma_start3A_95 = tpu.memref_slice %arg5[%add3A_93, %dma_start3A_94] : memref<2560x128xf32, #tpu.memory_space<hbm>> -> memref<1x128xf32, #tpu.memory_space<hbm>>
        %dma_start3A_96 = tpu.memref_squeeze %dma_start3A_95 : memref<1x128xf32, #tpu.memory_space<hbm>> -> memref<128xf32, #tpu.memory_space<hbm>>
        %dma_start3A_97 = arith.constant 0 : i32
        %dma_start3A_98 = tpu.memref_slice %arg5[%add3A_93, %dma_start3A_97] : memref<2560x128xf32, #tpu.memory_space<hbm>> -> memref<1x128xf32, #tpu.memory_space<hbm>>
        %dma_start3A_99 = tpu.memref_squeeze %dma_start3A_98 : memref<1x128xf32, #tpu.memory_space<hbm>> -> memref<128xf32, #tpu.memory_space<hbm>>
        tpu.enqueue_dma source(%dma_start3A_99 : memref<128xf32, #tpu.memory_space<hbm>>) target(%arg11 : memref<128xf32, #tpu.memory_space<vmem>>) target_semaphore(%arg19 : memref<!tpu.dma_semaphore, #tpu.memory_space<semaphore_mem>>)
        %add3A_100 = arith.addi %add3A_5, %mul3A_61 : i32
        %add3A_101 = arith.constant 1 : i32
        %add3A_102 = arith.addi %add3A_100, %add3A_101 : i32
        %dma_start3A_103 = arith.constant 0 : i32
        %dma_start3A_104 = tpu.memref_slice %arg5[%add3A_102, %dma_start3A_103] : memref<2560x128xf32, #tpu.memory_space<hbm>> -> memref<1x128xf32, #tpu.memory_space<hbm>>
        %dma_start3A_105 = tpu.memref_squeeze %dma_start3A_104 : memref<1x128xf32, #tpu.memory_space<hbm>> -> memref<128xf32, #tpu.memory_space<hbm>>
        %dma_start3A_106 = arith.constant 0 : i32
        %dma_start3A_107 = tpu.memref_slice %arg5[%add3A_102, %dma_start3A_106] : memref<2560x128xf32, #tpu.memory_space<hbm>> -> memref<1x128xf32, #tpu.memory_space<hbm>>
        %dma_start3A_108 = tpu.memref_squeeze %dma_start3A_107 : memref<1x128xf32, #tpu.memory_space<hbm>> -> memref<128xf32, #tpu.memory_space<hbm>>
        tpu.enqueue_dma source(%dma_start3A_108 : memref<128xf32, #tpu.memory_space<hbm>>) target(%arg12 : memref<128xf32, #tpu.memory_space<vmem>>) target_semaphore(%arg20 : memref<!tpu.dma_semaphore, #tpu.memory_space<semaphore_mem>>)
        %dma_wait3A = arith.constant 0 : i32
        %dma_wait3A_109 = tpu.memref_slice %arg3[%add3A_62, %dma_wait3A] : memref<2560x128xi32, #tpu.memory_space<hbm>> -> memref<1x128xi32, #tpu.memory_space<hbm>>
        %dma_wait3A_110 = tpu.memref_squeeze %dma_wait3A_109 : memref<1x128xi32, #tpu.memory_space<hbm>> -> memref<128xi32, #tpu.memory_space<hbm>>
        %dma_wait3A_111 = arith.constant 0 : i32
        %dma_wait3A_112 = tpu.memref_slice %arg3[%add3A_62, %dma_wait3A_111] : memref<2560x128xi32, #tpu.memory_space<hbm>> -> memref<1x128xi32, #tpu.memory_space<hbm>>
        %dma_wait3A_113 = tpu.memref_squeeze %dma_wait3A_112 : memref<1x128xi32, #tpu.memory_space<hbm>> -> memref<128xi32, #tpu.memory_space<hbm>>
        tpu.wait_dma2 semaphore(%arg15 : memref<!tpu.dma_semaphore, #tpu.memory_space<semaphore_mem>>) src(%dma_wait3A_113 : memref<128xi32, #tpu.memory_space<hbm>>) dst(%arg7 : memref<128xi32, #tpu.memory_space<vmem>>)
        %dma_start3A_114 = arith.constant 0 : i32
        %dma_start3A_115 = arith.constant 0 : i32
        %dma_start3A_116 = tpu.memref_slice %arg2[%dma_start3A_114, %dma_start3A_115] : memref<10000x128xf32, #tpu.memory_space<hbm>> -> memref<10000x128xf32, #tpu.memory_space<hbm>>
        tpu.enqueue_indirect_dma source(%dma_start3A_116 : memref<10000x128xf32, #tpu.memory_space<hbm>>) target(%arg13 : memref<128x128xf32, #tpu.memory_space<vmem>>) offsets(%arg7 : memref<128xi32, #tpu.memory_space<vmem>>) semaphore(%arg21 : memref<!tpu.dma_semaphore, #tpu.memory_space<semaphore_mem>>)
        %dma_wait3A_117 = arith.constant 0 : i32
        %dma_wait3A_118 = tpu.memref_slice %arg5[%add3A_93, %dma_wait3A_117] : memref<2560x128xf32, #tpu.memory_space<hbm>> -> memref<1x128xf32, #tpu.memory_space<hbm>>
        %dma_wait3A_119 = tpu.memref_squeeze %dma_wait3A_118 : memref<1x128xf32, #tpu.memory_space<hbm>> -> memref<128xf32, #tpu.memory_space<hbm>>
        %dma_wait3A_120 = arith.constant 0 : i32
        %dma_wait3A_121 = tpu.memref_slice %arg5[%add3A_93, %dma_wait3A_120] : memref<2560x128xf32, #tpu.memory_space<hbm>> -> memref<1x128xf32, #tpu.memory_space<hbm>>
        %dma_wait3A_122 = tpu.memref_squeeze %dma_wait3A_121 : memref<1x128xf32, #tpu.memory_space<hbm>> -> memref<128xf32, #tpu.memory_space<hbm>>
        tpu.wait_dma2 semaphore(%arg19 : memref<!tpu.dma_semaphore, #tpu.memory_space<semaphore_mem>>) src(%dma_wait3A_122 : memref<128xf32, #tpu.memory_space<hbm>>) dst(%arg11 : memref<128xf32, #tpu.memory_space<vmem>>)
        %dma_wait3A_123 = arith.constant 0 : i32
        %dma_wait3A_124 = tpu.memref_slice %arg5[%add3A_102, %dma_wait3A_123] : memref<2560x128xf32, #tpu.memory_space<hbm>> -> memref<1x128xf32, #tpu.memory_space<hbm>>
        %dma_wait3A_125 = tpu.memref_squeeze %dma_wait3A_124 : memref<1x128xf32, #tpu.memory_space<hbm>> -> memref<128xf32, #tpu.memory_space<hbm>>
        %dma_wait3A_126 = arith.constant 0 : i32
        %dma_wait3A_127 = tpu.memref_slice %arg5[%add3A_102, %dma_wait3A_126] : memref<2560x128xf32, #tpu.memory_space<hbm>> -> memref<1x128xf32, #tpu.memory_space<hbm>>
        %dma_wait3A_128 = tpu.memref_squeeze %dma_wait3A_127 : memref<1x128xf32, #tpu.memory_space<hbm>> -> memref<128xf32, #tpu.memory_space<hbm>>
        tpu.wait_dma2 semaphore(%arg20 : memref<!tpu.dma_semaphore, #tpu.memory_space<semaphore_mem>>) src(%dma_wait3A_128 : memref<128xf32, #tpu.memory_space<hbm>>) dst(%arg12 : memref<128xf32, #tpu.memory_space<vmem>>)
        %dma_wait3A_129 = arith.constant 0 : i32
        %dma_wait3A_130 = tpu.memref_slice %arg4[%add3A_77, %dma_wait3A_129] : memref<2560x128xi32, #tpu.memory_space<hbm>> -> memref<1x128xi32, #tpu.memory_space<hbm>>
        %dma_wait3A_131 = tpu.memref_squeeze %dma_wait3A_130 : memref<1x128xi32, #tpu.memory_space<hbm>> -> memref<128xi32, #tpu.memory_space<hbm>>
        %dma_wait3A_132 = arith.constant 0 : i32
        %dma_wait3A_133 = tpu.memref_slice %arg4[%add3A_77, %dma_wait3A_132] : memref<2560x128xi32, #tpu.memory_space<hbm>> -> memref<1x128xi32, #tpu.memory_space<hbm>>
        %dma_wait3A_134 = tpu.memref_squeeze %dma_wait3A_133 : memref<1x128xi32, #tpu.memory_space<hbm>> -> memref<128xi32, #tpu.memory_space<hbm>>
        tpu.wait_dma2 semaphore(%arg17 : memref<!tpu.dma_semaphore, #tpu.memory_space<semaphore_mem>>) src(%dma_wait3A_134 : memref<128xi32, #tpu.memory_space<hbm>>) dst(%arg9 : memref<128xi32, #tpu.memory_space<vmem>>)
        %dma_wait3A_135 = arith.constant 0 : i32
        %dma_wait3A_136 = tpu.memref_slice %arg4[%add3A_86, %dma_wait3A_135] : memref<2560x128xi32, #tpu.memory_space<hbm>> -> memref<1x128xi32, #tpu.memory_space<hbm>>
        %dma_wait3A_137 = tpu.memref_squeeze %dma_wait3A_136 : memref<1x128xi32, #tpu.memory_space<hbm>> -> memref<128xi32, #tpu.memory_space<hbm>>
        %dma_wait3A_138 = arith.constant 0 : i32
        %dma_wait3A_139 = tpu.memref_slice %arg4[%add3A_86, %dma_wait3A_138] : memref<2560x128xi32, #tpu.memory_space<hbm>> -> memref<1x128xi32, #tpu.memory_space<hbm>>
        %dma_wait3A_140 = tpu.memref_squeeze %dma_wait3A_139 : memref<1x128xi32, #tpu.memory_space<hbm>> -> memref<128xi32, #tpu.memory_space<hbm>>
        tpu.wait_dma2 semaphore(%arg18 : memref<!tpu.dma_semaphore, #tpu.memory_space<semaphore_mem>>) src(%dma_wait3A_140 : memref<128xi32, #tpu.memory_space<hbm>>) dst(%arg10 : memref<128xi32, #tpu.memory_space<vmem>>)
        %dma_wait3A_141 = arith.constant 0 : i32
        %dma_wait3A_142 = arith.constant 0 : i32
        %dma_wait3A_143 = tpu.memref_slice %arg2[%dma_wait3A_141, %dma_wait3A_142] : memref<10000x128xf32, #tpu.memory_space<hbm>> -> memref<10000x128xf32, #tpu.memory_space<hbm>>
        tpu.wait_indirect_dma semaphore(%arg21 : memref<!tpu.dma_semaphore, #tpu.memory_space<semaphore_mem>>) src(%dma_wait3A_143 : memref<10000x128xf32, #tpu.memory_space<hbm>>) dst(%arg13 : memref<128x128xf32, #tpu.memory_space<vmem>>)
        %dma_wait3A_144 = arith.constant 0 : i32
        %dma_wait3A_145 = tpu.memref_slice %arg3[%add3A_70, %dma_wait3A_144] : memref<2560x128xi32, #tpu.memory_space<hbm>> -> memref<1x128xi32, #tpu.memory_space<hbm>>
        %dma_wait3A_146 = tpu.memref_squeeze %dma_wait3A_145 : memref<1x128xi32, #tpu.memory_space<hbm>> -> memref<128xi32, #tpu.memory_space<hbm>>
        %dma_wait3A_147 = arith.constant 0 : i32
        %dma_wait3A_148 = tpu.memref_slice %arg3[%add3A_70, %dma_wait3A_147] : memref<2560x128xi32, #tpu.memory_space<hbm>> -> memref<1x128xi32, #tpu.memory_space<hbm>>
        %dma_wait3A_149 = tpu.memref_squeeze %dma_wait3A_148 : memref<1x128xi32, #tpu.memory_space<hbm>> -> memref<128xi32, #tpu.memory_space<hbm>>
        tpu.wait_dma2 semaphore(%arg16 : memref<!tpu.dma_semaphore, #tpu.memory_space<semaphore_mem>>) src(%dma_wait3A_149 : memref<128xi32, #tpu.memory_space<hbm>>) dst(%arg8 : memref<128xi32, #tpu.memory_space<vmem>>)
        %dma_start3A_150 = arith.constant 0 : i32
        %dma_start3A_151 = arith.constant 0 : i32
        %dma_start3A_152 = tpu.memref_slice %arg2[%dma_start3A_150, %dma_start3A_151] : memref<10000x128xf32, #tpu.memory_space<hbm>> -> memref<10000x128xf32, #tpu.memory_space<hbm>>
        tpu.enqueue_indirect_dma source(%dma_start3A_152 : memref<10000x128xf32, #tpu.memory_space<hbm>>) target(%arg14 : memref<128x128xf32, #tpu.memory_space<vmem>>) offsets(%arg8 : memref<128xi32, #tpu.memory_space<vmem>>) semaphore(%arg22 : memref<!tpu.dma_semaphore, #tpu.memory_space<semaphore_mem>>)
        %scan3A_153 = arith.constant 0 : i32
        %scan3A_154 = arith.constant 0 : i32
        %scan3A_155 = arith.constant 128 : i32
        %scan3A_156 = arith.addi %scan3A_154, %scan3A_155 : i32
        %scan3A_157 = arith.constant 2 : i32
        %scan3A_158 = scf.for %scan3A_171 = %scan3A_154 to %scan3A_156 step %scan3A_157 iter_args(%scan3A_172 = %scan3A_153) -> (i32)  : i32 {
          %broadcast_in_dim3A_173 = vector.broadcast %scan3A_171 : i32 to vector<16xi32>
          %gather3A = tpu.vector_load_idx %arg11[%broadcast_in_dim3A_173] : memref<128xf32, #tpu.memory_space<vmem>>[vector<16xi32>], vector<16xf32>,
          %get3A = arith.index_cast %scan3A_171 : i32 to index
          %get3A_174 = arith.constant 0 : index
          %get3A_175 = tpu.vector_load %arg13[%get3A, %get3A_174] {strides = array<i32>} : memref<128x128xf32, #tpu.memory_space<vmem>>, vector<16xf32>,
          %mul3A_176 = arith.mulf %get3A_175, %gather3A : vector<16xf32>
          %swap3A = arith.index_cast %scan3A_171 : i32 to index
          %swap3A_177 = arith.constant 0 : index
          %swap3A_178 = tpu.vector_load %arg13[%swap3A, %swap3A_177] {strides = array<i32>} : memref<128x128xf32, #tpu.memory_space<vmem>>, vector<16xf32>,
          tpu.vector_store %arg13[%swap3A, %swap3A_177], %mul3A_176 {strides = array<i32>} : memref<128x128xf32, #tpu.memory_space<vmem>>, vector<16xf32>,
          %get3A_179 = arith.index_cast %scan3A_171 : i32 to index
          %get3A_180 = arith.constant 16 : index
          %get3A_181 = tpu.vector_load %arg13[%get3A_179, %get3A_180] {strides = array<i32>} : memref<128x128xf32, #tpu.memory_space<vmem>>, vector<16xf32>,
          %mul3A_182 = arith.mulf %get3A_181, %gather3A : vector<16xf32>
          %swap3A_183 = arith.index_cast %scan3A_171 : i32 to index
          %swap3A_184 = arith.constant 16 : index
          %swap3A_185 = tpu.vector_load %arg13[%swap3A_183, %swap3A_184] {strides = array<i32>} : memref<128x128xf32, #tpu.memory_space<vmem>>, vector<16xf32>,
          tpu.vector_store %arg13[%swap3A_183, %swap3A_184], %mul3A_182 {strides = array<i32>} : memref<128x128xf32, #tpu.memory_space<vmem>>, vector<16xf32>,
          %get3A_186 = arith.index_cast %scan3A_171 : i32 to index
          %get3A_187 = arith.constant 32 : index
          %get3A_188 = tpu.vector_load %arg13[%get3A_186, %get3A_187] {strides = array<i32>} : memref<128x128xf32, #tpu.memory_space<vmem>>, vector<16xf32>,
          %mul3A_189 = arith.mulf %get3A_188, %gather3A : vector<16xf32>
          %swap3A_190 = arith.index_cast %scan3A_171 : i32 to index
          %swap3A_191 = arith.constant 32 : index
          %swap3A_192 = tpu.vector_load %arg13[%swap3A_190, %swap3A_191] {strides = array<i32>} : memref<128x128xf32, #tpu.memory_space<vmem>>, vector<16xf32>,
          tpu.vector_store %arg13[%swap3A_190, %swap3A_191], %mul3A_189 {strides = array<i32>} : memref<128x128xf32, #tpu.memory_space<vmem>>, vector<16xf32>,
          %get3A_193 = arith.index_cast %scan3A_171 : i32 to index
          %get3A_194 = arith.constant 48 : index
          %get3A_195 = tpu.vector_load %arg13[%get3A_193, %get3A_194] {strides = array<i32>} : memref<128x128xf32, #tpu.memory_space<vmem>>, vector<16xf32>,
          %mul3A_196 = arith.mulf %get3A_195, %gather3A : vector<16xf32>
          %swap3A_197 = arith.index_cast %scan3A_171 : i32 to index
          %swap3A_198 = arith.constant 48 : index
          %swap3A_199 = tpu.vector_load %arg13[%swap3A_197, %swap3A_198] {strides = array<i32>} : memref<128x128xf32, #tpu.memory_space<vmem>>, vector<16xf32>,
          tpu.vector_store %arg13[%swap3A_197, %swap3A_198], %mul3A_196 {strides = array<i32>} : memref<128x128xf32, #tpu.memory_space<vmem>>, vector<16xf32>,
          %get3A_200 = arith.index_cast %scan3A_171 : i32 to index
          %get3A_201 = arith.constant 64 : index
          %get3A_202 = tpu.vector_load %arg13[%get3A_200, %get3A_201] {strides = array<i32>} : memref<128x128xf32, #tpu.memory_space<vmem>>, vector<16xf32>,
          %mul3A_203 = arith.mulf %get3A_202, %gather3A : vector<16xf32>
          %swap3A_204 = arith.index_cast %scan3A_171 : i32 to index
          %swap3A_205 = arith.constant 64 : index
          %swap3A_206 = tpu.vector_load %arg13[%swap3A_204, %swap3A_205] {strides = array<i32>} : memref<128x128xf32, #tpu.memory_space<vmem>>, vector<16xf32>,
          tpu.vector_store %arg13[%swap3A_204, %swap3A_205], %mul3A_203 {strides = array<i32>} : memref<128x128xf32, #tpu.memory_space<vmem>>, vector<16xf32>,
          %get3A_207 = arith.index_cast %scan3A_171 : i32 to index
          %get3A_208 = arith.constant 80 : index
          %get3A_209 = tpu.vector_load %arg13[%get3A_207, %get3A_208] {strides = array<i32>} : memref<128x128xf32, #tpu.memory_space<vmem>>, vector<16xf32>,
          %mul3A_210 = arith.mulf %get3A_209, %gather3A : vector<16xf32>
          %swap3A_211 = arith.index_cast %scan3A_171 : i32 to index
          %swap3A_212 = arith.constant 80 : index
          %swap3A_213 = tpu.vector_load %arg13[%swap3A_211, %swap3A_212] {strides = array<i32>} : memref<128x128xf32, #tpu.memory_space<vmem>>, vector<16xf32>,
          tpu.vector_store %arg13[%swap3A_211, %swap3A_212], %mul3A_210 {strides = array<i32>} : memref<128x128xf32, #tpu.memory_space<vmem>>, vector<16xf32>,
          %get3A_214 = arith.index_cast %scan3A_171 : i32 to index
          %get3A_215 = arith.constant 96 : index
          %get3A_216 = tpu.vector_load %arg13[%get3A_214, %get3A_215] {strides = array<i32>} : memref<128x128xf32, #tpu.memory_space<vmem>>, vector<16xf32>,
          %mul3A_217 = arith.mulf %get3A_216, %gather3A : vector<16xf32>
          %swap3A_218 = arith.index_cast %scan3A_171 : i32 to index
          %swap3A_219 = arith.constant 96 : index
          %swap3A_220 = tpu.vector_load %arg13[%swap3A_218, %swap3A_219] {strides = array<i32>} : memref<128x128xf32, #tpu.memory_space<vmem>>, vector<16xf32>,
          tpu.vector_store %arg13[%swap3A_218, %swap3A_219], %mul3A_217 {strides = array<i32>} : memref<128x128xf32, #tpu.memory_space<vmem>>, vector<16xf32>,
          %get3A_221 = arith.index_cast %scan3A_171 : i32 to index
          %get3A_222 = arith.constant 112 : index
          %get3A_223 = tpu.vector_load %arg13[%get3A_221, %get3A_222] {strides = array<i32>} : memref<128x128xf32, #tpu.memory_space<vmem>>, vector<16xf32>,
          %mul3A_224 = arith.mulf %get3A_223, %gather3A : vector<16xf32>
          %swap3A_225 = arith.index_cast %scan3A_171 : i32 to index
          %swap3A_226 = arith.constant 112 : index
          %swap3A_227 = tpu.vector_load %arg13[%swap3A_225, %swap3A_226] {strides = array<i32>} : memref<128x128xf32, #tpu.memory_space<vmem>>, vector<16xf32>,
          tpu.vector_store %arg13[%swap3A_225, %swap3A_226], %mul3A_224 {strides = array<i32>} : memref<128x128xf32, #tpu.memory_space<vmem>>, vector<16xf32>,
          %scan3A_228 = arith.constant 0 : i32
          %scan3A_229 = arith.constant 1 : i32
          %scan3A_230 = arith.addi %scan3A_171, %scan3A_229 : i32
          %broadcast_in_dim3A_231 = vector.broadcast %scan3A_230 : i32 to vector<16xi32>
          %gather3A_232 = tpu.vector_load_idx %arg11[%broadcast_in_dim3A_231] : memref<128xf32, #tpu.memory_space<vmem>>[vector<16xi32>], vector<16xf32>,
          %get3A_233 = arith.index_cast %scan3A_230 : i32 to index
          %get3A_234 = arith.constant 0 : index
          %get3A_235 = tpu.vector_load %arg13[%get3A_233, %get3A_234] {strides = array<i32>} : memref<128x128xf32, #tpu.memory_space<vmem>>, vector<16xf32>,
          %mul3A_236 = arith.mulf %get3A_235, %gather3A_232 : vector<16xf32>
          %swap3A_237 = arith.index_cast %scan3A_230 : i32 to index
          %swap3A_238 = arith.constant 0 : index
          %swap3A_239 = tpu.vector_load %arg13[%swap3A_237, %swap3A_238] {strides = array<i32>} : memref<128x128xf32, #tpu.memory_space<vmem>>, vector<16xf32>,
          tpu.vector_store %arg13[%swap3A_237, %swap3A_238], %mul3A_236 {strides = array<i32>} : memref<128x128xf32, #tpu.memory_space<vmem>>, vector<16xf32>,
          %get3A_240 = arith.index_cast %scan3A_230 : i32 to index
          %get3A_241 = arith.constant 16 : index
          %get3A_242 = tpu.vector_load %arg13[%get3A_240, %get3A_241] {strides = array<i32>} : memref<128x128xf32, #tpu.memory_space<vmem>>, vector<16xf32>,
          %mul3A_243 = arith.mulf %get3A_242, %gather3A_232 : vector<16xf32>
          %swap3A_244 = arith.index_cast %scan3A_230 : i32 to index
          %swap3A_245 = arith.constant 16 : index
          %swap3A_246 = tpu.vector_load %arg13[%swap3A_244, %swap3A_245] {strides = array<i32>} : memref<128x128xf32, #tpu.memory_space<vmem>>, vector<16xf32>,
          tpu.vector_store %arg13[%swap3A_244, %swap3A_245], %mul3A_243 {strides = array<i32>} : memref<128x128xf32, #tpu.memory_space<vmem>>, vector<16xf32>,
          %get3A_247 = arith.index_cast %scan3A_230 : i32 to index
          %get3A_248 = arith.constant 32 : index
          %get3A_249 = tpu.vector_load %arg13[%get3A_247, %get3A_248] {strides = array<i32>} : memref<128x128xf32, #tpu.memory_space<vmem>>, vector<16xf32>,
          %mul3A_250 = arith.mulf %get3A_249, %gather3A_232 : vector<16xf32>
          %swap3A_251 = arith.index_cast %scan3A_230 : i32 to index
          %swap3A_252 = arith.constant 32 : index
          %swap3A_253 = tpu.vector_load %arg13[%swap3A_251, %swap3A_252] {strides = array<i32>} : memref<128x128xf32, #tpu.memory_space<vmem>>, vector<16xf32>,
          tpu.vector_store %arg13[%swap3A_251, %swap3A_252], %mul3A_250 {strides = array<i32>} : memref<128x128xf32, #tpu.memory_space<vmem>>, vector<16xf32>,
          %get3A_254 = arith.index_cast %scan3A_230 : i32 to index
          %get3A_255 = arith.constant 48 : index
          %get3A_256 = tpu.vector_load %arg13[%get3A_254, %get3A_255] {strides = array<i32>} : memref<128x128xf32, #tpu.memory_space<vmem>>, vector<16xf32>,
          %mul3A_257 = arith.mulf %get3A_256, %gather3A_232 : vector<16xf32>
          %swap3A_258 = arith.index_cast %scan3A_230 : i32 to index
          %swap3A_259 = arith.constant 48 : index
          %swap3A_260 = tpu.vector_load %arg13[%swap3A_258, %swap3A_259] {strides = array<i32>} : memref<128x128xf32, #tpu.memory_space<vmem>>, vector<16xf32>,
          tpu.vector_store %arg13[%swap3A_258, %swap3A_259], %mul3A_257 {strides = array<i32>} : memref<128x128xf32, #tpu.memory_space<vmem>>, vector<16xf32>,
          %get3A_261 = arith.index_cast %scan3A_230 : i32 to index
          %get3A_262 = arith.constant 64 : index
          %get3A_263 = tpu.vector_load %arg13[%get3A_261, %get3A_262] {strides = array<i32>} : memref<128x128xf32, #tpu.memory_space<vmem>>, vector<16xf32>,
          %mul3A_264 = arith.mulf %get3A_263, %gather3A_232 : vector<16xf32>
          %swap3A_265 = arith.index_cast %scan3A_230 : i32 to index
          %swap3A_266 = arith.constant 64 : index
          %swap3A_267 = tpu.vector_load %arg13[%swap3A_265, %swap3A_266] {strides = array<i32>} : memref<128x128xf32, #tpu.memory_space<vmem>>, vector<16xf32>,
          tpu.vector_store %arg13[%swap3A_265, %swap3A_266], %mul3A_264 {strides = array<i32>} : memref<128x128xf32, #tpu.memory_space<vmem>>, vector<16xf32>,
          %get3A_268 = arith.index_cast %scan3A_230 : i32 to index
          %get3A_269 = arith.constant 80 : index
          %get3A_270 = tpu.vector_load %arg13[%get3A_268, %get3A_269] {strides = array<i32>} : memref<128x128xf32, #tpu.memory_space<vmem>>, vector<16xf32>,
          %mul3A_271 = arith.mulf %get3A_270, %gather3A_232 : vector<16xf32>
          %swap3A_272 = arith.index_cast %scan3A_230 : i32 to index
          %swap3A_273 = arith.constant 80 : index
          %swap3A_274 = tpu.vector_load %arg13[%swap3A_272, %swap3A_273] {strides = array<i32>} : memref<128x128xf32, #tpu.memory_space<vmem>>, vector<16xf32>,
          tpu.vector_store %arg13[%swap3A_272, %swap3A_273], %mul3A_271 {strides = array<i32>} : memref<128x128xf32, #tpu.memory_space<vmem>>, vector<16xf32>,
          %get3A_275 = arith.index_cast %scan3A_230 : i32 to index
          %get3A_276 = arith.constant 96 : index
          %get3A_277 = tpu.vector_load %arg13[%get3A_275, %get3A_276] {strides = array<i32>} : memref<128x128xf32, #tpu.memory_space<vmem>>, vector<16xf32>,
          %mul3A_278 = arith.mulf %get3A_277, %gather3A_232 : vector<16xf32>
          %swap3A_279 = arith.index_cast %scan3A_230 : i32 to index
          %swap3A_280 = arith.constant 96 : index
          %swap3A_281 = tpu.vector_load %arg13[%swap3A_279, %swap3A_280] {strides = array<i32>} : memref<128x128xf32, #tpu.memory_space<vmem>>, vector<16xf32>,
          tpu.vector_store %arg13[%swap3A_279, %swap3A_280], %mul3A_278 {strides = array<i32>} : memref<128x128xf32, #tpu.memory_space<vmem>>, vector<16xf32>,
          %get3A_282 = arith.index_cast %scan3A_230 : i32 to index
          %get3A_283 = arith.constant 112 : index
          %get3A_284 = tpu.vector_load %arg13[%get3A_282, %get3A_283] {strides = array<i32>} : memref<128x128xf32, #tpu.memory_space<vmem>>, vector<16xf32>,
          %mul3A_285 = arith.mulf %get3A_284, %gather3A_232 : vector<16xf32>
          %swap3A_286 = arith.index_cast %scan3A_230 : i32 to index
          %swap3A_287 = arith.constant 112 : index
          %swap3A_288 = tpu.vector_load %arg13[%swap3A_286, %swap3A_287] {strides = array<i32>} : memref<128x128xf32, #tpu.memory_space<vmem>>, vector<16xf32>,
          tpu.vector_store %arg13[%swap3A_286, %swap3A_287], %mul3A_285 {strides = array<i32>} : memref<128x128xf32, #tpu.memory_space<vmem>>, vector<16xf32>,
          %scan3A_289 = arith.constant 0 : i32
          scf.yield %scan3A_289 : i32
        }
        %scan3A_159 = arith.constant 128 : i32
        "tpu.region"() ({
          %run_scoped3A = tpu.sem_alloc : memref<!tpu.dma_semaphore, #tpu.memory_space<semaphore_mem>>
          %dma_start3A_171 = arith.constant 0 : i32
          %dma_start3A_172 = arith.constant 0 : i32
          %dma_start3A_173 = tpu.memref_slice %arg23[%dma_start3A_171, %dma_start3A_172] : memref<10240x128xf32, #tpu.memory_space<vmem_shared>> -> memref<10240x128xf32, #tpu.memory_space<vmem_shared>>
          tpu.enqueue_indirect_dma source(%arg13 : memref<128x128xf32, #tpu.memory_space<vmem>>) target(%dma_start3A_173 : memref<10240x128xf32, #tpu.memory_space<vmem_shared>>) offsets(%arg9 : memref<128xi32, #tpu.memory_space<vmem>>) semaphore(%run_scoped3A : memref<!tpu.dma_semaphore, #tpu.memory_space<semaphore_mem>>) {add = true}
          %dma_wait3A_174 = arith.constant 0 : i32
          %dma_wait3A_175 = arith.constant 0 : i32
          %dma_wait3A_176 = tpu.memref_slice %arg23[%dma_wait3A_174, %dma_wait3A_175] : memref<10240x128xf32, #tpu.memory_space<vmem_shared>> -> memref<10240x128xf32, #tpu.memory_space<vmem_shared>>
          tpu.wait_indirect_dma semaphore(%run_scoped3A : memref<!tpu.dma_semaphore, #tpu.memory_space<semaphore_mem>>) src(%arg13 : memref<128x128xf32, #tpu.memory_space<vmem>>) dst(%dma_wait3A_176 : memref<10240x128xf32, #tpu.memory_space<vmem_shared>>)
          tpu.yield
        }) : () -> ()
        %dma_wait3A_160 = arith.constant 0 : i32
        %dma_wait3A_161 = arith.constant 0 : i32
        %dma_wait3A_162 = tpu.memref_slice %arg2[%dma_wait3A_160, %dma_wait3A_161] : memref<10000x128xf32, #tpu.memory_space<hbm>> -> memref<10000x128xf32, #tpu.memory_space<hbm>>
        tpu.wait_indirect_dma semaphore(%arg22 : memref<!tpu.dma_semaphore, #tpu.memory_space<semaphore_mem>>) src(%dma_wait3A_162 : memref<10000x128xf32, #tpu.memory_space<hbm>>) dst(%arg14 : memref<128x128xf32, #tpu.memory_space<vmem>>)
        %scan3A_163 = arith.constant 0 : i32
        %scan3A_164 = arith.constant 0 : i32
        %scan3A_165 = arith.constant 128 : i32
        %scan3A_166 = arith.addi %scan3A_164, %scan3A_165 : i32
        %scan3A_167 = arith.constant 2 : i32
        %scan3A_168 = scf.for %scan3A_171 = %scan3A_164 to %scan3A_166 step %scan3A_167 iter_args(%scan3A_172 = %scan3A_163) -> (i32)  : i32 {
          %broadcast_in_dim3A_173 = vector.broadcast %scan3A_171 : i32 to vector<16xi32>
          %gather3A = tpu.vector_load_idx %arg12[%broadcast_in_dim3A_173] : memref<128xf32, #tpu.memory_space<vmem>>[vector<16xi32>], vector<16xf32>,
          %get3A = arith.index_cast %scan3A_171 : i32 to index
          %get3A_174 = arith.constant 0 : index
          %get3A_175 = tpu.vector_load %arg14[%get3A, %get3A_174] {strides = array<i32>} : memref<128x128xf32, #tpu.memory_space<vmem>>, vector<16xf32>,
          %mul3A_176 = arith.mulf %get3A_175, %gather3A : vector<16xf32>
          %swap3A = arith.index_cast %scan3A_171 : i32 to index
          %swap3A_177 = arith.constant 0 : index
          %swap3A_178 = tpu.vector_load %arg14[%swap3A, %swap3A_177] {strides = array<i32>} : memref<128x128xf32, #tpu.memory_space<vmem>>, vector<16xf32>,
          tpu.vector_store %arg14[%swap3A, %swap3A_177], %mul3A_176 {strides = array<i32>} : memref<128x128xf32, #tpu.memory_space<vmem>>, vector<16xf32>,
          %get3A_179 = arith.index_cast %scan3A_171 : i32 to index
          %get3A_180 = arith.constant 16 : index
          %get3A_181 = tpu.vector_load %arg14[%get3A_179, %get3A_180] {strides = array<i32>} : memref<128x128xf32, #tpu.memory_space<vmem>>, vector<16xf32>,
          %mul3A_182 = arith.mulf %get3A_181, %gather3A : vector<16xf32>
          %swap3A_183 = arith.index_cast %scan3A_171 : i32 to index
          %swap3A_184 = arith.constant 16 : index
          %swap3A_185 = tpu.vector_load %arg14[%swap3A_183, %swap3A_184] {strides = array<i32>} : memref<128x128xf32, #tpu.memory_space<vmem>>, vector<16xf32>,
          tpu.vector_store %arg14[%swap3A_183, %swap3A_184], %mul3A_182 {strides = array<i32>} : memref<128x128xf32, #tpu.memory_space<vmem>>, vector<16xf32>,
          %get3A_186 = arith.index_cast %scan3A_171 : i32 to index
          %get3A_187 = arith.constant 32 : index
          %get3A_188 = tpu.vector_load %arg14[%get3A_186, %get3A_187] {strides = array<i32>} : memref<128x128xf32, #tpu.memory_space<vmem>>, vector<16xf32>,
          %mul3A_189 = arith.mulf %get3A_188, %gather3A : vector<16xf32>
          %swap3A_190 = arith.index_cast %scan3A_171 : i32 to index
          %swap3A_191 = arith.constant 32 : index
          %swap3A_192 = tpu.vector_load %arg14[%swap3A_190, %swap3A_191] {strides = array<i32>} : memref<128x128xf32, #tpu.memory_space<vmem>>, vector<16xf32>,
          tpu.vector_store %arg14[%swap3A_190, %swap3A_191], %mul3A_189 {strides = array<i32>} : memref<128x128xf32, #tpu.memory_space<vmem>>, vector<16xf32>,
          %get3A_193 = arith.index_cast %scan3A_171 : i32 to index
          %get3A_194 = arith.constant 48 : index
          %get3A_195 = tpu.vector_load %arg14[%get3A_193, %get3A_194] {strides = array<i32>} : memref<128x128xf32, #tpu.memory_space<vmem>>, vector<16xf32>,
          %mul3A_196 = arith.mulf %get3A_195, %gather3A : vector<16xf32>
          %swap3A_197 = arith.index_cast %scan3A_171 : i32 to index
          %swap3A_198 = arith.constant 48 : index
          %swap3A_199 = tpu.vector_load %arg14[%swap3A_197, %swap3A_198] {strides = array<i32>} : memref<128x128xf32, #tpu.memory_space<vmem>>, vector<16xf32>,
          tpu.vector_store %arg14[%swap3A_197, %swap3A_198], %mul3A_196 {strides = array<i32>} : memref<128x128xf32, #tpu.memory_space<vmem>>, vector<16xf32>,
          %get3A_200 = arith.index_cast %scan3A_171 : i32 to index
          %get3A_201 = arith.constant 64 : index
          %get3A_202 = tpu.vector_load %arg14[%get3A_200, %get3A_201] {strides = array<i32>} : memref<128x128xf32, #tpu.memory_space<vmem>>, vector<16xf32>,
          %mul3A_203 = arith.mulf %get3A_202, %gather3A : vector<16xf32>
          %swap3A_204 = arith.index_cast %scan3A_171 : i32 to index
          %swap3A_205 = arith.constant 64 : index
          %swap3A_206 = tpu.vector_load %arg14[%swap3A_204, %swap3A_205] {strides = array<i32>} : memref<128x128xf32, #tpu.memory_space<vmem>>, vector<16xf32>,
          tpu.vector_store %arg14[%swap3A_204, %swap3A_205], %mul3A_203 {strides = array<i32>} : memref<128x128xf32, #tpu.memory_space<vmem>>, vector<16xf32>,
          %get3A_207 = arith.index_cast %scan3A_171 : i32 to index
          %get3A_208 = arith.constant 80 : index
          %get3A_209 = tpu.vector_load %arg14[%get3A_207, %get3A_208] {strides = array<i32>} : memref<128x128xf32, #tpu.memory_space<vmem>>, vector<16xf32>,
          %mul3A_210 = arith.mulf %get3A_209, %gather3A : vector<16xf32>
          %swap3A_211 = arith.index_cast %scan3A_171 : i32 to index
          %swap3A_212 = arith.constant 80 : index
          %swap3A_213 = tpu.vector_load %arg14[%swap3A_211, %swap3A_212] {strides = array<i32>} : memref<128x128xf32, #tpu.memory_space<vmem>>, vector<16xf32>,
          tpu.vector_store %arg14[%swap3A_211, %swap3A_212], %mul3A_210 {strides = array<i32>} : memref<128x128xf32, #tpu.memory_space<vmem>>, vector<16xf32>,
          %get3A_214 = arith.index_cast %scan3A_171 : i32 to index
          %get3A_215 = arith.constant 96 : index
          %get3A_216 = tpu.vector_load %arg14[%get3A_214, %get3A_215] {strides = array<i32>} : memref<128x128xf32, #tpu.memory_space<vmem>>, vector<16xf32>,
          %mul3A_217 = arith.mulf %get3A_216, %gather3A : vector<16xf32>
          %swap3A_218 = arith.index_cast %scan3A_171 : i32 to index
          %swap3A_219 = arith.constant 96 : index
          %swap3A_220 = tpu.vector_load %arg14[%swap3A_218, %swap3A_219] {strides = array<i32>} : memref<128x128xf32, #tpu.memory_space<vmem>>, vector<16xf32>,
          tpu.vector_store %arg14[%swap3A_218, %swap3A_219], %mul3A_217 {strides = array<i32>} : memref<128x128xf32, #tpu.memory_space<vmem>>, vector<16xf32>,
          %get3A_221 = arith.index_cast %scan3A_171 : i32 to index
          %get3A_222 = arith.constant 112 : index
          %get3A_223 = tpu.vector_load %arg14[%get3A_221, %get3A_222] {strides = array<i32>} : memref<128x128xf32, #tpu.memory_space<vmem>>, vector<16xf32>,
          %mul3A_224 = arith.mulf %get3A_223, %gather3A : vector<16xf32>
          %swap3A_225 = arith.index_cast %scan3A_171 : i32 to index
          %swap3A_226 = arith.constant 112 : index
          %swap3A_227 = tpu.vector_load %arg14[%swap3A_225, %swap3A_226] {strides = array<i32>} : memref<128x128xf32, #tpu.memory_space<vmem>>, vector<16xf32>,
          tpu.vector_store %arg14[%swap3A_225, %swap3A_226], %mul3A_224 {strides = array<i32>} : memref<128x128xf32, #tpu.memory_space<vmem>>, vector<16xf32>,
          %scan3A_228 = arith.constant 0 : i32
          %scan3A_229 = arith.constant 1 : i32
          %scan3A_230 = arith.addi %scan3A_171, %scan3A_229 : i32
          %broadcast_in_dim3A_231 = vector.broadcast %scan3A_230 : i32 to vector<16xi32>
          %gather3A_232 = tpu.vector_load_idx %arg12[%broadcast_in_dim3A_231] : memref<128xf32, #tpu.memory_space<vmem>>[vector<16xi32>], vector<16xf32>,
          %get3A_233 = arith.index_cast %scan3A_230 : i32 to index
          %get3A_234 = arith.constant 0 : index
          %get3A_235 = tpu.vector_load %arg14[%get3A_233, %get3A_234] {strides = array<i32>} : memref<128x128xf32, #tpu.memory_space<vmem>>, vector<16xf32>,
          %mul3A_236 = arith.mulf %get3A_235, %gather3A_232 : vector<16xf32>
          %swap3A_237 = arith.index_cast %scan3A_230 : i32 to index
          %swap3A_238 = arith.constant 0 : index
          %swap3A_239 = tpu.vector_load %arg14[%swap3A_237, %swap3A_238] {strides = array<i32>} : memref<128x128xf32, #tpu.memory_space<vmem>>, vector<16xf32>,
          tpu.vector_store %arg14[%swap3A_237, %swap3A_238], %mul3A_236 {strides = array<i32>} : memref<128x128xf32, #tpu.memory_space<vmem>>, vector<16xf32>,
          %get3A_240 = arith.index_cast %scan3A_230 : i32 to index
          %get3A_241 = arith.constant 16 : index
          %get3A_242 = tpu.vector_load %arg14[%get3A_240, %get3A_241] {strides = array<i32>} : memref<128x128xf32, #tpu.memory_space<vmem>>, vector<16xf32>,
          %mul3A_243 = arith.mulf %get3A_242, %gather3A_232 : vector<16xf32>
          %swap3A_244 = arith.index_cast %scan3A_230 : i32 to index
          %swap3A_245 = arith.constant 16 : index
          %swap3A_246 = tpu.vector_load %arg14[%swap3A_244, %swap3A_245] {strides = array<i32>} : memref<128x128xf32, #tpu.memory_space<vmem>>, vector<16xf32>,
          tpu.vector_store %arg14[%swap3A_244, %swap3A_245], %mul3A_243 {strides = array<i32>} : memref<128x128xf32, #tpu.memory_space<vmem>>, vector<16xf32>,
          %get3A_247 = arith.index_cast %scan3A_230 : i32 to index
          %get3A_248 = arith.constant 32 : index
          %get3A_249 = tpu.vector_load %arg14[%get3A_247, %get3A_248] {strides = array<i32>} : memref<128x128xf32, #tpu.memory_space<vmem>>, vector<16xf32>,
          %mul3A_250 = arith.mulf %get3A_249, %gather3A_232 : vector<16xf32>
          %swap3A_251 = arith.index_cast %scan3A_230 : i32 to index
          %swap3A_252 = arith.constant 32 : index
          %swap3A_253 = tpu.vector_load %arg14[%swap3A_251, %swap3A_252] {strides = array<i32>} : memref<128x128xf32, #tpu.memory_space<vmem>>, vector<16xf32>,
          tpu.vector_store %arg14[%swap3A_251, %swap3A_252], %mul3A_250 {strides = array<i32>} : memref<128x128xf32, #tpu.memory_space<vmem>>, vector<16xf32>,
          %get3A_254 = arith.index_cast %scan3A_230 : i32 to index
          %get3A_255 = arith.constant 48 : index
          %get3A_256 = tpu.vector_load %arg14[%get3A_254, %get3A_255] {strides = array<i32>} : memref<128x128xf32, #tpu.memory_space<vmem>>, vector<16xf32>,
          %mul3A_257 = arith.mulf %get3A_256, %gather3A_232 : vector<16xf32>
          %swap3A_258 = arith.index_cast %scan3A_230 : i32 to index
          %swap3A_259 = arith.constant 48 : index
          %swap3A_260 = tpu.vector_load %arg14[%swap3A_258, %swap3A_259] {strides = array<i32>} : memref<128x128xf32, #tpu.memory_space<vmem>>, vector<16xf32>,
          tpu.vector_store %arg14[%swap3A_258, %swap3A_259], %mul3A_257 {strides = array<i32>} : memref<128x128xf32, #tpu.memory_space<vmem>>, vector<16xf32>,
          %get3A_261 = arith.index_cast %scan3A_230 : i32 to index
          %get3A_262 = arith.constant 64 : index
          %get3A_263 = tpu.vector_load %arg14[%get3A_261, %get3A_262] {strides = array<i32>} : memref<128x128xf32, #tpu.memory_space<vmem>>, vector<16xf32>,
          %mul3A_264 = arith.mulf %get3A_263, %gather3A_232 : vector<16xf32>
          %swap3A_265 = arith.index_cast %scan3A_230 : i32 to index
          %swap3A_266 = arith.constant 64 : index
          %swap3A_267 = tpu.vector_load %arg14[%swap3A_265, %swap3A_266] {strides = array<i32>} : memref<128x128xf32, #tpu.memory_space<vmem>>, vector<16xf32>,
          tpu.vector_store %arg14[%swap3A_265, %swap3A_266], %mul3A_264 {strides = array<i32>} : memref<128x128xf32, #tpu.memory_space<vmem>>, vector<16xf32>,
          %get3A_268 = arith.index_cast %scan3A_230 : i32 to index
          %get3A_269 = arith.constant 80 : index
          %get3A_270 = tpu.vector_load %arg14[%get3A_268, %get3A_269] {strides = array<i32>} : memref<128x128xf32, #tpu.memory_space<vmem>>, vector<16xf32>,
          %mul3A_271 = arith.mulf %get3A_270, %gather3A_232 : vector<16xf32>
          %swap3A_272 = arith.index_cast %scan3A_230 : i32 to index
          %swap3A_273 = arith.constant 80 : index
          %swap3A_274 = tpu.vector_load %arg14[%swap3A_272, %swap3A_273] {strides = array<i32>} : memref<128x128xf32, #tpu.memory_space<vmem>>, vector<16xf32>,
          tpu.vector_store %arg14[%swap3A_272, %swap3A_273], %mul3A_271 {strides = array<i32>} : memref<128x128xf32, #tpu.memory_space<vmem>>, vector<16xf32>,
          %get3A_275 = arith.index_cast %scan3A_230 : i32 to index
          %get3A_276 = arith.constant 96 : index
          %get3A_277 = tpu.vector_load %arg14[%get3A_275, %get3A_276] {strides = array<i32>} : memref<128x128xf32, #tpu.memory_space<vmem>>, vector<16xf32>,
          %mul3A_278 = arith.mulf %get3A_277, %gather3A_232 : vector<16xf32>
          %swap3A_279 = arith.index_cast %scan3A_230 : i32 to index
          %swap3A_280 = arith.constant 96 : index
          %swap3A_281 = tpu.vector_load %arg14[%swap3A_279, %swap3A_280] {strides = array<i32>} : memref<128x128xf32, #tpu.memory_space<vmem>>, vector<16xf32>,
          tpu.vector_store %arg14[%swap3A_279, %swap3A_280], %mul3A_278 {strides = array<i32>} : memref<128x128xf32, #tpu.memory_space<vmem>>, vector<16xf32>,
          %get3A_282 = arith.index_cast %scan3A_230 : i32 to index
          %get3A_283 = arith.constant 112 : index
          %get3A_284 = tpu.vector_load %arg14[%get3A_282, %get3A_283] {strides = array<i32>} : memref<128x128xf32, #tpu.memory_space<vmem>>, vector<16xf32>,
          %mul3A_285 = arith.mulf %get3A_284, %gather3A_232 : vector<16xf32>
          %swap3A_286 = arith.index_cast %scan3A_230 : i32 to index
          %swap3A_287 = arith.constant 112 : index
          %swap3A_288 = tpu.vector_load %arg14[%swap3A_286, %swap3A_287] {strides = array<i32>} : memref<128x128xf32, #tpu.memory_space<vmem>>, vector<16xf32>,
          tpu.vector_store %arg14[%swap3A_286, %swap3A_287], %mul3A_285 {strides = array<i32>} : memref<128x128xf32, #tpu.memory_space<vmem>>, vector<16xf32>,
          %scan3A_289 = arith.constant 0 : i32
          scf.yield %scan3A_289 : i32
        }
        %scan3A_169 = arith.constant 128 : i32
        "tpu.region"() ({
          %run_scoped3A = tpu.sem_alloc : memref<!tpu.dma_semaphore, #tpu.memory_space<semaphore_mem>>
          %dma_start3A_171 = arith.constant 0 : i32
          %dma_start3A_172 = arith.constant 0 : i32
          %dma_start3A_173 = tpu.memref_slice %arg23[%dma_start3A_171, %dma_start3A_172] : memref<10240x128xf32, #tpu.memory_space<vmem_shared>> -> memref<10240x128xf32, #tpu.memory_space<vmem_shared>>
          tpu.enqueue_indirect_dma source(%arg14 : memref<128x128xf32, #tpu.memory_space<vmem>>) target(%dma_start3A_173 : memref<10240x128xf32, #tpu.memory_space<vmem_shared>>) offsets(%arg10 : memref<128xi32, #tpu.memory_space<vmem>>) semaphore(%run_scoped3A : memref<!tpu.dma_semaphore, #tpu.memory_space<semaphore_mem>>) {add = true}
          %dma_wait3A_174 = arith.constant 0 : i32
          %dma_wait3A_175 = arith.constant 0 : i32
          %dma_wait3A_176 = tpu.memref_slice %arg23[%dma_wait3A_174, %dma_wait3A_175] : memref<10240x128xf32, #tpu.memory_space<vmem_shared>> -> memref<10240x128xf32, #tpu.memory_space<vmem_shared>>
          tpu.wait_indirect_dma semaphore(%run_scoped3A : memref<!tpu.dma_semaphore, #tpu.memory_space<semaphore_mem>>) src(%arg14 : memref<128x128xf32, #tpu.memory_space<vmem>>) dst(%dma_wait3A_176 : memref<10240x128xf32, #tpu.memory_space<vmem_shared>>)
          tpu.yield
        }) : () -> ()
        %scan3A_170 = arith.constant 0 : i32
        scf.yield %scan3A_170 : i32
      }
      %scan3A_57 = arith.constant 56 : i32
    } else {
    }
    %eq3A_41 = arith.constant 1 : i32
    %eq3A_42 = arith.cmpi eq, %arg0, %eq3A_41 : i32
    %convert_element_type3A_43 = arith.extui %eq3A_42 : i1 to i32
    %cond3A_44 = arith.constant 0 : i32
    %cond3A_45 = arith.cmpi ne, %convert_element_type3A_43, %cond3A_44 : i32
    scf.if %cond3A_45 {
      %scan3A_51 = arith.constant 0 : i32
      %scan3A_52 = arith.constant 0 : i32
      %scan3A_53 = arith.constant 24 : i32
      %scan3A_54 = arith.addi %scan3A_52, %scan3A_53 : i32
      %scan3A_55 = arith.constant 1 : i32
      %scan3A_56 = scf.for %scan3A_58 = %scan3A_52 to %scan3A_54 step %scan3A_55 iter_args(%scan3A_59 = %scan3A_51) -> (i32)  : i32 {
        %mul3A_60 = arith.constant 2 : i32
        %mul3A_61 = arith.muli %mul3A_60, %scan3A_58 : i32
        %add3A_62 = arith.addi %add3A_5, %mul3A_61 : i32
        %dma_start3A = arith.constant 0 : i32
        %dma_start3A_63 = tpu.memref_slice %arg3[%add3A_62, %dma_start3A] : memref<2560x128xi32, #tpu.memory_space<hbm>> -> memref<1x128xi32, #tpu.memory_space<hbm>>
        %dma_start3A_64 = tpu.memref_squeeze %dma_start3A_63 : memref<1x128xi32, #tpu.memory_space<hbm>> -> memref<128xi32, #tpu.memory_space<hbm>>
        %dma_start3A_65 = arith.constant 0 : i32
        %dma_start3A_66 = tpu.memref_slice %arg3[%add3A_62, %dma_start3A_65] : memref<2560x128xi32, #tpu.memory_space<hbm>> -> memref<1x128xi32, #tpu.memory_space<hbm>>
        %dma_start3A_67 = tpu.memref_squeeze %dma_start3A_66 : memref<1x128xi32, #tpu.memory_space<hbm>> -> memref<128xi32, #tpu.memory_space<hbm>>
        tpu.enqueue_dma source(%dma_start3A_67 : memref<128xi32, #tpu.memory_space<hbm>>) target(%arg7 : memref<128xi32, #tpu.memory_space<vmem>>) target_semaphore(%arg15 : memref<!tpu.dma_semaphore, #tpu.memory_space<semaphore_mem>>)
        %add3A_68 = arith.addi %add3A_5, %mul3A_61 : i32
        %add3A_69 = arith.constant 1 : i32
        %add3A_70 = arith.addi %add3A_68, %add3A_69 : i32
        %dma_start3A_71 = arith.constant 0 : i32
        %dma_start3A_72 = tpu.memref_slice %arg3[%add3A_70, %dma_start3A_71] : memref<2560x128xi32, #tpu.memory_space<hbm>> -> memref<1x128xi32, #tpu.memory_space<hbm>>
        %dma_start3A_73 = tpu.memref_squeeze %dma_start3A_72 : memref<1x128xi32, #tpu.memory_space<hbm>> -> memref<128xi32, #tpu.memory_space<hbm>>
        %dma_start3A_74 = arith.constant 0 : i32
        %dma_start3A_75 = tpu.memref_slice %arg3[%add3A_70, %dma_start3A_74] : memref<2560x128xi32, #tpu.memory_space<hbm>> -> memref<1x128xi32, #tpu.memory_space<hbm>>
        %dma_start3A_76 = tpu.memref_squeeze %dma_start3A_75 : memref<1x128xi32, #tpu.memory_space<hbm>> -> memref<128xi32, #tpu.memory_space<hbm>>
        tpu.enqueue_dma source(%dma_start3A_76 : memref<128xi32, #tpu.memory_space<hbm>>) target(%arg8 : memref<128xi32, #tpu.memory_space<vmem>>) target_semaphore(%arg16 : memref<!tpu.dma_semaphore, #tpu.memory_space<semaphore_mem>>)
        %add3A_77 = arith.addi %add3A_5, %mul3A_61 : i32
        %dma_start3A_78 = arith.constant 0 : i32
        %dma_start3A_79 = tpu.memref_slice %arg4[%add3A_77, %dma_start3A_78] : memref<2560x128xi32, #tpu.memory_space<hbm>> -> memref<1x128xi32, #tpu.memory_space<hbm>>
        %dma_start3A_80 = tpu.memref_squeeze %dma_start3A_79 : memref<1x128xi32, #tpu.memory_space<hbm>> -> memref<128xi32, #tpu.memory_space<hbm>>
        %dma_start3A_81 = arith.constant 0 : i32
        %dma_start3A_82 = tpu.memref_slice %arg4[%add3A_77, %dma_start3A_81] : memref<2560x128xi32, #tpu.memory_space<hbm>> -> memref<1x128xi32, #tpu.memory_space<hbm>>
        %dma_start3A_83 = tpu.memref_squeeze %dma_start3A_82 : memref<1x128xi32, #tpu.memory_space<hbm>> -> memref<128xi32, #tpu.memory_space<hbm>>
        tpu.enqueue_dma source(%dma_start3A_83 : memref<128xi32, #tpu.memory_space<hbm>>) target(%arg9 : memref<128xi32, #tpu.memory_space<vmem>>) target_semaphore(%arg17 : memref<!tpu.dma_semaphore, #tpu.memory_space<semaphore_mem>>)
        %add3A_84 = arith.addi %add3A_5, %mul3A_61 : i32
        %add3A_85 = arith.constant 1 : i32
        %add3A_86 = arith.addi %add3A_84, %add3A_85 : i32
        %dma_start3A_87 = arith.constant 0 : i32
        %dma_start3A_88 = tpu.memref_slice %arg4[%add3A_86, %dma_start3A_87] : memref<2560x128xi32, #tpu.memory_space<hbm>> -> memref<1x128xi32, #tpu.memory_space<hbm>>
        %dma_start3A_89 = tpu.memref_squeeze %dma_start3A_88 : memref<1x128xi32, #tpu.memory_space<hbm>> -> memref<128xi32, #tpu.memory_space<hbm>>
        %dma_start3A_90 = arith.constant 0 : i32
        %dma_start3A_91 = tpu.memref_slice %arg4[%add3A_86, %dma_start3A_90] : memref<2560x128xi32, #tpu.memory_space<hbm>> -> memref<1x128xi32, #tpu.memory_space<hbm>>
        %dma_start3A_92 = tpu.memref_squeeze %dma_start3A_91 : memref<1x128xi32, #tpu.memory_space<hbm>> -> memref<128xi32, #tpu.memory_space<hbm>>
        tpu.enqueue_dma source(%dma_start3A_92 : memref<128xi32, #tpu.memory_space<hbm>>) target(%arg10 : memref<128xi32, #tpu.memory_space<vmem>>) target_semaphore(%arg18 : memref<!tpu.dma_semaphore, #tpu.memory_space<semaphore_mem>>)
        %add3A_93 = arith.addi %add3A_5, %mul3A_61 : i32
        %dma_start3A_94 = arith.constant 0 : i32
        %dma_start3A_95 = tpu.memref_slice %arg5[%add3A_93, %dma_start3A_94] : memref<2560x128xf32, #tpu.memory_space<hbm>> -> memref<1x128xf32, #tpu.memory_space<hbm>>
        %dma_start3A_96 = tpu.memref_squeeze %dma_start3A_95 : memref<1x128xf32, #tpu.memory_space<hbm>> -> memref<128xf32, #tpu.memory_space<hbm>>
        %dma_start3A_97 = arith.constant 0 : i32
        %dma_start3A_98 = tpu.memref_slice %arg5[%add3A_93, %dma_start3A_97] : memref<2560x128xf32, #tpu.memory_space<hbm>> -> memref<1x128xf32, #tpu.memory_space<hbm>>
        %dma_start3A_99 = tpu.memref_squeeze %dma_start3A_98 : memref<1x128xf32, #tpu.memory_space<hbm>> -> memref<128xf32, #tpu.memory_space<hbm>>
        tpu.enqueue_dma source(%dma_start3A_99 : memref<128xf32, #tpu.memory_space<hbm>>) target(%arg11 : memref<128xf32, #tpu.memory_space<vmem>>) target_semaphore(%arg19 : memref<!tpu.dma_semaphore, #tpu.memory_space<semaphore_mem>>)
        %add3A_100 = arith.addi %add3A_5, %mul3A_61 : i32
        %add3A_101 = arith.constant 1 : i32
        %add3A_102 = arith.addi %add3A_100, %add3A_101 : i32
        %dma_start3A_103 = arith.constant 0 : i32
        %dma_start3A_104 = tpu.memref_slice %arg5[%add3A_102, %dma_start3A_103] : memref<2560x128xf32, #tpu.memory_space<hbm>> -> memref<1x128xf32, #tpu.memory_space<hbm>>
        %dma_start3A_105 = tpu.memref_squeeze %dma_start3A_104 : memref<1x128xf32, #tpu.memory_space<hbm>> -> memref<128xf32, #tpu.memory_space<hbm>>
        %dma_start3A_106 = arith.constant 0 : i32
        %dma_start3A_107 = tpu.memref_slice %arg5[%add3A_102, %dma_start3A_106] : memref<2560x128xf32, #tpu.memory_space<hbm>> -> memref<1x128xf32, #tpu.memory_space<hbm>>
        %dma_start3A_108 = tpu.memref_squeeze %dma_start3A_107 : memref<1x128xf32, #tpu.memory_space<hbm>> -> memref<128xf32, #tpu.memory_space<hbm>>
        tpu.enqueue_dma source(%dma_start3A_108 : memref<128xf32, #tpu.memory_space<hbm>>) target(%arg12 : memref<128xf32, #tpu.memory_space<vmem>>) target_semaphore(%arg20 : memref<!tpu.dma_semaphore, #tpu.memory_space<semaphore_mem>>)
        %dma_wait3A = arith.constant 0 : i32
        %dma_wait3A_109 = tpu.memref_slice %arg3[%add3A_62, %dma_wait3A] : memref<2560x128xi32, #tpu.memory_space<hbm>> -> memref<1x128xi32, #tpu.memory_space<hbm>>
        %dma_wait3A_110 = tpu.memref_squeeze %dma_wait3A_109 : memref<1x128xi32, #tpu.memory_space<hbm>> -> memref<128xi32, #tpu.memory_space<hbm>>
        %dma_wait3A_111 = arith.constant 0 : i32
        %dma_wait3A_112 = tpu.memref_slice %arg3[%add3A_62, %dma_wait3A_111] : memref<2560x128xi32, #tpu.memory_space<hbm>> -> memref<1x128xi32, #tpu.memory_space<hbm>>
        %dma_wait3A_113 = tpu.memref_squeeze %dma_wait3A_112 : memref<1x128xi32, #tpu.memory_space<hbm>> -> memref<128xi32, #tpu.memory_space<hbm>>
        tpu.wait_dma2 semaphore(%arg15 : memref<!tpu.dma_semaphore, #tpu.memory_space<semaphore_mem>>) src(%dma_wait3A_113 : memref<128xi32, #tpu.memory_space<hbm>>) dst(%arg7 : memref<128xi32, #tpu.memory_space<vmem>>)
        %dma_start3A_114 = arith.constant 0 : i32
        %dma_start3A_115 = arith.constant 0 : i32
        %dma_start3A_116 = tpu.memref_slice %arg2[%dma_start3A_114, %dma_start3A_115] : memref<10000x128xf32, #tpu.memory_space<hbm>> -> memref<10000x128xf32, #tpu.memory_space<hbm>>
        tpu.enqueue_indirect_dma source(%dma_start3A_116 : memref<10000x128xf32, #tpu.memory_space<hbm>>) target(%arg13 : memref<128x128xf32, #tpu.memory_space<vmem>>) offsets(%arg7 : memref<128xi32, #tpu.memory_space<vmem>>) semaphore(%arg21 : memref<!tpu.dma_semaphore, #tpu.memory_space<semaphore_mem>>)
        %dma_wait3A_117 = arith.constant 0 : i32
        %dma_wait3A_118 = tpu.memref_slice %arg5[%add3A_93, %dma_wait3A_117] : memref<2560x128xf32, #tpu.memory_space<hbm>> -> memref<1x128xf32, #tpu.memory_space<hbm>>
        %dma_wait3A_119 = tpu.memref_squeeze %dma_wait3A_118 : memref<1x128xf32, #tpu.memory_space<hbm>> -> memref<128xf32, #tpu.memory_space<hbm>>
        %dma_wait3A_120 = arith.constant 0 : i32
        %dma_wait3A_121 = tpu.memref_slice %arg5[%add3A_93, %dma_wait3A_120] : memref<2560x128xf32, #tpu.memory_space<hbm>> -> memref<1x128xf32, #tpu.memory_space<hbm>>
        %dma_wait3A_122 = tpu.memref_squeeze %dma_wait3A_121 : memref<1x128xf32, #tpu.memory_space<hbm>> -> memref<128xf32, #tpu.memory_space<hbm>>
        tpu.wait_dma2 semaphore(%arg19 : memref<!tpu.dma_semaphore, #tpu.memory_space<semaphore_mem>>) src(%dma_wait3A_122 : memref<128xf32, #tpu.memory_space<hbm>>) dst(%arg11 : memref<128xf32, #tpu.memory_space<vmem>>)
        %dma_wait3A_123 = arith.constant 0 : i32
        %dma_wait3A_124 = tpu.memref_slice %arg5[%add3A_102, %dma_wait3A_123] : memref<2560x128xf32, #tpu.memory_space<hbm>> -> memref<1x128xf32, #tpu.memory_space<hbm>>
        %dma_wait3A_125 = tpu.memref_squeeze %dma_wait3A_124 : memref<1x128xf32, #tpu.memory_space<hbm>> -> memref<128xf32, #tpu.memory_space<hbm>>
        %dma_wait3A_126 = arith.constant 0 : i32
        %dma_wait3A_127 = tpu.memref_slice %arg5[%add3A_102, %dma_wait3A_126] : memref<2560x128xf32, #tpu.memory_space<hbm>> -> memref<1x128xf32, #tpu.memory_space<hbm>>
        %dma_wait3A_128 = tpu.memref_squeeze %dma_wait3A_127 : memref<1x128xf32, #tpu.memory_space<hbm>> -> memref<128xf32, #tpu.memory_space<hbm>>
        tpu.wait_dma2 semaphore(%arg20 : memref<!tpu.dma_semaphore, #tpu.memory_space<semaphore_mem>>) src(%dma_wait3A_128 : memref<128xf32, #tpu.memory_space<hbm>>) dst(%arg12 : memref<128xf32, #tpu.memory_space<vmem>>)
        %dma_wait3A_129 = arith.constant 0 : i32
        %dma_wait3A_130 = tpu.memref_slice %arg4[%add3A_77, %dma_wait3A_129] : memref<2560x128xi32, #tpu.memory_space<hbm>> -> memref<1x128xi32, #tpu.memory_space<hbm>>
        %dma_wait3A_131 = tpu.memref_squeeze %dma_wait3A_130 : memref<1x128xi32, #tpu.memory_space<hbm>> -> memref<128xi32, #tpu.memory_space<hbm>>
        %dma_wait3A_132 = arith.constant 0 : i32
        %dma_wait3A_133 = tpu.memref_slice %arg4[%add3A_77, %dma_wait3A_132] : memref<2560x128xi32, #tpu.memory_space<hbm>> -> memref<1x128xi32, #tpu.memory_space<hbm>>
        %dma_wait3A_134 = tpu.memref_squeeze %dma_wait3A_133 : memref<1x128xi32, #tpu.memory_space<hbm>> -> memref<128xi32, #tpu.memory_space<hbm>>
        tpu.wait_dma2 semaphore(%arg17 : memref<!tpu.dma_semaphore, #tpu.memory_space<semaphore_mem>>) src(%dma_wait3A_134 : memref<128xi32, #tpu.memory_space<hbm>>) dst(%arg9 : memref<128xi32, #tpu.memory_space<vmem>>)
        %dma_wait3A_135 = arith.constant 0 : i32
        %dma_wait3A_136 = tpu.memref_slice %arg4[%add3A_86, %dma_wait3A_135] : memref<2560x128xi32, #tpu.memory_space<hbm>> -> memref<1x128xi32, #tpu.memory_space<hbm>>
        %dma_wait3A_137 = tpu.memref_squeeze %dma_wait3A_136 : memref<1x128xi32, #tpu.memory_space<hbm>> -> memref<128xi32, #tpu.memory_space<hbm>>
        %dma_wait3A_138 = arith.constant 0 : i32
        %dma_wait3A_139 = tpu.memref_slice %arg4[%add3A_86, %dma_wait3A_138] : memref<2560x128xi32, #tpu.memory_space<hbm>> -> memref<1x128xi32, #tpu.memory_space<hbm>>
        %dma_wait3A_140 = tpu.memref_squeeze %dma_wait3A_139 : memref<1x128xi32, #tpu.memory_space<hbm>> -> memref<128xi32, #tpu.memory_space<hbm>>
        tpu.wait_dma2 semaphore(%arg18 : memref<!tpu.dma_semaphore, #tpu.memory_space<semaphore_mem>>) src(%dma_wait3A_140 : memref<128xi32, #tpu.memory_space<hbm>>) dst(%arg10 : memref<128xi32, #tpu.memory_space<vmem>>)
        %dma_wait3A_141 = arith.constant 0 : i32
        %dma_wait3A_142 = arith.constant 0 : i32
        %dma_wait3A_143 = tpu.memref_slice %arg2[%dma_wait3A_141, %dma_wait3A_142] : memref<10000x128xf32, #tpu.memory_space<hbm>> -> memref<10000x128xf32, #tpu.memory_space<hbm>>
        tpu.wait_indirect_dma semaphore(%arg21 : memref<!tpu.dma_semaphore, #tpu.memory_space<semaphore_mem>>) src(%dma_wait3A_143 : memref<10000x128xf32, #tpu.memory_space<hbm>>) dst(%arg13 : memref<128x128xf32, #tpu.memory_space<vmem>>)
        %dma_wait3A_144 = arith.constant 0 : i32
        %dma_wait3A_145 = tpu.memref_slice %arg3[%add3A_70, %dma_wait3A_144] : memref<2560x128xi32, #tpu.memory_space<hbm>> -> memref<1x128xi32, #tpu.memory_space<hbm>>
        %dma_wait3A_146 = tpu.memref_squeeze %dma_wait3A_145 : memref<1x128xi32, #tpu.memory_space<hbm>> -> memref<128xi32, #tpu.memory_space<hbm>>
        %dma_wait3A_147 = arith.constant 0 : i32
        %dma_wait3A_148 = tpu.memref_slice %arg3[%add3A_70, %dma_wait3A_147] : memref<2560x128xi32, #tpu.memory_space<hbm>> -> memref<1x128xi32, #tpu.memory_space<hbm>>
        %dma_wait3A_149 = tpu.memref_squeeze %dma_wait3A_148 : memref<1x128xi32, #tpu.memory_space<hbm>> -> memref<128xi32, #tpu.memory_space<hbm>>
        tpu.wait_dma2 semaphore(%arg16 : memref<!tpu.dma_semaphore, #tpu.memory_space<semaphore_mem>>) src(%dma_wait3A_149 : memref<128xi32, #tpu.memory_space<hbm>>) dst(%arg8 : memref<128xi32, #tpu.memory_space<vmem>>)
        %dma_start3A_150 = arith.constant 0 : i32
        %dma_start3A_151 = arith.constant 0 : i32
        %dma_start3A_152 = tpu.memref_slice %arg2[%dma_start3A_150, %dma_start3A_151] : memref<10000x128xf32, #tpu.memory_space<hbm>> -> memref<10000x128xf32, #tpu.memory_space<hbm>>
        tpu.enqueue_indirect_dma source(%dma_start3A_152 : memref<10000x128xf32, #tpu.memory_space<hbm>>) target(%arg14 : memref<128x128xf32, #tpu.memory_space<vmem>>) offsets(%arg8 : memref<128xi32, #tpu.memory_space<vmem>>) semaphore(%arg22 : memref<!tpu.dma_semaphore, #tpu.memory_space<semaphore_mem>>)
        %scan3A_153 = arith.constant 0 : i32
        %scan3A_154 = arith.constant 0 : i32
        %scan3A_155 = arith.constant 128 : i32
        %scan3A_156 = arith.addi %scan3A_154, %scan3A_155 : i32
        %scan3A_157 = arith.constant 2 : i32
        %scan3A_158 = scf.for %scan3A_171 = %scan3A_154 to %scan3A_156 step %scan3A_157 iter_args(%scan3A_172 = %scan3A_153) -> (i32)  : i32 {
          %broadcast_in_dim3A_173 = vector.broadcast %scan3A_171 : i32 to vector<16xi32>
          %gather3A = tpu.vector_load_idx %arg11[%broadcast_in_dim3A_173] : memref<128xf32, #tpu.memory_space<vmem>>[vector<16xi32>], vector<16xf32>,
          %get3A = arith.index_cast %scan3A_171 : i32 to index
          %get3A_174 = arith.constant 0 : index
          %get3A_175 = tpu.vector_load %arg13[%get3A, %get3A_174] {strides = array<i32>} : memref<128x128xf32, #tpu.memory_space<vmem>>, vector<16xf32>,
          %mul3A_176 = arith.mulf %get3A_175, %gather3A : vector<16xf32>
          %swap3A = arith.index_cast %scan3A_171 : i32 to index
          %swap3A_177 = arith.constant 0 : index
          %swap3A_178 = tpu.vector_load %arg13[%swap3A, %swap3A_177] {strides = array<i32>} : memref<128x128xf32, #tpu.memory_space<vmem>>, vector<16xf32>,
          tpu.vector_store %arg13[%swap3A, %swap3A_177], %mul3A_176 {strides = array<i32>} : memref<128x128xf32, #tpu.memory_space<vmem>>, vector<16xf32>,
          %get3A_179 = arith.index_cast %scan3A_171 : i32 to index
          %get3A_180 = arith.constant 16 : index
          %get3A_181 = tpu.vector_load %arg13[%get3A_179, %get3A_180] {strides = array<i32>} : memref<128x128xf32, #tpu.memory_space<vmem>>, vector<16xf32>,
          %mul3A_182 = arith.mulf %get3A_181, %gather3A : vector<16xf32>
          %swap3A_183 = arith.index_cast %scan3A_171 : i32 to index
          %swap3A_184 = arith.constant 16 : index
          %swap3A_185 = tpu.vector_load %arg13[%swap3A_183, %swap3A_184] {strides = array<i32>} : memref<128x128xf32, #tpu.memory_space<vmem>>, vector<16xf32>,
          tpu.vector_store %arg13[%swap3A_183, %swap3A_184], %mul3A_182 {strides = array<i32>} : memref<128x128xf32, #tpu.memory_space<vmem>>, vector<16xf32>,
          %get3A_186 = arith.index_cast %scan3A_171 : i32 to index
          %get3A_187 = arith.constant 32 : index
          %get3A_188 = tpu.vector_load %arg13[%get3A_186, %get3A_187] {strides = array<i32>} : memref<128x128xf32, #tpu.memory_space<vmem>>, vector<16xf32>,
          %mul3A_189 = arith.mulf %get3A_188, %gather3A : vector<16xf32>
          %swap3A_190 = arith.index_cast %scan3A_171 : i32 to index
          %swap3A_191 = arith.constant 32 : index
          %swap3A_192 = tpu.vector_load %arg13[%swap3A_190, %swap3A_191] {strides = array<i32>} : memref<128x128xf32, #tpu.memory_space<vmem>>, vector<16xf32>,
          tpu.vector_store %arg13[%swap3A_190, %swap3A_191], %mul3A_189 {strides = array<i32>} : memref<128x128xf32, #tpu.memory_space<vmem>>, vector<16xf32>,
          %get3A_193 = arith.index_cast %scan3A_171 : i32 to index
          %get3A_194 = arith.constant 48 : index
          %get3A_195 = tpu.vector_load %arg13[%get3A_193, %get3A_194] {strides = array<i32>} : memref<128x128xf32, #tpu.memory_space<vmem>>, vector<16xf32>,
          %mul3A_196 = arith.mulf %get3A_195, %gather3A : vector<16xf32>
          %swap3A_197 = arith.index_cast %scan3A_171 : i32 to index
          %swap3A_198 = arith.constant 48 : index
          %swap3A_199 = tpu.vector_load %arg13[%swap3A_197, %swap3A_198] {strides = array<i32>} : memref<128x128xf32, #tpu.memory_space<vmem>>, vector<16xf32>,
          tpu.vector_store %arg13[%swap3A_197, %swap3A_198], %mul3A_196 {strides = array<i32>} : memref<128x128xf32, #tpu.memory_space<vmem>>, vector<16xf32>,
          %get3A_200 = arith.index_cast %scan3A_171 : i32 to index
          %get3A_201 = arith.constant 64 : index
          %get3A_202 = tpu.vector_load %arg13[%get3A_200, %get3A_201] {strides = array<i32>} : memref<128x128xf32, #tpu.memory_space<vmem>>, vector<16xf32>,
          %mul3A_203 = arith.mulf %get3A_202, %gather3A : vector<16xf32>
          %swap3A_204 = arith.index_cast %scan3A_171 : i32 to index
          %swap3A_205 = arith.constant 64 : index
          %swap3A_206 = tpu.vector_load %arg13[%swap3A_204, %swap3A_205] {strides = array<i32>} : memref<128x128xf32, #tpu.memory_space<vmem>>, vector<16xf32>,
          tpu.vector_store %arg13[%swap3A_204, %swap3A_205], %mul3A_203 {strides = array<i32>} : memref<128x128xf32, #tpu.memory_space<vmem>>, vector<16xf32>,
          %get3A_207 = arith.index_cast %scan3A_171 : i32 to index
          %get3A_208 = arith.constant 80 : index
          %get3A_209 = tpu.vector_load %arg13[%get3A_207, %get3A_208] {strides = array<i32>} : memref<128x128xf32, #tpu.memory_space<vmem>>, vector<16xf32>,
          %mul3A_210 = arith.mulf %get3A_209, %gather3A : vector<16xf32>
          %swap3A_211 = arith.index_cast %scan3A_171 : i32 to index
          %swap3A_212 = arith.constant 80 : index
          %swap3A_213 = tpu.vector_load %arg13[%swap3A_211, %swap3A_212] {strides = array<i32>} : memref<128x128xf32, #tpu.memory_space<vmem>>, vector<16xf32>,
          tpu.vector_store %arg13[%swap3A_211, %swap3A_212], %mul3A_210 {strides = array<i32>} : memref<128x128xf32, #tpu.memory_space<vmem>>, vector<16xf32>,
          %get3A_214 = arith.index_cast %scan3A_171 : i32 to index
          %get3A_215 = arith.constant 96 : index
          %get3A_216 = tpu.vector_load %arg13[%get3A_214, %get3A_215] {strides = array<i32>} : memref<128x128xf32, #tpu.memory_space<vmem>>, vector<16xf32>,
          %mul3A_217 = arith.mulf %get3A_216, %gather3A : vector<16xf32>
          %swap3A_218 = arith.index_cast %scan3A_171 : i32 to index
          %swap3A_219 = arith.constant 96 : index
          %swap3A_220 = tpu.vector_load %arg13[%swap3A_218, %swap3A_219] {strides = array<i32>} : memref<128x128xf32, #tpu.memory_space<vmem>>, vector<16xf32>,
          tpu.vector_store %arg13[%swap3A_218, %swap3A_219], %mul3A_217 {strides = array<i32>} : memref<128x128xf32, #tpu.memory_space<vmem>>, vector<16xf32>,
          %get3A_221 = arith.index_cast %scan3A_171 : i32 to index
          %get3A_222 = arith.constant 112 : index
          %get3A_223 = tpu.vector_load %arg13[%get3A_221, %get3A_222] {strides = array<i32>} : memref<128x128xf32, #tpu.memory_space<vmem>>, vector<16xf32>,
          %mul3A_224 = arith.mulf %get3A_223, %gather3A : vector<16xf32>
          %swap3A_225 = arith.index_cast %scan3A_171 : i32 to index
          %swap3A_226 = arith.constant 112 : index
          %swap3A_227 = tpu.vector_load %arg13[%swap3A_225, %swap3A_226] {strides = array<i32>} : memref<128x128xf32, #tpu.memory_space<vmem>>, vector<16xf32>,
          tpu.vector_store %arg13[%swap3A_225, %swap3A_226], %mul3A_224 {strides = array<i32>} : memref<128x128xf32, #tpu.memory_space<vmem>>, vector<16xf32>,
          %scan3A_228 = arith.constant 0 : i32
          %scan3A_229 = arith.constant 1 : i32
          %scan3A_230 = arith.addi %scan3A_171, %scan3A_229 : i32
          %broadcast_in_dim3A_231 = vector.broadcast %scan3A_230 : i32 to vector<16xi32>
          %gather3A_232 = tpu.vector_load_idx %arg11[%broadcast_in_dim3A_231] : memref<128xf32, #tpu.memory_space<vmem>>[vector<16xi32>], vector<16xf32>,
          %get3A_233 = arith.index_cast %scan3A_230 : i32 to index
          %get3A_234 = arith.constant 0 : index
          %get3A_235 = tpu.vector_load %arg13[%get3A_233, %get3A_234] {strides = array<i32>} : memref<128x128xf32, #tpu.memory_space<vmem>>, vector<16xf32>,
          %mul3A_236 = arith.mulf %get3A_235, %gather3A_232 : vector<16xf32>
          %swap3A_237 = arith.index_cast %scan3A_230 : i32 to index
          %swap3A_238 = arith.constant 0 : index
          %swap3A_239 = tpu.vector_load %arg13[%swap3A_237, %swap3A_238] {strides = array<i32>} : memref<128x128xf32, #tpu.memory_space<vmem>>, vector<16xf32>,
          tpu.vector_store %arg13[%swap3A_237, %swap3A_238], %mul3A_236 {strides = array<i32>} : memref<128x128xf32, #tpu.memory_space<vmem>>, vector<16xf32>,
          %get3A_240 = arith.index_cast %scan3A_230 : i32 to index
          %get3A_241 = arith.constant 16 : index
          %get3A_242 = tpu.vector_load %arg13[%get3A_240, %get3A_241] {strides = array<i32>} : memref<128x128xf32, #tpu.memory_space<vmem>>, vector<16xf32>,
          %mul3A_243 = arith.mulf %get3A_242, %gather3A_232 : vector<16xf32>
          %swap3A_244 = arith.index_cast %scan3A_230 : i32 to index
          %swap3A_245 = arith.constant 16 : index
          %swap3A_246 = tpu.vector_load %arg13[%swap3A_244, %swap3A_245] {strides = array<i32>} : memref<128x128xf32, #tpu.memory_space<vmem>>, vector<16xf32>,
          tpu.vector_store %arg13[%swap3A_244, %swap3A_245], %mul3A_243 {strides = array<i32>} : memref<128x128xf32, #tpu.memory_space<vmem>>, vector<16xf32>,
          %get3A_247 = arith.index_cast %scan3A_230 : i32 to index
          %get3A_248 = arith.constant 32 : index
          %get3A_249 = tpu.vector_load %arg13[%get3A_247, %get3A_248] {strides = array<i32>} : memref<128x128xf32, #tpu.memory_space<vmem>>, vector<16xf32>,
          %mul3A_250 = arith.mulf %get3A_249, %gather3A_232 : vector<16xf32>
          %swap3A_251 = arith.index_cast %scan3A_230 : i32 to index
          %swap3A_252 = arith.constant 32 : index
          %swap3A_253 = tpu.vector_load %arg13[%swap3A_251, %swap3A_252] {strides = array<i32>} : memref<128x128xf32, #tpu.memory_space<vmem>>, vector<16xf32>,
          tpu.vector_store %arg13[%swap3A_251, %swap3A_252], %mul3A_250 {strides = array<i32>} : memref<128x128xf32, #tpu.memory_space<vmem>>, vector<16xf32>,
          %get3A_254 = arith.index_cast %scan3A_230 : i32 to index
          %get3A_255 = arith.constant 48 : index
          %get3A_256 = tpu.vector_load %arg13[%get3A_254, %get3A_255] {strides = array<i32>} : memref<128x128xf32, #tpu.memory_space<vmem>>, vector<16xf32>,
          %mul3A_257 = arith.mulf %get3A_256, %gather3A_232 : vector<16xf32>
          %swap3A_258 = arith.index_cast %scan3A_230 : i32 to index
          %swap3A_259 = arith.constant 48 : index
          %swap3A_260 = tpu.vector_load %arg13[%swap3A_258, %swap3A_259] {strides = array<i32>} : memref<128x128xf32, #tpu.memory_space<vmem>>, vector<16xf32>,
          tpu.vector_store %arg13[%swap3A_258, %swap3A_259], %mul3A_257 {strides = array<i32>} : memref<128x128xf32, #tpu.memory_space<vmem>>, vector<16xf32>,
          %get3A_261 = arith.index_cast %scan3A_230 : i32 to index
          %get3A_262 = arith.constant 64 : index
          %get3A_263 = tpu.vector_load %arg13[%get3A_261, %get3A_262] {strides = array<i32>} : memref<128x128xf32, #tpu.memory_space<vmem>>, vector<16xf32>,
          %mul3A_264 = arith.mulf %get3A_263, %gather3A_232 : vector<16xf32>
          %swap3A_265 = arith.index_cast %scan3A_230 : i32 to index
          %swap3A_266 = arith.constant 64 : index
          %swap3A_267 = tpu.vector_load %arg13[%swap3A_265, %swap3A_266] {strides = array<i32>} : memref<128x128xf32, #tpu.memory_space<vmem>>, vector<16xf32>,
          tpu.vector_store %arg13[%swap3A_265, %swap3A_266], %mul3A_264 {strides = array<i32>} : memref<128x128xf32, #tpu.memory_space<vmem>>, vector<16xf32>,
          %get3A_268 = arith.index_cast %scan3A_230 : i32 to index
          %get3A_269 = arith.constant 80 : index
          %get3A_270 = tpu.vector_load %arg13[%get3A_268, %get3A_269] {strides = array<i32>} : memref<128x128xf32, #tpu.memory_space<vmem>>, vector<16xf32>,
          %mul3A_271 = arith.mulf %get3A_270, %gather3A_232 : vector<16xf32>
          %swap3A_272 = arith.index_cast %scan3A_230 : i32 to index
          %swap3A_273 = arith.constant 80 : index
          %swap3A_274 = tpu.vector_load %arg13[%swap3A_272, %swap3A_273] {strides = array<i32>} : memref<128x128xf32, #tpu.memory_space<vmem>>, vector<16xf32>,
          tpu.vector_store %arg13[%swap3A_272, %swap3A_273], %mul3A_271 {strides = array<i32>} : memref<128x128xf32, #tpu.memory_space<vmem>>, vector<16xf32>,
          %get3A_275 = arith.index_cast %scan3A_230 : i32 to index
          %get3A_276 = arith.constant 96 : index
          %get3A_277 = tpu.vector_load %arg13[%get3A_275, %get3A_276] {strides = array<i32>} : memref<128x128xf32, #tpu.memory_space<vmem>>, vector<16xf32>,
          %mul3A_278 = arith.mulf %get3A_277, %gather3A_232 : vector<16xf32>
          %swap3A_279 = arith.index_cast %scan3A_230 : i32 to index
          %swap3A_280 = arith.constant 96 : index
          %swap3A_281 = tpu.vector_load %arg13[%swap3A_279, %swap3A_280] {strides = array<i32>} : memref<128x128xf32, #tpu.memory_space<vmem>>, vector<16xf32>,
          tpu.vector_store %arg13[%swap3A_279, %swap3A_280], %mul3A_278 {strides = array<i32>} : memref<128x128xf32, #tpu.memory_space<vmem>>, vector<16xf32>,
          %get3A_282 = arith.index_cast %scan3A_230 : i32 to index
          %get3A_283 = arith.constant 112 : index
          %get3A_284 = tpu.vector_load %arg13[%get3A_282, %get3A_283] {strides = array<i32>} : memref<128x128xf32, #tpu.memory_space<vmem>>, vector<16xf32>,
          %mul3A_285 = arith.mulf %get3A_284, %gather3A_232 : vector<16xf32>
          %swap3A_286 = arith.index_cast %scan3A_230 : i32 to index
          %swap3A_287 = arith.constant 112 : index
          %swap3A_288 = tpu.vector_load %arg13[%swap3A_286, %swap3A_287] {strides = array<i32>} : memref<128x128xf32, #tpu.memory_space<vmem>>, vector<16xf32>,
          tpu.vector_store %arg13[%swap3A_286, %swap3A_287], %mul3A_285 {strides = array<i32>} : memref<128x128xf32, #tpu.memory_space<vmem>>, vector<16xf32>,
          %scan3A_289 = arith.constant 0 : i32
          scf.yield %scan3A_289 : i32
        }
        %scan3A_159 = arith.constant 128 : i32
        "tpu.region"() ({
          %run_scoped3A = tpu.sem_alloc : memref<!tpu.dma_semaphore, #tpu.memory_space<semaphore_mem>>
          %dma_start3A_171 = arith.constant 0 : i32
          %dma_start3A_172 = arith.constant 0 : i32
          %dma_start3A_173 = tpu.memref_slice %arg23[%dma_start3A_171, %dma_start3A_172] : memref<10240x128xf32, #tpu.memory_space<vmem_shared>> -> memref<10240x128xf32, #tpu.memory_space<vmem_shared>>
          tpu.enqueue_indirect_dma source(%arg13 : memref<128x128xf32, #tpu.memory_space<vmem>>) target(%dma_start3A_173 : memref<10240x128xf32, #tpu.memory_space<vmem_shared>>) offsets(%arg9 : memref<128xi32, #tpu.memory_space<vmem>>) semaphore(%run_scoped3A : memref<!tpu.dma_semaphore, #tpu.memory_space<semaphore_mem>>) {add = true}
          %dma_wait3A_174 = arith.constant 0 : i32
          %dma_wait3A_175 = arith.constant 0 : i32
          %dma_wait3A_176 = tpu.memref_slice %arg23[%dma_wait3A_174, %dma_wait3A_175] : memref<10240x128xf32, #tpu.memory_space<vmem_shared>> -> memref<10240x128xf32, #tpu.memory_space<vmem_shared>>
          tpu.wait_indirect_dma semaphore(%run_scoped3A : memref<!tpu.dma_semaphore, #tpu.memory_space<semaphore_mem>>) src(%arg13 : memref<128x128xf32, #tpu.memory_space<vmem>>) dst(%dma_wait3A_176 : memref<10240x128xf32, #tpu.memory_space<vmem_shared>>)
          tpu.yield
        }) : () -> ()
        %dma_wait3A_160 = arith.constant 0 : i32
        %dma_wait3A_161 = arith.constant 0 : i32
        %dma_wait3A_162 = tpu.memref_slice %arg2[%dma_wait3A_160, %dma_wait3A_161] : memref<10000x128xf32, #tpu.memory_space<hbm>> -> memref<10000x128xf32, #tpu.memory_space<hbm>>
        tpu.wait_indirect_dma semaphore(%arg22 : memref<!tpu.dma_semaphore, #tpu.memory_space<semaphore_mem>>) src(%dma_wait3A_162 : memref<10000x128xf32, #tpu.memory_space<hbm>>) dst(%arg14 : memref<128x128xf32, #tpu.memory_space<vmem>>)
        %scan3A_163 = arith.constant 0 : i32
        %scan3A_164 = arith.constant 0 : i32
        %scan3A_165 = arith.constant 128 : i32
        %scan3A_166 = arith.addi %scan3A_164, %scan3A_165 : i32
        %scan3A_167 = arith.constant 2 : i32
        %scan3A_168 = scf.for %scan3A_171 = %scan3A_164 to %scan3A_166 step %scan3A_167 iter_args(%scan3A_172 = %scan3A_163) -> (i32)  : i32 {
          %broadcast_in_dim3A_173 = vector.broadcast %scan3A_171 : i32 to vector<16xi32>
          %gather3A = tpu.vector_load_idx %arg12[%broadcast_in_dim3A_173] : memref<128xf32, #tpu.memory_space<vmem>>[vector<16xi32>], vector<16xf32>,
          %get3A = arith.index_cast %scan3A_171 : i32 to index
          %get3A_174 = arith.constant 0 : index
          %get3A_175 = tpu.vector_load %arg14[%get3A, %get3A_174] {strides = array<i32>} : memref<128x128xf32, #tpu.memory_space<vmem>>, vector<16xf32>,
          %mul3A_176 = arith.mulf %get3A_175, %gather3A : vector<16xf32>
          %swap3A = arith.index_cast %scan3A_171 : i32 to index
          %swap3A_177 = arith.constant 0 : index
          %swap3A_178 = tpu.vector_load %arg14[%swap3A, %swap3A_177] {strides = array<i32>} : memref<128x128xf32, #tpu.memory_space<vmem>>, vector<16xf32>,
          tpu.vector_store %arg14[%swap3A, %swap3A_177], %mul3A_176 {strides = array<i32>} : memref<128x128xf32, #tpu.memory_space<vmem>>, vector<16xf32>,
          %get3A_179 = arith.index_cast %scan3A_171 : i32 to index
          %get3A_180 = arith.constant 16 : index
          %get3A_181 = tpu.vector_load %arg14[%get3A_179, %get3A_180] {strides = array<i32>} : memref<128x128xf32, #tpu.memory_space<vmem>>, vector<16xf32>,
          %mul3A_182 = arith.mulf %get3A_181, %gather3A : vector<16xf32>
          %swap3A_183 = arith.index_cast %scan3A_171 : i32 to index
          %swap3A_184 = arith.constant 16 : index
          %swap3A_185 = tpu.vector_load %arg14[%swap3A_183, %swap3A_184] {strides = array<i32>} : memref<128x128xf32, #tpu.memory_space<vmem>>, vector<16xf32>,
          tpu.vector_store %arg14[%swap3A_183, %swap3A_184], %mul3A_182 {strides = array<i32>} : memref<128x128xf32, #tpu.memory_space<vmem>>, vector<16xf32>,
          %get3A_186 = arith.index_cast %scan3A_171 : i32 to index
          %get3A_187 = arith.constant 32 : index
          %get3A_188 = tpu.vector_load %arg14[%get3A_186, %get3A_187] {strides = array<i32>} : memref<128x128xf32, #tpu.memory_space<vmem>>, vector<16xf32>,
          %mul3A_189 = arith.mulf %get3A_188, %gather3A : vector<16xf32>
          %swap3A_190 = arith.index_cast %scan3A_171 : i32 to index
          %swap3A_191 = arith.constant 32 : index
          %swap3A_192 = tpu.vector_load %arg14[%swap3A_190, %swap3A_191] {strides = array<i32>} : memref<128x128xf32, #tpu.memory_space<vmem>>, vector<16xf32>,
          tpu.vector_store %arg14[%swap3A_190, %swap3A_191], %mul3A_189 {strides = array<i32>} : memref<128x128xf32, #tpu.memory_space<vmem>>, vector<16xf32>,
          %get3A_193 = arith.index_cast %scan3A_171 : i32 to index
          %get3A_194 = arith.constant 48 : index
          %get3A_195 = tpu.vector_load %arg14[%get3A_193, %get3A_194] {strides = array<i32>} : memref<128x128xf32, #tpu.memory_space<vmem>>, vector<16xf32>,
          %mul3A_196 = arith.mulf %get3A_195, %gather3A : vector<16xf32>
          %swap3A_197 = arith.index_cast %scan3A_171 : i32 to index
          %swap3A_198 = arith.constant 48 : index
          %swap3A_199 = tpu.vector_load %arg14[%swap3A_197, %swap3A_198] {strides = array<i32>} : memref<128x128xf32, #tpu.memory_space<vmem>>, vector<16xf32>,
          tpu.vector_store %arg14[%swap3A_197, %swap3A_198], %mul3A_196 {strides = array<i32>} : memref<128x128xf32, #tpu.memory_space<vmem>>, vector<16xf32>,
          %get3A_200 = arith.index_cast %scan3A_171 : i32 to index
          %get3A_201 = arith.constant 64 : index
          %get3A_202 = tpu.vector_load %arg14[%get3A_200, %get3A_201] {strides = array<i32>} : memref<128x128xf32, #tpu.memory_space<vmem>>, vector<16xf32>,
          %mul3A_203 = arith.mulf %get3A_202, %gather3A : vector<16xf32>
          %swap3A_204 = arith.index_cast %scan3A_171 : i32 to index
          %swap3A_205 = arith.constant 64 : index
          %swap3A_206 = tpu.vector_load %arg14[%swap3A_204, %swap3A_205] {strides = array<i32>} : memref<128x128xf32, #tpu.memory_space<vmem>>, vector<16xf32>,
          tpu.vector_store %arg14[%swap3A_204, %swap3A_205], %mul3A_203 {strides = array<i32>} : memref<128x128xf32, #tpu.memory_space<vmem>>, vector<16xf32>,
          %get3A_207 = arith.index_cast %scan3A_171 : i32 to index
          %get3A_208 = arith.constant 80 : index
          %get3A_209 = tpu.vector_load %arg14[%get3A_207, %get3A_208] {strides = array<i32>} : memref<128x128xf32, #tpu.memory_space<vmem>>, vector<16xf32>,
          %mul3A_210 = arith.mulf %get3A_209, %gather3A : vector<16xf32>
          %swap3A_211 = arith.index_cast %scan3A_171 : i32 to index
          %swap3A_212 = arith.constant 80 : index
          %swap3A_213 = tpu.vector_load %arg14[%swap3A_211, %swap3A_212] {strides = array<i32>} : memref<128x128xf32, #tpu.memory_space<vmem>>, vector<16xf32>,
          tpu.vector_store %arg14[%swap3A_211, %swap3A_212], %mul3A_210 {strides = array<i32>} : memref<128x128xf32, #tpu.memory_space<vmem>>, vector<16xf32>,
          %get3A_214 = arith.index_cast %scan3A_171 : i32 to index
          %get3A_215 = arith.constant 96 : index
          %get3A_216 = tpu.vector_load %arg14[%get3A_214, %get3A_215] {strides = array<i32>} : memref<128x128xf32, #tpu.memory_space<vmem>>, vector<16xf32>,
          %mul3A_217 = arith.mulf %get3A_216, %gather3A : vector<16xf32>
          %swap3A_218 = arith.index_cast %scan3A_171 : i32 to index
          %swap3A_219 = arith.constant 96 : index
          %swap3A_220 = tpu.vector_load %arg14[%swap3A_218, %swap3A_219] {strides = array<i32>} : memref<128x128xf32, #tpu.memory_space<vmem>>, vector<16xf32>,
          tpu.vector_store %arg14[%swap3A_218, %swap3A_219], %mul3A_217 {strides = array<i32>} : memref<128x128xf32, #tpu.memory_space<vmem>>, vector<16xf32>,
          %get3A_221 = arith.index_cast %scan3A_171 : i32 to index
          %get3A_222 = arith.constant 112 : index
          %get3A_223 = tpu.vector_load %arg14[%get3A_221, %get3A_222] {strides = array<i32>} : memref<128x128xf32, #tpu.memory_space<vmem>>, vector<16xf32>,
          %mul3A_224 = arith.mulf %get3A_223, %gather3A : vector<16xf32>
          %swap3A_225 = arith.index_cast %scan3A_171 : i32 to index
          %swap3A_226 = arith.constant 112 : index
          %swap3A_227 = tpu.vector_load %arg14[%swap3A_225, %swap3A_226] {strides = array<i32>} : memref<128x128xf32, #tpu.memory_space<vmem>>, vector<16xf32>,
          tpu.vector_store %arg14[%swap3A_225, %swap3A_226], %mul3A_224 {strides = array<i32>} : memref<128x128xf32, #tpu.memory_space<vmem>>, vector<16xf32>,
          %scan3A_228 = arith.constant 0 : i32
          %scan3A_229 = arith.constant 1 : i32
          %scan3A_230 = arith.addi %scan3A_171, %scan3A_229 : i32
          %broadcast_in_dim3A_231 = vector.broadcast %scan3A_230 : i32 to vector<16xi32>
          %gather3A_232 = tpu.vector_load_idx %arg12[%broadcast_in_dim3A_231] : memref<128xf32, #tpu.memory_space<vmem>>[vector<16xi32>], vector<16xf32>,
          %get3A_233 = arith.index_cast %scan3A_230 : i32 to index
          %get3A_234 = arith.constant 0 : index
          %get3A_235 = tpu.vector_load %arg14[%get3A_233, %get3A_234] {strides = array<i32>} : memref<128x128xf32, #tpu.memory_space<vmem>>, vector<16xf32>,
          %mul3A_236 = arith.mulf %get3A_235, %gather3A_232 : vector<16xf32>
          %swap3A_237 = arith.index_cast %scan3A_230 : i32 to index
          %swap3A_238 = arith.constant 0 : index
          %swap3A_239 = tpu.vector_load %arg14[%swap3A_237, %swap3A_238] {strides = array<i32>} : memref<128x128xf32, #tpu.memory_space<vmem>>, vector<16xf32>,
          tpu.vector_store %arg14[%swap3A_237, %swap3A_238], %mul3A_236 {strides = array<i32>} : memref<128x128xf32, #tpu.memory_space<vmem>>, vector<16xf32>,
          %get3A_240 = arith.index_cast %scan3A_230 : i32 to index
          %get3A_241 = arith.constant 16 : index
          %get3A_242 = tpu.vector_load %arg14[%get3A_240, %get3A_241] {strides = array<i32>} : memref<128x128xf32, #tpu.memory_space<vmem>>, vector<16xf32>,
          %mul3A_243 = arith.mulf %get3A_242, %gather3A_232 : vector<16xf32>
          %swap3A_244 = arith.index_cast %scan3A_230 : i32 to index
          %swap3A_245 = arith.constant 16 : index
          %swap3A_246 = tpu.vector_load %arg14[%swap3A_244, %swap3A_245] {strides = array<i32>} : memref<128x128xf32, #tpu.memory_space<vmem>>, vector<16xf32>,
          tpu.vector_store %arg14[%swap3A_244, %swap3A_245], %mul3A_243 {strides = array<i32>} : memref<128x128xf32, #tpu.memory_space<vmem>>, vector<16xf32>,
          %get3A_247 = arith.index_cast %scan3A_230 : i32 to index
          %get3A_248 = arith.constant 32 : index
          %get3A_249 = tpu.vector_load %arg14[%get3A_247, %get3A_248] {strides = array<i32>} : memref<128x128xf32, #tpu.memory_space<vmem>>, vector<16xf32>,
          %mul3A_250 = arith.mulf %get3A_249, %gather3A_232 : vector<16xf32>
          %swap3A_251 = arith.index_cast %scan3A_230 : i32 to index
          %swap3A_252 = arith.constant 32 : index
          %swap3A_253 = tpu.vector_load %arg14[%swap3A_251, %swap3A_252] {strides = array<i32>} : memref<128x128xf32, #tpu.memory_space<vmem>>, vector<16xf32>,
          tpu.vector_store %arg14[%swap3A_251, %swap3A_252], %mul3A_250 {strides = array<i32>} : memref<128x128xf32, #tpu.memory_space<vmem>>, vector<16xf32>,
          %get3A_254 = arith.index_cast %scan3A_230 : i32 to index
          %get3A_255 = arith.constant 48 : index
          %get3A_256 = tpu.vector_load %arg14[%get3A_254, %get3A_255] {strides = array<i32>} : memref<128x128xf32, #tpu.memory_space<vmem>>, vector<16xf32>,
          %mul3A_257 = arith.mulf %get3A_256, %gather3A_232 : vector<16xf32>
          %swap3A_258 = arith.index_cast %scan3A_230 : i32 to index
          %swap3A_259 = arith.constant 48 : index
          %swap3A_260 = tpu.vector_load %arg14[%swap3A_258, %swap3A_259] {strides = array<i32>} : memref<128x128xf32, #tpu.memory_space<vmem>>, vector<16xf32>,
          tpu.vector_store %arg14[%swap3A_258, %swap3A_259], %mul3A_257 {strides = array<i32>} : memref<128x128xf32, #tpu.memory_space<vmem>>, vector<16xf32>,
          %get3A_261 = arith.index_cast %scan3A_230 : i32 to index
          %get3A_262 = arith.constant 64 : index
          %get3A_263 = tpu.vector_load %arg14[%get3A_261, %get3A_262] {strides = array<i32>} : memref<128x128xf32, #tpu.memory_space<vmem>>, vector<16xf32>,
          %mul3A_264 = arith.mulf %get3A_263, %gather3A_232 : vector<16xf32>
          %swap3A_265 = arith.index_cast %scan3A_230 : i32 to index
          %swap3A_266 = arith.constant 64 : index
          %swap3A_267 = tpu.vector_load %arg14[%swap3A_265, %swap3A_266] {strides = array<i32>} : memref<128x128xf32, #tpu.memory_space<vmem>>, vector<16xf32>,
          tpu.vector_store %arg14[%swap3A_265, %swap3A_266], %mul3A_264 {strides = array<i32>} : memref<128x128xf32, #tpu.memory_space<vmem>>, vector<16xf32>,
          %get3A_268 = arith.index_cast %scan3A_230 : i32 to index
          %get3A_269 = arith.constant 80 : index
          %get3A_270 = tpu.vector_load %arg14[%get3A_268, %get3A_269] {strides = array<i32>} : memref<128x128xf32, #tpu.memory_space<vmem>>, vector<16xf32>,
          %mul3A_271 = arith.mulf %get3A_270, %gather3A_232 : vector<16xf32>
          %swap3A_272 = arith.index_cast %scan3A_230 : i32 to index
          %swap3A_273 = arith.constant 80 : index
          %swap3A_274 = tpu.vector_load %arg14[%swap3A_272, %swap3A_273] {strides = array<i32>} : memref<128x128xf32, #tpu.memory_space<vmem>>, vector<16xf32>,
          tpu.vector_store %arg14[%swap3A_272, %swap3A_273], %mul3A_271 {strides = array<i32>} : memref<128x128xf32, #tpu.memory_space<vmem>>, vector<16xf32>,
          %get3A_275 = arith.index_cast %scan3A_230 : i32 to index
          %get3A_276 = arith.constant 96 : index
          %get3A_277 = tpu.vector_load %arg14[%get3A_275, %get3A_276] {strides = array<i32>} : memref<128x128xf32, #tpu.memory_space<vmem>>, vector<16xf32>,
          %mul3A_278 = arith.mulf %get3A_277, %gather3A_232 : vector<16xf32>
          %swap3A_279 = arith.index_cast %scan3A_230 : i32 to index
          %swap3A_280 = arith.constant 96 : index
          %swap3A_281 = tpu.vector_load %arg14[%swap3A_279, %swap3A_280] {strides = array<i32>} : memref<128x128xf32, #tpu.memory_space<vmem>>, vector<16xf32>,
          tpu.vector_store %arg14[%swap3A_279, %swap3A_280], %mul3A_278 {strides = array<i32>} : memref<128x128xf32, #tpu.memory_space<vmem>>, vector<16xf32>,
          %get3A_282 = arith.index_cast %scan3A_230 : i32 to index
          %get3A_283 = arith.constant 112 : index
          %get3A_284 = tpu.vector_load %arg14[%get3A_282, %get3A_283] {strides = array<i32>} : memref<128x128xf32, #tpu.memory_space<vmem>>, vector<16xf32>,
          %mul3A_285 = arith.mulf %get3A_284, %gather3A_232 : vector<16xf32>
          %swap3A_286 = arith.index_cast %scan3A_230 : i32 to index
          %swap3A_287 = arith.constant 112 : index
          %swap3A_288 = tpu.vector_load %arg14[%swap3A_286, %swap3A_287] {strides = array<i32>} : memref<128x128xf32, #tpu.memory_space<vmem>>, vector<16xf32>,
          tpu.vector_store %arg14[%swap3A_286, %swap3A_287], %mul3A_285 {strides = array<i32>} : memref<128x128xf32, #tpu.memory_space<vmem>>, vector<16xf32>,
          %scan3A_289 = arith.constant 0 : i32
          scf.yield %scan3A_289 : i32
        }
        %scan3A_169 = arith.constant 128 : i32
        "tpu.region"() ({
          %run_scoped3A = tpu.sem_alloc : memref<!tpu.dma_semaphore, #tpu.memory_space<semaphore_mem>>
          %dma_start3A_171 = arith.constant 0 : i32
          %dma_start3A_172 = arith.constant 0 : i32
          %dma_start3A_173 = tpu.memref_slice %arg23[%dma_start3A_171, %dma_start3A_172] : memref<10240x128xf32, #tpu.memory_space<vmem_shared>> -> memref<10240x128xf32, #tpu.memory_space<vmem_shared>>
          tpu.enqueue_indirect_dma source(%arg14 : memref<128x128xf32, #tpu.memory_space<vmem>>) target(%dma_start3A_173 : memref<10240x128xf32, #tpu.memory_space<vmem_shared>>) offsets(%arg10 : memref<128xi32, #tpu.memory_space<vmem>>) semaphore(%run_scoped3A : memref<!tpu.dma_semaphore, #tpu.memory_space<semaphore_mem>>) {add = true}
          %dma_wait3A_174 = arith.constant 0 : i32
          %dma_wait3A_175 = arith.constant 0 : i32
          %dma_wait3A_176 = tpu.memref_slice %arg23[%dma_wait3A_174, %dma_wait3A_175] : memref<10240x128xf32, #tpu.memory_space<vmem_shared>> -> memref<10240x128xf32, #tpu.memory_space<vmem_shared>>
          tpu.wait_indirect_dma semaphore(%run_scoped3A : memref<!tpu.dma_semaphore, #tpu.memory_space<semaphore_mem>>) src(%arg14 : memref<128x128xf32, #tpu.memory_space<vmem>>) dst(%dma_wait3A_176 : memref<10240x128xf32, #tpu.memory_space<vmem_shared>>)
          tpu.yield
        }) : () -> ()
        %scan3A_170 = arith.constant 0 : i32
        scf.yield %scan3A_170 : i32
      }
      %scan3A_57 = arith.constant 24 : i32
    } else {
    }
    %barrier3A_46 = arith.constant 0 : index
    tpu.barrier barrier_id(%barrier3A_46)
    %mul3A_47 = arith.constant 640 : i32
    %mul3A_48 = arith.muli %arg1, %mul3A_47 : i32
    %mul3A_49 = arith.constant 640 : i32
    %mul3A_50 = arith.muli %arg1, %mul3A_49 : i32
    "tpu.region"() ({
      %run_scoped3A = tpu.sem_alloc : memref<!tpu.dma_semaphore, #tpu.memory_space<semaphore_mem>>
      %dma_start3A = arith.constant 0 : i32
      %dma_start3A_51 = tpu.memref_slice %arg6[%arg0, %mul3A_50, %dma_start3A] : memref<2x10240x128xf32, #tpu.memory_space<hbm>> -> memref<1x640x128xf32, #tpu.memory_space<hbm>>
      %dma_start3A_52 = tpu.memref_squeeze %dma_start3A_51 : memref<1x640x128xf32, #tpu.memory_space<hbm>> -> memref<640x128xf32, #tpu.memory_space<hbm>>
      %dma_start3A_53 = arith.constant 0 : i32
      %dma_start3A_54 = tpu.memref_slice %arg23[%mul3A_48, %dma_start3A_53] : memref<10240x128xf32, #tpu.memory_space<vmem_shared>> -> memref<640x128xf32, #tpu.memory_space<vmem_shared>>
      tpu.enqueue_dma source(%dma_start3A_54 : memref<640x128xf32, #tpu.memory_space<vmem_shared>>) target(%dma_start3A_52 : memref<640x128xf32, #tpu.memory_space<hbm>>) target_semaphore(%run_scoped3A : memref<!tpu.dma_semaphore, #tpu.memory_space<semaphore_mem>>)
      %dma_wait3A = arith.constant 0 : i32
      %dma_wait3A_55 = tpu.memref_slice %arg6[%arg0, %mul3A_50, %dma_wait3A] : memref<2x10240x128xf32, #tpu.memory_space<hbm>> -> memref<1x640x128xf32, #tpu.memory_space<hbm>>
      %dma_wait3A_56 = tpu.memref_squeeze %dma_wait3A_55 : memref<1x640x128xf32, #tpu.memory_space<hbm>> -> memref<640x128xf32, #tpu.memory_space<hbm>>
      %dma_wait3A_57 = arith.constant 0 : i32
      %dma_wait3A_58 = tpu.memref_slice %arg23[%mul3A_48, %dma_wait3A_57] : memref<10240x128xf32, #tpu.memory_space<vmem_shared>> -> memref<640x128xf32, #tpu.memory_space<vmem_shared>>
      tpu.wait_dma2 semaphore(%run_scoped3A : memref<!tpu.dma_semaphore, #tpu.memory_space<semaphore_mem>>) src(%dma_wait3A_58 : memref<640x128xf32, #tpu.memory_space<vmem_shared>>) dst(%dma_wait3A_56 : memref<640x128xf32, #tpu.memory_space<hbm>>)
      tpu.yield
    }) : () -> ()
    return
  }
}

#map = affine_map<(d0, d1) -> (0, 0)>
#map1 = affine_map<(d0, d1) -> (0, 0, 0)>
module attributes {stable_mosaic.version = 14 : i64} {
  func.func @_sc_deg_body(%arg0: i32, %arg1: i32, %arg2: memref<2560x128xf32, #tpu.memory_space<hbm>>, %arg3: memref<2560x128xi32, #tpu.memory_space<hbm>>, %arg4: memref<2x10240x16xf32, #tpu.memory_space<hbm>>, %arg5: memref<80x128xf32, #tpu.memory_space<vmem>>, %arg6: memref<128xi32, #tpu.memory_space<vmem>>, %arg7: memref<128xi32, #tpu.memory_space<vmem>>, %arg8: memref<128x16xf32, #tpu.memory_space<vmem>>, %arg9: memref<128x16xf32, #tpu.memory_space<vmem>>, %arg10: memref<!tpu.dma_semaphore, #tpu.memory_space<semaphore_mem>>, %arg11: memref<!tpu.dma_semaphore, #tpu.memory_space<semaphore_mem>>, %arg12: memref<10240x16xf32, #tpu.memory_space<vmem_shared>>) attributes {dimension_semantics = [#tpu.dimension_semantics<core_parallel>, #tpu.dimension_semantics<subcore_parallel>], iteration_bounds = array<i64: 2, 16>, scalar_prefetch = 0 : i64, scratch_operands = 8 : i64, tpu.core_type = #tpu.core_type<sc_vector_subcore>, window_params = [{transform_indices = #map}, {transform_indices = #map}, {transform_indices = #map1}]} {
    %mul3A = arith.constant 2 : i32
    %mul3A_0 = arith.muli %arg1, %mul3A : i32
    %add3A = arith.addi %mul3A_0, %arg0 : i32
    %mul3A_1 = arith.constant 80 : i32
    %mul3A_2 = arith.muli %add3A, %mul3A_1 : i32
    %broadcast_in_dim3A = arith.constant 0.000000e+00 : f32
    %broadcast_in_dim3A_3 = vector.broadcast %broadcast_in_dim3A : f32 to vector<16xf32>
    "tpu.region"() ({
      %run_scoped3A = tpu.sem_alloc : memref<!tpu.dma_semaphore, #tpu.memory_space<semaphore_mem>>
      %dma_start3A = arith.constant 0 : i32
      %dma_start3A_42 = tpu.memref_slice %arg2[%mul3A_2, %dma_start3A] : memref<2560x128xf32, #tpu.memory_space<hbm>> -> memref<80x128xf32, #tpu.memory_space<hbm>>
      %dma_start3A_43 = arith.constant 0 : i32
      %dma_start3A_44 = tpu.memref_slice %arg2[%mul3A_2, %dma_start3A_43] : memref<2560x128xf32, #tpu.memory_space<hbm>> -> memref<80x128xf32, #tpu.memory_space<hbm>>
      tpu.enqueue_dma source(%dma_start3A_44 : memref<80x128xf32, #tpu.memory_space<hbm>>) target(%arg5 : memref<80x128xf32, #tpu.memory_space<vmem>>) target_semaphore(%run_scoped3A : memref<!tpu.dma_semaphore, #tpu.memory_space<semaphore_mem>>)
      %dma_wait3A = arith.constant 0 : i32
      %dma_wait3A_45 = tpu.memref_slice %arg2[%mul3A_2, %dma_wait3A] : memref<2560x128xf32, #tpu.memory_space<hbm>> -> memref<80x128xf32, #tpu.memory_space<hbm>>
      %dma_wait3A_46 = arith.constant 0 : i32
      %dma_wait3A_47 = tpu.memref_slice %arg2[%mul3A_2, %dma_wait3A_46] : memref<2560x128xf32, #tpu.memory_space<hbm>> -> memref<80x128xf32, #tpu.memory_space<hbm>>
      tpu.wait_dma2 semaphore(%run_scoped3A : memref<!tpu.dma_semaphore, #tpu.memory_space<semaphore_mem>>) src(%dma_wait3A_47 : memref<80x128xf32, #tpu.memory_space<hbm>>) dst(%arg5 : memref<80x128xf32, #tpu.memory_space<vmem>>)
      tpu.yield
    }) : () -> ()
    %scan3A = arith.constant 0 : i32
    %scan3A_4 = arith.constant 0 : i32
    %scan3A_5 = arith.constant 128 : i32
    %scan3A_6 = arith.addi %scan3A_4, %scan3A_5 : i32
    %scan3A_7 = arith.constant 4 : i32
    %scan3A_8 = scf.for %scan3A_42 = %scan3A_4 to %scan3A_6 step %scan3A_7 iter_args(%scan3A_43 = %scan3A) -> (i32)  : i32 {
      %swap3A = arith.index_cast %scan3A_42 : i32 to index
      %swap3A_44 = arith.constant 0 : index
      %swap3A_45 = tpu.vector_load %arg8[%swap3A, %swap3A_44] {strides = array<i32>} : memref<128x16xf32, #tpu.memory_space<vmem>>, vector<16xf32>,
      tpu.vector_store %arg8[%swap3A, %swap3A_44], %broadcast_in_dim3A_3 {strides = array<i32>} : memref<128x16xf32, #tpu.memory_space<vmem>>, vector<16xf32>,
      %scan3A_46 = arith.constant 0 : i32
      %scan3A_47 = arith.constant 1 : i32
      %scan3A_48 = arith.addi %scan3A_42, %scan3A_47 : i32
      %swap3A_49 = arith.index_cast %scan3A_48 : i32 to index
      %swap3A_50 = arith.constant 0 : index
      %swap3A_51 = tpu.vector_load %arg8[%swap3A_49, %swap3A_50] {strides = array<i32>} : memref<128x16xf32, #tpu.memory_space<vmem>>, vector<16xf32>,
      tpu.vector_store %arg8[%swap3A_49, %swap3A_50], %broadcast_in_dim3A_3 {strides = array<i32>} : memref<128x16xf32, #tpu.memory_space<vmem>>, vector<16xf32>,
      %scan3A_52 = arith.constant 0 : i32
      %scan3A_53 = arith.constant 2 : i32
      %scan3A_54 = arith.addi %scan3A_42, %scan3A_53 : i32
      %swap3A_55 = arith.index_cast %scan3A_54 : i32 to index
      %swap3A_56 = arith.constant 0 : index
      %swap3A_57 = tpu.vector_load %arg8[%swap3A_55, %swap3A_56] {strides = array<i32>} : memref<128x16xf32, #tpu.memory_space<vmem>>, vector<16xf32>,
      tpu.vector_store %arg8[%swap3A_55, %swap3A_56], %broadcast_in_dim3A_3 {strides = array<i32>} : memref<128x16xf32, #tpu.memory_space<vmem>>, vector<16xf32>,
      %scan3A_58 = arith.constant 0 : i32
      %scan3A_59 = arith.constant 3 : i32
      %scan3A_60 = arith.addi %scan3A_42, %scan3A_59 : i32
      %swap3A_61 = arith.index_cast %scan3A_60 : i32 to index
      %swap3A_62 = arith.constant 0 : index
      %swap3A_63 = tpu.vector_load %arg8[%swap3A_61, %swap3A_62] {strides = array<i32>} : memref<128x16xf32, #tpu.memory_space<vmem>>, vector<16xf32>,
      tpu.vector_store %arg8[%swap3A_61, %swap3A_62], %broadcast_in_dim3A_3 {strides = array<i32>} : memref<128x16xf32, #tpu.memory_space<vmem>>, vector<16xf32>,
      %scan3A_64 = arith.constant 0 : i32
      scf.yield %scan3A_64 : i32
    }
    %scan3A_9 = arith.constant 128 : i32
    %mul3A_10 = arith.constant 640 : i32
    %mul3A_11 = arith.muli %arg1, %mul3A_10 : i32
    %add3A_12 = arith.constant 0 : i32
    %add3A_13 = arith.addi %mul3A_11, %add3A_12 : i32
    "tpu.region"() ({
      %run_scoped3A = tpu.sem_alloc : memref<!tpu.dma_semaphore, #tpu.memory_space<semaphore_mem>>
      %dma_start3A = arith.constant 0 : i32
      %dma_start3A_42 = tpu.memref_slice %arg12[%add3A_13, %dma_start3A] : memref<10240x16xf32, #tpu.memory_space<vmem_shared>> -> memref<128x16xf32, #tpu.memory_space<vmem_shared>>
      %dma_start3A_43 = arith.constant 0 : i32
      %dma_start3A_44 = tpu.memref_slice %arg12[%add3A_13, %dma_start3A_43] : memref<10240x16xf32, #tpu.memory_space<vmem_shared>> -> memref<128x16xf32, #tpu.memory_space<vmem_shared>>
      tpu.enqueue_dma source(%arg8 : memref<128x16xf32, #tpu.memory_space<vmem>>) target(%dma_start3A_44 : memref<128x16xf32, #tpu.memory_space<vmem_shared>>) target_semaphore(%run_scoped3A : memref<!tpu.dma_semaphore, #tpu.memory_space<semaphore_mem>>)
      %dma_wait3A = arith.constant 0 : i32
      %dma_wait3A_45 = tpu.memref_slice %arg12[%add3A_13, %dma_wait3A] : memref<10240x16xf32, #tpu.memory_space<vmem_shared>> -> memref<128x16xf32, #tpu.memory_space<vmem_shared>>
      %dma_wait3A_46 = arith.constant 0 : i32
      %dma_wait3A_47 = tpu.memref_slice %arg12[%add3A_13, %dma_wait3A_46] : memref<10240x16xf32, #tpu.memory_space<vmem_shared>> -> memref<128x16xf32, #tpu.memory_space<vmem_shared>>
      tpu.wait_dma2 semaphore(%run_scoped3A : memref<!tpu.dma_semaphore, #tpu.memory_space<semaphore_mem>>) src(%arg8 : memref<128x16xf32, #tpu.memory_space<vmem>>) dst(%dma_wait3A_47 : memref<128x16xf32, #tpu.memory_space<vmem_shared>>)
      tpu.yield
    }) : () -> ()
    %mul3A_14 = arith.constant 640 : i32
    %mul3A_15 = arith.muli %arg1, %mul3A_14 : i32
    %add3A_16 = arith.constant 128 : i32
    %add3A_17 = arith.addi %mul3A_15, %add3A_16 : i32
    "tpu.region"() ({
      %run_scoped3A = tpu.sem_alloc : memref<!tpu.dma_semaphore, #tpu.memory_space<semaphore_mem>>
      %dma_start3A = arith.constant 0 : i32
      %dma_start3A_42 = tpu.memref_slice %arg12[%add3A_17, %dma_start3A] : memref<10240x16xf32, #tpu.memory_space<vmem_shared>> -> memref<128x16xf32, #tpu.memory_space<vmem_shared>>
      %dma_start3A_43 = arith.constant 0 : i32
      %dma_start3A_44 = tpu.memref_slice %arg12[%add3A_17, %dma_start3A_43] : memref<10240x16xf32, #tpu.memory_space<vmem_shared>> -> memref<128x16xf32, #tpu.memory_space<vmem_shared>>
      tpu.enqueue_dma source(%arg8 : memref<128x16xf32, #tpu.memory_space<vmem>>) target(%dma_start3A_44 : memref<128x16xf32, #tpu.memory_space<vmem_shared>>) target_semaphore(%run_scoped3A : memref<!tpu.dma_semaphore, #tpu.memory_space<semaphore_mem>>)
      %dma_wait3A = arith.constant 0 : i32
      %dma_wait3A_45 = tpu.memref_slice %arg12[%add3A_17, %dma_wait3A] : memref<10240x16xf32, #tpu.memory_space<vmem_shared>> -> memref<128x16xf32, #tpu.memory_space<vmem_shared>>
      %dma_wait3A_46 = arith.constant 0 : i32
      %dma_wait3A_47 = tpu.memref_slice %arg12[%add3A_17, %dma_wait3A_46] : memref<10240x16xf32, #tpu.memory_space<vmem_shared>> -> memref<128x16xf32, #tpu.memory_space<vmem_shared>>
      tpu.wait_dma2 semaphore(%run_scoped3A : memref<!tpu.dma_semaphore, #tpu.memory_space<semaphore_mem>>) src(%arg8 : memref<128x16xf32, #tpu.memory_space<vmem>>) dst(%dma_wait3A_47 : memref<128x16xf32, #tpu.memory_space<vmem_shared>>)
      tpu.yield
    }) : () -> ()
    %mul3A_18 = arith.constant 640 : i32
    %mul3A_19 = arith.muli %arg1, %mul3A_18 : i32
    %add3A_20 = arith.constant 256 : i32
    %add3A_21 = arith.addi %mul3A_19, %add3A_20 : i32
    "tpu.region"() ({
      %run_scoped3A = tpu.sem_alloc : memref<!tpu.dma_semaphore, #tpu.memory_space<semaphore_mem>>
      %dma_start3A = arith.constant 0 : i32
      %dma_start3A_42 = tpu.memref_slice %arg12[%add3A_21, %dma_start3A] : memref<10240x16xf32, #tpu.memory_space<vmem_shared>> -> memref<128x16xf32, #tpu.memory_space<vmem_shared>>
      %dma_start3A_43 = arith.constant 0 : i32
      %dma_start3A_44 = tpu.memref_slice %arg12[%add3A_21, %dma_start3A_43] : memref<10240x16xf32, #tpu.memory_space<vmem_shared>> -> memref<128x16xf32, #tpu.memory_space<vmem_shared>>
      tpu.enqueue_dma source(%arg8 : memref<128x16xf32, #tpu.memory_space<vmem>>) target(%dma_start3A_44 : memref<128x16xf32, #tpu.memory_space<vmem_shared>>) target_semaphore(%run_scoped3A : memref<!tpu.dma_semaphore, #tpu.memory_space<semaphore_mem>>)
      %dma_wait3A = arith.constant 0 : i32
      %dma_wait3A_45 = tpu.memref_slice %arg12[%add3A_21, %dma_wait3A] : memref<10240x16xf32, #tpu.memory_space<vmem_shared>> -> memref<128x16xf32, #tpu.memory_space<vmem_shared>>
      %dma_wait3A_46 = arith.constant 0 : i32
      %dma_wait3A_47 = tpu.memref_slice %arg12[%add3A_21, %dma_wait3A_46] : memref<10240x16xf32, #tpu.memory_space<vmem_shared>> -> memref<128x16xf32, #tpu.memory_space<vmem_shared>>
      tpu.wait_dma2 semaphore(%run_scoped3A : memref<!tpu.dma_semaphore, #tpu.memory_space<semaphore_mem>>) src(%arg8 : memref<128x16xf32, #tpu.memory_space<vmem>>) dst(%dma_wait3A_47 : memref<128x16xf32, #tpu.memory_space<vmem_shared>>)
      tpu.yield
    }) : () -> ()
    %mul3A_22 = arith.constant 640 : i32
    %mul3A_23 = arith.muli %arg1, %mul3A_22 : i32
    %add3A_24 = arith.constant 384 : i32
    %add3A_25 = arith.addi %mul3A_23, %add3A_24 : i32
    "tpu.region"() ({
      %run_scoped3A = tpu.sem_alloc : memref<!tpu.dma_semaphore, #tpu.memory_space<semaphore_mem>>
      %dma_start3A = arith.constant 0 : i32
      %dma_start3A_42 = tpu.memref_slice %arg12[%add3A_25, %dma_start3A] : memref<10240x16xf32, #tpu.memory_space<vmem_shared>> -> memref<128x16xf32, #tpu.memory_space<vmem_shared>>
      %dma_start3A_43 = arith.constant 0 : i32
      %dma_start3A_44 = tpu.memref_slice %arg12[%add3A_25, %dma_start3A_43] : memref<10240x16xf32, #tpu.memory_space<vmem_shared>> -> memref<128x16xf32, #tpu.memory_space<vmem_shared>>
      tpu.enqueue_dma source(%arg8 : memref<128x16xf32, #tpu.memory_space<vmem>>) target(%dma_start3A_44 : memref<128x16xf32, #tpu.memory_space<vmem_shared>>) target_semaphore(%run_scoped3A : memref<!tpu.dma_semaphore, #tpu.memory_space<semaphore_mem>>)
      %dma_wait3A = arith.constant 0 : i32
      %dma_wait3A_45 = tpu.memref_slice %arg12[%add3A_25, %dma_wait3A] : memref<10240x16xf32, #tpu.memory_space<vmem_shared>> -> memref<128x16xf32, #tpu.memory_space<vmem_shared>>
      %dma_wait3A_46 = arith.constant 0 : i32
      %dma_wait3A_47 = tpu.memref_slice %arg12[%add3A_25, %dma_wait3A_46] : memref<10240x16xf32, #tpu.memory_space<vmem_shared>> -> memref<128x16xf32, #tpu.memory_space<vmem_shared>>
      tpu.wait_dma2 semaphore(%run_scoped3A : memref<!tpu.dma_semaphore, #tpu.memory_space<semaphore_mem>>) src(%arg8 : memref<128x16xf32, #tpu.memory_space<vmem>>) dst(%dma_wait3A_47 : memref<128x16xf32, #tpu.memory_space<vmem_shared>>)
      tpu.yield
    }) : () -> ()
    %mul3A_26 = arith.constant 640 : i32
    %mul3A_27 = arith.muli %arg1, %mul3A_26 : i32
    %add3A_28 = arith.constant 512 : i32
    %add3A_29 = arith.addi %mul3A_27, %add3A_28 : i32
    "tpu.region"() ({
      %run_scoped3A = tpu.sem_alloc : memref<!tpu.dma_semaphore, #tpu.memory_space<semaphore_mem>>
      %dma_start3A = arith.constant 0 : i32
      %dma_start3A_42 = tpu.memref_slice %arg12[%add3A_29, %dma_start3A] : memref<10240x16xf32, #tpu.memory_space<vmem_shared>> -> memref<128x16xf32, #tpu.memory_space<vmem_shared>>
      %dma_start3A_43 = arith.constant 0 : i32
      %dma_start3A_44 = tpu.memref_slice %arg12[%add3A_29, %dma_start3A_43] : memref<10240x16xf32, #tpu.memory_space<vmem_shared>> -> memref<128x16xf32, #tpu.memory_space<vmem_shared>>
      tpu.enqueue_dma source(%arg8 : memref<128x16xf32, #tpu.memory_space<vmem>>) target(%dma_start3A_44 : memref<128x16xf32, #tpu.memory_space<vmem_shared>>) target_semaphore(%run_scoped3A : memref<!tpu.dma_semaphore, #tpu.memory_space<semaphore_mem>>)
      %dma_wait3A = arith.constant 0 : i32
      %dma_wait3A_45 = tpu.memref_slice %arg12[%add3A_29, %dma_wait3A] : memref<10240x16xf32, #tpu.memory_space<vmem_shared>> -> memref<128x16xf32, #tpu.memory_space<vmem_shared>>
      %dma_wait3A_46 = arith.constant 0 : i32
      %dma_wait3A_47 = tpu.memref_slice %arg12[%add3A_29, %dma_wait3A_46] : memref<10240x16xf32, #tpu.memory_space<vmem_shared>> -> memref<128x16xf32, #tpu.memory_space<vmem_shared>>
      tpu.wait_dma2 semaphore(%run_scoped3A : memref<!tpu.dma_semaphore, #tpu.memory_space<semaphore_mem>>) src(%arg8 : memref<128x16xf32, #tpu.memory_space<vmem>>) dst(%dma_wait3A_47 : memref<128x16xf32, #tpu.memory_space<vmem_shared>>)
      tpu.yield
    }) : () -> ()
    %barrier3A = arith.constant 0 : index
    tpu.barrier barrier_id(%barrier3A)
    %scan3A_30 = arith.constant 0 : i32
    %scan3A_31 = arith.constant 0 : i32
    %scan3A_32 = arith.constant 40 : i32
    %scan3A_33 = arith.addi %scan3A_31, %scan3A_32 : i32
    %scan3A_34 = arith.constant 1 : i32
    %scan3A_35 = scf.for %scan3A_42 = %scan3A_31 to %scan3A_33 step %scan3A_34 iter_args(%scan3A_43 = %scan3A_30) -> (i32)  : i32 {
      %mul3A_44 = arith.constant 2 : i32
      %mul3A_45 = arith.muli %mul3A_44, %scan3A_42 : i32
      %add3A_46 = arith.addi %mul3A_2, %mul3A_45 : i32
      %dma_start3A = arith.constant 0 : i32
      %dma_start3A_47 = tpu.memref_slice %arg3[%add3A_46, %dma_start3A] : memref<2560x128xi32, #tpu.memory_space<hbm>> -> memref<1x128xi32, #tpu.memory_space<hbm>>
      %dma_start3A_48 = tpu.memref_squeeze %dma_start3A_47 : memref<1x128xi32, #tpu.memory_space<hbm>> -> memref<128xi32, #tpu.memory_space<hbm>>
      %dma_start3A_49 = arith.constant 0 : i32
      %dma_start3A_50 = tpu.memref_slice %arg3[%add3A_46, %dma_start3A_49] : memref<2560x128xi32, #tpu.memory_space<hbm>> -> memref<1x128xi32, #tpu.memory_space<hbm>>
      %dma_start3A_51 = tpu.memref_squeeze %dma_start3A_50 : memref<1x128xi32, #tpu.memory_space<hbm>> -> memref<128xi32, #tpu.memory_space<hbm>>
      tpu.enqueue_dma source(%dma_start3A_51 : memref<128xi32, #tpu.memory_space<hbm>>) target(%arg6 : memref<128xi32, #tpu.memory_space<vmem>>) target_semaphore(%arg10 : memref<!tpu.dma_semaphore, #tpu.memory_space<semaphore_mem>>)
      %add3A_52 = arith.addi %mul3A_2, %mul3A_45 : i32
      %add3A_53 = arith.constant 1 : i32
      %add3A_54 = arith.addi %add3A_52, %add3A_53 : i32
      %dma_start3A_55 = arith.constant 0 : i32
      %dma_start3A_56 = tpu.memref_slice %arg3[%add3A_54, %dma_start3A_55] : memref<2560x128xi32, #tpu.memory_space<hbm>> -> memref<1x128xi32, #tpu.memory_space<hbm>>
      %dma_start3A_57 = tpu.memref_squeeze %dma_start3A_56 : memref<1x128xi32, #tpu.memory_space<hbm>> -> memref<128xi32, #tpu.memory_space<hbm>>
      %dma_start3A_58 = arith.constant 0 : i32
      %dma_start3A_59 = tpu.memref_slice %arg3[%add3A_54, %dma_start3A_58] : memref<2560x128xi32, #tpu.memory_space<hbm>> -> memref<1x128xi32, #tpu.memory_space<hbm>>
      %dma_start3A_60 = tpu.memref_squeeze %dma_start3A_59 : memref<1x128xi32, #tpu.memory_space<hbm>> -> memref<128xi32, #tpu.memory_space<hbm>>
      tpu.enqueue_dma source(%dma_start3A_60 : memref<128xi32, #tpu.memory_space<hbm>>) target(%arg7 : memref<128xi32, #tpu.memory_space<vmem>>) target_semaphore(%arg11 : memref<!tpu.dma_semaphore, #tpu.memory_space<semaphore_mem>>)
      %broadcast_in_dim3A_61 = vector.broadcast %mul3A_45 : i32 to vector<16xi32>
      %scan3A_62 = arith.constant 0 : i32
      %scan3A_63 = arith.constant 0 : i32
      %scan3A_64 = arith.constant 128 : i32
      %scan3A_65 = arith.addi %scan3A_63, %scan3A_64 : i32
      %scan3A_66 = arith.constant 8 : i32
      %scan3A_67 = scf.for %scan3A_91 = %scan3A_63 to %scan3A_65 step %scan3A_66 iter_args(%scan3A_92 = %scan3A_62) -> (i32)  : i32 {
        %broadcast_in_dim3A_93 = vector.broadcast %scan3A_91 : i32 to vector<16xi32>
        %gather3A = tpu.vector_load_idx %arg5[%broadcast_in_dim3A_61, %broadcast_in_dim3A_93] : memref<80x128xf32, #tpu.memory_space<vmem>>[vector<16xi32>, vector<16xi32>], vector<16xf32>,
        %swap3A = arith.index_cast %scan3A_91 : i32 to index
        %swap3A_94 = arith.constant 0 : index
        %swap3A_95 = tpu.vector_load %arg8[%swap3A, %swap3A_94] {strides = array<i32>} : memref<128x16xf32, #tpu.memory_space<vmem>>, vector<16xf32>,
        tpu.vector_store %arg8[%swap3A, %swap3A_94], %gather3A {strides = array<i32>} : memref<128x16xf32, #tpu.memory_space<vmem>>, vector<16xf32>,
        %scan3A_96 = arith.constant 0 : i32
        %scan3A_97 = arith.constant 1 : i32
        %scan3A_98 = arith.addi %scan3A_91, %scan3A_97 : i32
        %broadcast_in_dim3A_99 = vector.broadcast %scan3A_98 : i32 to vector<16xi32>
        %gather3A_100 = tpu.vector_load_idx %arg5[%broadcast_in_dim3A_61, %broadcast_in_dim3A_99] : memref<80x128xf32, #tpu.memory_space<vmem>>[vector<16xi32>, vector<16xi32>], vector<16xf32>,
        %swap3A_101 = arith.index_cast %scan3A_98 : i32 to index
        %swap3A_102 = arith.constant 0 : index
        %swap3A_103 = tpu.vector_load %arg8[%swap3A_101, %swap3A_102] {strides = array<i32>} : memref<128x16xf32, #tpu.memory_space<vmem>>, vector<16xf32>,
        tpu.vector_store %arg8[%swap3A_101, %swap3A_102], %gather3A_100 {strides = array<i32>} : memref<128x16xf32, #tpu.memory_space<vmem>>, vector<16xf32>,
        %scan3A_104 = arith.constant 0 : i32
        %scan3A_105 = arith.constant 2 : i32
        %scan3A_106 = arith.addi %scan3A_91, %scan3A_105 : i32
        %broadcast_in_dim3A_107 = vector.broadcast %scan3A_106 : i32 to vector<16xi32>
        %gather3A_108 = tpu.vector_load_idx %arg5[%broadcast_in_dim3A_61, %broadcast_in_dim3A_107] : memref<80x128xf32, #tpu.memory_space<vmem>>[vector<16xi32>, vector<16xi32>], vector<16xf32>,
        %swap3A_109 = arith.index_cast %scan3A_106 : i32 to index
        %swap3A_110 = arith.constant 0 : index
        %swap3A_111 = tpu.vector_load %arg8[%swap3A_109, %swap3A_110] {strides = array<i32>} : memref<128x16xf32, #tpu.memory_space<vmem>>, vector<16xf32>,
        tpu.vector_store %arg8[%swap3A_109, %swap3A_110], %gather3A_108 {strides = array<i32>} : memref<128x16xf32, #tpu.memory_space<vmem>>, vector<16xf32>,
        %scan3A_112 = arith.constant 0 : i32
        %scan3A_113 = arith.constant 3 : i32
        %scan3A_114 = arith.addi %scan3A_91, %scan3A_113 : i32
        %broadcast_in_dim3A_115 = vector.broadcast %scan3A_114 : i32 to vector<16xi32>
        %gather3A_116 = tpu.vector_load_idx %arg5[%broadcast_in_dim3A_61, %broadcast_in_dim3A_115] : memref<80x128xf32, #tpu.memory_space<vmem>>[vector<16xi32>, vector<16xi32>], vector<16xf32>,
        %swap3A_117 = arith.index_cast %scan3A_114 : i32 to index
        %swap3A_118 = arith.constant 0 : index
        %swap3A_119 = tpu.vector_load %arg8[%swap3A_117, %swap3A_118] {strides = array<i32>} : memref<128x16xf32, #tpu.memory_space<vmem>>, vector<16xf32>,
        tpu.vector_store %arg8[%swap3A_117, %swap3A_118], %gather3A_116 {strides = array<i32>} : memref<128x16xf32, #tpu.memory_space<vmem>>, vector<16xf32>,
        %scan3A_120 = arith.constant 0 : i32
        %scan3A_121 = arith.constant 4 : i32
        %scan3A_122 = arith.addi %scan3A_91, %scan3A_121 : i32
        %broadcast_in_dim3A_123 = vector.broadcast %scan3A_122 : i32 to vector<16xi32>
        %gather3A_124 = tpu.vector_load_idx %arg5[%broadcast_in_dim3A_61, %broadcast_in_dim3A_123] : memref<80x128xf32, #tpu.memory_space<vmem>>[vector<16xi32>, vector<16xi32>], vector<16xf32>,
        %swap3A_125 = arith.index_cast %scan3A_122 : i32 to index
        %swap3A_126 = arith.constant 0 : index
        %swap3A_127 = tpu.vector_load %arg8[%swap3A_125, %swap3A_126] {strides = array<i32>} : memref<128x16xf32, #tpu.memory_space<vmem>>, vector<16xf32>,
        tpu.vector_store %arg8[%swap3A_125, %swap3A_126], %gather3A_124 {strides = array<i32>} : memref<128x16xf32, #tpu.memory_space<vmem>>, vector<16xf32>,
        %scan3A_128 = arith.constant 0 : i32
        %scan3A_129 = arith.constant 5 : i32
        %scan3A_130 = arith.addi %scan3A_91, %scan3A_129 : i32
        %broadcast_in_dim3A_131 = vector.broadcast %scan3A_130 : i32 to vector<16xi32>
        %gather3A_132 = tpu.vector_load_idx %arg5[%broadcast_in_dim3A_61, %broadcast_in_dim3A_131] : memref<80x128xf32, #tpu.memory_space<vmem>>[vector<16xi32>, vector<16xi32>], vector<16xf32>,
        %swap3A_133 = arith.index_cast %scan3A_130 : i32 to index
        %swap3A_134 = arith.constant 0 : index
        %swap3A_135 = tpu.vector_load %arg8[%swap3A_133, %swap3A_134] {strides = array<i32>} : memref<128x16xf32, #tpu.memory_space<vmem>>, vector<16xf32>,
        tpu.vector_store %arg8[%swap3A_133, %swap3A_134], %gather3A_132 {strides = array<i32>} : memref<128x16xf32, #tpu.memory_space<vmem>>, vector<16xf32>,
        %scan3A_136 = arith.constant 0 : i32
        %scan3A_137 = arith.constant 6 : i32
        %scan3A_138 = arith.addi %scan3A_91, %scan3A_137 : i32
        %broadcast_in_dim3A_139 = vector.broadcast %scan3A_138 : i32 to vector<16xi32>
        %gather3A_140 = tpu.vector_load_idx %arg5[%broadcast_in_dim3A_61, %broadcast_in_dim3A_139] : memref<80x128xf32, #tpu.memory_space<vmem>>[vector<16xi32>, vector<16xi32>], vector<16xf32>,
        %swap3A_141 = arith.index_cast %scan3A_138 : i32 to index
        %swap3A_142 = arith.constant 0 : index
        %swap3A_143 = tpu.vector_load %arg8[%swap3A_141, %swap3A_142] {strides = array<i32>} : memref<128x16xf32, #tpu.memory_space<vmem>>, vector<16xf32>,
        tpu.vector_store %arg8[%swap3A_141, %swap3A_142], %gather3A_140 {strides = array<i32>} : memref<128x16xf32, #tpu.memory_space<vmem>>, vector<16xf32>,
        %scan3A_144 = arith.constant 0 : i32
        %scan3A_145 = arith.constant 7 : i32
        %scan3A_146 = arith.addi %scan3A_91, %scan3A_145 : i32
        %broadcast_in_dim3A_147 = vector.broadcast %scan3A_146 : i32 to vector<16xi32>
        %gather3A_148 = tpu.vector_load_idx %arg5[%broadcast_in_dim3A_61, %broadcast_in_dim3A_147] : memref<80x128xf32, #tpu.memory_space<vmem>>[vector<16xi32>, vector<16xi32>], vector<16xf32>,
        %swap3A_149 = arith.index_cast %scan3A_146 : i32 to index
        %swap3A_150 = arith.constant 0 : index
        %swap3A_151 = tpu.vector_load %arg8[%swap3A_149, %swap3A_150] {strides = array<i32>} : memref<128x16xf32, #tpu.memory_space<vmem>>, vector<16xf32>,
        tpu.vector_store %arg8[%swap3A_149, %swap3A_150], %gather3A_148 {strides = array<i32>} : memref<128x16xf32, #tpu.memory_space<vmem>>, vector<16xf32>,
        %scan3A_152 = arith.constant 0 : i32
        scf.yield %scan3A_152 : i32
      }
      %scan3A_68 = arith.constant 128 : i32
      %dma_wait3A = arith.constant 0 : i32
      %dma_wait3A_69 = tpu.memref_slice %arg3[%add3A_46, %dma_wait3A] : memref<2560x128xi32, #tpu.memory_space<hbm>> -> memref<1x128xi32, #tpu.memory_space<hbm>>
      %dma_wait3A_70 = tpu.memref_squeeze %dma_wait3A_69 : memref<1x128xi32, #tpu.memory_space<hbm>> -> memref<128xi32, #tpu.memory_space<hbm>>
      %dma_wait3A_71 = arith.constant 0 : i32
      %dma_wait3A_72 = tpu.memref_slice %arg3[%add3A_46, %dma_wait3A_71] : memref<2560x128xi32, #tpu.memory_space<hbm>> -> memref<1x128xi32, #tpu.memory_space<hbm>>
      %dma_wait3A_73 = tpu.memref_squeeze %dma_wait3A_72 : memref<1x128xi32, #tpu.memory_space<hbm>> -> memref<128xi32, #tpu.memory_space<hbm>>
      tpu.wait_dma2 semaphore(%arg10 : memref<!tpu.dma_semaphore, #tpu.memory_space<semaphore_mem>>) src(%dma_wait3A_73 : memref<128xi32, #tpu.memory_space<hbm>>) dst(%arg6 : memref<128xi32, #tpu.memory_space<vmem>>)
      "tpu.region"() ({
        %run_scoped3A = tpu.sem_alloc : memref<!tpu.dma_semaphore, #tpu.memory_space<semaphore_mem>>
        %dma_start3A_91 = arith.constant 0 : i32
        %dma_start3A_92 = arith.constant 0 : i32
        %dma_start3A_93 = tpu.memref_slice %arg12[%dma_start3A_91, %dma_start3A_92] : memref<10240x16xf32, #tpu.memory_space<vmem_shared>> -> memref<10240x16xf32, #tpu.memory_space<vmem_shared>>
        tpu.enqueue_indirect_dma source(%arg8 : memref<128x16xf32, #tpu.memory_space<vmem>>) target(%dma_start3A_93 : memref<10240x16xf32, #tpu.memory_space<vmem_shared>>) offsets(%arg6 : memref<128xi32, #tpu.memory_space<vmem>>) semaphore(%run_scoped3A : memref<!tpu.dma_semaphore, #tpu.memory_space<semaphore_mem>>) {add = true}
        %dma_wait3A_94 = arith.constant 0 : i32
        %dma_wait3A_95 = arith.constant 0 : i32
        %dma_wait3A_96 = tpu.memref_slice %arg12[%dma_wait3A_94, %dma_wait3A_95] : memref<10240x16xf32, #tpu.memory_space<vmem_shared>> -> memref<10240x16xf32, #tpu.memory_space<vmem_shared>>
        tpu.wait_indirect_dma semaphore(%run_scoped3A : memref<!tpu.dma_semaphore, #tpu.memory_space<semaphore_mem>>) src(%arg8 : memref<128x16xf32, #tpu.memory_space<vmem>>) dst(%dma_wait3A_96 : memref<10240x16xf32, #tpu.memory_space<vmem_shared>>)
        tpu.yield
      }) : () -> ()
      %add3A_74 = arith.constant 1 : i32
      %add3A_75 = arith.addi %mul3A_45, %add3A_74 : i32
      %broadcast_in_dim3A_76 = vector.broadcast %add3A_75 : i32 to vector<16xi32>
      %scan3A_77 = arith.constant 0 : i32
      %scan3A_78 = arith.constant 0 : i32
      %scan3A_79 = arith.constant 128 : i32
      %scan3A_80 = arith.addi %scan3A_78, %scan3A_79 : i32
      %scan3A_81 = arith.constant 8 : i32
      %scan3A_82 = scf.for %scan3A_91 = %scan3A_78 to %scan3A_80 step %scan3A_81 iter_args(%scan3A_92 = %scan3A_77) -> (i32)  : i32 {
        %broadcast_in_dim3A_93 = vector.broadcast %scan3A_91 : i32 to vector<16xi32>
        %gather3A = tpu.vector_load_idx %arg5[%broadcast_in_dim3A_76, %broadcast_in_dim3A_93] : memref<80x128xf32, #tpu.memory_space<vmem>>[vector<16xi32>, vector<16xi32>], vector<16xf32>,
        %swap3A = arith.index_cast %scan3A_91 : i32 to index
        %swap3A_94 = arith.constant 0 : index
        %swap3A_95 = tpu.vector_load %arg9[%swap3A, %swap3A_94] {strides = array<i32>} : memref<128x16xf32, #tpu.memory_space<vmem>>, vector<16xf32>,
        tpu.vector_store %arg9[%swap3A, %swap3A_94], %gather3A {strides = array<i32>} : memref<128x16xf32, #tpu.memory_space<vmem>>, vector<16xf32>,
        %scan3A_96 = arith.constant 0 : i32
        %scan3A_97 = arith.constant 1 : i32
        %scan3A_98 = arith.addi %scan3A_91, %scan3A_97 : i32
        %broadcast_in_dim3A_99 = vector.broadcast %scan3A_98 : i32 to vector<16xi32>
        %gather3A_100 = tpu.vector_load_idx %arg5[%broadcast_in_dim3A_76, %broadcast_in_dim3A_99] : memref<80x128xf32, #tpu.memory_space<vmem>>[vector<16xi32>, vector<16xi32>], vector<16xf32>,
        %swap3A_101 = arith.index_cast %scan3A_98 : i32 to index
        %swap3A_102 = arith.constant 0 : index
        %swap3A_103 = tpu.vector_load %arg9[%swap3A_101, %swap3A_102] {strides = array<i32>} : memref<128x16xf32, #tpu.memory_space<vmem>>, vector<16xf32>,
        tpu.vector_store %arg9[%swap3A_101, %swap3A_102], %gather3A_100 {strides = array<i32>} : memref<128x16xf32, #tpu.memory_space<vmem>>, vector<16xf32>,
        %scan3A_104 = arith.constant 0 : i32
        %scan3A_105 = arith.constant 2 : i32
        %scan3A_106 = arith.addi %scan3A_91, %scan3A_105 : i32
        %broadcast_in_dim3A_107 = vector.broadcast %scan3A_106 : i32 to vector<16xi32>
        %gather3A_108 = tpu.vector_load_idx %arg5[%broadcast_in_dim3A_76, %broadcast_in_dim3A_107] : memref<80x128xf32, #tpu.memory_space<vmem>>[vector<16xi32>, vector<16xi32>], vector<16xf32>,
        %swap3A_109 = arith.index_cast %scan3A_106 : i32 to index
        %swap3A_110 = arith.constant 0 : index
        %swap3A_111 = tpu.vector_load %arg9[%swap3A_109, %swap3A_110] {strides = array<i32>} : memref<128x16xf32, #tpu.memory_space<vmem>>, vector<16xf32>,
        tpu.vector_store %arg9[%swap3A_109, %swap3A_110], %gather3A_108 {strides = array<i32>} : memref<128x16xf32, #tpu.memory_space<vmem>>, vector<16xf32>,
        %scan3A_112 = arith.constant 0 : i32
        %scan3A_113 = arith.constant 3 : i32
        %scan3A_114 = arith.addi %scan3A_91, %scan3A_113 : i32
        %broadcast_in_dim3A_115 = vector.broadcast %scan3A_114 : i32 to vector<16xi32>
        %gather3A_116 = tpu.vector_load_idx %arg5[%broadcast_in_dim3A_76, %broadcast_in_dim3A_115] : memref<80x128xf32, #tpu.memory_space<vmem>>[vector<16xi32>, vector<16xi32>], vector<16xf32>,
        %swap3A_117 = arith.index_cast %scan3A_114 : i32 to index
        %swap3A_118 = arith.constant 0 : index
        %swap3A_119 = tpu.vector_load %arg9[%swap3A_117, %swap3A_118] {strides = array<i32>} : memref<128x16xf32, #tpu.memory_space<vmem>>, vector<16xf32>,
        tpu.vector_store %arg9[%swap3A_117, %swap3A_118], %gather3A_116 {strides = array<i32>} : memref<128x16xf32, #tpu.memory_space<vmem>>, vector<16xf32>,
        %scan3A_120 = arith.constant 0 : i32
        %scan3A_121 = arith.constant 4 : i32
        %scan3A_122 = arith.addi %scan3A_91, %scan3A_121 : i32
        %broadcast_in_dim3A_123 = vector.broadcast %scan3A_122 : i32 to vector<16xi32>
        %gather3A_124 = tpu.vector_load_idx %arg5[%broadcast_in_dim3A_76, %broadcast_in_dim3A_123] : memref<80x128xf32, #tpu.memory_space<vmem>>[vector<16xi32>, vector<16xi32>], vector<16xf32>,
        %swap3A_125 = arith.index_cast %scan3A_122 : i32 to index
        %swap3A_126 = arith.constant 0 : index
        %swap3A_127 = tpu.vector_load %arg9[%swap3A_125, %swap3A_126] {strides = array<i32>} : memref<128x16xf32, #tpu.memory_space<vmem>>, vector<16xf32>,
        tpu.vector_store %arg9[%swap3A_125, %swap3A_126], %gather3A_124 {strides = array<i32>} : memref<128x16xf32, #tpu.memory_space<vmem>>, vector<16xf32>,
        %scan3A_128 = arith.constant 0 : i32
        %scan3A_129 = arith.constant 5 : i32
        %scan3A_130 = arith.addi %scan3A_91, %scan3A_129 : i32
        %broadcast_in_dim3A_131 = vector.broadcast %scan3A_130 : i32 to vector<16xi32>
        %gather3A_132 = tpu.vector_load_idx %arg5[%broadcast_in_dim3A_76, %broadcast_in_dim3A_131] : memref<80x128xf32, #tpu.memory_space<vmem>>[vector<16xi32>, vector<16xi32>], vector<16xf32>,
        %swap3A_133 = arith.index_cast %scan3A_130 : i32 to index
        %swap3A_134 = arith.constant 0 : index
        %swap3A_135 = tpu.vector_load %arg9[%swap3A_133, %swap3A_134] {strides = array<i32>} : memref<128x16xf32, #tpu.memory_space<vmem>>, vector<16xf32>,
        tpu.vector_store %arg9[%swap3A_133, %swap3A_134], %gather3A_132 {strides = array<i32>} : memref<128x16xf32, #tpu.memory_space<vmem>>, vector<16xf32>,
        %scan3A_136 = arith.constant 0 : i32
        %scan3A_137 = arith.constant 6 : i32
        %scan3A_138 = arith.addi %scan3A_91, %scan3A_137 : i32
        %broadcast_in_dim3A_139 = vector.broadcast %scan3A_138 : i32 to vector<16xi32>
        %gather3A_140 = tpu.vector_load_idx %arg5[%broadcast_in_dim3A_76, %broadcast_in_dim3A_139] : memref<80x128xf32, #tpu.memory_space<vmem>>[vector<16xi32>, vector<16xi32>], vector<16xf32>,
        %swap3A_141 = arith.index_cast %scan3A_138 : i32 to index
        %swap3A_142 = arith.constant 0 : index
        %swap3A_143 = tpu.vector_load %arg9[%swap3A_141, %swap3A_142] {strides = array<i32>} : memref<128x16xf32, #tpu.memory_space<vmem>>, vector<16xf32>,
        tpu.vector_store %arg9[%swap3A_141, %swap3A_142], %gather3A_140 {strides = array<i32>} : memref<128x16xf32, #tpu.memory_space<vmem>>, vector<16xf32>,
        %scan3A_144 = arith.constant 0 : i32
        %scan3A_145 = arith.constant 7 : i32
        %scan3A_146 = arith.addi %scan3A_91, %scan3A_145 : i32
        %broadcast_in_dim3A_147 = vector.broadcast %scan3A_146 : i32 to vector<16xi32>
        %gather3A_148 = tpu.vector_load_idx %arg5[%broadcast_in_dim3A_76, %broadcast_in_dim3A_147] : memref<80x128xf32, #tpu.memory_space<vmem>>[vector<16xi32>, vector<16xi32>], vector<16xf32>,
        %swap3A_149 = arith.index_cast %scan3A_146 : i32 to index
        %swap3A_150 = arith.constant 0 : index
        %swap3A_151 = tpu.vector_load %arg9[%swap3A_149, %swap3A_150] {strides = array<i32>} : memref<128x16xf32, #tpu.memory_space<vmem>>, vector<16xf32>,
        tpu.vector_store %arg9[%swap3A_149, %swap3A_150], %gather3A_148 {strides = array<i32>} : memref<128x16xf32, #tpu.memory_space<vmem>>, vector<16xf32>,
        %scan3A_152 = arith.constant 0 : i32
        scf.yield %scan3A_152 : i32
      }
      %scan3A_83 = arith.constant 128 : i32
      %dma_wait3A_84 = arith.constant 0 : i32
      %dma_wait3A_85 = tpu.memref_slice %arg3[%add3A_54, %dma_wait3A_84] : memref<2560x128xi32, #tpu.memory_space<hbm>> -> memref<1x128xi32, #tpu.memory_space<hbm>>
      %dma_wait3A_86 = tpu.memref_squeeze %dma_wait3A_85 : memref<1x128xi32, #tpu.memory_space<hbm>> -> memref<128xi32, #tpu.memory_space<hbm>>
      %dma_wait3A_87 = arith.constant 0 : i32
      %dma_wait3A_88 = tpu.memref_slice %arg3[%add3A_54, %dma_wait3A_87] : memref<2560x128xi32, #tpu.memory_space<hbm>> -> memref<1x128xi32, #tpu.memory_space<hbm>>
      %dma_wait3A_89 = tpu.memref_squeeze %dma_wait3A_88 : memref<1x128xi32, #tpu.memory_space<hbm>> -> memref<128xi32, #tpu.memory_space<hbm>>
      tpu.wait_dma2 semaphore(%arg11 : memref<!tpu.dma_semaphore, #tpu.memory_space<semaphore_mem>>) src(%dma_wait3A_89 : memref<128xi32, #tpu.memory_space<hbm>>) dst(%arg7 : memref<128xi32, #tpu.memory_space<vmem>>)
      "tpu.region"() ({
        %run_scoped3A = tpu.sem_alloc : memref<!tpu.dma_semaphore, #tpu.memory_space<semaphore_mem>>
        %dma_start3A_91 = arith.constant 0 : i32
        %dma_start3A_92 = arith.constant 0 : i32
        %dma_start3A_93 = tpu.memref_slice %arg12[%dma_start3A_91, %dma_start3A_92] : memref<10240x16xf32, #tpu.memory_space<vmem_shared>> -> memref<10240x16xf32, #tpu.memory_space<vmem_shared>>
        tpu.enqueue_indirect_dma source(%arg9 : memref<128x16xf32, #tpu.memory_space<vmem>>) target(%dma_start3A_93 : memref<10240x16xf32, #tpu.memory_space<vmem_shared>>) offsets(%arg7 : memref<128xi32, #tpu.memory_space<vmem>>) semaphore(%run_scoped3A : memref<!tpu.dma_semaphore, #tpu.memory_space<semaphore_mem>>) {add = true}
        %dma_wait3A_94 = arith.constant 0 : i32
        %dma_wait3A_95 = arith.constant 0 : i32
        %dma_wait3A_96 = tpu.memref_slice %arg12[%dma_wait3A_94, %dma_wait3A_95] : memref<10240x16xf32, #tpu.memory_space<vmem_shared>> -> memref<10240x16xf32, #tpu.memory_space<vmem_shared>>
        tpu.wait_indirect_dma semaphore(%run_scoped3A : memref<!tpu.dma_semaphore, #tpu.memory_space<semaphore_mem>>) src(%arg9 : memref<128x16xf32, #tpu.memory_space<vmem>>) dst(%dma_wait3A_96 : memref<10240x16xf32, #tpu.memory_space<vmem_shared>>)
        tpu.yield
      }) : () -> ()
      %scan3A_90 = arith.constant 0 : i32
      scf.yield %scan3A_90 : i32
    }
    %scan3A_36 = arith.constant 40 : i32
    %barrier3A_37 = arith.constant 0 : index
    tpu.barrier barrier_id(%barrier3A_37)
    %mul3A_38 = arith.constant 640 : i32
    %mul3A_39 = arith.muli %arg1, %mul3A_38 : i32
    %mul3A_40 = arith.constant 640 : i32
    %mul3A_41 = arith.muli %arg1, %mul3A_40 : i32
    "tpu.region"() ({
      %run_scoped3A = tpu.sem_alloc : memref<!tpu.dma_semaphore, #tpu.memory_space<semaphore_mem>>
      %dma_start3A = arith.constant 0 : i32
      %dma_start3A_42 = tpu.memref_slice %arg4[%arg0, %mul3A_41, %dma_start3A] : memref<2x10240x16xf32, #tpu.memory_space<hbm>> -> memref<1x640x16xf32, #tpu.memory_space<hbm>>
      %dma_start3A_43 = tpu.memref_squeeze %dma_start3A_42 : memref<1x640x16xf32, #tpu.memory_space<hbm>> -> memref<640x16xf32, #tpu.memory_space<hbm>>
      %dma_start3A_44 = arith.constant 0 : i32
      %dma_start3A_45 = tpu.memref_slice %arg12[%mul3A_39, %dma_start3A_44] : memref<10240x16xf32, #tpu.memory_space<vmem_shared>> -> memref<640x16xf32, #tpu.memory_space<vmem_shared>>
      tpu.enqueue_dma source(%dma_start3A_45 : memref<640x16xf32, #tpu.memory_space<vmem_shared>>) target(%dma_start3A_43 : memref<640x16xf32, #tpu.memory_space<hbm>>) target_semaphore(%run_scoped3A : memref<!tpu.dma_semaphore, #tpu.memory_space<semaphore_mem>>)
      %dma_wait3A = arith.constant 0 : i32
      %dma_wait3A_46 = tpu.memref_slice %arg4[%arg0, %mul3A_41, %dma_wait3A] : memref<2x10240x16xf32, #tpu.memory_space<hbm>> -> memref<1x640x16xf32, #tpu.memory_space<hbm>>
      %dma_wait3A_47 = tpu.memref_squeeze %dma_wait3A_46 : memref<1x640x16xf32, #tpu.memory_space<hbm>> -> memref<640x16xf32, #tpu.memory_space<hbm>>
      %dma_wait3A_48 = arith.constant 0 : i32
      %dma_wait3A_49 = tpu.memref_slice %arg12[%mul3A_39, %dma_wait3A_48] : memref<10240x16xf32, #tpu.memory_space<vmem_shared>> -> memref<640x16xf32, #tpu.memory_space<vmem_shared>>
      tpu.wait_dma2 semaphore(%run_scoped3A : memref<!tpu.dma_semaphore, #tpu.memory_space<semaphore_mem>>) src(%dma_wait3A_49 : memref<640x16xf32, #tpu.memory_space<vmem_shared>>) dst(%dma_wait3A_47 : memref<640x16xf32, #tpu.memory_space<hbm>>)
      tpu.yield
    }) : () -> ()
    return
  }
}

#map = affine_map<(d0, d1) -> (0, 0)>
#map1 = affine_map<(d0, d1) -> (0, 0, 0)>
module attributes {stable_mosaic.version = 14 : i64} {
  func.func @_sc_msg_body(%arg0: i32, %arg1: i32, %arg2: memref<10000x128xf32, #tpu.memory_space<hbm>>, %arg3: memref<2560x128xi32, #tpu.memory_space<hbm>>, %arg4: memref<2560x128xi32, #tpu.memory_space<hbm>>, %arg5: memref<2560x128xf32, #tpu.memory_space<hbm>>, %arg6: memref<2x10240x128xf32, #tpu.memory_space<hbm>>, %arg7: memref<128xi32, #tpu.memory_space<vmem>>, %arg8: memref<128xi32, #tpu.memory_space<vmem>>, %arg9: memref<128xi32, #tpu.memory_space<vmem>>, %arg10: memref<128xi32, #tpu.memory_space<vmem>>, %arg11: memref<128xf32, #tpu.memory_space<vmem>>, %arg12: memref<128xf32, #tpu.memory_space<vmem>>, %arg13: memref<128x128xf32, #tpu.memory_space<vmem>>, %arg14: memref<128x128xf32, #tpu.memory_space<vmem>>, %arg15: memref<!tpu.dma_semaphore, #tpu.memory_space<semaphore_mem>>, %arg16: memref<!tpu.dma_semaphore, #tpu.memory_space<semaphore_mem>>, %arg17: memref<!tpu.dma_semaphore, #tpu.memory_space<semaphore_mem>>, %arg18: memref<!tpu.dma_semaphore, #tpu.memory_space<semaphore_mem>>, %arg19: memref<!tpu.dma_semaphore, #tpu.memory_space<semaphore_mem>>, %arg20: memref<!tpu.dma_semaphore, #tpu.memory_space<semaphore_mem>>, %arg21: memref<!tpu.dma_semaphore, #tpu.memory_space<semaphore_mem>>, %arg22: memref<!tpu.dma_semaphore, #tpu.memory_space<semaphore_mem>>, %arg23: memref<10240x128xf32, #tpu.memory_space<vmem_shared>>) attributes {dimension_semantics = [#tpu.dimension_semantics<core_parallel>, #tpu.dimension_semantics<subcore_parallel>], iteration_bounds = array<i64: 2, 16>, scalar_prefetch = 0 : i64, scratch_operands = 17 : i64, tpu.core_type = #tpu.core_type<sc_vector_subcore>, window_params = [{transform_indices = #map}, {transform_indices = #map}, {transform_indices = #map}, {transform_indices = #map}, {transform_indices = #map1}]} {
    %mul3A = arith.constant 2 : i32
    %mul3A_0 = arith.muli %arg1, %mul3A : i32
    %add3A = arith.addi %mul3A_0, %arg0 : i32
    %mul3A_1 = arith.constant 160 : i32
    %mul3A_2 = arith.muli %arg1, %mul3A_1 : i32
    %eq3A = arith.constant 0 : i32
    %eq3A_3 = arith.cmpi eq, %arg0, %eq3A : i32
    %jit3A = arith.constant 0 : i32
    %jit3A_4 = arith.constant 112 : i32
    %select_n3A = arith.select %eq3A_3, %jit3A, %jit3A_4 : i32
    %add3A_5 = arith.addi %mul3A_2, %select_n3A : i32
    %eq3A_6 = arith.constant 0 : i32
    %eq3A_7 = arith.cmpi eq, %arg0, %eq3A_6 : i32
    %jit3A_8 = arith.constant 112 : i32
    %jit3A_9 = arith.constant 48 : i32
    %select_n3A_10 = arith.select %eq3A_7, %jit3A_8, %jit3A_9 : i32
    %broadcast_in_dim3A = arith.constant 0.000000e+00 : f32
    %broadcast_in_dim3A_11 = vector.broadcast %broadcast_in_dim3A : f32 to vector<16xf32>
    %scan3A = arith.constant 0 : i32
    %scan3A_12 = arith.constant 0 : i32
    %scan3A_13 = arith.constant 128 : i32
    %scan3A_14 = arith.addi %scan3A_12, %scan3A_13 : i32
    %scan3A_15 = arith.constant 4 : i32
    %scan3A_16 = scf.for %scan3A_51 = %scan3A_12 to %scan3A_14 step %scan3A_15 iter_args(%scan3A_52 = %scan3A) -> (i32)  : i32 {
      %swap3A = arith.index_cast %scan3A_51 : i32 to index
      %swap3A_53 = arith.constant 0 : index
      %swap3A_54 = tpu.vector_load %arg13[%swap3A, %swap3A_53] {strides = array<i32>} : memref<128x128xf32, #tpu.memory_space<vmem>>, vector<16xf32>,
      tpu.vector_store %arg13[%swap3A, %swap3A_53], %broadcast_in_dim3A_11 {strides = array<i32>} : memref<128x128xf32, #tpu.memory_space<vmem>>, vector<16xf32>,
      %swap3A_55 = arith.index_cast %scan3A_51 : i32 to index
      %swap3A_56 = arith.constant 16 : index
      %swap3A_57 = tpu.vector_load %arg13[%swap3A_55, %swap3A_56] {strides = array<i32>} : memref<128x128xf32, #tpu.memory_space<vmem>>, vector<16xf32>,
      tpu.vector_store %arg13[%swap3A_55, %swap3A_56], %broadcast_in_dim3A_11 {strides = array<i32>} : memref<128x128xf32, #tpu.memory_space<vmem>>, vector<16xf32>,
      %swap3A_58 = arith.index_cast %scan3A_51 : i32 to index
      %swap3A_59 = arith.constant 32 : index
      %swap3A_60 = tpu.vector_load %arg13[%swap3A_58, %swap3A_59] {strides = array<i32>} : memref<128x128xf32, #tpu.memory_space<vmem>>, vector<16xf32>,
      tpu.vector_store %arg13[%swap3A_58, %swap3A_59], %broadcast_in_dim3A_11 {strides = array<i32>} : memref<128x128xf32, #tpu.memory_space<vmem>>, vector<16xf32>,
      %swap3A_61 = arith.index_cast %scan3A_51 : i32 to index
      %swap3A_62 = arith.constant 48 : index
      %swap3A_63 = tpu.vector_load %arg13[%swap3A_61, %swap3A_62] {strides = array<i32>} : memref<128x128xf32, #tpu.memory_space<vmem>>, vector<16xf32>,
      tpu.vector_store %arg13[%swap3A_61, %swap3A_62], %broadcast_in_dim3A_11 {strides = array<i32>} : memref<128x128xf32, #tpu.memory_space<vmem>>, vector<16xf32>,
      %swap3A_64 = arith.index_cast %scan3A_51 : i32 to index
      %swap3A_65 = arith.constant 64 : index
      %swap3A_66 = tpu.vector_load %arg13[%swap3A_64, %swap3A_65] {strides = array<i32>} : memref<128x128xf32, #tpu.memory_space<vmem>>, vector<16xf32>,
      tpu.vector_store %arg13[%swap3A_64, %swap3A_65], %broadcast_in_dim3A_11 {strides = array<i32>} : memref<128x128xf32, #tpu.memory_space<vmem>>, vector<16xf32>,
      %swap3A_67 = arith.index_cast %scan3A_51 : i32 to index
      %swap3A_68 = arith.constant 80 : index
      %swap3A_69 = tpu.vector_load %arg13[%swap3A_67, %swap3A_68] {strides = array<i32>} : memref<128x128xf32, #tpu.memory_space<vmem>>, vector<16xf32>,
      tpu.vector_store %arg13[%swap3A_67, %swap3A_68], %broadcast_in_dim3A_11 {strides = array<i32>} : memref<128x128xf32, #tpu.memory_space<vmem>>, vector<16xf32>,
      %swap3A_70 = arith.index_cast %scan3A_51 : i32 to index
      %swap3A_71 = arith.constant 96 : index
      %swap3A_72 = tpu.vector_load %arg13[%swap3A_70, %swap3A_71] {strides = array<i32>} : memref<128x128xf32, #tpu.memory_space<vmem>>, vector<16xf32>,
      tpu.vector_store %arg13[%swap3A_70, %swap3A_71], %broadcast_in_dim3A_11 {strides = array<i32>} : memref<128x128xf32, #tpu.memory_space<vmem>>, vector<16xf32>,
      %swap3A_73 = arith.index_cast %scan3A_51 : i32 to index
      %swap3A_74 = arith.constant 112 : index
      %swap3A_75 = tpu.vector_load %arg13[%swap3A_73, %swap3A_74] {strides = array<i32>} : memref<128x128xf32, #tpu.memory_space<vmem>>, vector<16xf32>,
      tpu.vector_store %arg13[%swap3A_73, %swap3A_74], %broadcast_in_dim3A_11 {strides = array<i32>} : memref<128x128xf32, #tpu.memory_space<vmem>>, vector<16xf32>,
      %scan3A_76 = arith.constant 0 : i32
      %scan3A_77 = arith.constant 1 : i32
      %scan3A_78 = arith.addi %scan3A_51, %scan3A_77 : i32
      %swap3A_79 = arith.index_cast %scan3A_78 : i32 to index
      %swap3A_80 = arith.constant 0 : index
      %swap3A_81 = tpu.vector_load %arg13[%swap3A_79, %swap3A_80] {strides = array<i32>} : memref<128x128xf32, #tpu.memory_space<vmem>>, vector<16xf32>,
      tpu.vector_store %arg13[%swap3A_79, %swap3A_80], %broadcast_in_dim3A_11 {strides = array<i32>} : memref<128x128xf32, #tpu.memory_space<vmem>>, vector<16xf32>,
      %swap3A_82 = arith.index_cast %scan3A_78 : i32 to index
      %swap3A_83 = arith.constant 16 : index
      %swap3A_84 = tpu.vector_load %arg13[%swap3A_82, %swap3A_83] {strides = array<i32>} : memref<128x128xf32, #tpu.memory_space<vmem>>, vector<16xf32>,
      tpu.vector_store %arg13[%swap3A_82, %swap3A_83], %broadcast_in_dim3A_11 {strides = array<i32>} : memref<128x128xf32, #tpu.memory_space<vmem>>, vector<16xf32>,
      %swap3A_85 = arith.index_cast %scan3A_78 : i32 to index
      %swap3A_86 = arith.constant 32 : index
      %swap3A_87 = tpu.vector_load %arg13[%swap3A_85, %swap3A_86] {strides = array<i32>} : memref<128x128xf32, #tpu.memory_space<vmem>>, vector<16xf32>,
      tpu.vector_store %arg13[%swap3A_85, %swap3A_86], %broadcast_in_dim3A_11 {strides = array<i32>} : memref<128x128xf32, #tpu.memory_space<vmem>>, vector<16xf32>,
      %swap3A_88 = arith.index_cast %scan3A_78 : i32 to index
      %swap3A_89 = arith.constant 48 : index
      %swap3A_90 = tpu.vector_load %arg13[%swap3A_88, %swap3A_89] {strides = array<i32>} : memref<128x128xf32, #tpu.memory_space<vmem>>, vector<16xf32>,
      tpu.vector_store %arg13[%swap3A_88, %swap3A_89], %broadcast_in_dim3A_11 {strides = array<i32>} : memref<128x128xf32, #tpu.memory_space<vmem>>, vector<16xf32>,
      %swap3A_91 = arith.index_cast %scan3A_78 : i32 to index
      %swap3A_92 = arith.constant 64 : index
      %swap3A_93 = tpu.vector_load %arg13[%swap3A_91, %swap3A_92] {strides = array<i32>} : memref<128x128xf32, #tpu.memory_space<vmem>>, vector<16xf32>,
      tpu.vector_store %arg13[%swap3A_91, %swap3A_92], %broadcast_in_dim3A_11 {strides = array<i32>} : memref<128x128xf32, #tpu.memory_space<vmem>>, vector<16xf32>,
      %swap3A_94 = arith.index_cast %scan3A_78 : i32 to index
      %swap3A_95 = arith.constant 80 : index
      %swap3A_96 = tpu.vector_load %arg13[%swap3A_94, %swap3A_95] {strides = array<i32>} : memref<128x128xf32, #tpu.memory_space<vmem>>, vector<16xf32>,
      tpu.vector_store %arg13[%swap3A_94, %swap3A_95], %broadcast_in_dim3A_11 {strides = array<i32>} : memref<128x128xf32, #tpu.memory_space<vmem>>, vector<16xf32>,
      %swap3A_97 = arith.index_cast %scan3A_78 : i32 to index
      %swap3A_98 = arith.constant 96 : index
      %swap3A_99 = tpu.vector_load %arg13[%swap3A_97, %swap3A_98] {strides = array<i32>} : memref<128x128xf32, #tpu.memory_space<vmem>>, vector<16xf32>,
      tpu.vector_store %arg13[%swap3A_97, %swap3A_98], %broadcast_in_dim3A_11 {strides = array<i32>} : memref<128x128xf32, #tpu.memory_space<vmem>>, vector<16xf32>,
      %swap3A_100 = arith.index_cast %scan3A_78 : i32 to index
      %swap3A_101 = arith.constant 112 : index
      %swap3A_102 = tpu.vector_load %arg13[%swap3A_100, %swap3A_101] {strides = array<i32>} : memref<128x128xf32, #tpu.memory_space<vmem>>, vector<16xf32>,
      tpu.vector_store %arg13[%swap3A_100, %swap3A_101], %broadcast_in_dim3A_11 {strides = array<i32>} : memref<128x128xf32, #tpu.memory_space<vmem>>, vector<16xf32>,
      %scan3A_103 = arith.constant 0 : i32
      %scan3A_104 = arith.constant 2 : i32
      %scan3A_105 = arith.addi %scan3A_51, %scan3A_104 : i32
      %swap3A_106 = arith.index_cast %scan3A_105 : i32 to index
      %swap3A_107 = arith.constant 0 : index
      %swap3A_108 = tpu.vector_load %arg13[%swap3A_106, %swap3A_107] {strides = array<i32>} : memref<128x128xf32, #tpu.memory_space<vmem>>, vector<16xf32>,
      tpu.vector_store %arg13[%swap3A_106, %swap3A_107], %broadcast_in_dim3A_11 {strides = array<i32>} : memref<128x128xf32, #tpu.memory_space<vmem>>, vector<16xf32>,
      %swap3A_109 = arith.index_cast %scan3A_105 : i32 to index
      %swap3A_110 = arith.constant 16 : index
      %swap3A_111 = tpu.vector_load %arg13[%swap3A_109, %swap3A_110] {strides = array<i32>} : memref<128x128xf32, #tpu.memory_space<vmem>>, vector<16xf32>,
      tpu.vector_store %arg13[%swap3A_109, %swap3A_110], %broadcast_in_dim3A_11 {strides = array<i32>} : memref<128x128xf32, #tpu.memory_space<vmem>>, vector<16xf32>,
      %swap3A_112 = arith.index_cast %scan3A_105 : i32 to index
      %swap3A_113 = arith.constant 32 : index
      %swap3A_114 = tpu.vector_load %arg13[%swap3A_112, %swap3A_113] {strides = array<i32>} : memref<128x128xf32, #tpu.memory_space<vmem>>, vector<16xf32>,
      tpu.vector_store %arg13[%swap3A_112, %swap3A_113], %broadcast_in_dim3A_11 {strides = array<i32>} : memref<128x128xf32, #tpu.memory_space<vmem>>, vector<16xf32>,
      %swap3A_115 = arith.index_cast %scan3A_105 : i32 to index
      %swap3A_116 = arith.constant 48 : index
      %swap3A_117 = tpu.vector_load %arg13[%swap3A_115, %swap3A_116] {strides = array<i32>} : memref<128x128xf32, #tpu.memory_space<vmem>>, vector<16xf32>,
      tpu.vector_store %arg13[%swap3A_115, %swap3A_116], %broadcast_in_dim3A_11 {strides = array<i32>} : memref<128x128xf32, #tpu.memory_space<vmem>>, vector<16xf32>,
      %swap3A_118 = arith.index_cast %scan3A_105 : i32 to index
      %swap3A_119 = arith.constant 64 : index
      %swap3A_120 = tpu.vector_load %arg13[%swap3A_118, %swap3A_119] {strides = array<i32>} : memref<128x128xf32, #tpu.memory_space<vmem>>, vector<16xf32>,
      tpu.vector_store %arg13[%swap3A_118, %swap3A_119], %broadcast_in_dim3A_11 {strides = array<i32>} : memref<128x128xf32, #tpu.memory_space<vmem>>, vector<16xf32>,
      %swap3A_121 = arith.index_cast %scan3A_105 : i32 to index
      %swap3A_122 = arith.constant 80 : index
      %swap3A_123 = tpu.vector_load %arg13[%swap3A_121, %swap3A_122] {strides = array<i32>} : memref<128x128xf32, #tpu.memory_space<vmem>>, vector<16xf32>,
      tpu.vector_store %arg13[%swap3A_121, %swap3A_122], %broadcast_in_dim3A_11 {strides = array<i32>} : memref<128x128xf32, #tpu.memory_space<vmem>>, vector<16xf32>,
      %swap3A_124 = arith.index_cast %scan3A_105 : i32 to index
      %swap3A_125 = arith.constant 96 : index
      %swap3A_126 = tpu.vector_load %arg13[%swap3A_124, %swap3A_125] {strides = array<i32>} : memref<128x128xf32, #tpu.memory_space<vmem>>, vector<16xf32>,
      tpu.vector_store %arg13[%swap3A_124, %swap3A_125], %broadcast_in_dim3A_11 {strides = array<i32>} : memref<128x128xf32, #tpu.memory_space<vmem>>, vector<16xf32>,
      %swap3A_127 = arith.index_cast %scan3A_105 : i32 to index
      %swap3A_128 = arith.constant 112 : index
      %swap3A_129 = tpu.vector_load %arg13[%swap3A_127, %swap3A_128] {strides = array<i32>} : memref<128x128xf32, #tpu.memory_space<vmem>>, vector<16xf32>,
      tpu.vector_store %arg13[%swap3A_127, %swap3A_128], %broadcast_in_dim3A_11 {strides = array<i32>} : memref<128x128xf32, #tpu.memory_space<vmem>>, vector<16xf32>,
      %scan3A_130 = arith.constant 0 : i32
      %scan3A_131 = arith.constant 3 : i32
      %scan3A_132 = arith.addi %scan3A_51, %scan3A_131 : i32
      %swap3A_133 = arith.index_cast %scan3A_132 : i32 to index
      %swap3A_134 = arith.constant 0 : index
      %swap3A_135 = tpu.vector_load %arg13[%swap3A_133, %swap3A_134] {strides = array<i32>} : memref<128x128xf32, #tpu.memory_space<vmem>>, vector<16xf32>,
      tpu.vector_store %arg13[%swap3A_133, %swap3A_134], %broadcast_in_dim3A_11 {strides = array<i32>} : memref<128x128xf32, #tpu.memory_space<vmem>>, vector<16xf32>,
      %swap3A_136 = arith.index_cast %scan3A_132 : i32 to index
      %swap3A_137 = arith.constant 16 : index
      %swap3A_138 = tpu.vector_load %arg13[%swap3A_136, %swap3A_137] {strides = array<i32>} : memref<128x128xf32, #tpu.memory_space<vmem>>, vector<16xf32>,
      tpu.vector_store %arg13[%swap3A_136, %swap3A_137], %broadcast_in_dim3A_11 {strides = array<i32>} : memref<128x128xf32, #tpu.memory_space<vmem>>, vector<16xf32>,
      %swap3A_139 = arith.index_cast %scan3A_132 : i32 to index
      %swap3A_140 = arith.constant 32 : index
      %swap3A_141 = tpu.vector_load %arg13[%swap3A_139, %swap3A_140] {strides = array<i32>} : memref<128x128xf32, #tpu.memory_space<vmem>>, vector<16xf32>,
      tpu.vector_store %arg13[%swap3A_139, %swap3A_140], %broadcast_in_dim3A_11 {strides = array<i32>} : memref<128x128xf32, #tpu.memory_space<vmem>>, vector<16xf32>,
      %swap3A_142 = arith.index_cast %scan3A_132 : i32 to index
      %swap3A_143 = arith.constant 48 : index
      %swap3A_144 = tpu.vector_load %arg13[%swap3A_142, %swap3A_143] {strides = array<i32>} : memref<128x128xf32, #tpu.memory_space<vmem>>, vector<16xf32>,
      tpu.vector_store %arg13[%swap3A_142, %swap3A_143], %broadcast_in_dim3A_11 {strides = array<i32>} : memref<128x128xf32, #tpu.memory_space<vmem>>, vector<16xf32>,
      %swap3A_145 = arith.index_cast %scan3A_132 : i32 to index
      %swap3A_146 = arith.constant 64 : index
      %swap3A_147 = tpu.vector_load %arg13[%swap3A_145, %swap3A_146] {strides = array<i32>} : memref<128x128xf32, #tpu.memory_space<vmem>>, vector<16xf32>,
      tpu.vector_store %arg13[%swap3A_145, %swap3A_146], %broadcast_in_dim3A_11 {strides = array<i32>} : memref<128x128xf32, #tpu.memory_space<vmem>>, vector<16xf32>,
      %swap3A_148 = arith.index_cast %scan3A_132 : i32 to index
      %swap3A_149 = arith.constant 80 : index
      %swap3A_150 = tpu.vector_load %arg13[%swap3A_148, %swap3A_149] {strides = array<i32>} : memref<128x128xf32, #tpu.memory_space<vmem>>, vector<16xf32>,
      tpu.vector_store %arg13[%swap3A_148, %swap3A_149], %broadcast_in_dim3A_11 {strides = array<i32>} : memref<128x128xf32, #tpu.memory_space<vmem>>, vector<16xf32>,
      %swap3A_151 = arith.index_cast %scan3A_132 : i32 to index
      %swap3A_152 = arith.constant 96 : index
      %swap3A_153 = tpu.vector_load %arg13[%swap3A_151, %swap3A_152] {strides = array<i32>} : memref<128x128xf32, #tpu.memory_space<vmem>>, vector<16xf32>,
      tpu.vector_store %arg13[%swap3A_151, %swap3A_152], %broadcast_in_dim3A_11 {strides = array<i32>} : memref<128x128xf32, #tpu.memory_space<vmem>>, vector<16xf32>,
      %swap3A_154 = arith.index_cast %scan3A_132 : i32 to index
      %swap3A_155 = arith.constant 112 : index
      %swap3A_156 = tpu.vector_load %arg13[%swap3A_154, %swap3A_155] {strides = array<i32>} : memref<128x128xf32, #tpu.memory_space<vmem>>, vector<16xf32>,
      tpu.vector_store %arg13[%swap3A_154, %swap3A_155], %broadcast_in_dim3A_11 {strides = array<i32>} : memref<128x128xf32, #tpu.memory_space<vmem>>, vector<16xf32>,
      %scan3A_157 = arith.constant 0 : i32
      scf.yield %scan3A_157 : i32
    }
    %scan3A_17 = arith.constant 128 : i32
    %mul3A_18 = arith.constant 640 : i32
    %mul3A_19 = arith.muli %arg1, %mul3A_18 : i32
    %add3A_20 = arith.constant 0 : i32
    %add3A_21 = arith.addi %mul3A_19, %add3A_20 : i32
    "tpu.region"() ({
      %run_scoped3A = tpu.sem_alloc : memref<!tpu.dma_semaphore, #tpu.memory_space<semaphore_mem>>
      %dma_start3A = arith.constant 0 : i32
      %dma_start3A_51 = tpu.memref_slice %arg23[%add3A_21, %dma_start3A] : memref<10240x128xf32, #tpu.memory_space<vmem_shared>> -> memref<128x128xf32, #tpu.memory_space<vmem_shared>>
      %dma_start3A_52 = arith.constant 0 : i32
      %dma_start3A_53 = tpu.memref_slice %arg23[%add3A_21, %dma_start3A_52] : memref<10240x128xf32, #tpu.memory_space<vmem_shared>> -> memref<128x128xf32, #tpu.memory_space<vmem_shared>>
      tpu.enqueue_dma source(%arg13 : memref<128x128xf32, #tpu.memory_space<vmem>>) target(%dma_start3A_53 : memref<128x128xf32, #tpu.memory_space<vmem_shared>>) target_semaphore(%run_scoped3A : memref<!tpu.dma_semaphore, #tpu.memory_space<semaphore_mem>>)
      %dma_wait3A = arith.constant 0 : i32
      %dma_wait3A_54 = tpu.memref_slice %arg23[%add3A_21, %dma_wait3A] : memref<10240x128xf32, #tpu.memory_space<vmem_shared>> -> memref<128x128xf32, #tpu.memory_space<vmem_shared>>
      %dma_wait3A_55 = arith.constant 0 : i32
      %dma_wait3A_56 = tpu.memref_slice %arg23[%add3A_21, %dma_wait3A_55] : memref<10240x128xf32, #tpu.memory_space<vmem_shared>> -> memref<128x128xf32, #tpu.memory_space<vmem_shared>>
      tpu.wait_dma2 semaphore(%run_scoped3A : memref<!tpu.dma_semaphore, #tpu.memory_space<semaphore_mem>>) src(%arg13 : memref<128x128xf32, #tpu.memory_space<vmem>>) dst(%dma_wait3A_56 : memref<128x128xf32, #tpu.memory_space<vmem_shared>>)
      tpu.yield
    }) : () -> ()
    %mul3A_22 = arith.constant 640 : i32
    %mul3A_23 = arith.muli %arg1, %mul3A_22 : i32
    %add3A_24 = arith.constant 128 : i32
    %add3A_25 = arith.addi %mul3A_23, %add3A_24 : i32
    "tpu.region"() ({
      %run_scoped3A = tpu.sem_alloc : memref<!tpu.dma_semaphore, #tpu.memory_space<semaphore_mem>>
      %dma_start3A = arith.constant 0 : i32
      %dma_start3A_51 = tpu.memref_slice %arg23[%add3A_25, %dma_start3A] : memref<10240x128xf32, #tpu.memory_space<vmem_shared>> -> memref<128x128xf32, #tpu.memory_space<vmem_shared>>
      %dma_start3A_52 = arith.constant 0 : i32
      %dma_start3A_53 = tpu.memref_slice %arg23[%add3A_25, %dma_start3A_52] : memref<10240x128xf32, #tpu.memory_space<vmem_shared>> -> memref<128x128xf32, #tpu.memory_space<vmem_shared>>
      tpu.enqueue_dma source(%arg13 : memref<128x128xf32, #tpu.memory_space<vmem>>) target(%dma_start3A_53 : memref<128x128xf32, #tpu.memory_space<vmem_shared>>) target_semaphore(%run_scoped3A : memref<!tpu.dma_semaphore, #tpu.memory_space<semaphore_mem>>)
      %dma_wait3A = arith.constant 0 : i32
      %dma_wait3A_54 = tpu.memref_slice %arg23[%add3A_25, %dma_wait3A] : memref<10240x128xf32, #tpu.memory_space<vmem_shared>> -> memref<128x128xf32, #tpu.memory_space<vmem_shared>>
      %dma_wait3A_55 = arith.constant 0 : i32
      %dma_wait3A_56 = tpu.memref_slice %arg23[%add3A_25, %dma_wait3A_55] : memref<10240x128xf32, #tpu.memory_space<vmem_shared>> -> memref<128x128xf32, #tpu.memory_space<vmem_shared>>
      tpu.wait_dma2 semaphore(%run_scoped3A : memref<!tpu.dma_semaphore, #tpu.memory_space<semaphore_mem>>) src(%arg13 : memref<128x128xf32, #tpu.memory_space<vmem>>) dst(%dma_wait3A_56 : memref<128x128xf32, #tpu.memory_space<vmem_shared>>)
      tpu.yield
    }) : () -> ()
    %mul3A_26 = arith.constant 640 : i32
    %mul3A_27 = arith.muli %arg1, %mul3A_26 : i32
    %add3A_28 = arith.constant 256 : i32
    %add3A_29 = arith.addi %mul3A_27, %add3A_28 : i32
    "tpu.region"() ({
      %run_scoped3A = tpu.sem_alloc : memref<!tpu.dma_semaphore, #tpu.memory_space<semaphore_mem>>
      %dma_start3A = arith.constant 0 : i32
      %dma_start3A_51 = tpu.memref_slice %arg23[%add3A_29, %dma_start3A] : memref<10240x128xf32, #tpu.memory_space<vmem_shared>> -> memref<128x128xf32, #tpu.memory_space<vmem_shared>>
      %dma_start3A_52 = arith.constant 0 : i32
      %dma_start3A_53 = tpu.memref_slice %arg23[%add3A_29, %dma_start3A_52] : memref<10240x128xf32, #tpu.memory_space<vmem_shared>> -> memref<128x128xf32, #tpu.memory_space<vmem_shared>>
      tpu.enqueue_dma source(%arg13 : memref<128x128xf32, #tpu.memory_space<vmem>>) target(%dma_start3A_53 : memref<128x128xf32, #tpu.memory_space<vmem_shared>>) target_semaphore(%run_scoped3A : memref<!tpu.dma_semaphore, #tpu.memory_space<semaphore_mem>>)
      %dma_wait3A = arith.constant 0 : i32
      %dma_wait3A_54 = tpu.memref_slice %arg23[%add3A_29, %dma_wait3A] : memref<10240x128xf32, #tpu.memory_space<vmem_shared>> -> memref<128x128xf32, #tpu.memory_space<vmem_shared>>
      %dma_wait3A_55 = arith.constant 0 : i32
      %dma_wait3A_56 = tpu.memref_slice %arg23[%add3A_29, %dma_wait3A_55] : memref<10240x128xf32, #tpu.memory_space<vmem_shared>> -> memref<128x128xf32, #tpu.memory_space<vmem_shared>>
      tpu.wait_dma2 semaphore(%run_scoped3A : memref<!tpu.dma_semaphore, #tpu.memory_space<semaphore_mem>>) src(%arg13 : memref<128x128xf32, #tpu.memory_space<vmem>>) dst(%dma_wait3A_56 : memref<128x128xf32, #tpu.memory_space<vmem_shared>>)
      tpu.yield
    }) : () -> ()
    %mul3A_30 = arith.constant 640 : i32
    %mul3A_31 = arith.muli %arg1, %mul3A_30 : i32
    %add3A_32 = arith.constant 384 : i32
    %add3A_33 = arith.addi %mul3A_31, %add3A_32 : i32
    "tpu.region"() ({
      %run_scoped3A = tpu.sem_alloc : memref<!tpu.dma_semaphore, #tpu.memory_space<semaphore_mem>>
      %dma_start3A = arith.constant 0 : i32
      %dma_start3A_51 = tpu.memref_slice %arg23[%add3A_33, %dma_start3A] : memref<10240x128xf32, #tpu.memory_space<vmem_shared>> -> memref<128x128xf32, #tpu.memory_space<vmem_shared>>
      %dma_start3A_52 = arith.constant 0 : i32
      %dma_start3A_53 = tpu.memref_slice %arg23[%add3A_33, %dma_start3A_52] : memref<10240x128xf32, #tpu.memory_space<vmem_shared>> -> memref<128x128xf32, #tpu.memory_space<vmem_shared>>
      tpu.enqueue_dma source(%arg13 : memref<128x128xf32, #tpu.memory_space<vmem>>) target(%dma_start3A_53 : memref<128x128xf32, #tpu.memory_space<vmem_shared>>) target_semaphore(%run_scoped3A : memref<!tpu.dma_semaphore, #tpu.memory_space<semaphore_mem>>)
      %dma_wait3A = arith.constant 0 : i32
      %dma_wait3A_54 = tpu.memref_slice %arg23[%add3A_33, %dma_wait3A] : memref<10240x128xf32, #tpu.memory_space<vmem_shared>> -> memref<128x128xf32, #tpu.memory_space<vmem_shared>>
      %dma_wait3A_55 = arith.constant 0 : i32
      %dma_wait3A_56 = tpu.memref_slice %arg23[%add3A_33, %dma_wait3A_55] : memref<10240x128xf32, #tpu.memory_space<vmem_shared>> -> memref<128x128xf32, #tpu.memory_space<vmem_shared>>
      tpu.wait_dma2 semaphore(%run_scoped3A : memref<!tpu.dma_semaphore, #tpu.memory_space<semaphore_mem>>) src(%arg13 : memref<128x128xf32, #tpu.memory_space<vmem>>) dst(%dma_wait3A_56 : memref<128x128xf32, #tpu.memory_space<vmem_shared>>)
      tpu.yield
    }) : () -> ()
    %mul3A_34 = arith.constant 640 : i32
    %mul3A_35 = arith.muli %arg1, %mul3A_34 : i32
    %add3A_36 = arith.constant 512 : i32
    %add3A_37 = arith.addi %mul3A_35, %add3A_36 : i32
    "tpu.region"() ({
      %run_scoped3A = tpu.sem_alloc : memref<!tpu.dma_semaphore, #tpu.memory_space<semaphore_mem>>
      %dma_start3A = arith.constant 0 : i32
      %dma_start3A_51 = tpu.memref_slice %arg23[%add3A_37, %dma_start3A] : memref<10240x128xf32, #tpu.memory_space<vmem_shared>> -> memref<128x128xf32, #tpu.memory_space<vmem_shared>>
      %dma_start3A_52 = arith.constant 0 : i32
      %dma_start3A_53 = tpu.memref_slice %arg23[%add3A_37, %dma_start3A_52] : memref<10240x128xf32, #tpu.memory_space<vmem_shared>> -> memref<128x128xf32, #tpu.memory_space<vmem_shared>>
      tpu.enqueue_dma source(%arg13 : memref<128x128xf32, #tpu.memory_space<vmem>>) target(%dma_start3A_53 : memref<128x128xf32, #tpu.memory_space<vmem_shared>>) target_semaphore(%run_scoped3A : memref<!tpu.dma_semaphore, #tpu.memory_space<semaphore_mem>>)
      %dma_wait3A = arith.constant 0 : i32
      %dma_wait3A_54 = tpu.memref_slice %arg23[%add3A_37, %dma_wait3A] : memref<10240x128xf32, #tpu.memory_space<vmem_shared>> -> memref<128x128xf32, #tpu.memory_space<vmem_shared>>
      %dma_wait3A_55 = arith.constant 0 : i32
      %dma_wait3A_56 = tpu.memref_slice %arg23[%add3A_37, %dma_wait3A_55] : memref<10240x128xf32, #tpu.memory_space<vmem_shared>> -> memref<128x128xf32, #tpu.memory_space<vmem_shared>>
      tpu.wait_dma2 semaphore(%run_scoped3A : memref<!tpu.dma_semaphore, #tpu.memory_space<semaphore_mem>>) src(%arg13 : memref<128x128xf32, #tpu.memory_space<vmem>>) dst(%dma_wait3A_56 : memref<128x128xf32, #tpu.memory_space<vmem_shared>>)
      tpu.yield
    }) : () -> ()
    %barrier3A = arith.constant 0 : index
    tpu.barrier barrier_id(%barrier3A)
    %eq3A_38 = arith.constant 0 : i32
    %eq3A_39 = arith.cmpi eq, %arg0, %eq3A_38 : i32
    %convert_element_type3A = arith.extui %eq3A_39 : i1 to i32
    %cond3A = arith.constant 0 : i32
    %cond3A_40 = arith.cmpi ne, %convert_element_type3A, %cond3A : i32
    scf.if %cond3A_40 {
      %scan3A_51 = arith.constant 0 : i32
      %scan3A_52 = arith.constant 0 : i32
      %scan3A_53 = arith.constant 56 : i32
      %scan3A_54 = arith.addi %scan3A_52, %scan3A_53 : i32
      %scan3A_55 = arith.constant 1 : i32
      %scan3A_56 = scf.for %scan3A_58 = %scan3A_52 to %scan3A_54 step %scan3A_55 iter_args(%scan3A_59 = %scan3A_51) -> (i32)  : i32 {
        %mul3A_60 = arith.constant 2 : i32
        %mul3A_61 = arith.muli %mul3A_60, %scan3A_58 : i32
        %add3A_62 = arith.addi %add3A_5, %mul3A_61 : i32
        %dma_start3A = arith.constant 0 : i32
        %dma_start3A_63 = tpu.memref_slice %arg3[%add3A_62, %dma_start3A] : memref<2560x128xi32, #tpu.memory_space<hbm>> -> memref<1x128xi32, #tpu.memory_space<hbm>>
        %dma_start3A_64 = tpu.memref_squeeze %dma_start3A_63 : memref<1x128xi32, #tpu.memory_space<hbm>> -> memref<128xi32, #tpu.memory_space<hbm>>
        %dma_start3A_65 = arith.constant 0 : i32
        %dma_start3A_66 = tpu.memref_slice %arg3[%add3A_62, %dma_start3A_65] : memref<2560x128xi32, #tpu.memory_space<hbm>> -> memref<1x128xi32, #tpu.memory_space<hbm>>
        %dma_start3A_67 = tpu.memref_squeeze %dma_start3A_66 : memref<1x128xi32, #tpu.memory_space<hbm>> -> memref<128xi32, #tpu.memory_space<hbm>>
        tpu.enqueue_dma source(%dma_start3A_67 : memref<128xi32, #tpu.memory_space<hbm>>) target(%arg7 : memref<128xi32, #tpu.memory_space<vmem>>) target_semaphore(%arg15 : memref<!tpu.dma_semaphore, #tpu.memory_space<semaphore_mem>>)
        %add3A_68 = arith.addi %add3A_5, %mul3A_61 : i32
        %add3A_69 = arith.constant 1 : i32
        %add3A_70 = arith.addi %add3A_68, %add3A_69 : i32
        %dma_start3A_71 = arith.constant 0 : i32
        %dma_start3A_72 = tpu.memref_slice %arg3[%add3A_70, %dma_start3A_71] : memref<2560x128xi32, #tpu.memory_space<hbm>> -> memref<1x128xi32, #tpu.memory_space<hbm>>
        %dma_start3A_73 = tpu.memref_squeeze %dma_start3A_72 : memref<1x128xi32, #tpu.memory_space<hbm>> -> memref<128xi32, #tpu.memory_space<hbm>>
        %dma_start3A_74 = arith.constant 0 : i32
        %dma_start3A_75 = tpu.memref_slice %arg3[%add3A_70, %dma_start3A_74] : memref<2560x128xi32, #tpu.memory_space<hbm>> -> memref<1x128xi32, #tpu.memory_space<hbm>>
        %dma_start3A_76 = tpu.memref_squeeze %dma_start3A_75 : memref<1x128xi32, #tpu.memory_space<hbm>> -> memref<128xi32, #tpu.memory_space<hbm>>
        tpu.enqueue_dma source(%dma_start3A_76 : memref<128xi32, #tpu.memory_space<hbm>>) target(%arg8 : memref<128xi32, #tpu.memory_space<vmem>>) target_semaphore(%arg16 : memref<!tpu.dma_semaphore, #tpu.memory_space<semaphore_mem>>)
        %add3A_77 = arith.addi %add3A_5, %mul3A_61 : i32
        %dma_start3A_78 = arith.constant 0 : i32
        %dma_start3A_79 = tpu.memref_slice %arg4[%add3A_77, %dma_start3A_78] : memref<2560x128xi32, #tpu.memory_space<hbm>> -> memref<1x128xi32, #tpu.memory_space<hbm>>
        %dma_start3A_80 = tpu.memref_squeeze %dma_start3A_79 : memref<1x128xi32, #tpu.memory_space<hbm>> -> memref<128xi32, #tpu.memory_space<hbm>>
        %dma_start3A_81 = arith.constant 0 : i32
        %dma_start3A_82 = tpu.memref_slice %arg4[%add3A_77, %dma_start3A_81] : memref<2560x128xi32, #tpu.memory_space<hbm>> -> memref<1x128xi32, #tpu.memory_space<hbm>>
        %dma_start3A_83 = tpu.memref_squeeze %dma_start3A_82 : memref<1x128xi32, #tpu.memory_space<hbm>> -> memref<128xi32, #tpu.memory_space<hbm>>
        tpu.enqueue_dma source(%dma_start3A_83 : memref<128xi32, #tpu.memory_space<hbm>>) target(%arg9 : memref<128xi32, #tpu.memory_space<vmem>>) target_semaphore(%arg17 : memref<!tpu.dma_semaphore, #tpu.memory_space<semaphore_mem>>)
        %add3A_84 = arith.addi %add3A_5, %mul3A_61 : i32
        %add3A_85 = arith.constant 1 : i32
        %add3A_86 = arith.addi %add3A_84, %add3A_85 : i32
        %dma_start3A_87 = arith.constant 0 : i32
        %dma_start3A_88 = tpu.memref_slice %arg4[%add3A_86, %dma_start3A_87] : memref<2560x128xi32, #tpu.memory_space<hbm>> -> memref<1x128xi32, #tpu.memory_space<hbm>>
        %dma_start3A_89 = tpu.memref_squeeze %dma_start3A_88 : memref<1x128xi32, #tpu.memory_space<hbm>> -> memref<128xi32, #tpu.memory_space<hbm>>
        %dma_start3A_90 = arith.constant 0 : i32
        %dma_start3A_91 = tpu.memref_slice %arg4[%add3A_86, %dma_start3A_90] : memref<2560x128xi32, #tpu.memory_space<hbm>> -> memref<1x128xi32, #tpu.memory_space<hbm>>
        %dma_start3A_92 = tpu.memref_squeeze %dma_start3A_91 : memref<1x128xi32, #tpu.memory_space<hbm>> -> memref<128xi32, #tpu.memory_space<hbm>>
        tpu.enqueue_dma source(%dma_start3A_92 : memref<128xi32, #tpu.memory_space<hbm>>) target(%arg10 : memref<128xi32, #tpu.memory_space<vmem>>) target_semaphore(%arg18 : memref<!tpu.dma_semaphore, #tpu.memory_space<semaphore_mem>>)
        %add3A_93 = arith.addi %add3A_5, %mul3A_61 : i32
        %dma_start3A_94 = arith.constant 0 : i32
        %dma_start3A_95 = tpu.memref_slice %arg5[%add3A_93, %dma_start3A_94] : memref<2560x128xf32, #tpu.memory_space<hbm>> -> memref<1x128xf32, #tpu.memory_space<hbm>>
        %dma_start3A_96 = tpu.memref_squeeze %dma_start3A_95 : memref<1x128xf32, #tpu.memory_space<hbm>> -> memref<128xf32, #tpu.memory_space<hbm>>
        %dma_start3A_97 = arith.constant 0 : i32
        %dma_start3A_98 = tpu.memref_slice %arg5[%add3A_93, %dma_start3A_97] : memref<2560x128xf32, #tpu.memory_space<hbm>> -> memref<1x128xf32, #tpu.memory_space<hbm>>
        %dma_start3A_99 = tpu.memref_squeeze %dma_start3A_98 : memref<1x128xf32, #tpu.memory_space<hbm>> -> memref<128xf32, #tpu.memory_space<hbm>>
        tpu.enqueue_dma source(%dma_start3A_99 : memref<128xf32, #tpu.memory_space<hbm>>) target(%arg11 : memref<128xf32, #tpu.memory_space<vmem>>) target_semaphore(%arg19 : memref<!tpu.dma_semaphore, #tpu.memory_space<semaphore_mem>>)
        %add3A_100 = arith.addi %add3A_5, %mul3A_61 : i32
        %add3A_101 = arith.constant 1 : i32
        %add3A_102 = arith.addi %add3A_100, %add3A_101 : i32
        %dma_start3A_103 = arith.constant 0 : i32
        %dma_start3A_104 = tpu.memref_slice %arg5[%add3A_102, %dma_start3A_103] : memref<2560x128xf32, #tpu.memory_space<hbm>> -> memref<1x128xf32, #tpu.memory_space<hbm>>
        %dma_start3A_105 = tpu.memref_squeeze %dma_start3A_104 : memref<1x128xf32, #tpu.memory_space<hbm>> -> memref<128xf32, #tpu.memory_space<hbm>>
        %dma_start3A_106 = arith.constant 0 : i32
        %dma_start3A_107 = tpu.memref_slice %arg5[%add3A_102, %dma_start3A_106] : memref<2560x128xf32, #tpu.memory_space<hbm>> -> memref<1x128xf32, #tpu.memory_space<hbm>>
        %dma_start3A_108 = tpu.memref_squeeze %dma_start3A_107 : memref<1x128xf32, #tpu.memory_space<hbm>> -> memref<128xf32, #tpu.memory_space<hbm>>
        tpu.enqueue_dma source(%dma_start3A_108 : memref<128xf32, #tpu.memory_space<hbm>>) target(%arg12 : memref<128xf32, #tpu.memory_space<vmem>>) target_semaphore(%arg20 : memref<!tpu.dma_semaphore, #tpu.memory_space<semaphore_mem>>)
        %dma_wait3A = arith.constant 0 : i32
        %dma_wait3A_109 = tpu.memref_slice %arg3[%add3A_62, %dma_wait3A] : memref<2560x128xi32, #tpu.memory_space<hbm>> -> memref<1x128xi32, #tpu.memory_space<hbm>>
        %dma_wait3A_110 = tpu.memref_squeeze %dma_wait3A_109 : memref<1x128xi32, #tpu.memory_space<hbm>> -> memref<128xi32, #tpu.memory_space<hbm>>
        %dma_wait3A_111 = arith.constant 0 : i32
        %dma_wait3A_112 = tpu.memref_slice %arg3[%add3A_62, %dma_wait3A_111] : memref<2560x128xi32, #tpu.memory_space<hbm>> -> memref<1x128xi32, #tpu.memory_space<hbm>>
        %dma_wait3A_113 = tpu.memref_squeeze %dma_wait3A_112 : memref<1x128xi32, #tpu.memory_space<hbm>> -> memref<128xi32, #tpu.memory_space<hbm>>
        tpu.wait_dma2 semaphore(%arg15 : memref<!tpu.dma_semaphore, #tpu.memory_space<semaphore_mem>>) src(%dma_wait3A_113 : memref<128xi32, #tpu.memory_space<hbm>>) dst(%arg7 : memref<128xi32, #tpu.memory_space<vmem>>)
        %dma_start3A_114 = arith.constant 0 : i32
        %dma_start3A_115 = arith.constant 0 : i32
        %dma_start3A_116 = tpu.memref_slice %arg2[%dma_start3A_114, %dma_start3A_115] : memref<10000x128xf32, #tpu.memory_space<hbm>> -> memref<10000x128xf32, #tpu.memory_space<hbm>>
        tpu.enqueue_indirect_dma source(%dma_start3A_116 : memref<10000x128xf32, #tpu.memory_space<hbm>>) target(%arg13 : memref<128x128xf32, #tpu.memory_space<vmem>>) offsets(%arg7 : memref<128xi32, #tpu.memory_space<vmem>>) semaphore(%arg21 : memref<!tpu.dma_semaphore, #tpu.memory_space<semaphore_mem>>)
        %dma_wait3A_117 = arith.constant 0 : i32
        %dma_wait3A_118 = tpu.memref_slice %arg5[%add3A_93, %dma_wait3A_117] : memref<2560x128xf32, #tpu.memory_space<hbm>> -> memref<1x128xf32, #tpu.memory_space<hbm>>
        %dma_wait3A_119 = tpu.memref_squeeze %dma_wait3A_118 : memref<1x128xf32, #tpu.memory_space<hbm>> -> memref<128xf32, #tpu.memory_space<hbm>>
        %dma_wait3A_120 = arith.constant 0 : i32
        %dma_wait3A_121 = tpu.memref_slice %arg5[%add3A_93, %dma_wait3A_120] : memref<2560x128xf32, #tpu.memory_space<hbm>> -> memref<1x128xf32, #tpu.memory_space<hbm>>
        %dma_wait3A_122 = tpu.memref_squeeze %dma_wait3A_121 : memref<1x128xf32, #tpu.memory_space<hbm>> -> memref<128xf32, #tpu.memory_space<hbm>>
        tpu.wait_dma2 semaphore(%arg19 : memref<!tpu.dma_semaphore, #tpu.memory_space<semaphore_mem>>) src(%dma_wait3A_122 : memref<128xf32, #tpu.memory_space<hbm>>) dst(%arg11 : memref<128xf32, #tpu.memory_space<vmem>>)
        %dma_wait3A_123 = arith.constant 0 : i32
        %dma_wait3A_124 = tpu.memref_slice %arg5[%add3A_102, %dma_wait3A_123] : memref<2560x128xf32, #tpu.memory_space<hbm>> -> memref<1x128xf32, #tpu.memory_space<hbm>>
        %dma_wait3A_125 = tpu.memref_squeeze %dma_wait3A_124 : memref<1x128xf32, #tpu.memory_space<hbm>> -> memref<128xf32, #tpu.memory_space<hbm>>
        %dma_wait3A_126 = arith.constant 0 : i32
        %dma_wait3A_127 = tpu.memref_slice %arg5[%add3A_102, %dma_wait3A_126] : memref<2560x128xf32, #tpu.memory_space<hbm>> -> memref<1x128xf32, #tpu.memory_space<hbm>>
        %dma_wait3A_128 = tpu.memref_squeeze %dma_wait3A_127 : memref<1x128xf32, #tpu.memory_space<hbm>> -> memref<128xf32, #tpu.memory_space<hbm>>
        tpu.wait_dma2 semaphore(%arg20 : memref<!tpu.dma_semaphore, #tpu.memory_space<semaphore_mem>>) src(%dma_wait3A_128 : memref<128xf32, #tpu.memory_space<hbm>>) dst(%arg12 : memref<128xf32, #tpu.memory_space<vmem>>)
        %dma_wait3A_129 = arith.constant 0 : i32
        %dma_wait3A_130 = tpu.memref_slice %arg4[%add3A_77, %dma_wait3A_129] : memref<2560x128xi32, #tpu.memory_space<hbm>> -> memref<1x128xi32, #tpu.memory_space<hbm>>
        %dma_wait3A_131 = tpu.memref_squeeze %dma_wait3A_130 : memref<1x128xi32, #tpu.memory_space<hbm>> -> memref<128xi32, #tpu.memory_space<hbm>>
        %dma_wait3A_132 = arith.constant 0 : i32
        %dma_wait3A_133 = tpu.memref_slice %arg4[%add3A_77, %dma_wait3A_132] : memref<2560x128xi32, #tpu.memory_space<hbm>> -> memref<1x128xi32, #tpu.memory_space<hbm>>
        %dma_wait3A_134 = tpu.memref_squeeze %dma_wait3A_133 : memref<1x128xi32, #tpu.memory_space<hbm>> -> memref<128xi32, #tpu.memory_space<hbm>>
        tpu.wait_dma2 semaphore(%arg17 : memref<!tpu.dma_semaphore, #tpu.memory_space<semaphore_mem>>) src(%dma_wait3A_134 : memref<128xi32, #tpu.memory_space<hbm>>) dst(%arg9 : memref<128xi32, #tpu.memory_space<vmem>>)
        %dma_wait3A_135 = arith.constant 0 : i32
        %dma_wait3A_136 = tpu.memref_slice %arg4[%add3A_86, %dma_wait3A_135] : memref<2560x128xi32, #tpu.memory_space<hbm>> -> memref<1x128xi32, #tpu.memory_space<hbm>>
        %dma_wait3A_137 = tpu.memref_squeeze %dma_wait3A_136 : memref<1x128xi32, #tpu.memory_space<hbm>> -> memref<128xi32, #tpu.memory_space<hbm>>
        %dma_wait3A_138 = arith.constant 0 : i32
        %dma_wait3A_139 = tpu.memref_slice %arg4[%add3A_86, %dma_wait3A_138] : memref<2560x128xi32, #tpu.memory_space<hbm>> -> memref<1x128xi32, #tpu.memory_space<hbm>>
        %dma_wait3A_140 = tpu.memref_squeeze %dma_wait3A_139 : memref<1x128xi32, #tpu.memory_space<hbm>> -> memref<128xi32, #tpu.memory_space<hbm>>
        tpu.wait_dma2 semaphore(%arg18 : memref<!tpu.dma_semaphore, #tpu.memory_space<semaphore_mem>>) src(%dma_wait3A_140 : memref<128xi32, #tpu.memory_space<hbm>>) dst(%arg10 : memref<128xi32, #tpu.memory_space<vmem>>)
        %dma_wait3A_141 = arith.constant 0 : i32
        %dma_wait3A_142 = arith.constant 0 : i32
        %dma_wait3A_143 = tpu.memref_slice %arg2[%dma_wait3A_141, %dma_wait3A_142] : memref<10000x128xf32, #tpu.memory_space<hbm>> -> memref<10000x128xf32, #tpu.memory_space<hbm>>
        tpu.wait_indirect_dma semaphore(%arg21 : memref<!tpu.dma_semaphore, #tpu.memory_space<semaphore_mem>>) src(%dma_wait3A_143 : memref<10000x128xf32, #tpu.memory_space<hbm>>) dst(%arg13 : memref<128x128xf32, #tpu.memory_space<vmem>>)
        %dma_wait3A_144 = arith.constant 0 : i32
        %dma_wait3A_145 = tpu.memref_slice %arg3[%add3A_70, %dma_wait3A_144] : memref<2560x128xi32, #tpu.memory_space<hbm>> -> memref<1x128xi32, #tpu.memory_space<hbm>>
        %dma_wait3A_146 = tpu.memref_squeeze %dma_wait3A_145 : memref<1x128xi32, #tpu.memory_space<hbm>> -> memref<128xi32, #tpu.memory_space<hbm>>
        %dma_wait3A_147 = arith.constant 0 : i32
        %dma_wait3A_148 = tpu.memref_slice %arg3[%add3A_70, %dma_wait3A_147] : memref<2560x128xi32, #tpu.memory_space<hbm>> -> memref<1x128xi32, #tpu.memory_space<hbm>>
        %dma_wait3A_149 = tpu.memref_squeeze %dma_wait3A_148 : memref<1x128xi32, #tpu.memory_space<hbm>> -> memref<128xi32, #tpu.memory_space<hbm>>
        tpu.wait_dma2 semaphore(%arg16 : memref<!tpu.dma_semaphore, #tpu.memory_space<semaphore_mem>>) src(%dma_wait3A_149 : memref<128xi32, #tpu.memory_space<hbm>>) dst(%arg8 : memref<128xi32, #tpu.memory_space<vmem>>)
        %dma_start3A_150 = arith.constant 0 : i32
        %dma_start3A_151 = arith.constant 0 : i32
        %dma_start3A_152 = tpu.memref_slice %arg2[%dma_start3A_150, %dma_start3A_151] : memref<10000x128xf32, #tpu.memory_space<hbm>> -> memref<10000x128xf32, #tpu.memory_space<hbm>>
        tpu.enqueue_indirect_dma source(%dma_start3A_152 : memref<10000x128xf32, #tpu.memory_space<hbm>>) target(%arg14 : memref<128x128xf32, #tpu.memory_space<vmem>>) offsets(%arg8 : memref<128xi32, #tpu.memory_space<vmem>>) semaphore(%arg22 : memref<!tpu.dma_semaphore, #tpu.memory_space<semaphore_mem>>)
        %scan3A_153 = arith.constant 0 : i32
        %scan3A_154 = arith.constant 0 : i32
        %scan3A_155 = arith.constant 128 : i32
        %scan3A_156 = arith.addi %scan3A_154, %scan3A_155 : i32
        %scan3A_157 = arith.constant 2 : i32
        %scan3A_158 = scf.for %scan3A_171 = %scan3A_154 to %scan3A_156 step %scan3A_157 iter_args(%scan3A_172 = %scan3A_153) -> (i32)  : i32 {
          %broadcast_in_dim3A_173 = vector.broadcast %scan3A_171 : i32 to vector<16xi32>
          %gather3A = tpu.vector_load_idx %arg11[%broadcast_in_dim3A_173] : memref<128xf32, #tpu.memory_space<vmem>>[vector<16xi32>], vector<16xf32>,
          %get3A = arith.index_cast %scan3A_171 : i32 to index
          %get3A_174 = arith.constant 0 : index
          %get3A_175 = tpu.vector_load %arg13[%get3A, %get3A_174] {strides = array<i32>} : memref<128x128xf32, #tpu.memory_space<vmem>>, vector<16xf32>,
          %mul3A_176 = arith.mulf %get3A_175, %gather3A : vector<16xf32>
          %swap3A = arith.index_cast %scan3A_171 : i32 to index
          %swap3A_177 = arith.constant 0 : index
          %swap3A_178 = tpu.vector_load %arg13[%swap3A, %swap3A_177] {strides = array<i32>} : memref<128x128xf32, #tpu.memory_space<vmem>>, vector<16xf32>,
          tpu.vector_store %arg13[%swap3A, %swap3A_177], %mul3A_176 {strides = array<i32>} : memref<128x128xf32, #tpu.memory_space<vmem>>, vector<16xf32>,
          %get3A_179 = arith.index_cast %scan3A_171 : i32 to index
          %get3A_180 = arith.constant 16 : index
          %get3A_181 = tpu.vector_load %arg13[%get3A_179, %get3A_180] {strides = array<i32>} : memref<128x128xf32, #tpu.memory_space<vmem>>, vector<16xf32>,
          %mul3A_182 = arith.mulf %get3A_181, %gather3A : vector<16xf32>
          %swap3A_183 = arith.index_cast %scan3A_171 : i32 to index
          %swap3A_184 = arith.constant 16 : index
          %swap3A_185 = tpu.vector_load %arg13[%swap3A_183, %swap3A_184] {strides = array<i32>} : memref<128x128xf32, #tpu.memory_space<vmem>>, vector<16xf32>,
          tpu.vector_store %arg13[%swap3A_183, %swap3A_184], %mul3A_182 {strides = array<i32>} : memref<128x128xf32, #tpu.memory_space<vmem>>, vector<16xf32>,
          %get3A_186 = arith.index_cast %scan3A_171 : i32 to index
          %get3A_187 = arith.constant 32 : index
          %get3A_188 = tpu.vector_load %arg13[%get3A_186, %get3A_187] {strides = array<i32>} : memref<128x128xf32, #tpu.memory_space<vmem>>, vector<16xf32>,
          %mul3A_189 = arith.mulf %get3A_188, %gather3A : vector<16xf32>
          %swap3A_190 = arith.index_cast %scan3A_171 : i32 to index
          %swap3A_191 = arith.constant 32 : index
          %swap3A_192 = tpu.vector_load %arg13[%swap3A_190, %swap3A_191] {strides = array<i32>} : memref<128x128xf32, #tpu.memory_space<vmem>>, vector<16xf32>,
          tpu.vector_store %arg13[%swap3A_190, %swap3A_191], %mul3A_189 {strides = array<i32>} : memref<128x128xf32, #tpu.memory_space<vmem>>, vector<16xf32>,
          %get3A_193 = arith.index_cast %scan3A_171 : i32 to index
          %get3A_194 = arith.constant 48 : index
          %get3A_195 = tpu.vector_load %arg13[%get3A_193, %get3A_194] {strides = array<i32>} : memref<128x128xf32, #tpu.memory_space<vmem>>, vector<16xf32>,
          %mul3A_196 = arith.mulf %get3A_195, %gather3A : vector<16xf32>
          %swap3A_197 = arith.index_cast %scan3A_171 : i32 to index
          %swap3A_198 = arith.constant 48 : index
          %swap3A_199 = tpu.vector_load %arg13[%swap3A_197, %swap3A_198] {strides = array<i32>} : memref<128x128xf32, #tpu.memory_space<vmem>>, vector<16xf32>,
          tpu.vector_store %arg13[%swap3A_197, %swap3A_198], %mul3A_196 {strides = array<i32>} : memref<128x128xf32, #tpu.memory_space<vmem>>, vector<16xf32>,
          %get3A_200 = arith.index_cast %scan3A_171 : i32 to index
          %get3A_201 = arith.constant 64 : index
          %get3A_202 = tpu.vector_load %arg13[%get3A_200, %get3A_201] {strides = array<i32>} : memref<128x128xf32, #tpu.memory_space<vmem>>, vector<16xf32>,
          %mul3A_203 = arith.mulf %get3A_202, %gather3A : vector<16xf32>
          %swap3A_204 = arith.index_cast %scan3A_171 : i32 to index
          %swap3A_205 = arith.constant 64 : index
          %swap3A_206 = tpu.vector_load %arg13[%swap3A_204, %swap3A_205] {strides = array<i32>} : memref<128x128xf32, #tpu.memory_space<vmem>>, vector<16xf32>,
          tpu.vector_store %arg13[%swap3A_204, %swap3A_205], %mul3A_203 {strides = array<i32>} : memref<128x128xf32, #tpu.memory_space<vmem>>, vector<16xf32>,
          %get3A_207 = arith.index_cast %scan3A_171 : i32 to index
          %get3A_208 = arith.constant 80 : index
          %get3A_209 = tpu.vector_load %arg13[%get3A_207, %get3A_208] {strides = array<i32>} : memref<128x128xf32, #tpu.memory_space<vmem>>, vector<16xf32>,
          %mul3A_210 = arith.mulf %get3A_209, %gather3A : vector<16xf32>
          %swap3A_211 = arith.index_cast %scan3A_171 : i32 to index
          %swap3A_212 = arith.constant 80 : index
          %swap3A_213 = tpu.vector_load %arg13[%swap3A_211, %swap3A_212] {strides = array<i32>} : memref<128x128xf32, #tpu.memory_space<vmem>>, vector<16xf32>,
          tpu.vector_store %arg13[%swap3A_211, %swap3A_212], %mul3A_210 {strides = array<i32>} : memref<128x128xf32, #tpu.memory_space<vmem>>, vector<16xf32>,
          %get3A_214 = arith.index_cast %scan3A_171 : i32 to index
          %get3A_215 = arith.constant 96 : index
          %get3A_216 = tpu.vector_load %arg13[%get3A_214, %get3A_215] {strides = array<i32>} : memref<128x128xf32, #tpu.memory_space<vmem>>, vector<16xf32>,
          %mul3A_217 = arith.mulf %get3A_216, %gather3A : vector<16xf32>
          %swap3A_218 = arith.index_cast %scan3A_171 : i32 to index
          %swap3A_219 = arith.constant 96 : index
          %swap3A_220 = tpu.vector_load %arg13[%swap3A_218, %swap3A_219] {strides = array<i32>} : memref<128x128xf32, #tpu.memory_space<vmem>>, vector<16xf32>,
          tpu.vector_store %arg13[%swap3A_218, %swap3A_219], %mul3A_217 {strides = array<i32>} : memref<128x128xf32, #tpu.memory_space<vmem>>, vector<16xf32>,
          %get3A_221 = arith.index_cast %scan3A_171 : i32 to index
          %get3A_222 = arith.constant 112 : index
          %get3A_223 = tpu.vector_load %arg13[%get3A_221, %get3A_222] {strides = array<i32>} : memref<128x128xf32, #tpu.memory_space<vmem>>, vector<16xf32>,
          %mul3A_224 = arith.mulf %get3A_223, %gather3A : vector<16xf32>
          %swap3A_225 = arith.index_cast %scan3A_171 : i32 to index
          %swap3A_226 = arith.constant 112 : index
          %swap3A_227 = tpu.vector_load %arg13[%swap3A_225, %swap3A_226] {strides = array<i32>} : memref<128x128xf32, #tpu.memory_space<vmem>>, vector<16xf32>,
          tpu.vector_store %arg13[%swap3A_225, %swap3A_226], %mul3A_224 {strides = array<i32>} : memref<128x128xf32, #tpu.memory_space<vmem>>, vector<16xf32>,
          %scan3A_228 = arith.constant 0 : i32
          %scan3A_229 = arith.constant 1 : i32
          %scan3A_230 = arith.addi %scan3A_171, %scan3A_229 : i32
          %broadcast_in_dim3A_231 = vector.broadcast %scan3A_230 : i32 to vector<16xi32>
          %gather3A_232 = tpu.vector_load_idx %arg11[%broadcast_in_dim3A_231] : memref<128xf32, #tpu.memory_space<vmem>>[vector<16xi32>], vector<16xf32>,
          %get3A_233 = arith.index_cast %scan3A_230 : i32 to index
          %get3A_234 = arith.constant 0 : index
          %get3A_235 = tpu.vector_load %arg13[%get3A_233, %get3A_234] {strides = array<i32>} : memref<128x128xf32, #tpu.memory_space<vmem>>, vector<16xf32>,
          %mul3A_236 = arith.mulf %get3A_235, %gather3A_232 : vector<16xf32>
          %swap3A_237 = arith.index_cast %scan3A_230 : i32 to index
          %swap3A_238 = arith.constant 0 : index
          %swap3A_239 = tpu.vector_load %arg13[%swap3A_237, %swap3A_238] {strides = array<i32>} : memref<128x128xf32, #tpu.memory_space<vmem>>, vector<16xf32>,
          tpu.vector_store %arg13[%swap3A_237, %swap3A_238], %mul3A_236 {strides = array<i32>} : memref<128x128xf32, #tpu.memory_space<vmem>>, vector<16xf32>,
          %get3A_240 = arith.index_cast %scan3A_230 : i32 to index
          %get3A_241 = arith.constant 16 : index
          %get3A_242 = tpu.vector_load %arg13[%get3A_240, %get3A_241] {strides = array<i32>} : memref<128x128xf32, #tpu.memory_space<vmem>>, vector<16xf32>,
          %mul3A_243 = arith.mulf %get3A_242, %gather3A_232 : vector<16xf32>
          %swap3A_244 = arith.index_cast %scan3A_230 : i32 to index
          %swap3A_245 = arith.constant 16 : index
          %swap3A_246 = tpu.vector_load %arg13[%swap3A_244, %swap3A_245] {strides = array<i32>} : memref<128x128xf32, #tpu.memory_space<vmem>>, vector<16xf32>,
          tpu.vector_store %arg13[%swap3A_244, %swap3A_245], %mul3A_243 {strides = array<i32>} : memref<128x128xf32, #tpu.memory_space<vmem>>, vector<16xf32>,
          %get3A_247 = arith.index_cast %scan3A_230 : i32 to index
          %get3A_248 = arith.constant 32 : index
          %get3A_249 = tpu.vector_load %arg13[%get3A_247, %get3A_248] {strides = array<i32>} : memref<128x128xf32, #tpu.memory_space<vmem>>, vector<16xf32>,
          %mul3A_250 = arith.mulf %get3A_249, %gather3A_232 : vector<16xf32>
          %swap3A_251 = arith.index_cast %scan3A_230 : i32 to index
          %swap3A_252 = arith.constant 32 : index
          %swap3A_253 = tpu.vector_load %arg13[%swap3A_251, %swap3A_252] {strides = array<i32>} : memref<128x128xf32, #tpu.memory_space<vmem>>, vector<16xf32>,
          tpu.vector_store %arg13[%swap3A_251, %swap3A_252], %mul3A_250 {strides = array<i32>} : memref<128x128xf32, #tpu.memory_space<vmem>>, vector<16xf32>,
          %get3A_254 = arith.index_cast %scan3A_230 : i32 to index
          %get3A_255 = arith.constant 48 : index
          %get3A_256 = tpu.vector_load %arg13[%get3A_254, %get3A_255] {strides = array<i32>} : memref<128x128xf32, #tpu.memory_space<vmem>>, vector<16xf32>,
          %mul3A_257 = arith.mulf %get3A_256, %gather3A_232 : vector<16xf32>
          %swap3A_258 = arith.index_cast %scan3A_230 : i32 to index
          %swap3A_259 = arith.constant 48 : index
          %swap3A_260 = tpu.vector_load %arg13[%swap3A_258, %swap3A_259] {strides = array<i32>} : memref<128x128xf32, #tpu.memory_space<vmem>>, vector<16xf32>,
          tpu.vector_store %arg13[%swap3A_258, %swap3A_259], %mul3A_257 {strides = array<i32>} : memref<128x128xf32, #tpu.memory_space<vmem>>, vector<16xf32>,
          %get3A_261 = arith.index_cast %scan3A_230 : i32 to index
          %get3A_262 = arith.constant 64 : index
          %get3A_263 = tpu.vector_load %arg13[%get3A_261, %get3A_262] {strides = array<i32>} : memref<128x128xf32, #tpu.memory_space<vmem>>, vector<16xf32>,
          %mul3A_264 = arith.mulf %get3A_263, %gather3A_232 : vector<16xf32>
          %swap3A_265 = arith.index_cast %scan3A_230 : i32 to index
          %swap3A_266 = arith.constant 64 : index
          %swap3A_267 = tpu.vector_load %arg13[%swap3A_265, %swap3A_266] {strides = array<i32>} : memref<128x128xf32, #tpu.memory_space<vmem>>, vector<16xf32>,
          tpu.vector_store %arg13[%swap3A_265, %swap3A_266], %mul3A_264 {strides = array<i32>} : memref<128x128xf32, #tpu.memory_space<vmem>>, vector<16xf32>,
          %get3A_268 = arith.index_cast %scan3A_230 : i32 to index
          %get3A_269 = arith.constant 80 : index
          %get3A_270 = tpu.vector_load %arg13[%get3A_268, %get3A_269] {strides = array<i32>} : memref<128x128xf32, #tpu.memory_space<vmem>>, vector<16xf32>,
          %mul3A_271 = arith.mulf %get3A_270, %gather3A_232 : vector<16xf32>
          %swap3A_272 = arith.index_cast %scan3A_230 : i32 to index
          %swap3A_273 = arith.constant 80 : index
          %swap3A_274 = tpu.vector_load %arg13[%swap3A_272, %swap3A_273] {strides = array<i32>} : memref<128x128xf32, #tpu.memory_space<vmem>>, vector<16xf32>,
          tpu.vector_store %arg13[%swap3A_272, %swap3A_273], %mul3A_271 {strides = array<i32>} : memref<128x128xf32, #tpu.memory_space<vmem>>, vector<16xf32>,
          %get3A_275 = arith.index_cast %scan3A_230 : i32 to index
          %get3A_276 = arith.constant 96 : index
          %get3A_277 = tpu.vector_load %arg13[%get3A_275, %get3A_276] {strides = array<i32>} : memref<128x128xf32, #tpu.memory_space<vmem>>, vector<16xf32>,
          %mul3A_278 = arith.mulf %get3A_277, %gather3A_232 : vector<16xf32>
          %swap3A_279 = arith.index_cast %scan3A_230 : i32 to index
          %swap3A_280 = arith.constant 96 : index
          %swap3A_281 = tpu.vector_load %arg13[%swap3A_279, %swap3A_280] {strides = array<i32>} : memref<128x128xf32, #tpu.memory_space<vmem>>, vector<16xf32>,
          tpu.vector_store %arg13[%swap3A_279, %swap3A_280], %mul3A_278 {strides = array<i32>} : memref<128x128xf32, #tpu.memory_space<vmem>>, vector<16xf32>,
          %get3A_282 = arith.index_cast %scan3A_230 : i32 to index
          %get3A_283 = arith.constant 112 : index
          %get3A_284 = tpu.vector_load %arg13[%get3A_282, %get3A_283] {strides = array<i32>} : memref<128x128xf32, #tpu.memory_space<vmem>>, vector<16xf32>,
          %mul3A_285 = arith.mulf %get3A_284, %gather3A_232 : vector<16xf32>
          %swap3A_286 = arith.index_cast %scan3A_230 : i32 to index
          %swap3A_287 = arith.constant 112 : index
          %swap3A_288 = tpu.vector_load %arg13[%swap3A_286, %swap3A_287] {strides = array<i32>} : memref<128x128xf32, #tpu.memory_space<vmem>>, vector<16xf32>,
          tpu.vector_store %arg13[%swap3A_286, %swap3A_287], %mul3A_285 {strides = array<i32>} : memref<128x128xf32, #tpu.memory_space<vmem>>, vector<16xf32>,
          %scan3A_289 = arith.constant 0 : i32
          scf.yield %scan3A_289 : i32
        }
        %scan3A_159 = arith.constant 128 : i32
        "tpu.region"() ({
          %run_scoped3A = tpu.sem_alloc : memref<!tpu.dma_semaphore, #tpu.memory_space<semaphore_mem>>
          %dma_start3A_171 = arith.constant 0 : i32
          %dma_start3A_172 = arith.constant 0 : i32
          %dma_start3A_173 = tpu.memref_slice %arg23[%dma_start3A_171, %dma_start3A_172] : memref<10240x128xf32, #tpu.memory_space<vmem_shared>> -> memref<10240x128xf32, #tpu.memory_space<vmem_shared>>
          tpu.enqueue_indirect_dma source(%arg13 : memref<128x128xf32, #tpu.memory_space<vmem>>) target(%dma_start3A_173 : memref<10240x128xf32, #tpu.memory_space<vmem_shared>>) offsets(%arg9 : memref<128xi32, #tpu.memory_space<vmem>>) semaphore(%run_scoped3A : memref<!tpu.dma_semaphore, #tpu.memory_space<semaphore_mem>>) {add = true}
          %dma_wait3A_174 = arith.constant 0 : i32
          %dma_wait3A_175 = arith.constant 0 : i32
          %dma_wait3A_176 = tpu.memref_slice %arg23[%dma_wait3A_174, %dma_wait3A_175] : memref<10240x128xf32, #tpu.memory_space<vmem_shared>> -> memref<10240x128xf32, #tpu.memory_space<vmem_shared>>
          tpu.wait_indirect_dma semaphore(%run_scoped3A : memref<!tpu.dma_semaphore, #tpu.memory_space<semaphore_mem>>) src(%arg13 : memref<128x128xf32, #tpu.memory_space<vmem>>) dst(%dma_wait3A_176 : memref<10240x128xf32, #tpu.memory_space<vmem_shared>>)
          tpu.yield
        }) : () -> ()
        %dma_wait3A_160 = arith.constant 0 : i32
        %dma_wait3A_161 = arith.constant 0 : i32
        %dma_wait3A_162 = tpu.memref_slice %arg2[%dma_wait3A_160, %dma_wait3A_161] : memref<10000x128xf32, #tpu.memory_space<hbm>> -> memref<10000x128xf32, #tpu.memory_space<hbm>>
        tpu.wait_indirect_dma semaphore(%arg22 : memref<!tpu.dma_semaphore, #tpu.memory_space<semaphore_mem>>) src(%dma_wait3A_162 : memref<10000x128xf32, #tpu.memory_space<hbm>>) dst(%arg14 : memref<128x128xf32, #tpu.memory_space<vmem>>)
        %scan3A_163 = arith.constant 0 : i32
        %scan3A_164 = arith.constant 0 : i32
        %scan3A_165 = arith.constant 128 : i32
        %scan3A_166 = arith.addi %scan3A_164, %scan3A_165 : i32
        %scan3A_167 = arith.constant 2 : i32
        %scan3A_168 = scf.for %scan3A_171 = %scan3A_164 to %scan3A_166 step %scan3A_167 iter_args(%scan3A_172 = %scan3A_163) -> (i32)  : i32 {
          %broadcast_in_dim3A_173 = vector.broadcast %scan3A_171 : i32 to vector<16xi32>
          %gather3A = tpu.vector_load_idx %arg12[%broadcast_in_dim3A_173] : memref<128xf32, #tpu.memory_space<vmem>>[vector<16xi32>], vector<16xf32>,
          %get3A = arith.index_cast %scan3A_171 : i32 to index
          %get3A_174 = arith.constant 0 : index
          %get3A_175 = tpu.vector_load %arg14[%get3A, %get3A_174] {strides = array<i32>} : memref<128x128xf32, #tpu.memory_space<vmem>>, vector<16xf32>,
          %mul3A_176 = arith.mulf %get3A_175, %gather3A : vector<16xf32>
          %swap3A = arith.index_cast %scan3A_171 : i32 to index
          %swap3A_177 = arith.constant 0 : index
          %swap3A_178 = tpu.vector_load %arg14[%swap3A, %swap3A_177] {strides = array<i32>} : memref<128x128xf32, #tpu.memory_space<vmem>>, vector<16xf32>,
          tpu.vector_store %arg14[%swap3A, %swap3A_177], %mul3A_176 {strides = array<i32>} : memref<128x128xf32, #tpu.memory_space<vmem>>, vector<16xf32>,
          %get3A_179 = arith.index_cast %scan3A_171 : i32 to index
          %get3A_180 = arith.constant 16 : index
          %get3A_181 = tpu.vector_load %arg14[%get3A_179, %get3A_180] {strides = array<i32>} : memref<128x128xf32, #tpu.memory_space<vmem>>, vector<16xf32>,
          %mul3A_182 = arith.mulf %get3A_181, %gather3A : vector<16xf32>
          %swap3A_183 = arith.index_cast %scan3A_171 : i32 to index
          %swap3A_184 = arith.constant 16 : index
          %swap3A_185 = tpu.vector_load %arg14[%swap3A_183, %swap3A_184] {strides = array<i32>} : memref<128x128xf32, #tpu.memory_space<vmem>>, vector<16xf32>,
          tpu.vector_store %arg14[%swap3A_183, %swap3A_184], %mul3A_182 {strides = array<i32>} : memref<128x128xf32, #tpu.memory_space<vmem>>, vector<16xf32>,
          %get3A_186 = arith.index_cast %scan3A_171 : i32 to index
          %get3A_187 = arith.constant 32 : index
          %get3A_188 = tpu.vector_load %arg14[%get3A_186, %get3A_187] {strides = array<i32>} : memref<128x128xf32, #tpu.memory_space<vmem>>, vector<16xf32>,
          %mul3A_189 = arith.mulf %get3A_188, %gather3A : vector<16xf32>
          %swap3A_190 = arith.index_cast %scan3A_171 : i32 to index
          %swap3A_191 = arith.constant 32 : index
          %swap3A_192 = tpu.vector_load %arg14[%swap3A_190, %swap3A_191] {strides = array<i32>} : memref<128x128xf32, #tpu.memory_space<vmem>>, vector<16xf32>,
          tpu.vector_store %arg14[%swap3A_190, %swap3A_191], %mul3A_189 {strides = array<i32>} : memref<128x128xf32, #tpu.memory_space<vmem>>, vector<16xf32>,
          %get3A_193 = arith.index_cast %scan3A_171 : i32 to index
          %get3A_194 = arith.constant 48 : index
          %get3A_195 = tpu.vector_load %arg14[%get3A_193, %get3A_194] {strides = array<i32>} : memref<128x128xf32, #tpu.memory_space<vmem>>, vector<16xf32>,
          %mul3A_196 = arith.mulf %get3A_195, %gather3A : vector<16xf32>
          %swap3A_197 = arith.index_cast %scan3A_171 : i32 to index
          %swap3A_198 = arith.constant 48 : index
          %swap3A_199 = tpu.vector_load %arg14[%swap3A_197, %swap3A_198] {strides = array<i32>} : memref<128x128xf32, #tpu.memory_space<vmem>>, vector<16xf32>,
          tpu.vector_store %arg14[%swap3A_197, %swap3A_198], %mul3A_196 {strides = array<i32>} : memref<128x128xf32, #tpu.memory_space<vmem>>, vector<16xf32>,
          %get3A_200 = arith.index_cast %scan3A_171 : i32 to index
          %get3A_201 = arith.constant 64 : index
          %get3A_202 = tpu.vector_load %arg14[%get3A_200, %get3A_201] {strides = array<i32>} : memref<128x128xf32, #tpu.memory_space<vmem>>, vector<16xf32>,
          %mul3A_203 = arith.mulf %get3A_202, %gather3A : vector<16xf32>
          %swap3A_204 = arith.index_cast %scan3A_171 : i32 to index
          %swap3A_205 = arith.constant 64 : index
          %swap3A_206 = tpu.vector_load %arg14[%swap3A_204, %swap3A_205] {strides = array<i32>} : memref<128x128xf32, #tpu.memory_space<vmem>>, vector<16xf32>,
          tpu.vector_store %arg14[%swap3A_204, %swap3A_205], %mul3A_203 {strides = array<i32>} : memref<128x128xf32, #tpu.memory_space<vmem>>, vector<16xf32>,
          %get3A_207 = arith.index_cast %scan3A_171 : i32 to index
          %get3A_208 = arith.constant 80 : index
          %get3A_209 = tpu.vector_load %arg14[%get3A_207, %get3A_208] {strides = array<i32>} : memref<128x128xf32, #tpu.memory_space<vmem>>, vector<16xf32>,
          %mul3A_210 = arith.mulf %get3A_209, %gather3A : vector<16xf32>
          %swap3A_211 = arith.index_cast %scan3A_171 : i32 to index
          %swap3A_212 = arith.constant 80 : index
          %swap3A_213 = tpu.vector_load %arg14[%swap3A_211, %swap3A_212] {strides = array<i32>} : memref<128x128xf32, #tpu.memory_space<vmem>>, vector<16xf32>,
          tpu.vector_store %arg14[%swap3A_211, %swap3A_212], %mul3A_210 {strides = array<i32>} : memref<128x128xf32, #tpu.memory_space<vmem>>, vector<16xf32>,
          %get3A_214 = arith.index_cast %scan3A_171 : i32 to index
          %get3A_215 = arith.constant 96 : index
          %get3A_216 = tpu.vector_load %arg14[%get3A_214, %get3A_215] {strides = array<i32>} : memref<128x128xf32, #tpu.memory_space<vmem>>, vector<16xf32>,
          %mul3A_217 = arith.mulf %get3A_216, %gather3A : vector<16xf32>
          %swap3A_218 = arith.index_cast %scan3A_171 : i32 to index
          %swap3A_219 = arith.constant 96 : index
          %swap3A_220 = tpu.vector_load %arg14[%swap3A_218, %swap3A_219] {strides = array<i32>} : memref<128x128xf32, #tpu.memory_space<vmem>>, vector<16xf32>,
          tpu.vector_store %arg14[%swap3A_218, %swap3A_219], %mul3A_217 {strides = array<i32>} : memref<128x128xf32, #tpu.memory_space<vmem>>, vector<16xf32>,
          %get3A_221 = arith.index_cast %scan3A_171 : i32 to index
          %get3A_222 = arith.constant 112 : index
          %get3A_223 = tpu.vector_load %arg14[%get3A_221, %get3A_222] {strides = array<i32>} : memref<128x128xf32, #tpu.memory_space<vmem>>, vector<16xf32>,
          %mul3A_224 = arith.mulf %get3A_223, %gather3A : vector<16xf32>
          %swap3A_225 = arith.index_cast %scan3A_171 : i32 to index
          %swap3A_226 = arith.constant 112 : index
          %swap3A_227 = tpu.vector_load %arg14[%swap3A_225, %swap3A_226] {strides = array<i32>} : memref<128x128xf32, #tpu.memory_space<vmem>>, vector<16xf32>,
          tpu.vector_store %arg14[%swap3A_225, %swap3A_226], %mul3A_224 {strides = array<i32>} : memref<128x128xf32, #tpu.memory_space<vmem>>, vector<16xf32>,
          %scan3A_228 = arith.constant 0 : i32
          %scan3A_229 = arith.constant 1 : i32
          %scan3A_230 = arith.addi %scan3A_171, %scan3A_229 : i32
          %broadcast_in_dim3A_231 = vector.broadcast %scan3A_230 : i32 to vector<16xi32>
          %gather3A_232 = tpu.vector_load_idx %arg12[%broadcast_in_dim3A_231] : memref<128xf32, #tpu.memory_space<vmem>>[vector<16xi32>], vector<16xf32>,
          %get3A_233 = arith.index_cast %scan3A_230 : i32 to index
          %get3A_234 = arith.constant 0 : index
          %get3A_235 = tpu.vector_load %arg14[%get3A_233, %get3A_234] {strides = array<i32>} : memref<128x128xf32, #tpu.memory_space<vmem>>, vector<16xf32>,
          %mul3A_236 = arith.mulf %get3A_235, %gather3A_232 : vector<16xf32>
          %swap3A_237 = arith.index_cast %scan3A_230 : i32 to index
          %swap3A_238 = arith.constant 0 : index
          %swap3A_239 = tpu.vector_load %arg14[%swap3A_237, %swap3A_238] {strides = array<i32>} : memref<128x128xf32, #tpu.memory_space<vmem>>, vector<16xf32>,
          tpu.vector_store %arg14[%swap3A_237, %swap3A_238], %mul3A_236 {strides = array<i32>} : memref<128x128xf32, #tpu.memory_space<vmem>>, vector<16xf32>,
          %get3A_240 = arith.index_cast %scan3A_230 : i32 to index
          %get3A_241 = arith.constant 16 : index
          %get3A_242 = tpu.vector_load %arg14[%get3A_240, %get3A_241] {strides = array<i32>} : memref<128x128xf32, #tpu.memory_space<vmem>>, vector<16xf32>,
          %mul3A_243 = arith.mulf %get3A_242, %gather3A_232 : vector<16xf32>
          %swap3A_244 = arith.index_cast %scan3A_230 : i32 to index
          %swap3A_245 = arith.constant 16 : index
          %swap3A_246 = tpu.vector_load %arg14[%swap3A_244, %swap3A_245] {strides = array<i32>} : memref<128x128xf32, #tpu.memory_space<vmem>>, vector<16xf32>,
          tpu.vector_store %arg14[%swap3A_244, %swap3A_245], %mul3A_243 {strides = array<i32>} : memref<128x128xf32, #tpu.memory_space<vmem>>, vector<16xf32>,
          %get3A_247 = arith.index_cast %scan3A_230 : i32 to index
          %get3A_248 = arith.constant 32 : index
          %get3A_249 = tpu.vector_load %arg14[%get3A_247, %get3A_248] {strides = array<i32>} : memref<128x128xf32, #tpu.memory_space<vmem>>, vector<16xf32>,
          %mul3A_250 = arith.mulf %get3A_249, %gather3A_232 : vector<16xf32>
          %swap3A_251 = arith.index_cast %scan3A_230 : i32 to index
          %swap3A_252 = arith.constant 32 : index
          %swap3A_253 = tpu.vector_load %arg14[%swap3A_251, %swap3A_252] {strides = array<i32>} : memref<128x128xf32, #tpu.memory_space<vmem>>, vector<16xf32>,
          tpu.vector_store %arg14[%swap3A_251, %swap3A_252], %mul3A_250 {strides = array<i32>} : memref<128x128xf32, #tpu.memory_space<vmem>>, vector<16xf32>,
          %get3A_254 = arith.index_cast %scan3A_230 : i32 to index
          %get3A_255 = arith.constant 48 : index
          %get3A_256 = tpu.vector_load %arg14[%get3A_254, %get3A_255] {strides = array<i32>} : memref<128x128xf32, #tpu.memory_space<vmem>>, vector<16xf32>,
          %mul3A_257 = arith.mulf %get3A_256, %gather3A_232 : vector<16xf32>
          %swap3A_258 = arith.index_cast %scan3A_230 : i32 to index
          %swap3A_259 = arith.constant 48 : index
          %swap3A_260 = tpu.vector_load %arg14[%swap3A_258, %swap3A_259] {strides = array<i32>} : memref<128x128xf32, #tpu.memory_space<vmem>>, vector<16xf32>,
          tpu.vector_store %arg14[%swap3A_258, %swap3A_259], %mul3A_257 {strides = array<i32>} : memref<128x128xf32, #tpu.memory_space<vmem>>, vector<16xf32>,
          %get3A_261 = arith.index_cast %scan3A_230 : i32 to index
          %get3A_262 = arith.constant 64 : index
          %get3A_263 = tpu.vector_load %arg14[%get3A_261, %get3A_262] {strides = array<i32>} : memref<128x128xf32, #tpu.memory_space<vmem>>, vector<16xf32>,
          %mul3A_264 = arith.mulf %get3A_263, %gather3A_232 : vector<16xf32>
          %swap3A_265 = arith.index_cast %scan3A_230 : i32 to index
          %swap3A_266 = arith.constant 64 : index
          %swap3A_267 = tpu.vector_load %arg14[%swap3A_265, %swap3A_266] {strides = array<i32>} : memref<128x128xf32, #tpu.memory_space<vmem>>, vector<16xf32>,
          tpu.vector_store %arg14[%swap3A_265, %swap3A_266], %mul3A_264 {strides = array<i32>} : memref<128x128xf32, #tpu.memory_space<vmem>>, vector<16xf32>,
          %get3A_268 = arith.index_cast %scan3A_230 : i32 to index
          %get3A_269 = arith.constant 80 : index
          %get3A_270 = tpu.vector_load %arg14[%get3A_268, %get3A_269] {strides = array<i32>} : memref<128x128xf32, #tpu.memory_space<vmem>>, vector<16xf32>,
          %mul3A_271 = arith.mulf %get3A_270, %gather3A_232 : vector<16xf32>
          %swap3A_272 = arith.index_cast %scan3A_230 : i32 to index
          %swap3A_273 = arith.constant 80 : index
          %swap3A_274 = tpu.vector_load %arg14[%swap3A_272, %swap3A_273] {strides = array<i32>} : memref<128x128xf32, #tpu.memory_space<vmem>>, vector<16xf32>,
          tpu.vector_store %arg14[%swap3A_272, %swap3A_273], %mul3A_271 {strides = array<i32>} : memref<128x128xf32, #tpu.memory_space<vmem>>, vector<16xf32>,
          %get3A_275 = arith.index_cast %scan3A_230 : i32 to index
          %get3A_276 = arith.constant 96 : index
          %get3A_277 = tpu.vector_load %arg14[%get3A_275, %get3A_276] {strides = array<i32>} : memref<128x128xf32, #tpu.memory_space<vmem>>, vector<16xf32>,
          %mul3A_278 = arith.mulf %get3A_277, %gather3A_232 : vector<16xf32>
          %swap3A_279 = arith.index_cast %scan3A_230 : i32 to index
          %swap3A_280 = arith.constant 96 : index
          %swap3A_281 = tpu.vector_load %arg14[%swap3A_279, %swap3A_280] {strides = array<i32>} : memref<128x128xf32, #tpu.memory_space<vmem>>, vector<16xf32>,
          tpu.vector_store %arg14[%swap3A_279, %swap3A_280], %mul3A_278 {strides = array<i32>} : memref<128x128xf32, #tpu.memory_space<vmem>>, vector<16xf32>,
          %get3A_282 = arith.index_cast %scan3A_230 : i32 to index
          %get3A_283 = arith.constant 112 : index
          %get3A_284 = tpu.vector_load %arg14[%get3A_282, %get3A_283] {strides = array<i32>} : memref<128x128xf32, #tpu.memory_space<vmem>>, vector<16xf32>,
          %mul3A_285 = arith.mulf %get3A_284, %gather3A_232 : vector<16xf32>
          %swap3A_286 = arith.index_cast %scan3A_230 : i32 to index
          %swap3A_287 = arith.constant 112 : index
          %swap3A_288 = tpu.vector_load %arg14[%swap3A_286, %swap3A_287] {strides = array<i32>} : memref<128x128xf32, #tpu.memory_space<vmem>>, vector<16xf32>,
          tpu.vector_store %arg14[%swap3A_286, %swap3A_287], %mul3A_285 {strides = array<i32>} : memref<128x128xf32, #tpu.memory_space<vmem>>, vector<16xf32>,
          %scan3A_289 = arith.constant 0 : i32
          scf.yield %scan3A_289 : i32
        }
        %scan3A_169 = arith.constant 128 : i32
        "tpu.region"() ({
          %run_scoped3A = tpu.sem_alloc : memref<!tpu.dma_semaphore, #tpu.memory_space<semaphore_mem>>
          %dma_start3A_171 = arith.constant 0 : i32
          %dma_start3A_172 = arith.constant 0 : i32
          %dma_start3A_173 = tpu.memref_slice %arg23[%dma_start3A_171, %dma_start3A_172] : memref<10240x128xf32, #tpu.memory_space<vmem_shared>> -> memref<10240x128xf32, #tpu.memory_space<vmem_shared>>
          tpu.enqueue_indirect_dma source(%arg14 : memref<128x128xf32, #tpu.memory_space<vmem>>) target(%dma_start3A_173 : memref<10240x128xf32, #tpu.memory_space<vmem_shared>>) offsets(%arg10 : memref<128xi32, #tpu.memory_space<vmem>>) semaphore(%run_scoped3A : memref<!tpu.dma_semaphore, #tpu.memory_space<semaphore_mem>>) {add = true}
          %dma_wait3A_174 = arith.constant 0 : i32
          %dma_wait3A_175 = arith.constant 0 : i32
          %dma_wait3A_176 = tpu.memref_slice %arg23[%dma_wait3A_174, %dma_wait3A_175] : memref<10240x128xf32, #tpu.memory_space<vmem_shared>> -> memref<10240x128xf32, #tpu.memory_space<vmem_shared>>
          tpu.wait_indirect_dma semaphore(%run_scoped3A : memref<!tpu.dma_semaphore, #tpu.memory_space<semaphore_mem>>) src(%arg14 : memref<128x128xf32, #tpu.memory_space<vmem>>) dst(%dma_wait3A_176 : memref<10240x128xf32, #tpu.memory_space<vmem_shared>>)
          tpu.yield
        }) : () -> ()
        %scan3A_170 = arith.constant 0 : i32
        scf.yield %scan3A_170 : i32
      }
      %scan3A_57 = arith.constant 56 : i32
    } else {
    }
    %eq3A_41 = arith.constant 1 : i32
    %eq3A_42 = arith.cmpi eq, %arg0, %eq3A_41 : i32
    %convert_element_type3A_43 = arith.extui %eq3A_42 : i1 to i32
    %cond3A_44 = arith.constant 0 : i32
    %cond3A_45 = arith.cmpi ne, %convert_element_type3A_43, %cond3A_44 : i32
    scf.if %cond3A_45 {
      %scan3A_51 = arith.constant 0 : i32
      %scan3A_52 = arith.constant 0 : i32
      %scan3A_53 = arith.constant 24 : i32
      %scan3A_54 = arith.addi %scan3A_52, %scan3A_53 : i32
      %scan3A_55 = arith.constant 1 : i32
      %scan3A_56 = scf.for %scan3A_58 = %scan3A_52 to %scan3A_54 step %scan3A_55 iter_args(%scan3A_59 = %scan3A_51) -> (i32)  : i32 {
        %mul3A_60 = arith.constant 2 : i32
        %mul3A_61 = arith.muli %mul3A_60, %scan3A_58 : i32
        %add3A_62 = arith.addi %add3A_5, %mul3A_61 : i32
        %dma_start3A = arith.constant 0 : i32
        %dma_start3A_63 = tpu.memref_slice %arg3[%add3A_62, %dma_start3A] : memref<2560x128xi32, #tpu.memory_space<hbm>> -> memref<1x128xi32, #tpu.memory_space<hbm>>
        %dma_start3A_64 = tpu.memref_squeeze %dma_start3A_63 : memref<1x128xi32, #tpu.memory_space<hbm>> -> memref<128xi32, #tpu.memory_space<hbm>>
        %dma_start3A_65 = arith.constant 0 : i32
        %dma_start3A_66 = tpu.memref_slice %arg3[%add3A_62, %dma_start3A_65] : memref<2560x128xi32, #tpu.memory_space<hbm>> -> memref<1x128xi32, #tpu.memory_space<hbm>>
        %dma_start3A_67 = tpu.memref_squeeze %dma_start3A_66 : memref<1x128xi32, #tpu.memory_space<hbm>> -> memref<128xi32, #tpu.memory_space<hbm>>
        tpu.enqueue_dma source(%dma_start3A_67 : memref<128xi32, #tpu.memory_space<hbm>>) target(%arg7 : memref<128xi32, #tpu.memory_space<vmem>>) target_semaphore(%arg15 : memref<!tpu.dma_semaphore, #tpu.memory_space<semaphore_mem>>)
        %add3A_68 = arith.addi %add3A_5, %mul3A_61 : i32
        %add3A_69 = arith.constant 1 : i32
        %add3A_70 = arith.addi %add3A_68, %add3A_69 : i32
        %dma_start3A_71 = arith.constant 0 : i32
        %dma_start3A_72 = tpu.memref_slice %arg3[%add3A_70, %dma_start3A_71] : memref<2560x128xi32, #tpu.memory_space<hbm>> -> memref<1x128xi32, #tpu.memory_space<hbm>>
        %dma_start3A_73 = tpu.memref_squeeze %dma_start3A_72 : memref<1x128xi32, #tpu.memory_space<hbm>> -> memref<128xi32, #tpu.memory_space<hbm>>
        %dma_start3A_74 = arith.constant 0 : i32
        %dma_start3A_75 = tpu.memref_slice %arg3[%add3A_70, %dma_start3A_74] : memref<2560x128xi32, #tpu.memory_space<hbm>> -> memref<1x128xi32, #tpu.memory_space<hbm>>
        %dma_start3A_76 = tpu.memref_squeeze %dma_start3A_75 : memref<1x128xi32, #tpu.memory_space<hbm>> -> memref<128xi32, #tpu.memory_space<hbm>>
        tpu.enqueue_dma source(%dma_start3A_76 : memref<128xi32, #tpu.memory_space<hbm>>) target(%arg8 : memref<128xi32, #tpu.memory_space<vmem>>) target_semaphore(%arg16 : memref<!tpu.dma_semaphore, #tpu.memory_space<semaphore_mem>>)
        %add3A_77 = arith.addi %add3A_5, %mul3A_61 : i32
        %dma_start3A_78 = arith.constant 0 : i32
        %dma_start3A_79 = tpu.memref_slice %arg4[%add3A_77, %dma_start3A_78] : memref<2560x128xi32, #tpu.memory_space<hbm>> -> memref<1x128xi32, #tpu.memory_space<hbm>>
        %dma_start3A_80 = tpu.memref_squeeze %dma_start3A_79 : memref<1x128xi32, #tpu.memory_space<hbm>> -> memref<128xi32, #tpu.memory_space<hbm>>
        %dma_start3A_81 = arith.constant 0 : i32
        %dma_start3A_82 = tpu.memref_slice %arg4[%add3A_77, %dma_start3A_81] : memref<2560x128xi32, #tpu.memory_space<hbm>> -> memref<1x128xi32, #tpu.memory_space<hbm>>
        %dma_start3A_83 = tpu.memref_squeeze %dma_start3A_82 : memref<1x128xi32, #tpu.memory_space<hbm>> -> memref<128xi32, #tpu.memory_space<hbm>>
        tpu.enqueue_dma source(%dma_start3A_83 : memref<128xi32, #tpu.memory_space<hbm>>) target(%arg9 : memref<128xi32, #tpu.memory_space<vmem>>) target_semaphore(%arg17 : memref<!tpu.dma_semaphore, #tpu.memory_space<semaphore_mem>>)
        %add3A_84 = arith.addi %add3A_5, %mul3A_61 : i32
        %add3A_85 = arith.constant 1 : i32
        %add3A_86 = arith.addi %add3A_84, %add3A_85 : i32
        %dma_start3A_87 = arith.constant 0 : i32
        %dma_start3A_88 = tpu.memref_slice %arg4[%add3A_86, %dma_start3A_87] : memref<2560x128xi32, #tpu.memory_space<hbm>> -> memref<1x128xi32, #tpu.memory_space<hbm>>
        %dma_start3A_89 = tpu.memref_squeeze %dma_start3A_88 : memref<1x128xi32, #tpu.memory_space<hbm>> -> memref<128xi32, #tpu.memory_space<hbm>>
        %dma_start3A_90 = arith.constant 0 : i32
        %dma_start3A_91 = tpu.memref_slice %arg4[%add3A_86, %dma_start3A_90] : memref<2560x128xi32, #tpu.memory_space<hbm>> -> memref<1x128xi32, #tpu.memory_space<hbm>>
        %dma_start3A_92 = tpu.memref_squeeze %dma_start3A_91 : memref<1x128xi32, #tpu.memory_space<hbm>> -> memref<128xi32, #tpu.memory_space<hbm>>
        tpu.enqueue_dma source(%dma_start3A_92 : memref<128xi32, #tpu.memory_space<hbm>>) target(%arg10 : memref<128xi32, #tpu.memory_space<vmem>>) target_semaphore(%arg18 : memref<!tpu.dma_semaphore, #tpu.memory_space<semaphore_mem>>)
        %add3A_93 = arith.addi %add3A_5, %mul3A_61 : i32
        %dma_start3A_94 = arith.constant 0 : i32
        %dma_start3A_95 = tpu.memref_slice %arg5[%add3A_93, %dma_start3A_94] : memref<2560x128xf32, #tpu.memory_space<hbm>> -> memref<1x128xf32, #tpu.memory_space<hbm>>
        %dma_start3A_96 = tpu.memref_squeeze %dma_start3A_95 : memref<1x128xf32, #tpu.memory_space<hbm>> -> memref<128xf32, #tpu.memory_space<hbm>>
        %dma_start3A_97 = arith.constant 0 : i32
        %dma_start3A_98 = tpu.memref_slice %arg5[%add3A_93, %dma_start3A_97] : memref<2560x128xf32, #tpu.memory_space<hbm>> -> memref<1x128xf32, #tpu.memory_space<hbm>>
        %dma_start3A_99 = tpu.memref_squeeze %dma_start3A_98 : memref<1x128xf32, #tpu.memory_space<hbm>> -> memref<128xf32, #tpu.memory_space<hbm>>
        tpu.enqueue_dma source(%dma_start3A_99 : memref<128xf32, #tpu.memory_space<hbm>>) target(%arg11 : memref<128xf32, #tpu.memory_space<vmem>>) target_semaphore(%arg19 : memref<!tpu.dma_semaphore, #tpu.memory_space<semaphore_mem>>)
        %add3A_100 = arith.addi %add3A_5, %mul3A_61 : i32
        %add3A_101 = arith.constant 1 : i32
        %add3A_102 = arith.addi %add3A_100, %add3A_101 : i32
        %dma_start3A_103 = arith.constant 0 : i32
        %dma_start3A_104 = tpu.memref_slice %arg5[%add3A_102, %dma_start3A_103] : memref<2560x128xf32, #tpu.memory_space<hbm>> -> memref<1x128xf32, #tpu.memory_space<hbm>>
        %dma_start3A_105 = tpu.memref_squeeze %dma_start3A_104 : memref<1x128xf32, #tpu.memory_space<hbm>> -> memref<128xf32, #tpu.memory_space<hbm>>
        %dma_start3A_106 = arith.constant 0 : i32
        %dma_start3A_107 = tpu.memref_slice %arg5[%add3A_102, %dma_start3A_106] : memref<2560x128xf32, #tpu.memory_space<hbm>> -> memref<1x128xf32, #tpu.memory_space<hbm>>
        %dma_start3A_108 = tpu.memref_squeeze %dma_start3A_107 : memref<1x128xf32, #tpu.memory_space<hbm>> -> memref<128xf32, #tpu.memory_space<hbm>>
        tpu.enqueue_dma source(%dma_start3A_108 : memref<128xf32, #tpu.memory_space<hbm>>) target(%arg12 : memref<128xf32, #tpu.memory_space<vmem>>) target_semaphore(%arg20 : memref<!tpu.dma_semaphore, #tpu.memory_space<semaphore_mem>>)
        %dma_wait3A = arith.constant 0 : i32
        %dma_wait3A_109 = tpu.memref_slice %arg3[%add3A_62, %dma_wait3A] : memref<2560x128xi32, #tpu.memory_space<hbm>> -> memref<1x128xi32, #tpu.memory_space<hbm>>
        %dma_wait3A_110 = tpu.memref_squeeze %dma_wait3A_109 : memref<1x128xi32, #tpu.memory_space<hbm>> -> memref<128xi32, #tpu.memory_space<hbm>>
        %dma_wait3A_111 = arith.constant 0 : i32
        %dma_wait3A_112 = tpu.memref_slice %arg3[%add3A_62, %dma_wait3A_111] : memref<2560x128xi32, #tpu.memory_space<hbm>> -> memref<1x128xi32, #tpu.memory_space<hbm>>
        %dma_wait3A_113 = tpu.memref_squeeze %dma_wait3A_112 : memref<1x128xi32, #tpu.memory_space<hbm>> -> memref<128xi32, #tpu.memory_space<hbm>>
        tpu.wait_dma2 semaphore(%arg15 : memref<!tpu.dma_semaphore, #tpu.memory_space<semaphore_mem>>) src(%dma_wait3A_113 : memref<128xi32, #tpu.memory_space<hbm>>) dst(%arg7 : memref<128xi32, #tpu.memory_space<vmem>>)
        %dma_start3A_114 = arith.constant 0 : i32
        %dma_start3A_115 = arith.constant 0 : i32
        %dma_start3A_116 = tpu.memref_slice %arg2[%dma_start3A_114, %dma_start3A_115] : memref<10000x128xf32, #tpu.memory_space<hbm>> -> memref<10000x128xf32, #tpu.memory_space<hbm>>
        tpu.enqueue_indirect_dma source(%dma_start3A_116 : memref<10000x128xf32, #tpu.memory_space<hbm>>) target(%arg13 : memref<128x128xf32, #tpu.memory_space<vmem>>) offsets(%arg7 : memref<128xi32, #tpu.memory_space<vmem>>) semaphore(%arg21 : memref<!tpu.dma_semaphore, #tpu.memory_space<semaphore_mem>>)
        %dma_wait3A_117 = arith.constant 0 : i32
        %dma_wait3A_118 = tpu.memref_slice %arg5[%add3A_93, %dma_wait3A_117] : memref<2560x128xf32, #tpu.memory_space<hbm>> -> memref<1x128xf32, #tpu.memory_space<hbm>>
        %dma_wait3A_119 = tpu.memref_squeeze %dma_wait3A_118 : memref<1x128xf32, #tpu.memory_space<hbm>> -> memref<128xf32, #tpu.memory_space<hbm>>
        %dma_wait3A_120 = arith.constant 0 : i32
        %dma_wait3A_121 = tpu.memref_slice %arg5[%add3A_93, %dma_wait3A_120] : memref<2560x128xf32, #tpu.memory_space<hbm>> -> memref<1x128xf32, #tpu.memory_space<hbm>>
        %dma_wait3A_122 = tpu.memref_squeeze %dma_wait3A_121 : memref<1x128xf32, #tpu.memory_space<hbm>> -> memref<128xf32, #tpu.memory_space<hbm>>
        tpu.wait_dma2 semaphore(%arg19 : memref<!tpu.dma_semaphore, #tpu.memory_space<semaphore_mem>>) src(%dma_wait3A_122 : memref<128xf32, #tpu.memory_space<hbm>>) dst(%arg11 : memref<128xf32, #tpu.memory_space<vmem>>)
        %dma_wait3A_123 = arith.constant 0 : i32
        %dma_wait3A_124 = tpu.memref_slice %arg5[%add3A_102, %dma_wait3A_123] : memref<2560x128xf32, #tpu.memory_space<hbm>> -> memref<1x128xf32, #tpu.memory_space<hbm>>
        %dma_wait3A_125 = tpu.memref_squeeze %dma_wait3A_124 : memref<1x128xf32, #tpu.memory_space<hbm>> -> memref<128xf32, #tpu.memory_space<hbm>>
        %dma_wait3A_126 = arith.constant 0 : i32
        %dma_wait3A_127 = tpu.memref_slice %arg5[%add3A_102, %dma_wait3A_126] : memref<2560x128xf32, #tpu.memory_space<hbm>> -> memref<1x128xf32, #tpu.memory_space<hbm>>
        %dma_wait3A_128 = tpu.memref_squeeze %dma_wait3A_127 : memref<1x128xf32, #tpu.memory_space<hbm>> -> memref<128xf32, #tpu.memory_space<hbm>>
        tpu.wait_dma2 semaphore(%arg20 : memref<!tpu.dma_semaphore, #tpu.memory_space<semaphore_mem>>) src(%dma_wait3A_128 : memref<128xf32, #tpu.memory_space<hbm>>) dst(%arg12 : memref<128xf32, #tpu.memory_space<vmem>>)
        %dma_wait3A_129 = arith.constant 0 : i32
        %dma_wait3A_130 = tpu.memref_slice %arg4[%add3A_77, %dma_wait3A_129] : memref<2560x128xi32, #tpu.memory_space<hbm>> -> memref<1x128xi32, #tpu.memory_space<hbm>>
        %dma_wait3A_131 = tpu.memref_squeeze %dma_wait3A_130 : memref<1x128xi32, #tpu.memory_space<hbm>> -> memref<128xi32, #tpu.memory_space<hbm>>
        %dma_wait3A_132 = arith.constant 0 : i32
        %dma_wait3A_133 = tpu.memref_slice %arg4[%add3A_77, %dma_wait3A_132] : memref<2560x128xi32, #tpu.memory_space<hbm>> -> memref<1x128xi32, #tpu.memory_space<hbm>>
        %dma_wait3A_134 = tpu.memref_squeeze %dma_wait3A_133 : memref<1x128xi32, #tpu.memory_space<hbm>> -> memref<128xi32, #tpu.memory_space<hbm>>
        tpu.wait_dma2 semaphore(%arg17 : memref<!tpu.dma_semaphore, #tpu.memory_space<semaphore_mem>>) src(%dma_wait3A_134 : memref<128xi32, #tpu.memory_space<hbm>>) dst(%arg9 : memref<128xi32, #tpu.memory_space<vmem>>)
        %dma_wait3A_135 = arith.constant 0 : i32
        %dma_wait3A_136 = tpu.memref_slice %arg4[%add3A_86, %dma_wait3A_135] : memref<2560x128xi32, #tpu.memory_space<hbm>> -> memref<1x128xi32, #tpu.memory_space<hbm>>
        %dma_wait3A_137 = tpu.memref_squeeze %dma_wait3A_136 : memref<1x128xi32, #tpu.memory_space<hbm>> -> memref<128xi32, #tpu.memory_space<hbm>>
        %dma_wait3A_138 = arith.constant 0 : i32
        %dma_wait3A_139 = tpu.memref_slice %arg4[%add3A_86, %dma_wait3A_138] : memref<2560x128xi32, #tpu.memory_space<hbm>> -> memref<1x128xi32, #tpu.memory_space<hbm>>
        %dma_wait3A_140 = tpu.memref_squeeze %dma_wait3A_139 : memref<1x128xi32, #tpu.memory_space<hbm>> -> memref<128xi32, #tpu.memory_space<hbm>>
        tpu.wait_dma2 semaphore(%arg18 : memref<!tpu.dma_semaphore, #tpu.memory_space<semaphore_mem>>) src(%dma_wait3A_140 : memref<128xi32, #tpu.memory_space<hbm>>) dst(%arg10 : memref<128xi32, #tpu.memory_space<vmem>>)
        %dma_wait3A_141 = arith.constant 0 : i32
        %dma_wait3A_142 = arith.constant 0 : i32
        %dma_wait3A_143 = tpu.memref_slice %arg2[%dma_wait3A_141, %dma_wait3A_142] : memref<10000x128xf32, #tpu.memory_space<hbm>> -> memref<10000x128xf32, #tpu.memory_space<hbm>>
        tpu.wait_indirect_dma semaphore(%arg21 : memref<!tpu.dma_semaphore, #tpu.memory_space<semaphore_mem>>) src(%dma_wait3A_143 : memref<10000x128xf32, #tpu.memory_space<hbm>>) dst(%arg13 : memref<128x128xf32, #tpu.memory_space<vmem>>)
        %dma_wait3A_144 = arith.constant 0 : i32
        %dma_wait3A_145 = tpu.memref_slice %arg3[%add3A_70, %dma_wait3A_144] : memref<2560x128xi32, #tpu.memory_space<hbm>> -> memref<1x128xi32, #tpu.memory_space<hbm>>
        %dma_wait3A_146 = tpu.memref_squeeze %dma_wait3A_145 : memref<1x128xi32, #tpu.memory_space<hbm>> -> memref<128xi32, #tpu.memory_space<hbm>>
        %dma_wait3A_147 = arith.constant 0 : i32
        %dma_wait3A_148 = tpu.memref_slice %arg3[%add3A_70, %dma_wait3A_147] : memref<2560x128xi32, #tpu.memory_space<hbm>> -> memref<1x128xi32, #tpu.memory_space<hbm>>
        %dma_wait3A_149 = tpu.memref_squeeze %dma_wait3A_148 : memref<1x128xi32, #tpu.memory_space<hbm>> -> memref<128xi32, #tpu.memory_space<hbm>>
        tpu.wait_dma2 semaphore(%arg16 : memref<!tpu.dma_semaphore, #tpu.memory_space<semaphore_mem>>) src(%dma_wait3A_149 : memref<128xi32, #tpu.memory_space<hbm>>) dst(%arg8 : memref<128xi32, #tpu.memory_space<vmem>>)
        %dma_start3A_150 = arith.constant 0 : i32
        %dma_start3A_151 = arith.constant 0 : i32
        %dma_start3A_152 = tpu.memref_slice %arg2[%dma_start3A_150, %dma_start3A_151] : memref<10000x128xf32, #tpu.memory_space<hbm>> -> memref<10000x128xf32, #tpu.memory_space<hbm>>
        tpu.enqueue_indirect_dma source(%dma_start3A_152 : memref<10000x128xf32, #tpu.memory_space<hbm>>) target(%arg14 : memref<128x128xf32, #tpu.memory_space<vmem>>) offsets(%arg8 : memref<128xi32, #tpu.memory_space<vmem>>) semaphore(%arg22 : memref<!tpu.dma_semaphore, #tpu.memory_space<semaphore_mem>>)
        %scan3A_153 = arith.constant 0 : i32
        %scan3A_154 = arith.constant 0 : i32
        %scan3A_155 = arith.constant 128 : i32
        %scan3A_156 = arith.addi %scan3A_154, %scan3A_155 : i32
        %scan3A_157 = arith.constant 2 : i32
        %scan3A_158 = scf.for %scan3A_171 = %scan3A_154 to %scan3A_156 step %scan3A_157 iter_args(%scan3A_172 = %scan3A_153) -> (i32)  : i32 {
          %broadcast_in_dim3A_173 = vector.broadcast %scan3A_171 : i32 to vector<16xi32>
          %gather3A = tpu.vector_load_idx %arg11[%broadcast_in_dim3A_173] : memref<128xf32, #tpu.memory_space<vmem>>[vector<16xi32>], vector<16xf32>,
          %get3A = arith.index_cast %scan3A_171 : i32 to index
          %get3A_174 = arith.constant 0 : index
          %get3A_175 = tpu.vector_load %arg13[%get3A, %get3A_174] {strides = array<i32>} : memref<128x128xf32, #tpu.memory_space<vmem>>, vector<16xf32>,
          %mul3A_176 = arith.mulf %get3A_175, %gather3A : vector<16xf32>
          %swap3A = arith.index_cast %scan3A_171 : i32 to index
          %swap3A_177 = arith.constant 0 : index
          %swap3A_178 = tpu.vector_load %arg13[%swap3A, %swap3A_177] {strides = array<i32>} : memref<128x128xf32, #tpu.memory_space<vmem>>, vector<16xf32>,
          tpu.vector_store %arg13[%swap3A, %swap3A_177], %mul3A_176 {strides = array<i32>} : memref<128x128xf32, #tpu.memory_space<vmem>>, vector<16xf32>,
          %get3A_179 = arith.index_cast %scan3A_171 : i32 to index
          %get3A_180 = arith.constant 16 : index
          %get3A_181 = tpu.vector_load %arg13[%get3A_179, %get3A_180] {strides = array<i32>} : memref<128x128xf32, #tpu.memory_space<vmem>>, vector<16xf32>,
          %mul3A_182 = arith.mulf %get3A_181, %gather3A : vector<16xf32>
          %swap3A_183 = arith.index_cast %scan3A_171 : i32 to index
          %swap3A_184 = arith.constant 16 : index
          %swap3A_185 = tpu.vector_load %arg13[%swap3A_183, %swap3A_184] {strides = array<i32>} : memref<128x128xf32, #tpu.memory_space<vmem>>, vector<16xf32>,
          tpu.vector_store %arg13[%swap3A_183, %swap3A_184], %mul3A_182 {strides = array<i32>} : memref<128x128xf32, #tpu.memory_space<vmem>>, vector<16xf32>,
          %get3A_186 = arith.index_cast %scan3A_171 : i32 to index
          %get3A_187 = arith.constant 32 : index
          %get3A_188 = tpu.vector_load %arg13[%get3A_186, %get3A_187] {strides = array<i32>} : memref<128x128xf32, #tpu.memory_space<vmem>>, vector<16xf32>,
          %mul3A_189 = arith.mulf %get3A_188, %gather3A : vector<16xf32>
          %swap3A_190 = arith.index_cast %scan3A_171 : i32 to index
          %swap3A_191 = arith.constant 32 : index
          %swap3A_192 = tpu.vector_load %arg13[%swap3A_190, %swap3A_191] {strides = array<i32>} : memref<128x128xf32, #tpu.memory_space<vmem>>, vector<16xf32>,
          tpu.vector_store %arg13[%swap3A_190, %swap3A_191], %mul3A_189 {strides = array<i32>} : memref<128x128xf32, #tpu.memory_space<vmem>>, vector<16xf32>,
          %get3A_193 = arith.index_cast %scan3A_171 : i32 to index
          %get3A_194 = arith.constant 48 : index
          %get3A_195 = tpu.vector_load %arg13[%get3A_193, %get3A_194] {strides = array<i32>} : memref<128x128xf32, #tpu.memory_space<vmem>>, vector<16xf32>,
          %mul3A_196 = arith.mulf %get3A_195, %gather3A : vector<16xf32>
          %swap3A_197 = arith.index_cast %scan3A_171 : i32 to index
          %swap3A_198 = arith.constant 48 : index
          %swap3A_199 = tpu.vector_load %arg13[%swap3A_197, %swap3A_198] {strides = array<i32>} : memref<128x128xf32, #tpu.memory_space<vmem>>, vector<16xf32>,
          tpu.vector_store %arg13[%swap3A_197, %swap3A_198], %mul3A_196 {strides = array<i32>} : memref<128x128xf32, #tpu.memory_space<vmem>>, vector<16xf32>,
          %get3A_200 = arith.index_cast %scan3A_171 : i32 to index
          %get3A_201 = arith.constant 64 : index
          %get3A_202 = tpu.vector_load %arg13[%get3A_200, %get3A_201] {strides = array<i32>} : memref<128x128xf32, #tpu.memory_space<vmem>>, vector<16xf32>,
          %mul3A_203 = arith.mulf %get3A_202, %gather3A : vector<16xf32>
          %swap3A_204 = arith.index_cast %scan3A_171 : i32 to index
          %swap3A_205 = arith.constant 64 : index
          %swap3A_206 = tpu.vector_load %arg13[%swap3A_204, %swap3A_205] {strides = array<i32>} : memref<128x128xf32, #tpu.memory_space<vmem>>, vector<16xf32>,
          tpu.vector_store %arg13[%swap3A_204, %swap3A_205], %mul3A_203 {strides = array<i32>} : memref<128x128xf32, #tpu.memory_space<vmem>>, vector<16xf32>,
          %get3A_207 = arith.index_cast %scan3A_171 : i32 to index
          %get3A_208 = arith.constant 80 : index
          %get3A_209 = tpu.vector_load %arg13[%get3A_207, %get3A_208] {strides = array<i32>} : memref<128x128xf32, #tpu.memory_space<vmem>>, vector<16xf32>,
          %mul3A_210 = arith.mulf %get3A_209, %gather3A : vector<16xf32>
          %swap3A_211 = arith.index_cast %scan3A_171 : i32 to index
          %swap3A_212 = arith.constant 80 : index
          %swap3A_213 = tpu.vector_load %arg13[%swap3A_211, %swap3A_212] {strides = array<i32>} : memref<128x128xf32, #tpu.memory_space<vmem>>, vector<16xf32>,
          tpu.vector_store %arg13[%swap3A_211, %swap3A_212], %mul3A_210 {strides = array<i32>} : memref<128x128xf32, #tpu.memory_space<vmem>>, vector<16xf32>,
          %get3A_214 = arith.index_cast %scan3A_171 : i32 to index
          %get3A_215 = arith.constant 96 : index
          %get3A_216 = tpu.vector_load %arg13[%get3A_214, %get3A_215] {strides = array<i32>} : memref<128x128xf32, #tpu.memory_space<vmem>>, vector<16xf32>,
          %mul3A_217 = arith.mulf %get3A_216, %gather3A : vector<16xf32>
          %swap3A_218 = arith.index_cast %scan3A_171 : i32 to index
          %swap3A_219 = arith.constant 96 : index
          %swap3A_220 = tpu.vector_load %arg13[%swap3A_218, %swap3A_219] {strides = array<i32>} : memref<128x128xf32, #tpu.memory_space<vmem>>, vector<16xf32>,
          tpu.vector_store %arg13[%swap3A_218, %swap3A_219], %mul3A_217 {strides = array<i32>} : memref<128x128xf32, #tpu.memory_space<vmem>>, vector<16xf32>,
          %get3A_221 = arith.index_cast %scan3A_171 : i32 to index
          %get3A_222 = arith.constant 112 : index
          %get3A_223 = tpu.vector_load %arg13[%get3A_221, %get3A_222] {strides = array<i32>} : memref<128x128xf32, #tpu.memory_space<vmem>>, vector<16xf32>,
          %mul3A_224 = arith.mulf %get3A_223, %gather3A : vector<16xf32>
          %swap3A_225 = arith.index_cast %scan3A_171 : i32 to index
          %swap3A_226 = arith.constant 112 : index
          %swap3A_227 = tpu.vector_load %arg13[%swap3A_225, %swap3A_226] {strides = array<i32>} : memref<128x128xf32, #tpu.memory_space<vmem>>, vector<16xf32>,
          tpu.vector_store %arg13[%swap3A_225, %swap3A_226], %mul3A_224 {strides = array<i32>} : memref<128x128xf32, #tpu.memory_space<vmem>>, vector<16xf32>,
          %scan3A_228 = arith.constant 0 : i32
          %scan3A_229 = arith.constant 1 : i32
          %scan3A_230 = arith.addi %scan3A_171, %scan3A_229 : i32
          %broadcast_in_dim3A_231 = vector.broadcast %scan3A_230 : i32 to vector<16xi32>
          %gather3A_232 = tpu.vector_load_idx %arg11[%broadcast_in_dim3A_231] : memref<128xf32, #tpu.memory_space<vmem>>[vector<16xi32>], vector<16xf32>,
          %get3A_233 = arith.index_cast %scan3A_230 : i32 to index
          %get3A_234 = arith.constant 0 : index
          %get3A_235 = tpu.vector_load %arg13[%get3A_233, %get3A_234] {strides = array<i32>} : memref<128x128xf32, #tpu.memory_space<vmem>>, vector<16xf32>,
          %mul3A_236 = arith.mulf %get3A_235, %gather3A_232 : vector<16xf32>
          %swap3A_237 = arith.index_cast %scan3A_230 : i32 to index
          %swap3A_238 = arith.constant 0 : index
          %swap3A_239 = tpu.vector_load %arg13[%swap3A_237, %swap3A_238] {strides = array<i32>} : memref<128x128xf32, #tpu.memory_space<vmem>>, vector<16xf32>,
          tpu.vector_store %arg13[%swap3A_237, %swap3A_238], %mul3A_236 {strides = array<i32>} : memref<128x128xf32, #tpu.memory_space<vmem>>, vector<16xf32>,
          %get3A_240 = arith.index_cast %scan3A_230 : i32 to index
          %get3A_241 = arith.constant 16 : index
          %get3A_242 = tpu.vector_load %arg13[%get3A_240, %get3A_241] {strides = array<i32>} : memref<128x128xf32, #tpu.memory_space<vmem>>, vector<16xf32>,
          %mul3A_243 = arith.mulf %get3A_242, %gather3A_232 : vector<16xf32>
          %swap3A_244 = arith.index_cast %scan3A_230 : i32 to index
          %swap3A_245 = arith.constant 16 : index
          %swap3A_246 = tpu.vector_load %arg13[%swap3A_244, %swap3A_245] {strides = array<i32>} : memref<128x128xf32, #tpu.memory_space<vmem>>, vector<16xf32>,
          tpu.vector_store %arg13[%swap3A_244, %swap3A_245], %mul3A_243 {strides = array<i32>} : memref<128x128xf32, #tpu.memory_space<vmem>>, vector<16xf32>,
          %get3A_247 = arith.index_cast %scan3A_230 : i32 to index
          %get3A_248 = arith.constant 32 : index
          %get3A_249 = tpu.vector_load %arg13[%get3A_247, %get3A_248] {strides = array<i32>} : memref<128x128xf32, #tpu.memory_space<vmem>>, vector<16xf32>,
          %mul3A_250 = arith.mulf %get3A_249, %gather3A_232 : vector<16xf32>
          %swap3A_251 = arith.index_cast %scan3A_230 : i32 to index
          %swap3A_252 = arith.constant 32 : index
          %swap3A_253 = tpu.vector_load %arg13[%swap3A_251, %swap3A_252] {strides = array<i32>} : memref<128x128xf32, #tpu.memory_space<vmem>>, vector<16xf32>,
          tpu.vector_store %arg13[%swap3A_251, %swap3A_252], %mul3A_250 {strides = array<i32>} : memref<128x128xf32, #tpu.memory_space<vmem>>, vector<16xf32>,
          %get3A_254 = arith.index_cast %scan3A_230 : i32 to index
          %get3A_255 = arith.constant 48 : index
          %get3A_256 = tpu.vector_load %arg13[%get3A_254, %get3A_255] {strides = array<i32>} : memref<128x128xf32, #tpu.memory_space<vmem>>, vector<16xf32>,
          %mul3A_257 = arith.mulf %get3A_256, %gather3A_232 : vector<16xf32>
          %swap3A_258 = arith.index_cast %scan3A_230 : i32 to index
          %swap3A_259 = arith.constant 48 : index
          %swap3A_260 = tpu.vector_load %arg13[%swap3A_258, %swap3A_259] {strides = array<i32>} : memref<128x128xf32, #tpu.memory_space<vmem>>, vector<16xf32>,
          tpu.vector_store %arg13[%swap3A_258, %swap3A_259], %mul3A_257 {strides = array<i32>} : memref<128x128xf32, #tpu.memory_space<vmem>>, vector<16xf32>,
          %get3A_261 = arith.index_cast %scan3A_230 : i32 to index
          %get3A_262 = arith.constant 64 : index
          %get3A_263 = tpu.vector_load %arg13[%get3A_261, %get3A_262] {strides = array<i32>} : memref<128x128xf32, #tpu.memory_space<vmem>>, vector<16xf32>,
          %mul3A_264 = arith.mulf %get3A_263, %gather3A_232 : vector<16xf32>
          %swap3A_265 = arith.index_cast %scan3A_230 : i32 to index
          %swap3A_266 = arith.constant 64 : index
          %swap3A_267 = tpu.vector_load %arg13[%swap3A_265, %swap3A_266] {strides = array<i32>} : memref<128x128xf32, #tpu.memory_space<vmem>>, vector<16xf32>,
          tpu.vector_store %arg13[%swap3A_265, %swap3A_266], %mul3A_264 {strides = array<i32>} : memref<128x128xf32, #tpu.memory_space<vmem>>, vector<16xf32>,
          %get3A_268 = arith.index_cast %scan3A_230 : i32 to index
          %get3A_269 = arith.constant 80 : index
          %get3A_270 = tpu.vector_load %arg13[%get3A_268, %get3A_269] {strides = array<i32>} : memref<128x128xf32, #tpu.memory_space<vmem>>, vector<16xf32>,
          %mul3A_271 = arith.mulf %get3A_270, %gather3A_232 : vector<16xf32>
          %swap3A_272 = arith.index_cast %scan3A_230 : i32 to index
          %swap3A_273 = arith.constant 80 : index
          %swap3A_274 = tpu.vector_load %arg13[%swap3A_272, %swap3A_273] {strides = array<i32>} : memref<128x128xf32, #tpu.memory_space<vmem>>, vector<16xf32>,
          tpu.vector_store %arg13[%swap3A_272, %swap3A_273], %mul3A_271 {strides = array<i32>} : memref<128x128xf32, #tpu.memory_space<vmem>>, vector<16xf32>,
          %get3A_275 = arith.index_cast %scan3A_230 : i32 to index
          %get3A_276 = arith.constant 96 : index
          %get3A_277 = tpu.vector_load %arg13[%get3A_275, %get3A_276] {strides = array<i32>} : memref<128x128xf32, #tpu.memory_space<vmem>>, vector<16xf32>,
          %mul3A_278 = arith.mulf %get3A_277, %gather3A_232 : vector<16xf32>
          %swap3A_279 = arith.index_cast %scan3A_230 : i32 to index
          %swap3A_280 = arith.constant 96 : index
          %swap3A_281 = tpu.vector_load %arg13[%swap3A_279, %swap3A_280] {strides = array<i32>} : memref<128x128xf32, #tpu.memory_space<vmem>>, vector<16xf32>,
          tpu.vector_store %arg13[%swap3A_279, %swap3A_280], %mul3A_278 {strides = array<i32>} : memref<128x128xf32, #tpu.memory_space<vmem>>, vector<16xf32>,
          %get3A_282 = arith.index_cast %scan3A_230 : i32 to index
          %get3A_283 = arith.constant 112 : index
          %get3A_284 = tpu.vector_load %arg13[%get3A_282, %get3A_283] {strides = array<i32>} : memref<128x128xf32, #tpu.memory_space<vmem>>, vector<16xf32>,
          %mul3A_285 = arith.mulf %get3A_284, %gather3A_232 : vector<16xf32>
          %swap3A_286 = arith.index_cast %scan3A_230 : i32 to index
          %swap3A_287 = arith.constant 112 : index
          %swap3A_288 = tpu.vector_load %arg13[%swap3A_286, %swap3A_287] {strides = array<i32>} : memref<128x128xf32, #tpu.memory_space<vmem>>, vector<16xf32>,
          tpu.vector_store %arg13[%swap3A_286, %swap3A_287], %mul3A_285 {strides = array<i32>} : memref<128x128xf32, #tpu.memory_space<vmem>>, vector<16xf32>,
          %scan3A_289 = arith.constant 0 : i32
          scf.yield %scan3A_289 : i32
        }
        %scan3A_159 = arith.constant 128 : i32
        "tpu.region"() ({
          %run_scoped3A = tpu.sem_alloc : memref<!tpu.dma_semaphore, #tpu.memory_space<semaphore_mem>>
          %dma_start3A_171 = arith.constant 0 : i32
          %dma_start3A_172 = arith.constant 0 : i32
          %dma_start3A_173 = tpu.memref_slice %arg23[%dma_start3A_171, %dma_start3A_172] : memref<10240x128xf32, #tpu.memory_space<vmem_shared>> -> memref<10240x128xf32, #tpu.memory_space<vmem_shared>>
          tpu.enqueue_indirect_dma source(%arg13 : memref<128x128xf32, #tpu.memory_space<vmem>>) target(%dma_start3A_173 : memref<10240x128xf32, #tpu.memory_space<vmem_shared>>) offsets(%arg9 : memref<128xi32, #tpu.memory_space<vmem>>) semaphore(%run_scoped3A : memref<!tpu.dma_semaphore, #tpu.memory_space<semaphore_mem>>) {add = true}
          %dma_wait3A_174 = arith.constant 0 : i32
          %dma_wait3A_175 = arith.constant 0 : i32
          %dma_wait3A_176 = tpu.memref_slice %arg23[%dma_wait3A_174, %dma_wait3A_175] : memref<10240x128xf32, #tpu.memory_space<vmem_shared>> -> memref<10240x128xf32, #tpu.memory_space<vmem_shared>>
          tpu.wait_indirect_dma semaphore(%run_scoped3A : memref<!tpu.dma_semaphore, #tpu.memory_space<semaphore_mem>>) src(%arg13 : memref<128x128xf32, #tpu.memory_space<vmem>>) dst(%dma_wait3A_176 : memref<10240x128xf32, #tpu.memory_space<vmem_shared>>)
          tpu.yield
        }) : () -> ()
        %dma_wait3A_160 = arith.constant 0 : i32
        %dma_wait3A_161 = arith.constant 0 : i32
        %dma_wait3A_162 = tpu.memref_slice %arg2[%dma_wait3A_160, %dma_wait3A_161] : memref<10000x128xf32, #tpu.memory_space<hbm>> -> memref<10000x128xf32, #tpu.memory_space<hbm>>
        tpu.wait_indirect_dma semaphore(%arg22 : memref<!tpu.dma_semaphore, #tpu.memory_space<semaphore_mem>>) src(%dma_wait3A_162 : memref<10000x128xf32, #tpu.memory_space<hbm>>) dst(%arg14 : memref<128x128xf32, #tpu.memory_space<vmem>>)
        %scan3A_163 = arith.constant 0 : i32
        %scan3A_164 = arith.constant 0 : i32
        %scan3A_165 = arith.constant 128 : i32
        %scan3A_166 = arith.addi %scan3A_164, %scan3A_165 : i32
        %scan3A_167 = arith.constant 2 : i32
        %scan3A_168 = scf.for %scan3A_171 = %scan3A_164 to %scan3A_166 step %scan3A_167 iter_args(%scan3A_172 = %scan3A_163) -> (i32)  : i32 {
          %broadcast_in_dim3A_173 = vector.broadcast %scan3A_171 : i32 to vector<16xi32>
          %gather3A = tpu.vector_load_idx %arg12[%broadcast_in_dim3A_173] : memref<128xf32, #tpu.memory_space<vmem>>[vector<16xi32>], vector<16xf32>,
          %get3A = arith.index_cast %scan3A_171 : i32 to index
          %get3A_174 = arith.constant 0 : index
          %get3A_175 = tpu.vector_load %arg14[%get3A, %get3A_174] {strides = array<i32>} : memref<128x128xf32, #tpu.memory_space<vmem>>, vector<16xf32>,
          %mul3A_176 = arith.mulf %get3A_175, %gather3A : vector<16xf32>
          %swap3A = arith.index_cast %scan3A_171 : i32 to index
          %swap3A_177 = arith.constant 0 : index
          %swap3A_178 = tpu.vector_load %arg14[%swap3A, %swap3A_177] {strides = array<i32>} : memref<128x128xf32, #tpu.memory_space<vmem>>, vector<16xf32>,
          tpu.vector_store %arg14[%swap3A, %swap3A_177], %mul3A_176 {strides = array<i32>} : memref<128x128xf32, #tpu.memory_space<vmem>>, vector<16xf32>,
          %get3A_179 = arith.index_cast %scan3A_171 : i32 to index
          %get3A_180 = arith.constant 16 : index
          %get3A_181 = tpu.vector_load %arg14[%get3A_179, %get3A_180] {strides = array<i32>} : memref<128x128xf32, #tpu.memory_space<vmem>>, vector<16xf32>,
          %mul3A_182 = arith.mulf %get3A_181, %gather3A : vector<16xf32>
          %swap3A_183 = arith.index_cast %scan3A_171 : i32 to index
          %swap3A_184 = arith.constant 16 : index
          %swap3A_185 = tpu.vector_load %arg14[%swap3A_183, %swap3A_184] {strides = array<i32>} : memref<128x128xf32, #tpu.memory_space<vmem>>, vector<16xf32>,
          tpu.vector_store %arg14[%swap3A_183, %swap3A_184], %mul3A_182 {strides = array<i32>} : memref<128x128xf32, #tpu.memory_space<vmem>>, vector<16xf32>,
          %get3A_186 = arith.index_cast %scan3A_171 : i32 to index
          %get3A_187 = arith.constant 32 : index
          %get3A_188 = tpu.vector_load %arg14[%get3A_186, %get3A_187] {strides = array<i32>} : memref<128x128xf32, #tpu.memory_space<vmem>>, vector<16xf32>,
          %mul3A_189 = arith.mulf %get3A_188, %gather3A : vector<16xf32>
          %swap3A_190 = arith.index_cast %scan3A_171 : i32 to index
          %swap3A_191 = arith.constant 32 : index
          %swap3A_192 = tpu.vector_load %arg14[%swap3A_190, %swap3A_191] {strides = array<i32>} : memref<128x128xf32, #tpu.memory_space<vmem>>, vector<16xf32>,
          tpu.vector_store %arg14[%swap3A_190, %swap3A_191], %mul3A_189 {strides = array<i32>} : memref<128x128xf32, #tpu.memory_space<vmem>>, vector<16xf32>,
          %get3A_193 = arith.index_cast %scan3A_171 : i32 to index
          %get3A_194 = arith.constant 48 : index
          %get3A_195 = tpu.vector_load %arg14[%get3A_193, %get3A_194] {strides = array<i32>} : memref<128x128xf32, #tpu.memory_space<vmem>>, vector<16xf32>,
          %mul3A_196 = arith.mulf %get3A_195, %gather3A : vector<16xf32>
          %swap3A_197 = arith.index_cast %scan3A_171 : i32 to index
          %swap3A_198 = arith.constant 48 : index
          %swap3A_199 = tpu.vector_load %arg14[%swap3A_197, %swap3A_198] {strides = array<i32>} : memref<128x128xf32, #tpu.memory_space<vmem>>, vector<16xf32>,
          tpu.vector_store %arg14[%swap3A_197, %swap3A_198], %mul3A_196 {strides = array<i32>} : memref<128x128xf32, #tpu.memory_space<vmem>>, vector<16xf32>,
          %get3A_200 = arith.index_cast %scan3A_171 : i32 to index
          %get3A_201 = arith.constant 64 : index
          %get3A_202 = tpu.vector_load %arg14[%get3A_200, %get3A_201] {strides = array<i32>} : memref<128x128xf32, #tpu.memory_space<vmem>>, vector<16xf32>,
          %mul3A_203 = arith.mulf %get3A_202, %gather3A : vector<16xf32>
          %swap3A_204 = arith.index_cast %scan3A_171 : i32 to index
          %swap3A_205 = arith.constant 64 : index
          %swap3A_206 = tpu.vector_load %arg14[%swap3A_204, %swap3A_205] {strides = array<i32>} : memref<128x128xf32, #tpu.memory_space<vmem>>, vector<16xf32>,
          tpu.vector_store %arg14[%swap3A_204, %swap3A_205], %mul3A_203 {strides = array<i32>} : memref<128x128xf32, #tpu.memory_space<vmem>>, vector<16xf32>,
          %get3A_207 = arith.index_cast %scan3A_171 : i32 to index
          %get3A_208 = arith.constant 80 : index
          %get3A_209 = tpu.vector_load %arg14[%get3A_207, %get3A_208] {strides = array<i32>} : memref<128x128xf32, #tpu.memory_space<vmem>>, vector<16xf32>,
          %mul3A_210 = arith.mulf %get3A_209, %gather3A : vector<16xf32>
          %swap3A_211 = arith.index_cast %scan3A_171 : i32 to index
          %swap3A_212 = arith.constant 80 : index
          %swap3A_213 = tpu.vector_load %arg14[%swap3A_211, %swap3A_212] {strides = array<i32>} : memref<128x128xf32, #tpu.memory_space<vmem>>, vector<16xf32>,
          tpu.vector_store %arg14[%swap3A_211, %swap3A_212], %mul3A_210 {strides = array<i32>} : memref<128x128xf32, #tpu.memory_space<vmem>>, vector<16xf32>,
          %get3A_214 = arith.index_cast %scan3A_171 : i32 to index
          %get3A_215 = arith.constant 96 : index
          %get3A_216 = tpu.vector_load %arg14[%get3A_214, %get3A_215] {strides = array<i32>} : memref<128x128xf32, #tpu.memory_space<vmem>>, vector<16xf32>,
          %mul3A_217 = arith.mulf %get3A_216, %gather3A : vector<16xf32>
          %swap3A_218 = arith.index_cast %scan3A_171 : i32 to index
          %swap3A_219 = arith.constant 96 : index
          %swap3A_220 = tpu.vector_load %arg14[%swap3A_218, %swap3A_219] {strides = array<i32>} : memref<128x128xf32, #tpu.memory_space<vmem>>, vector<16xf32>,
          tpu.vector_store %arg14[%swap3A_218, %swap3A_219], %mul3A_217 {strides = array<i32>} : memref<128x128xf32, #tpu.memory_space<vmem>>, vector<16xf32>,
          %get3A_221 = arith.index_cast %scan3A_171 : i32 to index
          %get3A_222 = arith.constant 112 : index
          %get3A_223 = tpu.vector_load %arg14[%get3A_221, %get3A_222] {strides = array<i32>} : memref<128x128xf32, #tpu.memory_space<vmem>>, vector<16xf32>,
          %mul3A_224 = arith.mulf %get3A_223, %gather3A : vector<16xf32>
          %swap3A_225 = arith.index_cast %scan3A_171 : i32 to index
          %swap3A_226 = arith.constant 112 : index
          %swap3A_227 = tpu.vector_load %arg14[%swap3A_225, %swap3A_226] {strides = array<i32>} : memref<128x128xf32, #tpu.memory_space<vmem>>, vector<16xf32>,
          tpu.vector_store %arg14[%swap3A_225, %swap3A_226], %mul3A_224 {strides = array<i32>} : memref<128x128xf32, #tpu.memory_space<vmem>>, vector<16xf32>,
          %scan3A_228 = arith.constant 0 : i32
          %scan3A_229 = arith.constant 1 : i32
          %scan3A_230 = arith.addi %scan3A_171, %scan3A_229 : i32
          %broadcast_in_dim3A_231 = vector.broadcast %scan3A_230 : i32 to vector<16xi32>
          %gather3A_232 = tpu.vector_load_idx %arg12[%broadcast_in_dim3A_231] : memref<128xf32, #tpu.memory_space<vmem>>[vector<16xi32>], vector<16xf32>,
          %get3A_233 = arith.index_cast %scan3A_230 : i32 to index
          %get3A_234 = arith.constant 0 : index
          %get3A_235 = tpu.vector_load %arg14[%get3A_233, %get3A_234] {strides = array<i32>} : memref<128x128xf32, #tpu.memory_space<vmem>>, vector<16xf32>,
          %mul3A_236 = arith.mulf %get3A_235, %gather3A_232 : vector<16xf32>
          %swap3A_237 = arith.index_cast %scan3A_230 : i32 to index
          %swap3A_238 = arith.constant 0 : index
          %swap3A_239 = tpu.vector_load %arg14[%swap3A_237, %swap3A_238] {strides = array<i32>} : memref<128x128xf32, #tpu.memory_space<vmem>>, vector<16xf32>,
          tpu.vector_store %arg14[%swap3A_237, %swap3A_238], %mul3A_236 {strides = array<i32>} : memref<128x128xf32, #tpu.memory_space<vmem>>, vector<16xf32>,
          %get3A_240 = arith.index_cast %scan3A_230 : i32 to index
          %get3A_241 = arith.constant 16 : index
          %get3A_242 = tpu.vector_load %arg14[%get3A_240, %get3A_241] {strides = array<i32>} : memref<128x128xf32, #tpu.memory_space<vmem>>, vector<16xf32>,
          %mul3A_243 = arith.mulf %get3A_242, %gather3A_232 : vector<16xf32>
          %swap3A_244 = arith.index_cast %scan3A_230 : i32 to index
          %swap3A_245 = arith.constant 16 : index
          %swap3A_246 = tpu.vector_load %arg14[%swap3A_244, %swap3A_245] {strides = array<i32>} : memref<128x128xf32, #tpu.memory_space<vmem>>, vector<16xf32>,
          tpu.vector_store %arg14[%swap3A_244, %swap3A_245], %mul3A_243 {strides = array<i32>} : memref<128x128xf32, #tpu.memory_space<vmem>>, vector<16xf32>,
          %get3A_247 = arith.index_cast %scan3A_230 : i32 to index
          %get3A_248 = arith.constant 32 : index
          %get3A_249 = tpu.vector_load %arg14[%get3A_247, %get3A_248] {strides = array<i32>} : memref<128x128xf32, #tpu.memory_space<vmem>>, vector<16xf32>,
          %mul3A_250 = arith.mulf %get3A_249, %gather3A_232 : vector<16xf32>
          %swap3A_251 = arith.index_cast %scan3A_230 : i32 to index
          %swap3A_252 = arith.constant 32 : index
          %swap3A_253 = tpu.vector_load %arg14[%swap3A_251, %swap3A_252] {strides = array<i32>} : memref<128x128xf32, #tpu.memory_space<vmem>>, vector<16xf32>,
          tpu.vector_store %arg14[%swap3A_251, %swap3A_252], %mul3A_250 {strides = array<i32>} : memref<128x128xf32, #tpu.memory_space<vmem>>, vector<16xf32>,
          %get3A_254 = arith.index_cast %scan3A_230 : i32 to index
          %get3A_255 = arith.constant 48 : index
          %get3A_256 = tpu.vector_load %arg14[%get3A_254, %get3A_255] {strides = array<i32>} : memref<128x128xf32, #tpu.memory_space<vmem>>, vector<16xf32>,
          %mul3A_257 = arith.mulf %get3A_256, %gather3A_232 : vector<16xf32>
          %swap3A_258 = arith.index_cast %scan3A_230 : i32 to index
          %swap3A_259 = arith.constant 48 : index
          %swap3A_260 = tpu.vector_load %arg14[%swap3A_258, %swap3A_259] {strides = array<i32>} : memref<128x128xf32, #tpu.memory_space<vmem>>, vector<16xf32>,
          tpu.vector_store %arg14[%swap3A_258, %swap3A_259], %mul3A_257 {strides = array<i32>} : memref<128x128xf32, #tpu.memory_space<vmem>>, vector<16xf32>,
          %get3A_261 = arith.index_cast %scan3A_230 : i32 to index
          %get3A_262 = arith.constant 64 : index
          %get3A_263 = tpu.vector_load %arg14[%get3A_261, %get3A_262] {strides = array<i32>} : memref<128x128xf32, #tpu.memory_space<vmem>>, vector<16xf32>,
          %mul3A_264 = arith.mulf %get3A_263, %gather3A_232 : vector<16xf32>
          %swap3A_265 = arith.index_cast %scan3A_230 : i32 to index
          %swap3A_266 = arith.constant 64 : index
          %swap3A_267 = tpu.vector_load %arg14[%swap3A_265, %swap3A_266] {strides = array<i32>} : memref<128x128xf32, #tpu.memory_space<vmem>>, vector<16xf32>,
          tpu.vector_store %arg14[%swap3A_265, %swap3A_266], %mul3A_264 {strides = array<i32>} : memref<128x128xf32, #tpu.memory_space<vmem>>, vector<16xf32>,
          %get3A_268 = arith.index_cast %scan3A_230 : i32 to index
          %get3A_269 = arith.constant 80 : index
          %get3A_270 = tpu.vector_load %arg14[%get3A_268, %get3A_269] {strides = array<i32>} : memref<128x128xf32, #tpu.memory_space<vmem>>, vector<16xf32>,
          %mul3A_271 = arith.mulf %get3A_270, %gather3A_232 : vector<16xf32>
          %swap3A_272 = arith.index_cast %scan3A_230 : i32 to index
          %swap3A_273 = arith.constant 80 : index
          %swap3A_274 = tpu.vector_load %arg14[%swap3A_272, %swap3A_273] {strides = array<i32>} : memref<128x128xf32, #tpu.memory_space<vmem>>, vector<16xf32>,
          tpu.vector_store %arg14[%swap3A_272, %swap3A_273], %mul3A_271 {strides = array<i32>} : memref<128x128xf32, #tpu.memory_space<vmem>>, vector<16xf32>,
          %get3A_275 = arith.index_cast %scan3A_230 : i32 to index
          %get3A_276 = arith.constant 96 : index
          %get3A_277 = tpu.vector_load %arg14[%get3A_275, %get3A_276] {strides = array<i32>} : memref<128x128xf32, #tpu.memory_space<vmem>>, vector<16xf32>,
          %mul3A_278 = arith.mulf %get3A_277, %gather3A_232 : vector<16xf32>
          %swap3A_279 = arith.index_cast %scan3A_230 : i32 to index
          %swap3A_280 = arith.constant 96 : index
          %swap3A_281 = tpu.vector_load %arg14[%swap3A_279, %swap3A_280] {strides = array<i32>} : memref<128x128xf32, #tpu.memory_space<vmem>>, vector<16xf32>,
          tpu.vector_store %arg14[%swap3A_279, %swap3A_280], %mul3A_278 {strides = array<i32>} : memref<128x128xf32, #tpu.memory_space<vmem>>, vector<16xf32>,
          %get3A_282 = arith.index_cast %scan3A_230 : i32 to index
          %get3A_283 = arith.constant 112 : index
          %get3A_284 = tpu.vector_load %arg14[%get3A_282, %get3A_283] {strides = array<i32>} : memref<128x128xf32, #tpu.memory_space<vmem>>, vector<16xf32>,
          %mul3A_285 = arith.mulf %get3A_284, %gather3A_232 : vector<16xf32>
          %swap3A_286 = arith.index_cast %scan3A_230 : i32 to index
          %swap3A_287 = arith.constant 112 : index
          %swap3A_288 = tpu.vector_load %arg14[%swap3A_286, %swap3A_287] {strides = array<i32>} : memref<128x128xf32, #tpu.memory_space<vmem>>, vector<16xf32>,
          tpu.vector_store %arg14[%swap3A_286, %swap3A_287], %mul3A_285 {strides = array<i32>} : memref<128x128xf32, #tpu.memory_space<vmem>>, vector<16xf32>,
          %scan3A_289 = arith.constant 0 : i32
          scf.yield %scan3A_289 : i32
        }
        %scan3A_169 = arith.constant 128 : i32
        "tpu.region"() ({
          %run_scoped3A = tpu.sem_alloc : memref<!tpu.dma_semaphore, #tpu.memory_space<semaphore_mem>>
          %dma_start3A_171 = arith.constant 0 : i32
          %dma_start3A_172 = arith.constant 0 : i32
          %dma_start3A_173 = tpu.memref_slice %arg23[%dma_start3A_171, %dma_start3A_172] : memref<10240x128xf32, #tpu.memory_space<vmem_shared>> -> memref<10240x128xf32, #tpu.memory_space<vmem_shared>>
          tpu.enqueue_indirect_dma source(%arg14 : memref<128x128xf32, #tpu.memory_space<vmem>>) target(%dma_start3A_173 : memref<10240x128xf32, #tpu.memory_space<vmem_shared>>) offsets(%arg10 : memref<128xi32, #tpu.memory_space<vmem>>) semaphore(%run_scoped3A : memref<!tpu.dma_semaphore, #tpu.memory_space<semaphore_mem>>) {add = true}
          %dma_wait3A_174 = arith.constant 0 : i32
          %dma_wait3A_175 = arith.constant 0 : i32
          %dma_wait3A_176 = tpu.memref_slice %arg23[%dma_wait3A_174, %dma_wait3A_175] : memref<10240x128xf32, #tpu.memory_space<vmem_shared>> -> memref<10240x128xf32, #tpu.memory_space<vmem_shared>>
          tpu.wait_indirect_dma semaphore(%run_scoped3A : memref<!tpu.dma_semaphore, #tpu.memory_space<semaphore_mem>>) src(%arg14 : memref<128x128xf32, #tpu.memory_space<vmem>>) dst(%dma_wait3A_176 : memref<10240x128xf32, #tpu.memory_space<vmem_shared>>)
          tpu.yield
        }) : () -> ()
        %scan3A_170 = arith.constant 0 : i32
        scf.yield %scan3A_170 : i32
      }
      %scan3A_57 = arith.constant 24 : i32
    } else {
    }
    %barrier3A_46 = arith.constant 0 : index
    tpu.barrier barrier_id(%barrier3A_46)
    %mul3A_47 = arith.constant 640 : i32
    %mul3A_48 = arith.muli %arg1, %mul3A_47 : i32
    %mul3A_49 = arith.constant 640 : i32
    %mul3A_50 = arith.muli %arg1, %mul3A_49 : i32
    "tpu.region"() ({
      %run_scoped3A = tpu.sem_alloc : memref<!tpu.dma_semaphore, #tpu.memory_space<semaphore_mem>>
      %dma_start3A = arith.constant 0 : i32
      %dma_start3A_51 = tpu.memref_slice %arg6[%arg0, %mul3A_50, %dma_start3A] : memref<2x10240x128xf32, #tpu.memory_space<hbm>> -> memref<1x640x128xf32, #tpu.memory_space<hbm>>
      %dma_start3A_52 = tpu.memref_squeeze %dma_start3A_51 : memref<1x640x128xf32, #tpu.memory_space<hbm>> -> memref<640x128xf32, #tpu.memory_space<hbm>>
      %dma_start3A_53 = arith.constant 0 : i32
      %dma_start3A_54 = tpu.memref_slice %arg23[%mul3A_48, %dma_start3A_53] : memref<10240x128xf32, #tpu.memory_space<vmem_shared>> -> memref<640x128xf32, #tpu.memory_space<vmem_shared>>
      tpu.enqueue_dma source(%dma_start3A_54 : memref<640x128xf32, #tpu.memory_space<vmem_shared>>) target(%dma_start3A_52 : memref<640x128xf32, #tpu.memory_space<hbm>>) target_semaphore(%run_scoped3A : memref<!tpu.dma_semaphore, #tpu.memory_space<semaphore_mem>>)
      %dma_wait3A = arith.constant 0 : i32
      %dma_wait3A_55 = tpu.memref_slice %arg6[%arg0, %mul3A_50, %dma_wait3A] : memref<2x10240x128xf32, #tpu.memory_space<hbm>> -> memref<1x640x128xf32, #tpu.memory_space<hbm>>
      %dma_wait3A_56 = tpu.memref_squeeze %dma_wait3A_55 : memref<1x640x128xf32, #tpu.memory_space<hbm>> -> memref<640x128xf32, #tpu.memory_space<hbm>>
      %dma_wait3A_57 = arith.constant 0 : i32
      %dma_wait3A_58 = tpu.memref_slice %arg23[%mul3A_48, %dma_wait3A_57] : memref<10240x128xf32, #tpu.memory_space<vmem_shared>> -> memref<640x128xf32, #tpu.memory_space<vmem_shared>>
      tpu.wait_dma2 semaphore(%run_scoped3A : memref<!tpu.dma_semaphore, #tpu.memory_space<semaphore_mem>>) src(%dma_wait3A_58 : memref<640x128xf32, #tpu.memory_space<vmem_shared>>) dst(%dma_wait3A_56 : memref<640x128xf32, #tpu.memory_space<hbm>>)
      tpu.yield
    }) : () -> ()
    return
  }
}

module attributes {stable_mosaic.version = 14 : i64} {
  func.func @_tc_a_body(%arg0: i32, %arg1: memref<1000x128xf32, #tpu.memory_space<vmem>>, %arg2: memref<128x128xf32, #tpu.memory_space<vmem>>, %arg3: memref<2x1000x16xf32, #tpu.memory_space<vmem>>, %arg4: memref<1000x128xf32, #tpu.memory_space<vmem>>, %arg5: memref<1000x128xf32, #tpu.memory_space<vmem>>, %arg6: memref<1000x1xf32, #tpu.memory_space<vmem>>) attributes {dimension_semantics = [#tpu.dimension_semantics<arbitrary>], iteration_bounds = array<i64: 10>, scalar_prefetch = 0 : i64, scratch_operands = 0 : i64, tpu.core_type = #tpu.core_type<tc>, window_params = [{transform_indices = @transform_0, window_bounds = array<i64: 1000, 128>}, {pipeline_mode = #tpu.pipeline_mode<synchronous>, transform_indices = @transform_1, window_bounds = array<i64: 128, 128>}, {transform_indices = @transform_2, window_bounds = array<i64: 2, 1000, 16>}, {transform_indices = @transform_3, window_bounds = array<i64: 1000, 128>}, {transform_indices = @transform_4, window_bounds = array<i64: 1000, 128>}, {transform_indices = @transform_5, window_bounds = array<i64: 1000, 1>}]} {
    %get3A = arith.constant 0 : index
    %get3A_0 = arith.constant 0 : index
    %get3A_1 = vector.load %arg1[%get3A, %get3A_0] : memref<1000x128xf32, #tpu.memory_space<vmem>>, vector<1000x128xf32>
    %get3A_2 = arith.constant 0 : index
    %get3A_3 = arith.constant 0 : index
    %get3A_4 = vector.load %arg2[%get3A_2, %get3A_3] : memref<128x128xf32, #tpu.memory_space<vmem>>, vector<128x128xf32>
    %dot_general3A = arith.constant dense<0.000000e+00> : vector<1000x128xf32>
    %dot_general3A_5 = tpu.matmul %get3A_1, %get3A_4, %dot_general3A {dimension_numbers = #tpu.dot_dimension_numbers<[1], [0], [0], [1], [0, 0, 1, 1], [], []>, transpose_lhs_hint = false} : vector<1000x128xf32>, vector<128x128xf32>, vector<1000x128xf32> -> vector<1000x128xf32>
    %get3A_6 = arith.constant 0 : index
    %get3A_7 = arith.constant 0 : index
    %get3A_8 = arith.constant 0 : index
    %get3A_9 = vector.load %arg3[%get3A_6, %get3A_7, %get3A_8] : memref<2x1000x16xf32, #tpu.memory_space<vmem>>, vector<1x1000x1xf32>
    %get3A_10 = vector.shape_cast %get3A_9 : vector<1x1000x1xf32> to vector<1000x1xf32>
    %get3A_11 = arith.constant 1 : index
    %get3A_12 = arith.constant 0 : index
    %get3A_13 = arith.constant 0 : index
    %get3A_14 = vector.load %arg3[%get3A_11, %get3A_12, %get3A_13] : memref<2x1000x16xf32, #tpu.memory_space<vmem>>, vector<1x1000x1xf32>
    %get3A_15 = vector.shape_cast %get3A_14 : vector<1x1000x1xf32> to vector<1000x1xf32>
    %add3A = arith.addf %get3A_10, %get3A_15 : vector<1000x1xf32>
    %add3A_16 = arith.constant 1.000000e+00 : f32
    %add3A_17 = vector.broadcast %add3A_16 : f32 to vector<1000x1xf32>
    %add3A_18 = arith.addf %add3A, %add3A_17 : vector<1000x1xf32>
    %rsqrt3A = math.rsqrt %add3A_18 : vector<1000x1xf32>
    %swap3A = arith.constant 0 : index
    %swap3A_19 = arith.constant 0 : index
    %swap3A_20 = vector.load %arg4[%swap3A, %swap3A_19] : memref<1000x128xf32, #tpu.memory_space<vmem>>, vector<1000x128xf32>
    tpu.vector_store %arg4[%swap3A, %swap3A_19], %dot_general3A_5 {strides = array<i32>} : memref<1000x128xf32, #tpu.memory_space<vmem>>, vector<1000x128xf32>,
    %mul3A = vector.broadcast %rsqrt3A : vector<1000x1xf32> to vector<1000x128xf32>
    %mul3A_21 = arith.mulf %dot_general3A_5, %mul3A : vector<1000x128xf32>
    %swap3A_22 = arith.constant 0 : index
    %swap3A_23 = arith.constant 0 : index
    %swap3A_24 = vector.load %arg5[%swap3A_22, %swap3A_23] : memref<1000x128xf32, #tpu.memory_space<vmem>>, vector<1000x128xf32>
    tpu.vector_store %arg5[%swap3A_22, %swap3A_23], %mul3A_21 {strides = array<i32>} : memref<1000x128xf32, #tpu.memory_space<vmem>>, vector<1000x128xf32>,
    %swap3A_25 = arith.constant 0 : index
    %swap3A_26 = arith.constant 0 : index
    %swap3A_27 = vector.load %arg6[%swap3A_25, %swap3A_26] : memref<1000x1xf32, #tpu.memory_space<vmem>>, vector<1000x1xf32>
    tpu.vector_store %arg6[%swap3A_25, %swap3A_26], %rsqrt3A {strides = array<i32>} : memref<1000x1xf32, #tpu.memory_space<vmem>>, vector<1000x1xf32>,
    return
  }
  func.func @transform_0(%arg0: i32) -> (i32, i32) {
    %c0_i32 = arith.constant 0 : i32
    %c0_i32_0 = arith.constant 0 : i32
    return %arg0, %c0_i32 : i32, i32
  }
  func.func @transform_1(%arg0: i32) -> (i32, i32) {
    %c0_i32 = arith.constant 0 : i32
    %c0_i32_0 = arith.constant 0 : i32
    %c0_i32_1 = arith.constant 0 : i32
    return %c0_i32, %c0_i32_0 : i32, i32
  }
  func.func @transform_2(%arg0: i32) -> (i32, i32, i32) {
    %c0_i32 = arith.constant 0 : i32
    %c0_i32_0 = arith.constant 0 : i32
    %c0_i32_1 = arith.constant 0 : i32
    return %c0_i32, %arg0, %c0_i32_0 : i32, i32, i32
  }
  func.func @transform_3(%arg0: i32) -> (i32, i32) {
    %c0_i32 = arith.constant 0 : i32
    %c0_i32_0 = arith.constant 0 : i32
    return %arg0, %c0_i32 : i32, i32
  }
  func.func @transform_4(%arg0: i32) -> (i32, i32) {
    %c0_i32 = arith.constant 0 : i32
    %c0_i32_0 = arith.constant 0 : i32
    return %arg0, %c0_i32 : i32, i32
  }
  func.func @transform_5(%arg0: i32) -> (i32, i32) {
    %c0_i32 = arith.constant 0 : i32
    %c0_i32_0 = arith.constant 0 : i32
    return %arg0, %c0_i32 : i32, i32
  }
}

module attributes {stable_mosaic.version = 14 : i64} {
  func.func @_tc_b_body(%arg0: i32, %arg1: memref<2x1000x128xf32, #tpu.memory_space<vmem>>, %arg2: memref<1000x128xf32, #tpu.memory_space<vmem>>, %arg3: memref<1000x1xf32, #tpu.memory_space<vmem>>, %arg4: memref<1x128xf32, #tpu.memory_space<vmem>>, %arg5: memref<128x128xf32, #tpu.memory_space<vmem>>, %arg6: memref<1000x128xf32, #tpu.memory_space<vmem>>, %arg7: memref<1000x128xf32, #tpu.memory_space<vmem>>) attributes {dimension_semantics = [#tpu.dimension_semantics<arbitrary>], iteration_bounds = array<i64: 10>, scalar_prefetch = 0 : i64, scratch_operands = 0 : i64, tpu.core_type = #tpu.core_type<tc>, window_params = [{transform_indices = @transform_0, window_bounds = array<i64: 2, 1000, 128>}, {transform_indices = @transform_1, window_bounds = array<i64: 1000, 128>}, {transform_indices = @transform_2, window_bounds = array<i64: 1000, 1>}, {pipeline_mode = #tpu.pipeline_mode<synchronous>, transform_indices = @transform_3, window_bounds = array<i64: 1, 128>}, {pipeline_mode = #tpu.pipeline_mode<synchronous>, transform_indices = @transform_4, window_bounds = array<i64: 128, 128>}, {transform_indices = @transform_5, window_bounds = array<i64: 1000, 128>}, {transform_indices = @transform_6, window_bounds = array<i64: 1000, 128>}]} {
    %get3A = arith.constant 0 : index
    %get3A_0 = arith.constant 0 : index
    %get3A_1 = vector.load %arg3[%get3A, %get3A_0] : memref<1000x1xf32, #tpu.memory_space<vmem>>, vector<1000x1xf32>
    %get3A_2 = arith.constant 0 : index
    %get3A_3 = arith.constant 0 : index
    %get3A_4 = arith.constant 0 : index
    %get3A_5 = vector.load %arg1[%get3A_2, %get3A_3, %get3A_4] : memref<2x1000x128xf32, #tpu.memory_space<vmem>>, vector<1x1000x128xf32>
    %get3A_6 = vector.shape_cast %get3A_5 : vector<1x1000x128xf32> to vector<1000x128xf32>
    %get3A_7 = arith.constant 1 : index
    %get3A_8 = arith.constant 0 : index
    %get3A_9 = arith.constant 0 : index
    %get3A_10 = vector.load %arg1[%get3A_7, %get3A_8, %get3A_9] : memref<2x1000x128xf32, #tpu.memory_space<vmem>>, vector<1x1000x128xf32>
    %get3A_11 = vector.shape_cast %get3A_10 : vector<1x1000x128xf32> to vector<1000x128xf32>
    %add3A = arith.addf %get3A_6, %get3A_11 : vector<1000x128xf32>
    %mul3A = vector.broadcast %get3A_1 : vector<1000x1xf32> to vector<1000x128xf32>
    %mul3A_12 = arith.mulf %mul3A, %add3A : vector<1000x128xf32>
    %get3A_13 = arith.constant 0 : index
    %get3A_14 = arith.constant 0 : index
    %get3A_15 = vector.load %arg2[%get3A_13, %get3A_14] : memref<1000x128xf32, #tpu.memory_space<vmem>>, vector<1000x128xf32>
    %mul3A_16 = vector.broadcast %get3A_1 : vector<1000x1xf32> to vector<1000x128xf32>
    %mul3A_17 = arith.mulf %get3A_15, %mul3A_16 : vector<1000x128xf32>
    %mul3A_18 = vector.broadcast %get3A_1 : vector<1000x1xf32> to vector<1000x128xf32>
    %mul3A_19 = arith.mulf %mul3A_17, %mul3A_18 : vector<1000x128xf32>
    %add3A_20 = arith.addf %mul3A_12, %mul3A_19 : vector<1000x128xf32>
    %get3A_21 = arith.constant 0 : index
    %get3A_22 = arith.constant 0 : index
    %get3A_23 = vector.load %arg4[%get3A_21, %get3A_22] : memref<1x128xf32, #tpu.memory_space<vmem>>, vector<1x128xf32>
    %add3A_24 = vector.broadcast %get3A_23 : vector<1x128xf32> to vector<1000x128xf32>
    %add3A_25 = arith.addf %add3A_20, %add3A_24 : vector<1000x128xf32>
    %max3A = arith.constant 0.000000e+00 : f32
    %max3A_26 = vector.broadcast %max3A : f32 to vector<1000x128xf32>
    %max3A_27 = arith.maximumf %add3A_25, %max3A_26 : vector<1000x128xf32>
    %get3A_28 = arith.constant 0 : index
    %get3A_29 = arith.constant 0 : index
    %get3A_30 = vector.load %arg5[%get3A_28, %get3A_29] : memref<128x128xf32, #tpu.memory_space<vmem>>, vector<128x128xf32>
    %dot_general3A = arith.constant dense<0.000000e+00> : vector<1000x128xf32>
    %dot_general3A_31 = tpu.matmul %max3A_27, %get3A_30, %dot_general3A {dimension_numbers = #tpu.dot_dimension_numbers<[1], [0], [0], [1], [0, 0, 1, 1], [], []>, transpose_lhs_hint = false} : vector<1000x128xf32>, vector<128x128xf32>, vector<1000x128xf32> -> vector<1000x128xf32>
    %swap3A = arith.constant 0 : index
    %swap3A_32 = arith.constant 0 : index
    %swap3A_33 = vector.load %arg6[%swap3A, %swap3A_32] : memref<1000x128xf32, #tpu.memory_space<vmem>>, vector<1000x128xf32>
    tpu.vector_store %arg6[%swap3A, %swap3A_32], %dot_general3A_31 {strides = array<i32>} : memref<1000x128xf32, #tpu.memory_space<vmem>>, vector<1000x128xf32>,
    %mul3A_34 = vector.broadcast %get3A_1 : vector<1000x1xf32> to vector<1000x128xf32>
    %mul3A_35 = arith.mulf %dot_general3A_31, %mul3A_34 : vector<1000x128xf32>
    %swap3A_36 = arith.constant 0 : index
    %swap3A_37 = arith.constant 0 : index
    %swap3A_38 = vector.load %arg7[%swap3A_36, %swap3A_37] : memref<1000x128xf32, #tpu.memory_space<vmem>>, vector<1000x128xf32>
    tpu.vector_store %arg7[%swap3A_36, %swap3A_37], %mul3A_35 {strides = array<i32>} : memref<1000x128xf32, #tpu.memory_space<vmem>>, vector<1000x128xf32>,
    return
  }
  func.func @transform_0(%arg0: i32) -> (i32, i32, i32) {
    %c0_i32 = arith.constant 0 : i32
    %c0_i32_0 = arith.constant 0 : i32
    %c0_i32_1 = arith.constant 0 : i32
    return %c0_i32, %arg0, %c0_i32_0 : i32, i32, i32
  }
  func.func @transform_1(%arg0: i32) -> (i32, i32) {
    %c0_i32 = arith.constant 0 : i32
    %c0_i32_0 = arith.constant 0 : i32
    return %arg0, %c0_i32 : i32, i32
  }
  func.func @transform_2(%arg0: i32) -> (i32, i32) {
    %c0_i32 = arith.constant 0 : i32
    %c0_i32_0 = arith.constant 0 : i32
    return %arg0, %c0_i32 : i32, i32
  }
  func.func @transform_3(%arg0: i32) -> (i32, i32) {
    %c0_i32 = arith.constant 0 : i32
    %c0_i32_0 = arith.constant 0 : i32
    %c0_i32_1 = arith.constant 0 : i32
    return %c0_i32, %c0_i32_0 : i32, i32
  }
  func.func @transform_4(%arg0: i32) -> (i32, i32) {
    %c0_i32 = arith.constant 0 : i32
    %c0_i32_0 = arith.constant 0 : i32
    %c0_i32_1 = arith.constant 0 : i32
    return %c0_i32, %c0_i32_0 : i32, i32
  }
  func.func @transform_5(%arg0: i32) -> (i32, i32) {
    %c0_i32 = arith.constant 0 : i32
    %c0_i32_0 = arith.constant 0 : i32
    return %arg0, %c0_i32 : i32, i32
  }
  func.func @transform_6(%arg0: i32) -> (i32, i32) {
    %c0_i32 = arith.constant 0 : i32
    %c0_i32_0 = arith.constant 0 : i32
    return %arg0, %c0_i32 : i32, i32
  }
}

module attributes {stable_mosaic.version = 14 : i64} {
  func.func @_tc_c_body(%arg0: i32, %arg1: memref<2x1000x128xf32, #tpu.memory_space<vmem>>, %arg2: memref<1000x128xf32, #tpu.memory_space<vmem>>, %arg3: memref<1000x1xf32, #tpu.memory_space<vmem>>, %arg4: memref<1x128xf32, #tpu.memory_space<vmem>>, %arg5: memref<1x1x1000xi32, #tpu.memory_space<vmem>>, %arg6: memref<16x256xf32, #tpu.memory_space<vmem>>, %arg7: memref<256x64xf32, #tpu.memory_space<vmem>>, %arg8: memref<1x64xf32, #tpu.memory_space<vmem>>, %arg9: memref<128x2xf32, #tpu.memory_space<vmem>>, %arg10: memref<64x2xf32, #tpu.memory_space<vmem>>, %arg11: memref<1x2xf32, #tpu.memory_space<vmem>>, %arg12: memref<16x2xf32, #tpu.memory_space<vmem>>, %arg13: memref<16x128xf32, #tpu.memory_space<vmem>>, %arg14: memref<16x8xf32, #tpu.memory_space<vmem>>) attributes {dimension_semantics = [#tpu.dimension_semantics<arbitrary>], iteration_bounds = array<i64: 10>, scalar_prefetch = 0 : i64, scratch_operands = 2 : i64, tpu.core_type = #tpu.core_type<tc>, window_params = [{transform_indices = @transform_0, window_bounds = array<i64: 2, 1000, 128>}, {transform_indices = @transform_1, window_bounds = array<i64: 1000, 128>}, {transform_indices = @transform_2, window_bounds = array<i64: 1000, 1>}, {pipeline_mode = #tpu.pipeline_mode<synchronous>, transform_indices = @transform_3, window_bounds = array<i64: 1, 128>}, {transform_indices = @transform_4, window_bounds = array<i64: 1, 1, 1000>}, {pipeline_mode = #tpu.pipeline_mode<synchronous>, transform_indices = @transform_5, window_bounds = array<i64: 16, 256>}, {pipeline_mode = #tpu.pipeline_mode<synchronous>, transform_indices = @transform_6, window_bounds = array<i64: 256, 64>}, {pipeline_mode = #tpu.pipeline_mode<synchronous>, transform_indices = @transform_7, window_bounds = array<i64: 1, 64>}, {pipeline_mode = #tpu.pipeline_mode<synchronous>, transform_indices = @transform_8, window_bounds = array<i64: 128, 2>}, {pipeline_mode = #tpu.pipeline_mode<synchronous>, transform_indices = @transform_9, window_bounds = array<i64: 64, 2>}, {pipeline_mode = #tpu.pipeline_mode<synchronous>, transform_indices = @transform_10, window_bounds = array<i64: 1, 2>}, {pipeline_mode = #tpu.pipeline_mode<synchronous>, transform_indices = @transform_11, window_bounds = array<i64: 16, 2>}]} {
    %eq3A = arith.constant 0 : i32
    %eq3A_0 = arith.cmpi eq, %arg0, %eq3A : i32
    %convert_element_type3A = arith.extui %eq3A_0 : i1 to i32
    %cond3A = arith.constant 0 : i32
    %cond3A_1 = arith.cmpi ne, %convert_element_type3A, %cond3A : i32
    scf.if %cond3A_1 {
      %broadcast_in_dim3A_62 = arith.constant 0.000000e+00 : f32
      %broadcast_in_dim3A_63 = vector.broadcast %broadcast_in_dim3A_62 : f32 to vector<16x128xf32>
      %swap3A_64 = arith.constant 0 : index
      %swap3A_65 = arith.constant 0 : index
      %swap3A_66 = vector.load %arg13[%swap3A_64, %swap3A_65] : memref<16x128xf32, #tpu.memory_space<vmem>>, vector<16x128xf32>
      tpu.vector_store %arg13[%swap3A_64, %swap3A_65], %broadcast_in_dim3A_63 {strides = array<i32>} : memref<16x128xf32, #tpu.memory_space<vmem>>, vector<16x128xf32>,
      %broadcast_in_dim3A_67 = arith.constant 0.000000e+00 : f32
      %broadcast_in_dim3A_68 = vector.broadcast %broadcast_in_dim3A_67 : f32 to vector<16x8xf32>
      %swap3A_69 = arith.constant 0 : index
      %swap3A_70 = arith.constant 0 : index
      %swap3A_71 = vector.load %arg14[%swap3A_69, %swap3A_70] : memref<16x8xf32, #tpu.memory_space<vmem>>, vector<16x8xf32>
      tpu.vector_store %arg14[%swap3A_69, %swap3A_70], %broadcast_in_dim3A_68 {strides = array<i32>} : memref<16x8xf32, #tpu.memory_space<vmem>>, vector<16x8xf32>,
    } else {
    }
    %get3A = arith.constant 0 : index
    %get3A_2 = arith.constant 0 : index
    %get3A_3 = vector.load %arg3[%get3A, %get3A_2] : memref<1000x1xf32, #tpu.memory_space<vmem>>, vector<1000x1xf32>
    %get3A_4 = arith.constant 0 : index
    %get3A_5 = arith.constant 0 : index
    %get3A_6 = arith.constant 0 : index
    %get3A_7 = vector.load %arg1[%get3A_4, %get3A_5, %get3A_6] : memref<2x1000x128xf32, #tpu.memory_space<vmem>>, vector<1x1000x128xf32>
    %get3A_8 = vector.shape_cast %get3A_7 : vector<1x1000x128xf32> to vector<1000x128xf32>
    %get3A_9 = arith.constant 1 : index
    %get3A_10 = arith.constant 0 : index
    %get3A_11 = arith.constant 0 : index
    %get3A_12 = vector.load %arg1[%get3A_9, %get3A_10, %get3A_11] : memref<2x1000x128xf32, #tpu.memory_space<vmem>>, vector<1x1000x128xf32>
    %get3A_13 = vector.shape_cast %get3A_12 : vector<1x1000x128xf32> to vector<1000x128xf32>
    %add3A = arith.addf %get3A_8, %get3A_13 : vector<1000x128xf32>
    %mul3A = vector.broadcast %get3A_3 : vector<1000x1xf32> to vector<1000x128xf32>
    %mul3A_14 = arith.mulf %mul3A, %add3A : vector<1000x128xf32>
    %get3A_15 = arith.constant 0 : index
    %get3A_16 = arith.constant 0 : index
    %get3A_17 = vector.load %arg2[%get3A_15, %get3A_16] : memref<1000x128xf32, #tpu.memory_space<vmem>>, vector<1000x128xf32>
    %mul3A_18 = vector.broadcast %get3A_3 : vector<1000x1xf32> to vector<1000x128xf32>
    %mul3A_19 = arith.mulf %get3A_17, %mul3A_18 : vector<1000x128xf32>
    %mul3A_20 = vector.broadcast %get3A_3 : vector<1000x1xf32> to vector<1000x128xf32>
    %mul3A_21 = arith.mulf %mul3A_19, %mul3A_20 : vector<1000x128xf32>
    %add3A_22 = arith.addf %mul3A_14, %mul3A_21 : vector<1000x128xf32>
    %get3A_23 = arith.constant 0 : index
    %get3A_24 = arith.constant 0 : index
    %get3A_25 = vector.load %arg4[%get3A_23, %get3A_24] : memref<1x128xf32, #tpu.memory_space<vmem>>, vector<1x128xf32>
    %add3A_26 = vector.broadcast %get3A_25 : vector<1x128xf32> to vector<1000x128xf32>
    %add3A_27 = arith.addf %add3A_22, %add3A_26 : vector<1000x128xf32>
    %max3A = arith.constant 0.000000e+00 : f32
    %max3A_28 = vector.broadcast %max3A : f32 to vector<1000x128xf32>
    %max3A_29 = arith.maximumf %add3A_27, %max3A_28 : vector<1000x128xf32>
    %get3A_30 = arith.constant 0 : index
    %get3A_31 = arith.constant 0 : index
    %get3A_32 = arith.constant 0 : index
    %get3A_33 = vector.load %arg5[%get3A_30, %get3A_31, %get3A_32] : memref<1x1x1000xi32, #tpu.memory_space<vmem>>, vector<1x1x1000xi32>
    %get3A_34 = vector.shape_cast %get3A_33 : vector<1x1x1000xi32> to vector<1000xi32>
    %broadcast_in_dim3A = vector.shape_cast %get3A_34 : vector<1000xi32> to vector<1000x1xi32>
    %iota3A = tpu.iota {dimensions = array<i32: 1>} : vector<1000x16xi32>
    %eq3A_35 = vector.broadcast %broadcast_in_dim3A : vector<1000x1xi32> to vector<1000x16xi32>
    %eq3A_36 = arith.cmpi eq, %eq3A_35, %iota3A : vector<1000x16xi32>
    %convert_element_type3A_37 = arith.extui %eq3A_36 : vector<1000x16xi1> to vector<1000x16xi32>
    %convert_element_type3A_38 = arith.sitofp %convert_element_type3A_37 : vector<1000x16xi32> to vector<1000x16xf32>
    %get3A_39 = arith.constant 0 : index
    %get3A_40 = arith.constant 0 : index
    %get3A_41 = vector.load %arg13[%get3A_39, %get3A_40] : memref<16x128xf32, #tpu.memory_space<vmem>>, vector<16x128xf32>
    %dot_general3A = arith.constant dense<0.000000e+00> : vector<16x128xf32>
    %dot_general3A_42 = tpu.matmul %convert_element_type3A_38, %max3A_29, %dot_general3A {dimension_numbers = #tpu.dot_dimension_numbers<[0], [0], [1], [1], [0, 1, 1, 1], [], []>, transpose_lhs_hint = false} : vector<1000x16xf32>, vector<1000x128xf32>, vector<16x128xf32> -> vector<16x128xf32>
    %add3A_43 = arith.addf %get3A_41, %dot_general3A_42 : vector<16x128xf32>
    %swap3A = arith.constant 0 : index
    %swap3A_44 = arith.constant 0 : index
    %swap3A_45 = vector.load %arg13[%swap3A, %swap3A_44] : memref<16x128xf32, #tpu.memory_space<vmem>>, vector<16x128xf32>
    tpu.vector_store %arg13[%swap3A, %swap3A_44], %add3A_43 {strides = array<i32>} : memref<16x128xf32, #tpu.memory_space<vmem>>, vector<16x128xf32>,
    %broadcast_in_dim3A_46 = arith.constant 1.000000e+00 : f32
    %broadcast_in_dim3A_47 = vector.broadcast %broadcast_in_dim3A_46 : f32 to vector<1000x8xf32>
    %get3A_48 = arith.constant 0 : index
    %get3A_49 = arith.constant 0 : index
    %get3A_50 = vector.load %arg14[%get3A_48, %get3A_49] : memref<16x8xf32, #tpu.memory_space<vmem>>, vector<16x8xf32>
    %dot_general3A_51 = arith.constant dense<0.000000e+00> : vector<16x8xf32>
    %dot_general3A_52 = tpu.matmul %convert_element_type3A_38, %broadcast_in_dim3A_47, %dot_general3A_51 {dimension_numbers = #tpu.dot_dimension_numbers<[0], [0], [1], [1], [0, 1, 1, 1], [], []>, transpose_lhs_hint = false} : vector<1000x16xf32>, vector<1000x8xf32>, vector<16x8xf32> -> vector<16x8xf32>
    %add3A_53 = arith.addf %get3A_50, %dot_general3A_52 : vector<16x8xf32>
    %swap3A_54 = arith.constant 0 : index
    %swap3A_55 = arith.constant 0 : index
    %swap3A_56 = vector.load %arg14[%swap3A_54, %swap3A_55] : memref<16x8xf32, #tpu.memory_space<vmem>>, vector<16x8xf32>
    tpu.vector_store %arg14[%swap3A_54, %swap3A_55], %add3A_53 {strides = array<i32>} : memref<16x8xf32, #tpu.memory_space<vmem>>, vector<16x8xf32>,
    %eq3A_57 = arith.constant 9 : i32
    %eq3A_58 = arith.cmpi eq, %arg0, %eq3A_57 : i32
    %convert_element_type3A_59 = arith.extui %eq3A_58 : i1 to i32
    %cond3A_60 = arith.constant 0 : i32
    %cond3A_61 = arith.cmpi ne, %convert_element_type3A_59, %cond3A_60 : i32
    scf.if %cond3A_61 {
      %get3A_62 = arith.constant 0 : index
      %get3A_63 = arith.constant 0 : index
      %get3A_64 = vector.load %arg14[%get3A_62, %get3A_63] : memref<16x8xf32, #tpu.memory_space<vmem>>, vector<16x1xf32>
      %max3A_65 = arith.constant 1.000000e+00 : f32
      %max3A_66 = vector.broadcast %max3A_65 : f32 to vector<16x1xf32>
      %max3A_67 = arith.maximumf %get3A_64, %max3A_66 : vector<16x1xf32>
      %get3A_68 = arith.constant 0 : index
      %get3A_69 = arith.constant 0 : index
      %get3A_70 = vector.load %arg13[%get3A_68, %get3A_69] : memref<16x128xf32, #tpu.memory_space<vmem>>, vector<16x128xf32>
      %div3A = vector.broadcast %max3A_67 : vector<16x1xf32> to vector<16x128xf32>
      %div3A_71 = arith.divf %get3A_70, %div3A : vector<16x128xf32>
      %get3A_72 = arith.constant 0 : index
      %get3A_73 = arith.constant 0 : index
      %get3A_74 = vector.load %arg6[%get3A_72, %get3A_73] : memref<16x256xf32, #tpu.memory_space<vmem>>, vector<16x256xf32>
      %get3A_75 = arith.constant 0 : index
      %get3A_76 = arith.constant 0 : index
      %get3A_77 = vector.load %arg7[%get3A_75, %get3A_76] : memref<256x64xf32, #tpu.memory_space<vmem>>, vector<256x64xf32>
      %dot_general3A_78 = arith.constant dense<0.000000e+00> : vector<16x64xf32>
      %dot_general3A_79 = tpu.matmul %get3A_74, %get3A_77, %dot_general3A_78 {dimension_numbers = #tpu.dot_dimension_numbers<[1], [0], [0], [1], [0, 0, 1, 1], [], []>, transpose_lhs_hint = false} : vector<16x256xf32>, vector<256x64xf32>, vector<16x64xf32> -> vector<16x64xf32>
      %get3A_80 = arith.constant 0 : index
      %get3A_81 = arith.constant 0 : index
      %get3A_82 = vector.load %arg8[%get3A_80, %get3A_81] : memref<1x64xf32, #tpu.memory_space<vmem>>, vector<1x64xf32>
      %add3A_83 = vector.broadcast %get3A_82 : vector<1x64xf32> to vector<16x64xf32>
      %add3A_84 = arith.addf %dot_general3A_79, %add3A_83 : vector<16x64xf32>
      %max3A_85 = arith.constant 0.000000e+00 : f32
      %max3A_86 = vector.broadcast %max3A_85 : f32 to vector<16x64xf32>
      %max3A_87 = arith.maximumf %add3A_84, %max3A_86 : vector<16x64xf32>
      %get3A_88 = arith.constant 0 : index
      %get3A_89 = arith.constant 0 : index
      %get3A_90 = vector.load %arg9[%get3A_88, %get3A_89] : memref<128x2xf32, #tpu.memory_space<vmem>>, vector<128x2xf32>
      %dot_general3A_91 = arith.constant dense<0.000000e+00> : vector<16x2xf32>
      %dot_general3A_92 = tpu.matmul %div3A_71, %get3A_90, %dot_general3A_91 {dimension_numbers = #tpu.dot_dimension_numbers<[1], [0], [0], [1], [0, 0, 1, 1], [], []>, transpose_lhs_hint = false} : vector<16x128xf32>, vector<128x2xf32>, vector<16x2xf32> -> vector<16x2xf32>
      %get3A_93 = arith.constant 0 : index
      %get3A_94 = arith.constant 0 : index
      %get3A_95 = vector.load %arg10[%get3A_93, %get3A_94] : memref<64x2xf32, #tpu.memory_space<vmem>>, vector<64x2xf32>
      %dot_general3A_96 = arith.constant dense<0.000000e+00> : vector<16x2xf32>
      %dot_general3A_97 = tpu.matmul %max3A_87, %get3A_95, %dot_general3A_96 {dimension_numbers = #tpu.dot_dimension_numbers<[1], [0], [0], [1], [0, 0, 1, 1], [], []>, transpose_lhs_hint = false} : vector<16x64xf32>, vector<64x2xf32>, vector<16x2xf32> -> vector<16x2xf32>
      %add3A_98 = arith.addf %dot_general3A_92, %dot_general3A_97 : vector<16x2xf32>
      %get3A_99 = arith.constant 0 : index
      %get3A_100 = arith.constant 0 : index
      %get3A_101 = vector.load %arg11[%get3A_99, %get3A_100] : memref<1x2xf32, #tpu.memory_space<vmem>>, vector<1x2xf32>
      %add3A_102 = vector.broadcast %get3A_101 : vector<1x2xf32> to vector<16x2xf32>
      %add3A_103 = arith.addf %add3A_98, %add3A_102 : vector<16x2xf32>
      %swap3A_104 = arith.constant 0 : index
      %swap3A_105 = arith.constant 0 : index
      %swap3A_106 = vector.load %arg12[%swap3A_104, %swap3A_105] : memref<16x2xf32, #tpu.memory_space<vmem>>, vector<16x2xf32>
      tpu.vector_store %arg12[%swap3A_104, %swap3A_105], %add3A_103 {strides = array<i32>} : memref<16x2xf32, #tpu.memory_space<vmem>>, vector<16x2xf32>,
    } else {
    }
    return
  }
  func.func @transform_0(%arg0: i32) -> (i32, i32, i32) {
    %c0_i32 = arith.constant 0 : i32
    %c0_i32_0 = arith.constant 0 : i32
    %c0_i32_1 = arith.constant 0 : i32
    return %c0_i32, %arg0, %c0_i32_0 : i32, i32, i32
  }
  func.func @transform_1(%arg0: i32) -> (i32, i32) {
    %c0_i32 = arith.constant 0 : i32
    %c0_i32_0 = arith.constant 0 : i32
    return %arg0, %c0_i32 : i32, i32
  }
  func.func @transform_2(%arg0: i32) -> (i32, i32) {
    %c0_i32 = arith.constant 0 : i32
    %c0_i32_0 = arith.constant 0 : i32
    return %arg0, %c0_i32 : i32, i32
  }
  func.func @transform_3(%arg0: i32) -> (i32, i32) {
    %c0_i32 = arith.constant 0 : i32
    %c0_i32_0 = arith.constant 0 : i32
    %c0_i32_1 = arith.constant 0 : i32
    return %c0_i32, %c0_i32_0 : i32, i32
  }
  func.func @transform_4(%arg0: i32) -> (i32, i32, i32) {
    %c0_i32 = arith.constant 0 : i32
    %c0_i32_0 = arith.constant 0 : i32
    %c0_i32_1 = arith.constant 0 : i32
    return %arg0, %c0_i32, %c0_i32_0 : i32, i32, i32
  }
  func.func @transform_5(%arg0: i32) -> (i32, i32) {
    %c0_i32 = arith.constant 0 : i32
    %c0_i32_0 = arith.constant 0 : i32
    %c0_i32_1 = arith.constant 0 : i32
    return %c0_i32, %c0_i32_0 : i32, i32
  }
  func.func @transform_6(%arg0: i32) -> (i32, i32) {
    %c0_i32 = arith.constant 0 : i32
    %c0_i32_0 = arith.constant 0 : i32
    %c0_i32_1 = arith.constant 0 : i32
    return %c0_i32, %c0_i32_0 : i32, i32
  }
  func.func @transform_7(%arg0: i32) -> (i32, i32) {
    %c0_i32 = arith.constant 0 : i32
    %c0_i32_0 = arith.constant 0 : i32
    %c0_i32_1 = arith.constant 0 : i32
    return %c0_i32, %c0_i32_0 : i32, i32
  }
  func.func @transform_8(%arg0: i32) -> (i32, i32) {
    %c0_i32 = arith.constant 0 : i32
    %c0_i32_0 = arith.constant 0 : i32
    %c0_i32_1 = arith.constant 0 : i32
    return %c0_i32, %c0_i32_0 : i32, i32
  }
  func.func @transform_9(%arg0: i32) -> (i32, i32) {
    %c0_i32 = arith.constant 0 : i32
    %c0_i32_0 = arith.constant 0 : i32
    %c0_i32_1 = arith.constant 0 : i32
    return %c0_i32, %c0_i32_0 : i32, i32
  }
  func.func @transform_10(%arg0: i32) -> (i32, i32) {
    %c0_i32 = arith.constant 0 : i32
    %c0_i32_0 = arith.constant 0 : i32
    %c0_i32_1 = arith.constant 0 : i32
    return %c0_i32, %c0_i32_0 : i32, i32
  }
  func.func @transform_11(%arg0: i32) -> (i32, i32) {
    %c0_i32 = arith.constant 0 : i32
    %c0_i32_0 = arith.constant 0 : i32
    %c0_i32_1 = arith.constant 0 : i32
    return %c0_i32, %c0_i32_0 : i32, i32
  }
}

</mosaic_0001>

<sc_bundles>
// kernel: kernel.11.cloned.1.call-start
scs
__scs_entry_jumppad:
0x0: {  	(pc) =	sbr.rel $0x88, $3  }
0x1: {  	(tag) =	ssettag $0x0;
	lr =	simm.s32 $0x1  }
0x2: {  	[smem:$0x3F94] =	sst lr;
	_ =	strace $0xD0000000  }
0x3: {  	_ = 	snop  }
0x4: {  	_ = 	snop  }
0x5: {  	_ = 	snop  }
0x6: {  	_ = 	snop  }
0x7: {  	_ = 	snop  }
__scs_overlays_trampoline_lowered:
0x8: {  	[smem:$0x3FA3] =	sst s0  }
0x9: {  	[smem:$0x3FA4] =	sst s1  }
0xa: {  	[smem:$0x3FA5] =	sst s2  }
0xb: {  	[smem:$0x3FA6] =	sst s3  }
0xc: {  	[smem:$0x3FA7] =	sst s4  }
0xd: {  	[smem:$0x3FA8] =	sst s5  }
0xe: {  	[smem:$0x3FA9] =	sst s6  }
0xf: {  	[smem:$0x3FAA] =	sst s7  }
0x10: {  	[smem:$0x3FAB] =	sst s8  }
0x11: {  	[smem:$0x3FAC] =	sst s9;
	s0 =	simm.s32 @!p0 $0x0  }
0x12: {  	s1 =	sld [smem:$0x3F92];
	s0 =	simm.s32 @p0 $0x1  }
0x13: {  	[smem:$0x3FAD] =	sst s0;
	s0 =	simm.s32 @!p1 $0x0  }
0x14: {  	s2 =	sld [smem:$0x3F91];
	s0 =	simm.s32 @p1 $0x1  }
0x15: {  	[smem:$0x3FAE] =	sst s0;
	s0 =	simm.s32 @!p2 $0x0  }
0x16: {  	s3 =	sld [smem:$0x3FDB];
	s0 =	simm.s32 @p2 $0x1  }
0x17: {  	s4 =	simm.s32 $0x1BF5;
	[smem:$0x3FB0] =	sst s0  }
0x18: {  	s0 =	sld [smem:$0x3F93];
	_ =	swait.ge [sflag:s4], $0x0  }
0x19: {  	s7 =	sld [smem:$0x3F94]  }
0x1a: {  	s8 =	sadd.s32 $0xFFFFE003, lr  }
0x1b: {  	s9 =	sadd.s32 $0xFFFFFEF7, lr;
	s5 =	simm.s32 $0xFFFFFFFF;
	p2 =	slt.u32 s8, $0xFFFFF086  }
0x1c: {  	p1 =	slt.u32 s9, $0xF7A;
	s5 =	simm.s32 @!p2 $0x0  }
0x1d: {  	s5 =	simm.s32 @p1 $0x1;
	p0 =	seq.s32 s7, s2  }
0x1e: {  	s7 =	smul.u32 @!p0 $0xF7A, s2;
	p2 =	seq.s32 @!p0 s5, $0x0  }
0x1f: {  	s9 =	smul.u32 $0xF7A, s1;
	s8 =	simm.s32 @!p0 $0x1BF5;
	p2 =	por !p2, p0  }
0x20: {  	[sflag:s8] =	ssyncset.s32 @!p0 $0xFFFFF086;
	s6 =	sadd.s32 @!p0 s3, s7;
	s7 =	simm.s32 @!p0 $0x108  }
0x21: {  	s3 =	sadd.s32 s3, s9;
	s6 =	sadd.s32 @!p0 $0x88, s6;
	s7 =	simm.s32 @p2 $0x1082  }
0x22: {  	[simem:s7], [sflag:s8] =	dma.local @!p0 [hbm:s6], $0xF7A  }
0x23: {  	s9 =	sor.u32 $0xD0000000, s2;
	s6 =	simm.s32 $0x108;
	_ =	swait.ge @!p0 [sflag:s8], $0x0  }
0x24: {  	s3 =	sadd.s32 $0x88, s3;
	s6 =	simm.s32 @!p1 $0x1082;
	[sflag:s4] =	ssyncset.s32 $0xFFFFF086  }
0x25: {  	[simem:s6], [sflag:s4] =	dma.local [hbm:s3], $0xF7A  }
0x26: {  	[smem:$0x3F94] =	sst s1;
	(tag) =	ssettag s2;
	_ =	strace s9  }
0x27: {  	s1 =	sld [smem:$0x3FA4]  }
0x28: {  	s2 =	sld [smem:$0x3FA5]  }
0x29: {  	s4 =	sld [smem:$0x3FA7]  }
0x2a: {  	p0 =	seq.s32 s5, $0x0;
	s5 =	sld [smem:$0x3FA8]  }
0x2b: {  	s6 =	sld [smem:$0x3FA9]  }
0x2c: {  	s7 =	sld [smem:$0x3FAA]  }
0x2d: {  	s3 =	simm.s32 $0x108;
	s8 =	sld [smem:$0x3FAB]  }
0x2e: {  	s3 =	simm.s32 @!p0 $0x1082;
	s9 =	sld [smem:$0x3FAC]  }
0x2f: {  	lr =	sadd.s32 s0, s3;
	s0 =	sld [smem:$0x3FA3]  }
0x30: {  	s3 =	sld [smem:$0x3FA6]  }
0x31: {  	[smem:$0x3FAF] =	sst s10  }
0x32: {  	s10 =	sld [smem:$0x3FAD];
	_ =	sdelay $0x3  }
0x33: {  	p0 =	seq.s32 s10, $0x1;
	s10 =	sld [smem:$0x3FAF];
	_ =	sdelay $0x3  }
0x34: {  	[smem:$0x3FAF] =	sst s10  }
0x35: {  	s10 =	sld [smem:$0x3FAE];
	_ =	sdelay $0x3  }
0x36: {  	p1 =	seq.s32 s10, $0x1;
	s10 =	sld [smem:$0x3FAF];
	_ =	sdelay $0x3  }
0x37: {  	[smem:$0x3FAF] =	sst s10  }
0x38: {  	s10 =	sld [smem:$0x3FB0]  }
0x39: {  	_ = 	snop;
	(pc) =	sbr.ind lr, $3  }
0x3a: {  	_ = 	snop  }
0x3b: {  	_ = 	snop  }
0x3c: {  	p2 =	seq.s32 s10, $0x1;
	s10 =	sld [smem:$0x3FAF]  }
0x3d: {  	_ =	shalt  }
0x3e: {  	_ =	shalt  }
0x3f: {  	_ =	shalt  }
0x40: {  	_ =	shalt  }
0x41: {  	_ =	shalt  }
0x42: {  	_ =	shalt  }
0x43: {  	_ =	shalt  }
0x44: {  	_ =	shalt  }
0x45: {  	_ =	shalt  }
0x46: {  	_ =	shalt  }
0x47: {  	_ =	shalt  }
0x48: {  	_ =	shalt  }
0x49: {  	_ =	shalt  }
0x4a: {  	_ =	shalt  }
0x4b: {  	_ =	shalt  }
0x4c: {  	_ =	shalt  }
0x4d: {  	_ =	shalt  }
0x4e: {  	_ =	shalt  }
0x4f: {  	_ =	shalt  }
0x50: {  	_ =	shalt  }
0x51: {  	_ =	shalt  }
0x52: {  	_ =	shalt  }
0x53: {  	_ =	shalt  }
0x54: {  	_ =	shalt  }
0x55: {  	_ =	shalt  }
0x56: {  	_ =	shalt  }
0x57: {  	_ =	shalt  }
0x58: {  	_ =	shalt  }
0x59: {  	_ =	shalt  }
0x5a: {  	_ =	shalt  }
0x5b: {  	_ =	shalt  }
0x5c: {  	_ =	shalt  }
0x5d: {  	_ =	shalt  }
0x5e: {  	_ =	shalt  }
0x5f: {  	_ =	shalt  }
0x60: {  	_ =	shalt  }
0x61: {  	_ =	shalt  }
0x62: {  	_ =	shalt  }
0x63: {  	_ =	shalt  }
0x64: {  	_ =	shalt  }
0x65: {  	_ =	shalt  }
0x66: {  	_ =	shalt  }
0x67: {  	_ =	shalt  }
0x68: {  	_ =	shalt  }
0x69: {  	_ =	shalt  }
0x6a: {  	_ =	shalt  }
0x6b: {  	_ =	shalt  }
0x6c: {  	_ =	shalt  }
0x6d: {  	_ =	shalt  }
0x6e: {  	_ =	shalt  }
0x6f: {  	_ =	shalt  }
0x70: {  	_ =	shalt  }
0x71: {  	_ =	shalt  }
0x72: {  	_ =	shalt  }
0x73: {  	_ =	shalt  }
0x74: {  	_ =	shalt  }
0x75: {  	_ =	shalt  }
0x76: {  	_ =	shalt  }
0x77: {  	_ =	shalt  }
0x78: {  	_ =	shalt  }
0x79: {  	_ =	shalt  }
0x7a: {  	_ =	shalt  }
0x7b: {  	_ =	shalt  }
0x7c: {  	_ =	shalt  }
0x7d: {  	_ =	shalt  }
0x7e: {  	_ =	shalt  }
0x7f: {  	_ =	shalt  }
0x80: {  	_ =	shalt  }
0x81: {  	_ =	shalt  }
0x82: {  	_ =	shalt  }
0x83: {  	_ =	shalt  }
0x84: {  	_ =	shalt  }
0x85: {  	_ =	shalt  }
0x86: {  	_ =	shalt  }
0x87: {  	_ =	shalt  }
.Lfunc_end0:
.L_simem_size_0:
called_computation.1_lowered:
.L_overlay_start_0:
0x88: {  	s2 =	sld [smem:$0x3FD9]  }
0x89: {  	s3 =	sld [smem:$0x3FFE];
	_ =	sdelay $0x1  }
0x8a: {  	s1 =	srdreg.scid  }
0x8b: {  	s0 =	sand.u32 $0x1, s1  }
0x8c: {  	s16 =	sshll.u32 s0, $0xA;
	s2 =	sadd.s32 s3, s2  }
0x8d: {  	s2 =	sadd.s32 s2, s16  }
0x8e: {  	[smem:$0x3FBB] =	sst s2  }
0x8f: {  	_ = 	snop  }
0x90: {  	(tm) =	ssettm $0x1  }
0x91: {  	s17 =	sld [smem:$0x3FFB];
	_ =	sdelay $0x3  }
0x92: {  	_ =	strace s17  }
0x93: {  	s2 =	sld [smem:$0x3FFC];
	_ =	sdelay $0x3  }
0x94: {  	_ =	strace s2  }
0x95: {  	s2 =	sld [smem:$0x3FFD];
	_ =	sdelay $0x3  }
0x96: {  	_ =	strace s2  }
0x97: {  	_ =	strace $0x8FFFFFFF  }
0x98: {  	s18 =	sld [smem:$0x3FDB];
	_ =	sdelay $0x1  }
0x99: {  	s19 =	simm.s32 $_scs_section_size  }
0x9a: {  	s4 =	simm.s32 $_size__tile_overlayer_lowered;
	s5 =	simm.s32 $_tile_overlayer_lowered  }
0x9b: {  	s22 =	simm.s32 $0x1BFF;
	s21 =	sshll.u32 s5, $0x1;
	s2 =	sadd.s32 s19, s18  }
0x9c: {  	s6 =	simm.s32 $0x0;
	s20 =	sshll.u32 s4, $0x1;
	s4 =	sadd.s32 s21, s2  }
0x9d: {  	[timem:s6], [sflag:s22] =	dma.local [hbm:s4], s20  }
0x9e: {  	_ =	swait.ge [sflag:s22], s20  }
0x9f: {  	s3 =	ssub.s32 $0x0, s20;
	[sflag:s22] =	ssyncset.done $0x0  }
0xa0: {  	[sflag:s22] =	ssyncadd.s32 s3;
	_ =	sdelay $0x1  }
0xa1: {  	s23 =	simm.s32 $0x1B8B  }
0xa2: {  	_ =	swait.ge [sflag:s23], $0x1  }
0xa3: {  	[sflag:s23] =	ssyncset.done $0x0  }
0xa4: {  	s25 =	simm.s32 $0x1B8E;
	s24 =	sld [smem:$0x3FFE];
	[sflag:s23] =	ssyncadd.s32 $0xFFFFFFFF  }
0xa5: {  	s26 =	simm.s32 $execute0_lowered;
	[smem:$0x3FD2] =	sst s25  }
0xa6: {  	s4 =	sshll.u32 s26, $0x1;
	_ =	strace $0x80000049;
	[dreg:$0x1] =	wrdreg $0xFFFFFFFF  }
0xa7: {  	s28 =	simm.s32 $_size_execute0_lowered;
	s2 =	sadd.s32 s2, s4;
	[dreg:$0x0] =	wrdreg $0x0  }
0xa8: {  	s4 =	sshll.u32 s28, $0x1;
	[dreg:$0x2] =	wrdreg s2  }
0xa9: {  	[dreg:$0x3] =	wrdreg s4  }
0xaa: {  	[dreg:$0x4] =	wrdreg $0xC0  }
0xab: {  	_ =	task [dreg:s6], $0x5FFFF  }
0xac: {  	[dreg:$0x1] =	wrdreg $0xFFFFFFFF  }
0xad: {  	[dreg:$0x0] =	wrdreg $0x60  }
0xae: {  	[dreg:$0x2] =	wrdreg s24  }
0xaf: {  	[dreg:$0x3] =	wrdreg $0x83000  }
0xb0: {  	[dreg:$0x4] =	wrdreg $0x9  }
0xb1: {  	_ =	task.clear_ibuf [dreg:s6], $0x5FFFF;
	_ =	strace $0x90000049  }
0xb2: {  	s29 =	simm.s32 $0x9;
	_ =	strace $0x8000004B  }
0xb3: {  	_ =	swait.ge [sflag:s29], $0x1  }
0xb4: {  	[sflag:s29] =	ssyncadd.s32 $0xFFFFFFFF  }
0xb5: {  	_ =	strace $0x9000004B  }
0xb6: {  	_ =	sfence  }
0xb7: {  	s30 =	sld [smem:$0x0];
	_ =	sdelay $0x2  }
0xb8: {  	s31 =	sshll.u32 s1, $0xD;
	s1 =	sshrl.u32 s1, $0x2  }
0xb9: {  	s3 =	sand.u32 $0x4000, s31;
	s1 =	sadd.s32 s1, s30  }
0xba: {  	s0 =	sor.u32 s3, s0;
	s1 =	sshll.u32 s1, $0x11  }
0xbb: {  	s0 =	sor.u32 s1, s0  }
0xbc: {  	s0 =	sadd.s32 $0x8F2B, s0  }
0xbd: {  	[sflag:s0] =	ssyncadd.remote.s32 $0x1  }
0xbe: {  	_ =	sfence.sel $0xFFFF  }
0xbf: {  	[dreg:$0x0] =	wrdreg $0xFFFFFFFF;
	(pc) =	sbr.abs _section_cstart, $3  }
0xc0: {  	[dreg:$0x1] =	wrdreg $0xFFFFFFFF  }
0xc1: {  	_ =	task.clear_ibuf [dreg:s6], $0x2FFFF;
	_ =	strace $0x9FFFFFFF  }
0xc2: {  	(tm) =	ssettm $0x7FFFFFFF  }
0xc3: {  	_ =	shalt  }
tec
execute0_lowered:
.L_overlay_start_1:
0x0: {  	(tag) =	ssettag $0x1  }
0x1: {  	s0 =	rddreg [dreg:$0x0]  }
0x2: {  	s1 =	srdreg.scid;
	s2 =	rddreg [dreg:$0x1]  }
0x3: {  	s11 =	stileid.u32;
	s3 =	simm.s32 $0x0;
	s16 =	simm.s32 $0x300  }
0x4: {  	s17 =	simm.s32 $0x9;
	s18 =	simm.s32 $0x80;
	s19 =	simm.s32 $0x100  }
0x5: {  	s20 =	simm.s32 $0x180;
	s21 =	simm.s32 $0x200;
	s28 =	simm.s32 $0x4  }
0x6: {  	s29 =	simm.s32 $0x7;
	s30 =	simm.s32 $0x2;
	s6 =	smul.u32 $0x14000, s11  }
0x7: {  	s31 =	simm.s32 $0x4300;
	s1 =	sand.u32 $0x1, s1;
	s22 =	smul.u32 $0x50000, s11  }
0x8: {  	[smem:$0x7FF] =	sst s3;
	s4 =	sadd.s32 $0x21400, s0;
	s11 =	smul.u32 $0xA0, s11  }
0x9: {  	s5 =	smul.u32 $0x140000, s1;
	_ =	strace $0x8000004A;
	s10 =	ssub.s32 $0x2, s1  }
0xa: {  	s9 =	ssub.s32 $0x0, s1;
	p0 =	sne.s32 s1, $0x0;
	s12 =	sshrl.u32 s10, $0x1  }
0xb: {  	s9 =	sand.u32 $0x70, s9;
	s7 =	sadd.s32 s6, s5;
	s5 =	sadd.s32 $0x17400, s0  }
0xc: {  	s6 =	sadd.s32 $0xD400, s0;
	s10 =	ssub.s32 s10, s12;
	s8 =	sshrl.u32 s7, $0x3  }
0xd: {  	s7 =	sadd.s32 $0x3400, s0;
	s0 =	sadd.s32 s8, s0;
	s8 =	sshrl.u32 s22, $0x2  }
0xe: {  	s9 =	sadd.s32 s11, s9;
	s8 =	sadd.s32 s8, s2;
	s0 =	sadd.s32 $0x48600, s0  }
0xf: {  	s13 =	sshll.u32 s9, $0x4;
	s23 =	sadd.s32 $0x4000, s8;
	[dreg:$0x7] =	wrdreg s0  }
.Ltmp0:
0x10: {  	s24 =	sadd.s32 $0x8000, s8;
	[dreg:$0x3] =	wrdreg s23;
	(pc) =	sbr.rel .LBB2_1-.Ltmp0, $4  }
0x11: {  	s15 =	smax.u32 s10, $0x1;
	s25 =	sadd.s32 $0xC000, s8;
	[dreg:$0x4] =	wrdreg s24  }
0x12: {  	s22 =	simm.s32 $0x280;
	s26 =	sadd.s32 $0x10000, s8;
	[dreg:$0x5] =	wrdreg s25  }
0x13: {  	s0 =	simm.s32 $0x8;
	[dreg:$0x6] =	wrdreg s26;
	s23 =	simm.s32 $0x1  }
0x14: {  	v0 =	vimm.f32 $0.0e+00;
	s24 =	simm.s32 $0x5;
	s25 =	simm.s32 $0x6;
	s26 =	simm.s32 $0x3  }
.LBB2_14:
0x15: {  	s1 =	stileid.u32;
	[bflag:$0x0] =	sbarrier.arrive $0xFFFF;
	s3 =	sadd.s32 $0x1, s3  }
0x16: {  	s9 =	sshrl.u32 s8, $0x3;
	s1 =	sshll.u32 s1, $0x6;
	p1 =	sne.s32 s3, s15  }
.Ltmp1:
0x17: {  	s10 =	rddreg [dreg:$0x7];
	s1 =	sor.u32 $0x1C09, s1;
	(pc) =	sbr.rel @!p1 .LBB2_15-.Ltmp1, $4  }
0x18: {  	[hbm:s10], [sflag:s1] =	dma.local [spmem:s9], $0x2800  }
0x19: {  	_ =	swait.ge [sflag:s17], $0x2800  }
0x1a: {  	[sflag:s17] =	ssyncset.done $0x0  }
0x1b: {  	[sflag:s17] =	ssyncadd.s32 $0xFFFFD800  }
.LBB2_1:
0x1c: {  	s1 =	simm.s32 $0x400  }
0x1d: {  	[tilespmem:s1+$0xFFFFFF00] =	vst v0  }
0x1e: {  	[tilespmem:s1+$0xF0] =	vst v0  }
0x1f: {  	[tilespmem:s1+$0xE0] =	vst v0  }
0x20: {  	[tilespmem:s1+$0xD0] =	vst v0  }
0x21: {  	[tilespmem:s1+$0xC0] =	vst v0  }
0x22: {  	[tilespmem:s1+$0xB0] =	vst v0  }
0x23: {  	[tilespmem:s1+$0xA0] =	vst v0  }
0x24: {  	[tilespmem:s1+$0x90] =	vst v0  }
0x25: {  	[tilespmem:s1+$0x80] =	vst v0  }
0x26: {  	[tilespmem:s1+$0x70] =	vst v0  }
0x27: {  	[tilespmem:s1+$0x60] =	vst v0  }
0x28: {  	[tilespmem:s1+$0x50] =	vst v0  }
0x29: {  	[tilespmem:s1+$0x40] =	vst v0  }
0x2a: {  	[tilespmem:s1+$0x30] =	vst v0  }
0x2b: {  	[tilespmem:s1+$0x20] =	vst v0  }
0x2c: {  	[tilespmem:s1+$0x10] =	vst v0  }
0x2d: {  	[tilespmem:s1+$0x0] =	vst v0  }
0x2e: {  	[tilespmem:s1+$0xFFFFFFF0] =	vst v0  }
0x2f: {  	[tilespmem:s1+$0xFFFFFFE0] =	vst v0  }
0x30: {  	[tilespmem:s1+$0xFFFFFFD0] =	vst v0  }
0x31: {  	[tilespmem:s1+$0xFFFFFFC0] =	vst v0  }
0x32: {  	[tilespmem:s1+$0xFFFFFFB0] =	vst v0  }
0x33: {  	[tilespmem:s1+$0xFFFFFFA0] =	vst v0  }
0x34: {  	[tilespmem:s1+$0xFFFFFF90] =	vst v0  }
0x35: {  	[tilespmem:s1+$0xFFFFFF80] =	vst v0  }
0x36: {  	[tilespmem:s1+$0xFFFFFF70] =	vst v0  }
0x37: {  	[tilespmem:s1+$0xFFFFFF60] =	vst v0  }
0x38: {  	[tilespmem:s1+$0xFFFFFF50] =	vst v0  }
0x39: {  	[tilespmem:s1+$0xFFFFFF40] =	vst v0  }
0x3a: {  	[tilespmem:s1+$0xFFFFFF30] =	vst v0  }
0x3b: {  	s9 =	simm.s32 $0x0;
	[tilespmem:s1+$0xFFFFFF20] =	vst v0  }
.LBB2_2:
0x3c: {  	s9 =	sadd.s32 $0x4, s9;
	[tilespmem:s1+$0xFFFFFF10] =	vst v0;
	s1 =	sadd.s32 $0x200, s1  }
0x3d: {  	[tilespmem:s1+$0xFFFFFF00] =	vst v0;
	p1 =	slt.u32 s9, $0x7C  }
0x3e: {  	[tilespmem:s1+$0xF0] =	vst v0  }
0x3f: {  	[tilespmem:s1+$0xE0] =	vst v0  }
0x40: {  	[tilespmem:s1+$0xD0] =	vst v0  }
0x41: {  	[tilespmem:s1+$0xC0] =	vst v0  }
0x42: {  	[tilespmem:s1+$0xB0] =	vst v0  }
0x43: {  	[tilespmem:s1+$0xA0] =	vst v0  }
0x44: {  	[tilespmem:s1+$0x90] =	vst v0  }
0x45: {  	[tilespmem:s1+$0x80] =	vst v0  }
0x46: {  	[tilespmem:s1+$0x70] =	vst v0  }
0x47: {  	[tilespmem:s1+$0x60] =	vst v0  }
0x48: {  	[tilespmem:s1+$0x50] =	vst v0  }
0x49: {  	[tilespmem:s1+$0x40] =	vst v0  }
0x4a: {  	[tilespmem:s1+$0x30] =	vst v0  }
0x4b: {  	[tilespmem:s1+$0x20] =	vst v0  }
0x4c: {  	[tilespmem:s1+$0x10] =	vst v0  }
0x4d: {  	[tilespmem:s1+$0x0] =	vst v0  }
0x4e: {  	[tilespmem:s1+$0xFFFFFFF0] =	vst v0  }
0x4f: {  	[tilespmem:s1+$0xFFFFFFE0] =	vst v0  }
0x50: {  	[tilespmem:s1+$0xFFFFFFD0] =	vst v0  }
0x51: {  	[tilespmem:s1+$0xFFFFFFC0] =	vst v0  }
0x52: {  	[tilespmem:s1+$0xFFFFFFB0] =	vst v0  }
0x53: {  	[tilespmem:s1+$0xFFFFFFA0] =	vst v0  }
0x54: {  	[tilespmem:s1+$0xFFFFFF90] =	vst v0  }
0x55: {  	[tilespmem:s1+$0xFFFFFF80] =	vst v0  }
0x56: {  	[tilespmem:s1+$0xFFFFFF70] =	vst v0  }
.Ltmp2:
0x57: {  	[tilespmem:s1+$0xFFFFFF60] =	vst v0;
	(pc) =	sbr.rel @p1 .LBB2_2-.Ltmp2, $4  }
0x58: {  	[tilespmem:s1+$0xFFFFFF50] =	vst v0  }
0x59: {  	[tilespmem:s1+$0xFFFFFF40] =	vst v0  }
0x5a: {  	[tilespmem:s1+$0xFFFFFF30] =	vst v0  }
0x5b: {  	[tilespmem:s1+$0xFFFFFF20] =	vst v0  }
0x5c: {  	[tilespmem:s1+$0xFFFFFF10] =	vst v0  }
0x5d: {  	[spmem:s8] =	stream.linear.scatter [tilespmem:s16], [sflag:$0x9], $0x4000, $0x38;
	[tilespmem:$0x1C300] =	vst v63  }
0x5e: {  	_ =	swait.ge [sflag:s17], $0x4000  }
0x5f: {  	[sflag:s17] =	ssyncset.done $0x0  }
0x60: {  	s10 =	rddreg [dreg:$0x3];
	[sflag:s17] =	ssyncadd.s32 $0xFFFFC000  }
0x61: {  	[spmem:s10] =	stream.linear.scatter [tilespmem:s16], [sflag:$0x9], $0x4000, $0x38;
	[tilespmem:$0x1C300] =	vst v63  }
0x62: {  	_ =	swait.ge [sflag:s17], $0x4000  }
0x63: {  	[sflag:s17] =	ssyncset.done $0x0  }
0x64: {  	s11 =	rddreg [dreg:$0x4];
	[sflag:s17] =	ssyncadd.s32 $0xFFFFC000  }
0x65: {  	[spmem:s11] =	stream.linear.scatter [tilespmem:s16], [sflag:$0x9], $0x4000, $0x38;
	[tilespmem:$0x1C300] =	vst v63  }
0x66: {  	_ =	swait.ge [sflag:s17], $0x4000  }
0x67: {  	[sflag:s17] =	ssyncset.done $0x0  }
0x68: {  	s12 =	rddreg [dreg:$0x5];
	[sflag:s17] =	ssyncadd.s32 $0xFFFFC000  }
0x69: {  	[spmem:s12] =	stream.linear.scatter [tilespmem:s16], [sflag:$0x9], $0x4000, $0x38;
	[tilespmem:$0x1C300] =	vst v63  }
0x6a: {  	_ =	swait.ge [sflag:s17], $0x4000  }
0x6b: {  	[sflag:s17] =	ssyncset.done $0x0  }
0x6c: {  	s14 =	rddreg [dreg:$0x6];
	[sflag:s17] =	ssyncadd.s32 $0xFFFFC000  }
0x6d: {  	[spmem:s14] =	stream.linear.scatter [tilespmem:s16], [sflag:$0x9], $0x4000, $0x38;
	[tilespmem:$0x1C300] =	vst v63  }
.Ltmp3:
0x6e: {  	_ =	swait.ge [sflag:s17], $0x4000;
	(pc) =	sbr.rel @p0 .LBB2_9-.Ltmp3, $4  }
0x6f: {  	[sflag:s17] =	ssyncset.done $0x0  }
0x70: {  	[sflag:s17] =	ssyncadd.s32 $0xFFFFC000  }
0x71: {  	[bflag:$0x0] =	sbarrier.arrive $0xFFFF  }
0x72: {  	s1 =	simm.s32 $0x0;
	s9 =	simm.s32 $0x0;
	s10 =	simm.s32 $0x0  }
.LBB2_4:
0x73: {  	s10 =	sshll.u32 s9, $0x5  }
0x74: {  	s11 =	sadd.s32 s13, s10  }
0x75: {  	s10 =	sand.u32 $0x60, s10;
	s11 =	sand.u32 $0x3FF80, s11  }
0x76: {  	s10 =	sor.u32 s10, s11  }
0x77: {  	s11 =	sadd.s32 s5, s10  }
0x78: {  	[tilespmem:s1], [sflag:$0x1] =	stream.linear.gather [hbm4b:s11+s1], $0x80, $0x38;
	[tilespmem:$0x1C300] =	vst v63  }
0x79: {  	s11 =	sor.u32 $0x10, s10  }
0x7a: {  	s12 =	sadd.s32 s5, s11  }
0x7b: {  	[tilespmem:s18], [sflag:$0x2] =	stream.linear.gather [hbm4b:s12+s1], $0x80, $0x38;
	[tilespmem:$0x1C300] =	vst v63  }
0x7c: {  	s14 =	sadd.s32 s6, s10  }
0x7d: {  	[tilespmem:s19], [sflag:$0x3] =	stream.linear.gather [hbm4b:s14+s1], $0x80, $0x38;
	[tilespmem:$0x1C300] =	vst v63  }
0x7e: {  	s14 =	sadd.s32 s6, s11  }
0x7f: {  	[tilespmem:s20], [sflag:$0x4] =	stream.linear.gather [hbm4b:s14+s1], $0x80, $0x38;
	[tilespmem:$0x1C300] =	vst v63  }
0x80: {  	s10 =	sadd.s32 s7, s10  }
0x81: {  	[tilespmem:s21], [sflag:$0x5] =	stream.linear.gather [hbm4b:s10+s1], $0x80, $0x38;
	[tilespmem:$0x1C300] =	vst v63  }
0x82: {  	s12 =	sadd.s32 s7, s11  }
0x83: {  	[tilespmem:s22], [sflag:$0x6] =	stream.linear.gather [hbm4b:s12+s1], $0x80, $0x38;
	[tilespmem:$0x1C300] =	vst v63  }
0x84: {  	_ =	swait.ge [sflag:s23], $0x80  }
0x85: {  	[sflag:s23] =	ssyncset.done $0x0  }
0x86: {  	[sflag:s23] =	ssyncadd.s32 $0xFFFFFF80  }
0x87: {  	[tilespmem:s16], [sflag:$0x7] =	stream.indirect.gather [hbm4b:s4+s18], $0x80, s1, s18, $0xb8;
	[tilespmem:$0x1C300] =	vst v63  }
0x88: {  	_ =	swait.ge [sflag:s24], $0x80  }
0x89: {  	[sflag:s24] =	ssyncset.done $0x0  }
0x8a: {  	[sflag:s24] =	ssyncadd.s32 $0xFFFFFF80  }
0x8b: {  	_ =	swait.ge [sflag:s25], $0x80  }
0x8c: {  	[sflag:s25] =	ssyncset.done $0x0  }
0x8d: {  	[sflag:s25] =	ssyncadd.s32 $0xFFFFFF80  }
0x8e: {  	_ =	swait.ge [sflag:s26], $0x80  }
0x8f: {  	[sflag:s26] =	ssyncset.done $0x0  }
0x90: {  	[sflag:s26] =	ssyncadd.s32 $0xFFFFFF80  }
0x91: {  	_ =	swait.ge [sflag:s28], $0x80  }
0x92: {  	[sflag:s28] =	ssyncset.done $0x0  }
0x93: {  	[sflag:s28] =	ssyncadd.s32 $0xFFFFFF80  }
0x94: {  	v1 =	vmov s1;
	_ =	swait.ge [sflag:s29], $0x4000  }
0x95: {  	v1 =	vand.u32 $0xFFFFFFFE, v1;
	[sflag:s29] =	ssyncset.done $0x0  }
0x96: {  	v2 =	vbroadcast v1, $0x0;
	[sflag:s29] =	ssyncadd.s32 $0xFFFFC000  }
0x97: {  	_ =	swait.ge [sflag:s30], $0x80  }
0x98: {  	[sflag:s30] =	ssyncset.done $0x0  }
0x99: {  	s10 =	simm.s32 $0x380;
	[sflag:s30] =	ssyncadd.s32 $0xFFFFFF80  }
0x9a: {  	[tilespmem:s31], [sflag:$0x8] =	stream.indirect.gather [hbm4b:s4+s18], $0x80, s18, s18, $0xb8;
	[tilespmem:$0x1C300] =	vst v63  }
0x9b: {  	v5 =	vld [tilespmem:s10+$0xFFFFFFF0]  }
0x9c: {  	v6 =	vld.idx.msk [tilespmem:v2+s21+$0x0], $0xffff  }
0x9d: {  	v7 =	vld [tilespmem:s10+$0xFFFFFF80]  }
0x9e: {  	v8 =	vld [tilespmem:s10+$0xFFFFFFA0]  }
0x9f: {  	v4 =	vld [tilespmem:s10+$0xFFFFFFB0]  }
0xa0: {  	v3 =	vld [tilespmem:s10+$0xFFFFFFD0]  }
0xa1: {  	v10 =	vld [tilespmem:s10+$0xFFFFFF90];
	v5 =	vmul.f32 v5, v6  }
0xa2: {  	v9 =	vld [tilespmem:s10+$0xFFFFFFE0];
	v7 =	vmul.f32 v7, v6  }
0xa3: {  	v11 =	vld [tilespmem:s10+$0xFFFFFFC0];
	v8 =	vmul.f32 v8, v6;
	[tilespmem:s10+$0xFFFFFFF0] =	vst v5  }
0xa4: {  	v4 =	vmul.f32 v4, v6;
	[tilespmem:s10+$0xFFFFFF80] =	vst v7  }
0xa5: {  	s14 =	simm.s32 $0x1;
	v3 =	vmul.f32 v3, v6;
	[tilespmem:s10+$0xFFFFFFA0] =	vst v8  }
0xa6: {  	v5 =	vmul.f32 v10, v6;
	[tilespmem:s10+$0xFFFFFFB0] =	vst v4;
	v7 =	vmov s14  }
0xa7: {  	v1 =	vld [tilespmem:s10+$0x0];
	v4 =	vmul.f32 v9, v6;
	[tilespmem:s10+$0xFFFFFFD0] =	vst v3  }
0xa8: {  	v2 =	vld [tilespmem:s10+$0x10];
	v3 =	vmul.f32 v11, v6;
	[tilespmem:s10+$0xFFFFFF90] =	vst v5  }
0xa9: {  	[tilespmem:s10+$0xFFFFFFE0] =	vst v4;
	v5 =	vld [tilespmem:s10+$0x30]  }
0xaa: {  	[tilespmem:s10+$0xFFFFFFC0] =	vst v3;
	v4 =	vld [tilespmem:s10+$0x70]  }
0xab: {  	s11 =	simm.s32 $0x2;
	s12 =	simm.s32 $0x380;
	v3 =	vld.idx.msk [tilespmem:v7+s21+$0x0], $0xffff  }
.LBB2_5:
0xac: {  	p1 =	slt.u32 s11, $0x7E  }
0xad: {  	v6 =	vld [tilespmem:s10+$0x20];
	s12 =	sadd.s32 $0x100, s12;
	s14 =	smov.u32 s11;
	s11 =	sadd.s32 $0x2, s11  }
0xae: {  	v7 =	vld [tilespmem:s10+$0x40]  }
0xaf: {  	v8 =	vld [tilespmem:s10+$0x50]  }
0xb0: {  	v9 =	vld [tilespmem:s10+$0x60];
	_ =	sdelay $0x1  }
0xb1: {  	v1 =	vmul.f32 v1, v3;
	v2 =	vmul.f32 v2, v3  }
0xb2: {  	v5 =	vmul.f32 v5, v3;
	v6 =	vmul.f32 v6, v3  }
0xb3: {  	v10 =	vmov s14;
	v7 =	vmul.f32 v7, v3;
	[tilespmem:s10+$0x0] =	vst v1;
	v8 =	vmul.f32 v8, v3  }
0xb4: {  	v10 =	vand.u32 $0xFFFFFFFE, v10;
	v1 =	vld [tilespmem:s12+$0x0];
	[tilespmem:s10+$0x30] =	vst v5;
	v5 =	vmul.f32 v9, v3;
	v3 =	vmul.f32 v4, v3  }
0xb5: {  	v4 =	vbroadcast v10, $0x0;
	[tilespmem:s10+$0x10] =	vst v2  }
0xb6: {  	[tilespmem:s10+$0x70] =	vst v3  }
0xb7: {  	v3 =	vld [tilespmem:s12+$0xFFFFFFD0];
	[tilespmem:s10+$0x20] =	vst v6  }
0xb8: {  	v6 =	vld [tilespmem:s12+$0xFFFFFFB0];
	[tilespmem:s10+$0x60] =	vst v5  }
0xb9: {  	v5 =	vld [tilespmem:s12+$0xFFFFFFE0];
	[tilespmem:s10+$0x40] =	vst v7  }
0xba: {  	v7 =	vld [tilespmem:s12+$0xFFFFFFF0];
	[tilespmem:s10+$0x50] =	vst v8;
	s10 =	smov.u32 s12  }
0xbb: {  	v4 =	vld.idx.msk [tilespmem:v4+s21+$0x0], $0xffff  }
0xbc: {  	v8 =	vld [tilespmem:s12+$0xFFFFFF80]  }
0xbd: {  	v9 =	vld [tilespmem:s12+$0xFFFFFFA0]  }
0xbe: {  	v10 =	vld [tilespmem:s12+$0xFFFFFF90]  }
0xbf: {  	v11 =	vld [tilespmem:s12+$0xFFFFFFC0]  }
0xc0: {  	v2 =	vld [tilespmem:s12+$0x10]  }
0xc1: {  	v7 =	vmul.f32 v7, v4;
	v8 =	vmul.f32 v8, v4  }
0xc2: {  	v5 =	vmul.f32 v5, v4;
	v9 =	vmul.f32 v9, v4  }
0xc3: {  	v6 =	vmul.f32 v6, v4;
	v10 =	vmul.f32 v10, v4;
	[tilespmem:s12+$0xFFFFFFF0] =	vst v7  }
0xc4: {  	v3 =	vmul.f32 v3, v4;
	[tilespmem:s12+$0xFFFFFF80] =	vst v8;
	v7 =	vmul.f32 v11, v4  }
0xc5: {  	s14 =	sadd.s32 $0x1, s14;
	[tilespmem:s12+$0xFFFFFFA0] =	vst v9  }
0xc6: {  	[tilespmem:s12+$0xFFFFFFB0] =	vst v6;
	v6 =	vmov s14  }
.Ltmp4:
0xc7: {  	[tilespmem:s12+$0xFFFFFFD0] =	vst v3;
	(pc) =	sbr.rel @p1 .LBB2_5-.Ltmp4, $4  }
0xc8: {  	[tilespmem:s12+$0xFFFFFF90] =	vst v10  }
0xc9: {  	[tilespmem:s12+$0xFFFFFFE0] =	vst v5;
	v5 =	vld [tilespmem:s12+$0x30]  }
0xca: {  	[tilespmem:s12+$0xFFFFFFC0] =	vst v7;
	v4 =	vld [tilespmem:s12+$0x70]  }
0xcb: {  	v3 =	vld.idx.msk [tilespmem:v6+s21+$0x0], $0xffff  }
0xcc: {  	_ =	sdelay $0x2  }
0xcd: {  	v6 =	vld [tilespmem:s10+$0x20]  }
0xce: {  	v7 =	vld [tilespmem:s10+$0x60];
	v1 =	vmul.f32 v1, v3  }
0xcf: {  	v8 =	vld [tilespmem:s10+$0x40];
	v5 =	vmul.f32 v5, v3  }
0xd0: {  	v9 =	vld [tilespmem:s10+$0x50];
	v2 =	vmul.f32 v2, v3;
	[tilespmem:s10+$0x0] =	vst v1  }
0xd1: {  	[tilespmem:s10+$0x30] =	vst v5;
	v1 =	vmul.f32 v4, v3  }
0xd2: {  	v4 =	vmul.f32 v6, v3;
	[tilespmem:s10+$0x10] =	vst v2  }
0xd3: {  	v2 =	vmul.f32 v7, v3;
	[tilespmem:s10+$0x70] =	vst v1  }
0xd4: {  	v1 =	vmul.f32 v8, v3;
	[tilespmem:s10+$0x20] =	vst v4  }
0xd5: {  	v3 =	vmul.f32 v9, v3;
	[tilespmem:s10+$0x60] =	vst v2  }
0xd6: {  	[tilespmem:s10+$0x40] =	vst v1  }
0xd7: {  	s14 =	simm.s32 $0x0;
	[tilespmem:s10+$0x50] =	vst v3  }
0xd8: {  	v1 =	vmov s14;
	[spmem:s2] =	stream.indirect.scatter.add.f32 [tilespmem:s16], [sflag:$0x9], $0x80, s19, s18, $0xb8;
	[tilespmem:$0x1C300] =	vst v63  }
0xd9: {  	v1 =	vand.u32 $0xFFFFFFFE, v1;
	_ =	swait.ge [sflag:s17], $0x4000  }
0xda: {  	v2 =	vbroadcast v1, $0x0;
	[sflag:s17] =	ssyncset.done $0x0  }
0xdb: {  	[sflag:s17] =	ssyncadd.s32 $0xFFFFC000  }
0xdc: {  	_ =	swait.ge [sflag:s0], $0x4000  }
0xdd: {  	[sflag:s0] =	ssyncset.done $0x0  }
0xde: {  	s10 =	simm.s32 $0x4380;
	[sflag:s0] =	ssyncadd.s32 $0xFFFFC000  }
0xdf: {  	v5 =	vld [tilespmem:s10+$0xFFFFFFF0]  }
0xe0: {  	v6 =	vld.idx.msk [tilespmem:v2+s22+$0x0], $0xffff  }
0xe1: {  	v7 =	vld [tilespmem:s10+$0xFFFFFF80]  }
0xe2: {  	v62 =	vld [tilespmem:s10+$0xFFFFFFA0]  }
0xe3: {  	v4 =	vld [tilespmem:s10+$0xFFFFFFB0]  }
0xe4: {  	v3 =	vld [tilespmem:s10+$0xFFFFFFD0]  }
0xe5: {  	v10 =	vld [tilespmem:s10+$0xFFFFFF90];
	v5 =	vmul.f32 v5, v6  }
0xe6: {  	v63 =	vld [tilespmem:s10+$0xFFFFFFE0];
	v7 =	vmul.f32 v7, v6  }
0xe7: {  	v11 =	vld [tilespmem:s10+$0xFFFFFFC0];
	v8 =	vmul.f32 v62, v6;
	[tilespmem:s10+$0xFFFFFFF0] =	vst v5  }
0xe8: {  	v4 =	vmul.f32 v4, v6;
	[tilespmem:s10+$0xFFFFFF80] =	vst v7  }
0xe9: {  	s11 =	simm.s32 $0x1;
	v3 =	vmul.f32 v3, v6;
	[tilespmem:s10+$0xFFFFFFA0] =	vst v8  }
0xea: {  	v5 =	vmul.f32 v10, v6;
	[tilespmem:s10+$0xFFFFFFB0] =	vst v4;
	v7 =	vmov s11  }
0xeb: {  	v1 =	vld [tilespmem:s10+$0x0];
	v4 =	vmul.f32 v63, v6;
	[tilespmem:s10+$0xFFFFFFD0] =	vst v3  }
0xec: {  	v2 =	vld [tilespmem:s10+$0x10];
	v3 =	vmul.f32 v11, v6;
	[tilespmem:s10+$0xFFFFFF90] =	vst v5  }
0xed: {  	[tilespmem:s10+$0xFFFFFFE0] =	vst v4;
	v5 =	vld [tilespmem:s10+$0x30]  }
0xee: {  	[tilespmem:s10+$0xFFFFFFC0] =	vst v3;
	v4 =	vld [tilespmem:s10+$0x70]  }
0xef: {  	s12 =	simm.s32 $0x4380;
	s11 =	simm.s32 $0x2;
	v3 =	vld.idx.msk [tilespmem:v7+s22+$0x0], $0xffff  }
.LBB2_7:
0xf0: {  	p1 =	slt.u32 s11, $0x7E  }
0xf1: {  	v6 =	vld [tilespmem:s10+$0x20];
	s12 =	sadd.s32 $0x100, s12;
	s14 =	smov.u32 s11;
	s11 =	sadd.s32 $0x2, s11  }
0xf2: {  	v7 =	vld [tilespmem:s10+$0x40]  }
0xf3: {  	v8 =	vld [tilespmem:s10+$0x50]  }
0xf4: {  	v9 =	vld [tilespmem:s10+$0x60];
	_ =	sdelay $0x1  }
0xf5: {  	v1 =	vmul.f32 v1, v3;
	v2 =	vmul.f32 v2, v3  }
0xf6: {  	v5 =	vmul.f32 v5, v3;
	v6 =	vmul.f32 v6, v3  }
0xf7: {  	v10 =	vmov s14;
	v7 =	vmul.f32 v7, v3;
	[tilespmem:s10+$0x0] =	vst v1;
	v8 =	vmul.f32 v8, v3  }
0xf8: {  	v10 =	vand.u32 $0xFFFFFFFE, v10;
	v1 =	vld [tilespmem:s12+$0x0];
	[tilespmem:s10+$0x30] =	vst v5;
	v5 =	vmul.f32 v9, v3;
	v3 =	vmul.f32 v4, v3  }
0xf9: {  	v4 =	vbroadcast v10, $0x0;
	[tilespmem:s10+$0x10] =	vst v2  }
0xfa: {  	[tilespmem:s10+$0x70] =	vst v3  }
0xfb: {  	v3 =	vld [tilespmem:s12+$0xFFFFFFD0];
	[tilespmem:s10+$0x20] =	vst v6  }
0xfc: {  	v6 =	vld [tilespmem:s12+$0xFFFFFFB0];
	[tilespmem:s10+$0x60] =	vst v5  }
0xfd: {  	v5 =	vld [tilespmem:s12+$0xFFFFFFE0];
	[tilespmem:s10+$0x40] =	vst v7  }
0xfe: {  	v7 =	vld [tilespmem:s12+$0xFFFFFFF0];
	[tilespmem:s10+$0x50] =	vst v8;
	s10 =	smov.u32 s12  }
0xff: {  	v4 =	vld.idx.msk [tilespmem:v4+s22+$0x0], $0xffff  }
0x100: {  	v8 =	vld [tilespmem:s12+$0xFFFFFF80]  }
0x101: {  	v9 =	vld [tilespmem:s12+$0xFFFFFFA0]  }
0x102: {  	v10 =	vld [tilespmem:s12+$0xFFFFFF90]  }
0x103: {  	v11 =	vld [tilespmem:s12+$0xFFFFFFC0]  }
0x104: {  	v2 =	vld [tilespmem:s12+$0x10]  }
0x105: {  	v7 =	vmul.f32 v7, v4;
	v8 =	vmul.f32 v8, v4  }
0x106: {  	v5 =	vmul.f32 v5, v4;
	v9 =	vmul.f32 v9, v4  }
0x107: {  	v6 =	vmul.f32 v6, v4;
	v10 =	vmul.f32 v10, v4;
	[tilespmem:s12+$0xFFFFFFF0] =	vst v7  }
0x108: {  	v3 =	vmul.f32 v3, v4;
	[tilespmem:s12+$0xFFFFFF80] =	vst v8;
	v7 =	vmul.f32 v11, v4  }
0x109: {  	s14 =	sadd.s32 $0x1, s14;
	[tilespmem:s12+$0xFFFFFFA0] =	vst v9  }
0x10a: {  	[tilespmem:s12+$0xFFFFFFB0] =	vst v6;
	v6 =	vmov s14  }
.Ltmp5:
0x10b: {  	[tilespmem:s12+$0xFFFFFFD0] =	vst v3;
	(pc) =	sbr.rel @p1 .LBB2_7-.Ltmp5, $4  }
0x10c: {  	[tilespmem:s12+$0xFFFFFF90] =	vst v10  }
0x10d: {  	[tilespmem:s12+$0xFFFFFFE0] =	vst v5;
	v5 =	vld [tilespmem:s12+$0x30]  }
0x10e: {  	[tilespmem:s12+$0xFFFFFFC0] =	vst v7;
	v4 =	vld [tilespmem:s12+$0x70]  }
0x10f: {  	v3 =	vld.idx.msk [tilespmem:v6+s22+$0x0], $0xffff  }
0x110: {  	_ =	sdelay $0x1  }
0x111: {  	v6 =	vld [tilespmem:s10+$0x20];
	_ =	sdelay $0x1  }
0x112: {  	v7 =	vld [tilespmem:s10+$0x60];
	v1 =	vmul.f32 v1, v3  }
0x113: {  	v8 =	vld [tilespmem:s10+$0x40];
	v5 =	vmul.f32 v5, v3  }
0x114: {  	v9 =	vld [tilespmem:s10+$0x50];
	v2 =	vmul.f32 v2, v3;
	[tilespmem:s10+$0x0] =	vst v1  }
0x115: {  	v63 =	vmul.f32 v6, v3;
	[tilespmem:s10+$0x30] =	vst v5  }
0x116: {  	v1 =	vmul.f32 v4, v3;
	[tilespmem:s10+$0x10] =	vst v2  }
0x117: {  	v2 =	vmul.f32 v7, v3;
	[tilespmem:s10+$0x20] =	vst v63  }
0x118: {  	[tilespmem:s10+$0x70] =	vst v1;
	v1 =	vmul.f32 v8, v3  }
0x119: {  	v3 =	vmul.f32 v9, v3;
	[tilespmem:s10+$0x60] =	vst v2  }
0x11a: {  	s9 =	sadd.s32 $0x1, s9;
	[tilespmem:s10+$0x40] =	vst v1  }
0x11b: {  	p1 =	seq.s32 s9, $0x38;
	[tilespmem:s10+$0x50] =	vst v3  }
0x11c: {  	[spmem:s2] =	stream.indirect.scatter.add.f32 [tilespmem:s31], [sflag:$0x9], $0x80, s20, s18, $0xb8;
	[tilespmem:$0x1C300] =	vst v63  }
.Ltmp6:
0x11d: {  	_ = 	snop;
	(pc) =	sbr.rel @!p1 .LBB2_4-.Ltmp6, $4  }
.Ltmp7:
0x11e: {  	_ = 	snop;
	(pc) =	sbr.rel @p1 .LBB2_14-.Ltmp7, $4  }
0x11f: {  	_ =	swait.ge [sflag:s17], $0x4000  }
0x120: {  	[sflag:s17] =	ssyncset.done $0x0  }
0x121: {  	[sflag:s17] =	ssyncadd.s32 $0xFFFFC000  }
0x122: {  	_ = 	snop  }
.LBB2_9:
0x123: {  	s9 =	sshll.u32 s10, $0x5  }
0x124: {  	s11 =	sadd.s32 s13, s9  }
0x125: {  	s9 =	sand.u32 $0x60, s9;
	s11 =	sand.u32 $0x3FF80, s11  }
0x126: {  	s9 =	sor.u32 s9, s11  }
0x127: {  	s11 =	sadd.s32 s5, s9  }
0x128: {  	[tilespmem:s1], [sflag:$0x1] =	stream.linear.gather [hbm4b:s11+s1], $0x80, $0x38;
	[tilespmem:$0x1C300] =	vst v63  }
0x129: {  	s11 =	sor.u32 $0x10, s9  }
0x12a: {  	s12 =	sadd.s32 s5, s11  }
0x12b: {  	[tilespmem:s18], [sflag:$0x2] =	stream.linear.gather [hbm4b:s12+s1], $0x80, $0x38;
	[tilespmem:$0x1C300] =	vst v63  }
0x12c: {  	s14 =	sadd.s32 s6, s9  }
0x12d: {  	[tilespmem:s19], [sflag:$0x3] =	stream.linear.gather [hbm4b:s14+s1], $0x80, $0x38;
	[tilespmem:$0x1C300] =	vst v63  }
0x12e: {  	s14 =	sadd.s32 s6, s11  }
0x12f: {  	[tilespmem:s20], [sflag:$0x4] =	stream.linear.gather [hbm4b:s14+s1], $0x80, $0x38;
	[tilespmem:$0x1C300] =	vst v63  }
0x130: {  	s9 =	sadd.s32 s7, s9  }
0x131: {  	[tilespmem:s21], [sflag:$0x5] =	stream.linear.gather [hbm4b:s9+s1], $0x80, $0x38;
	[tilespmem:$0x1C300] =	vst v63  }
0x132: {  	s12 =	sadd.s32 s7, s11  }
0x133: {  	[tilespmem:s22], [sflag:$0x6] =	stream.linear.gather [hbm4b:s12+s1], $0x80, $0x38;
	[tilespmem:$0x1C300] =	vst v63  }
0x134: {  	_ =	swait.ge [sflag:s23], $0x80  }
0x135: {  	[sflag:s23] =	ssyncset.done $0x0  }
0x136: {  	[sflag:s23] =	ssyncadd.s32 $0xFFFFFF80  }
0x137: {  	[tilespmem:s16], [sflag:$0x7] =	stream.indirect.gather [hbm4b:s4+s18], $0x80, s1, s18, $0xb8;
	[tilespmem:$0x1C300] =	vst v63  }
0x138: {  	_ =	swait.ge [sflag:s24], $0x80  }
0x139: {  	[sflag:s24] =	ssyncset.done $0x0  }
0x13a: {  	[sflag:s24] =	ssyncadd.s32 $0xFFFFFF80  }
0x13b: {  	_ =	swait.ge [sflag:s25], $0x80  }
0x13c: {  	[sflag:s25] =	ssyncset.done $0x0  }
0x13d: {  	[sflag:s25] =	ssyncadd.s32 $0xFFFFFF80  }
0x13e: {  	_ =	swait.ge [sflag:s26], $0x80  }
0x13f: {  	[sflag:s26] =	ssyncset.done $0x0  }
0x140: {  	[sflag:s26] =	ssyncadd.s32 $0xFFFFFF80  }
0x141: {  	_ =	swait.ge [sflag:s28], $0x80  }
0x142: {  	[sflag:s28] =	ssyncset.done $0x0  }
0x143: {  	[sflag:s28] =	ssyncadd.s32 $0xFFFFFF80  }
0x144: {  	v1 =	vmov s1;
	_ =	swait.ge [sflag:s29], $0x4000  }
0x145: {  	v1 =	vand.u32 $0xFFFFFFFE, v1;
	[sflag:s29] =	ssyncset.done $0x0  }
0x146: {  	v2 =	vbroadcast v1, $0x0;
	[sflag:s29] =	ssyncadd.s32 $0xFFFFC000  }
0x147: {  	_ =	swait.ge [sflag:s30], $0x80  }
0x148: {  	[sflag:s30] =	ssyncset.done $0x0  }
0x149: {  	s9 =	simm.s32 $0x380;
	[sflag:s30] =	ssyncadd.s32 $0xFFFFFF80  }
0x14a: {  	[tilespmem:s31], [sflag:$0x8] =	stream.indirect.gather [hbm4b:s4+s18], $0x80, s18, s18, $0xb8;
	[tilespmem:$0x1C300] =	vst v63  }
0x14b: {  	v5 =	vld [tilespmem:s9+$0xFFFFFFF0]  }
0x14c: {  	v6 =	vld.idx.msk [tilespmem:v2+s21+$0x0], $0xffff  }
0x14d: {  	v7 =	vld [tilespmem:s9+$0xFFFFFF80]  }
0x14e: {  	v8 =	vld [tilespmem:s9+$0xFFFFFFA0]  }
0x14f: {  	v4 =	vld [tilespmem:s9+$0xFFFFFFB0]  }
0x150: {  	v3 =	vld [tilespmem:s9+$0xFFFFFFD0]  }
0x151: {  	v10 =	vld [tilespmem:s9+$0xFFFFFF90];
	v5 =	vmul.f32 v5, v6  }
0x152: {  	v9 =	vld [tilespmem:s9+$0xFFFFFFE0];
	v7 =	vmul.f32 v7, v6  }
0x153: {  	v11 =	vld [tilespmem:s9+$0xFFFFFFC0];
	v8 =	vmul.f32 v8, v6;
	[tilespmem:s9+$0xFFFFFFF0] =	vst v5  }
0x154: {  	v4 =	vmul.f32 v4, v6;
	[tilespmem:s9+$0xFFFFFF80] =	vst v7  }
0x155: {  	s14 =	simm.s32 $0x1;
	v3 =	vmul.f32 v3, v6;
	[tilespmem:s9+$0xFFFFFFA0] =	vst v8  }
0x156: {  	v5 =	vmul.f32 v10, v6;
	[tilespmem:s9+$0xFFFFFFB0] =	vst v4;
	v7 =	vmov s14  }
0x157: {  	v1 =	vld [tilespmem:s9+$0x0];
	v4 =	vmul.f32 v9, v6;
	[tilespmem:s9+$0xFFFFFFD0] =	vst v3  }
0x158: {  	v2 =	vld [tilespmem:s9+$0x10];
	v3 =	vmul.f32 v11, v6;
	[tilespmem:s9+$0xFFFFFF90] =	vst v5  }
0x159: {  	[tilespmem:s9+$0xFFFFFFE0] =	vst v4;
	v5 =	vld [tilespmem:s9+$0x30]  }
0x15a: {  	[tilespmem:s9+$0xFFFFFFC0] =	vst v3;
	v4 =	vld [tilespmem:s9+$0x70]  }
0x15b: {  	s11 =	simm.s32 $0x2;
	s12 =	simm.s32 $0x380;
	v3 =	vld.idx.msk [tilespmem:v7+s21+$0x0], $0xffff  }
.LBB2_10:
0x15c: {  	p1 =	slt.u32 s11, $0x7E  }
0x15d: {  	v6 =	vld [tilespmem:s9+$0x20];
	s12 =	sadd.s32 $0x100, s12;
	s14 =	smov.u32 s11;
	s11 =	sadd.s32 $0x2, s11  }
0x15e: {  	v7 =	vld [tilespmem:s9+$0x40]  }
0x15f: {  	v8 =	vld [tilespmem:s9+$0x50]  }
0x160: {  	v9 =	vld [tilespmem:s9+$0x60];
	_ =	sdelay $0x1  }
0x161: {  	v1 =	vmul.f32 v1, v3;
	v2 =	vmul.f32 v2, v3  }
0x162: {  	v5 =	vmul.f32 v5, v3;
	v6 =	vmul.f32 v6, v3  }
0x163: {  	v10 =	vmov s14;
	v7 =	vmul.f32 v7, v3;
	[tilespmem:s9+$0x0] =	vst v1;
	v8 =	vmul.f32 v8, v3  }
0x164: {  	v10 =	vand.u32 $0xFFFFFFFE, v10;
	v1 =	vld [tilespmem:s12+$0x0];
	[tilespmem:s9+$0x30] =	vst v5;
	v5 =	vmul.f32 v9, v3;
	v3 =	vmul.f32 v4, v3  }
0x165: {  	v4 =	vbroadcast v10, $0x0;
	[tilespmem:s9+$0x10] =	vst v2  }
0x166: {  	[tilespmem:s9+$0x70] =	vst v3  }
0x167: {  	v3 =	vld [tilespmem:s12+$0xFFFFFFD0];
	[tilespmem:s9+$0x20] =	vst v6  }
0x168: {  	v6 =	vld [tilespmem:s12+$0xFFFFFFB0];
	[tilespmem:s9+$0x60] =	vst v5  }
0x169: {  	v5 =	vld [tilespmem:s12+$0xFFFFFFE0];
	[tilespmem:s9+$0x40] =	vst v7  }
0x16a: {  	v7 =	vld [tilespmem:s12+$0xFFFFFFF0];
	[tilespmem:s9+$0x50] =	vst v8;
	s9 =	smov.u32 s12  }
0x16b: {  	v4 =	vld.idx.msk [tilespmem:v4+s21+$0x0], $0xffff  }
0x16c: {  	v8 =	vld [tilespmem:s12+$0xFFFFFF80]  }
0x16d: {  	v9 =	vld [tilespmem:s12+$0xFFFFFFA0]  }
0x16e: {  	v10 =	vld [tilespmem:s12+$0xFFFFFF90]  }
0x16f: {  	v11 =	vld [tilespmem:s12+$0xFFFFFFC0]  }
0x170: {  	v2 =	vld [tilespmem:s12+$0x10]  }
0x171: {  	v7 =	vmul.f32 v7, v4;
	v8 =	vmul.f32 v8, v4  }
0x172: {  	v5 =	vmul.f32 v5, v4;
	v9 =	vmul.f32 v9, v4  }
0x173: {  	v6 =	vmul.f32 v6, v4;
	v10 =	vmul.f32 v10, v4;
	[tilespmem:s12+$0xFFFFFFF0] =	vst v7  }
0x174: {  	v3 =	vmul.f32 v3, v4;
	[tilespmem:s12+$0xFFFFFF80] =	vst v8;
	v7 =	vmul.f32 v11, v4  }
0x175: {  	s14 =	sadd.s32 $0x1, s14;
	[tilespmem:s12+$0xFFFFFFA0] =	vst v9  }
0x176: {  	[tilespmem:s12+$0xFFFFFFB0] =	vst v6;
	v6 =	vmov s14  }
.Ltmp8:
0x177: {  	[tilespmem:s12+$0xFFFFFFD0] =	vst v3;
	(pc) =	sbr.rel @p1 .LBB2_10-.Ltmp8, $4  }
0x178: {  	[tilespmem:s12+$0xFFFFFF90] =	vst v10  }
0x179: {  	[tilespmem:s12+$0xFFFFFFE0] =	vst v5;
	v5 =	vld [tilespmem:s12+$0x30]  }
0x17a: {  	[tilespmem:s12+$0xFFFFFFC0] =	vst v7;
	v4 =	vld [tilespmem:s12+$0x70]  }
0x17b: {  	v3 =	vld.idx.msk [tilespmem:v6+s21+$0x0], $0xffff  }
0x17c: {  	_ =	sdelay $0x2  }
0x17d: {  	v6 =	vld [tilespmem:s9+$0x20]  }
0x17e: {  	v7 =	vld [tilespmem:s9+$0x60];
	v1 =	vmul.f32 v1, v3  }
0x17f: {  	v8 =	vld [tilespmem:s9+$0x40];
	v5 =	vmul.f32 v5, v3  }
0x180: {  	v9 =	vld [tilespmem:s9+$0x50];
	v2 =	vmul.f32 v2, v3;
	[tilespmem:s9+$0x0] =	vst v1  }
0x181: {  	[tilespmem:s9+$0x30] =	vst v5;
	v1 =	vmul.f32 v4, v3  }
0x182: {  	v4 =	vmul.f32 v6, v3;
	[tilespmem:s9+$0x10] =	vst v2  }
0x183: {  	v2 =	vmul.f32 v7, v3;
	[tilespmem:s9+$0x70] =	vst v1  }
0x184: {  	v1 =	vmul.f32 v8, v3;
	[tilespmem:s9+$0x20] =	vst v4  }
0x185: {  	v3 =	vmul.f32 v9, v3;
	[tilespmem:s9+$0x60] =	vst v2  }
0x186: {  	[tilespmem:s9+$0x40] =	vst v1  }
0x187: {  	s14 =	simm.s32 $0x0;
	[tilespmem:s9+$0x50] =	vst v3  }
0x188: {  	v1 =	vmov s14;
	[spmem:s2] =	stream.indirect.scatter.add.f32 [tilespmem:s16], [sflag:$0x9], $0x80, s19, s18, $0xb8;
	[tilespmem:$0x1C300] =	vst v63  }
0x189: {  	v1 =	vand.u32 $0xFFFFFFFE, v1;
	_ =	swait.ge [sflag:s17], $0x4000  }
0x18a: {  	v2 =	vbroadcast v1, $0x0;
	[sflag:s17] =	ssyncset.done $0x0  }
0x18b: {  	[sflag:s17] =	ssyncadd.s32 $0xFFFFC000  }
0x18c: {  	_ =	swait.ge [sflag:s0], $0x4000  }
0x18d: {  	[sflag:s0] =	ssyncset.done $0x0  }
0x18e: {  	s9 =	simm.s32 $0x4380;
	[sflag:s0] =	ssyncadd.s32 $0xFFFFC000  }
0x18f: {  	v5 =	vld [tilespmem:s9+$0xFFFFFFF0]  }
0x190: {  	v6 =	vld.idx.msk [tilespmem:v2+s22+$0x0], $0xffff  }
0x191: {  	v7 =	vld [tilespmem:s9+$0xFFFFFF80]  }
0x192: {  	v62 =	vld [tilespmem:s9+$0xFFFFFFA0]  }
0x193: {  	v4 =	vld [tilespmem:s9+$0xFFFFFFB0]  }
0x194: {  	v3 =	vld [tilespmem:s9+$0xFFFFFFD0]  }
0x195: {  	v10 =	vld [tilespmem:s9+$0xFFFFFF90];
	v5 =	vmul.f32 v5, v6  }
0x196: {  	v63 =	vld [tilespmem:s9+$0xFFFFFFE0];
	v7 =	vmul.f32 v7, v6  }
0x197: {  	v11 =	vld [tilespmem:s9+$0xFFFFFFC0];
	v8 =	vmul.f32 v62, v6;
	[tilespmem:s9+$0xFFFFFFF0] =	vst v5  }
0x198: {  	v4 =	vmul.f32 v4, v6;
	[tilespmem:s9+$0xFFFFFF80] =	vst v7  }
0x199: {  	s11 =	simm.s32 $0x1;
	v3 =	vmul.f32 v3, v6;
	[tilespmem:s9+$0xFFFFFFA0] =	vst v8  }
0x19a: {  	v5 =	vmul.f32 v10, v6;
	[tilespmem:s9+$0xFFFFFFB0] =	vst v4;
	v7 =	vmov s11  }
0x19b: {  	v1 =	vld [tilespmem:s9+$0x0];
	v4 =	vmul.f32 v63, v6;
	[tilespmem:s9+$0xFFFFFFD0] =	vst v3  }
0x19c: {  	v2 =	vld [tilespmem:s9+$0x10];
	v3 =	vmul.f32 v11, v6;
	[tilespmem:s9+$0xFFFFFF90] =	vst v5  }
0x19d: {  	[tilespmem:s9+$0xFFFFFFE0] =	vst v4;
	v5 =	vld [tilespmem:s9+$0x30]  }
0x19e: {  	[tilespmem:s9+$0xFFFFFFC0] =	vst v3;
	v4 =	vld [tilespmem:s9+$0x70]  }
0x19f: {  	s12 =	simm.s32 $0x4380;
	s11 =	simm.s32 $0x2;
	v3 =	vld.idx.msk [tilespmem:v7+s22+$0x0], $0xffff  }
.LBB2_12:
0x1a0: {  	p1 =	slt.u32 s11, $0x7E  }
0x1a1: {  	v6 =	vld [tilespmem:s9+$0x20];
	s12 =	sadd.s32 $0x100, s12;
	s14 =	smov.u32 s11;
	s11 =	sadd.s32 $0x2, s11  }
0x1a2: {  	v7 =	vld [tilespmem:s9+$0x40]  }
0x1a3: {  	v8 =	vld [tilespmem:s9+$0x50]  }
0x1a4: {  	v9 =	vld [tilespmem:s9+$0x60];
	_ =	sdelay $0x1  }
0x1a5: {  	v1 =	vmul.f32 v1, v3;
	v2 =	vmul.f32 v2, v3  }
0x1a6: {  	v5 =	vmul.f32 v5, v3;
	v6 =	vmul.f32 v6, v3  }
0x1a7: {  	v10 =	vmov s14;
	v7 =	vmul.f32 v7, v3;
	[tilespmem:s9+$0x0] =	vst v1;
	v8 =	vmul.f32 v8, v3  }
0x1a8: {  	v10 =	vand.u32 $0xFFFFFFFE, v10;
	v1 =	vld [tilespmem:s12+$0x0];
	[tilespmem:s9+$0x30] =	vst v5;
	v5 =	vmul.f32 v9, v3;
	v3 =	vmul.f32 v4, v3  }
0x1a9: {  	v4 =	vbroadcast v10, $0x0;
	[tilespmem:s9+$0x10] =	vst v2  }
0x1aa: {  	[tilespmem:s9+$0x70] =	vst v3  }
0x1ab: {  	v3 =	vld [tilespmem:s12+$0xFFFFFFD0];
	[tilespmem:s9+$0x20] =	vst v6  }
0x1ac: {  	v6 =	vld [tilespmem:s12+$0xFFFFFFB0];
	[tilespmem:s9+$0x60] =	vst v5  }
0x1ad: {  	v5 =	vld [tilespmem:s12+$0xFFFFFFE0];
	[tilespmem:s9+$0x40] =	vst v7  }
0x1ae: {  	v7 =	vld [tilespmem:s12+$0xFFFFFFF0];
	[tilespmem:s9+$0x50] =	vst v8;
	s9 =	smov.u32 s12  }
0x1af: {  	v4 =	vld.idx.msk [tilespmem:v4+s22+$0x0], $0xffff  }
0x1b0: {  	v8 =	vld [tilespmem:s12+$0xFFFFFF80]  }
0x1b1: {  	v9 =	vld [tilespmem:s12+$0xFFFFFFA0]  }
0x1b2: {  	v10 =	vld [tilespmem:s12+$0xFFFFFF90]  }
0x1b3: {  	v11 =	vld [tilespmem:s12+$0xFFFFFFC0]  }
0x1b4: {  	v2 =	vld [tilespmem:s12+$0x10]  }
0x1b5: {  	v7 =	vmul.f32 v7, v4;
	v8 =	vmul.f32 v8, v4  }
0x1b6: {  	v5 =	vmul.f32 v5, v4;
	v9 =	vmul.f32 v9, v4  }
0x1b7: {  	v6 =	vmul.f32 v6, v4;
	v10 =	vmul.f32 v10, v4;
	[tilespmem:s12+$0xFFFFFFF0] =	vst v7  }
0x1b8: {  	v3 =	vmul.f32 v3, v4;
	[tilespmem:s12+$0xFFFFFF80] =	vst v8;
	v7 =	vmul.f32 v11, v4  }
0x1b9: {  	s14 =	sadd.s32 $0x1, s14;
	[tilespmem:s12+$0xFFFFFFA0] =	vst v9  }
0x1ba: {  	[tilespmem:s12+$0xFFFFFFB0] =	vst v6;
	v6 =	vmov s14  }
.Ltmp9:
0x1bb: {  	[tilespmem:s12+$0xFFFFFFD0] =	vst v3;
	(pc) =	sbr.rel @p1 .LBB2_12-.Ltmp9, $4  }
0x1bc: {  	[tilespmem:s12+$0xFFFFFF90] =	vst v10  }
0x1bd: {  	[tilespmem:s12+$0xFFFFFFE0] =	vst v5;
	v5 =	vld [tilespmem:s12+$0x30]  }
0x1be: {  	[tilespmem:s12+$0xFFFFFFC0] =	vst v7;
	v4 =	vld [tilespmem:s12+$0x70]  }
0x1bf: {  	v3 =	vld.idx.msk [tilespmem:v6+s22+$0x0], $0xffff  }
0x1c0: {  	_ =	sdelay $0x1  }
0x1c1: {  	v6 =	vld [tilespmem:s9+$0x20];
	_ =	sdelay $0x1  }
0x1c2: {  	v7 =	vld [tilespmem:s9+$0x60];
	v1 =	vmul.f32 v1, v3  }
0x1c3: {  	v8 =	vld [tilespmem:s9+$0x40];
	v5 =	vmul.f32 v5, v3  }
0x1c4: {  	v9 =	vld [tilespmem:s9+$0x50];
	v2 =	vmul.f32 v2, v3;
	[tilespmem:s9+$0x0] =	vst v1  }
0x1c5: {  	v63 =	vmul.f32 v6, v3;
	[tilespmem:s9+$0x30] =	vst v5  }
0x1c6: {  	v1 =	vmul.f32 v4, v3;
	[tilespmem:s9+$0x10] =	vst v2  }
0x1c7: {  	v2 =	vmul.f32 v7, v3;
	[tilespmem:s9+$0x20] =	vst v63  }
0x1c8: {  	[tilespmem:s9+$0x70] =	vst v1;
	v1 =	vmul.f32 v8, v3  }
0x1c9: {  	v3 =	vmul.f32 v9, v3;
	[tilespmem:s9+$0x60] =	vst v2  }
0x1ca: {  	s10 =	sadd.s32 $0x1, s10;
	[tilespmem:s9+$0x40] =	vst v1  }
0x1cb: {  	p1 =	sne.s32 s10, $0x18;
	[tilespmem:s9+$0x50] =	vst v3  }
0x1cc: {  	[spmem:s2] =	stream.indirect.scatter.add.f32 [tilespmem:s31], [sflag:$0x9], $0x80, s20, s18, $0xb8;
	[tilespmem:$0x1C300] =	vst v63  }
.Ltmp10:
0x1cd: {  	_ = 	snop;
	(pc) =	sbr.rel @p1 .LBB2_9-.Ltmp10, $4  }
.Ltmp11:
0x1ce: {  	_ = 	snop;
	(pc) =	sbr.rel @!p1 .LBB2_14-.Ltmp11, $4  }
0x1cf: {  	_ =	swait.ge [sflag:s17], $0x4000  }
0x1d0: {  	[sflag:s17] =	ssyncset.done $0x0  }
0x1d1: {  	[sflag:s17] =	ssyncadd.s32 $0xFFFFC000  }
0x1d2: {  	_ = 	snop  }
.LBB2_15:
0x1d3: {  	_ =	sfence.sel $0x180000  }
0x1d4: {  	[bflag:$0x0] =	sbarrier.arrive $0xFFFF  }
0x1d5: {  	_ =	strace $0x9000004A  }
0x1d6: {  	s0 =	stileid.u32;
	[bflag:$0x2] =	sbarrier.arrive $0xFFFF  }
0x1d7: {  	p0 =	sne.s32 s0, $0x0;
	s0 =	rddreg [dreg:$0x2]  }
0x1d8: {  	s0 =	sadd.s32 @!p0 $0x100000, s0  }
0x1d9: {  	[sflag:s0] =	ssyncadd.tile.s32 @!p0 $0x1;
	_ =	shalt  }
.Lfunc_end2:
_tile_overlayer_lowered:
.L_overlay_start_2:
0x1da: {  	(tag) =	ssettag $0x2  }
0x1db: {  	s0 =	rddreg [dreg:$0x0];
	s2 =	stileid.u32  }
0x1dc: {  	s1 =	rddreg [dreg:$0x1];
	p0 =	sne.s32 s2, $0x0  }
0x1dd: {  	s3 =	rddreg [dreg:$0x2];
	[bflag:$0x3] =	sbarrier.arrive $0xFFFF;
	s2 =	simm.s32 @!p0 $0x1C09  }
0x1de: {  	[timem:s3], [sflag:s2] =	dma.local @!p0 [hbm:s0], s1  }
0x1df: {  	s0 =	simm.s32 @!p0 $0x9  }
0x1e0: {  	_ =	swait.ge @!p0 [sflag:s0], s1  }
0x1e1: {  	s1 =	ssub.s32 @!p0 $0x0, s1;
	[sflag:s0] =	ssyncset.done @!p0 $0x0  }
0x1e2: {  	[sflag:s0] =	ssyncadd.s32 @!p0 s1  }
0x1e3: {  	[bflag:$0x3] =	sbarrier.arrive $0xFFFF  }
0x1e4: {  	_ =	shalt  }

// kernel: kernel.14.cloned.1.call-start
scs
__scs_entry_jumppad:
0x0: {  	(pc) =	sbr.rel $0x88, $3  }
0x1: {  	(tag) =	ssettag $0x0;
	lr =	simm.s32 $0x1  }
0x2: {  	[smem:$0x3F94] =	sst lr;
	_ =	strace $0xD0000000  }
0x3: {  	_ = 	snop  }
0x4: {  	_ = 	snop  }
0x5: {  	_ = 	snop  }
0x6: {  	_ = 	snop  }
0x7: {  	_ = 	snop  }
__scs_overlays_trampoline_lowered:
0x8: {  	[smem:$0x3FA3] =	sst s0  }
0x9: {  	[smem:$0x3FA4] =	sst s1  }
0xa: {  	[smem:$0x3FA5] =	sst s2  }
0xb: {  	[smem:$0x3FA6] =	sst s3  }
0xc: {  	[smem:$0x3FA7] =	sst s4  }
0xd: {  	[smem:$0x3FA8] =	sst s5  }
0xe: {  	[smem:$0x3FA9] =	sst s6  }
0xf: {  	[smem:$0x3FAA] =	sst s7  }
0x10: {  	[smem:$0x3FAB] =	sst s8  }
0x11: {  	[smem:$0x3FAC] =	sst s9;
	s0 =	simm.s32 @!p0 $0x0  }
0x12: {  	s1 =	sld [smem:$0x3F92];
	s0 =	simm.s32 @p0 $0x1  }
0x13: {  	[smem:$0x3FAD] =	sst s0;
	s0 =	simm.s32 @!p1 $0x0  }
0x14: {  	s2 =	sld [smem:$0x3F91];
	s0 =	simm.s32 @p1 $0x1  }
0x15: {  	[smem:$0x3FAE] =	sst s0;
	s0 =	simm.s32 @!p2 $0x0  }
0x16: {  	s3 =	sld [smem:$0x3FDB];
	s0 =	simm.s32 @p2 $0x1  }
0x17: {  	s4 =	simm.s32 $0x1BF5;
	[smem:$0x3FB0] =	sst s0  }
0x18: {  	s0 =	sld [smem:$0x3F93];
	_ =	swait.ge [sflag:s4], $0x0  }
0x19: {  	s7 =	sld [smem:$0x3F94]  }
0x1a: {  	s8 =	sadd.s32 $0xFFFFE003, lr  }
0x1b: {  	s9 =	sadd.s32 $0xFFFFFEF7, lr;
	s5 =	simm.s32 $0xFFFFFFFF;
	p2 =	slt.u32 s8, $0xFFFFF086  }
0x1c: {  	p1 =	slt.u32 s9, $0xF7A;
	s5 =	simm.s32 @!p2 $0x0  }
0x1d: {  	s5 =	simm.s32 @p1 $0x1;
	p0 =	seq.s32 s7, s2  }
0x1e: {  	s7 =	smul.u32 @!p0 $0xF7A, s2;
	p2 =	seq.s32 @!p0 s5, $0x0  }
0x1f: {  	s9 =	smul.u32 $0xF7A, s1;
	s8 =	simm.s32 @!p0 $0x1BF5;
	p2 =	por !p2, p0  }
0x20: {  	[sflag:s8] =	ssyncset.s32 @!p0 $0xFFFFF086;
	s6 =	sadd.s32 @!p0 s3, s7;
	s7 =	simm.s32 @!p0 $0x108  }
0x21: {  	s3 =	sadd.s32 s3, s9;
	s6 =	sadd.s32 @!p0 $0x88, s6;
	s7 =	simm.s32 @p2 $0x1082  }
0x22: {  	[simem:s7], [sflag:s8] =	dma.local @!p0 [hbm:s6], $0xF7A  }
0x23: {  	s9 =	sor.u32 $0xD0000000, s2;
	s6 =	simm.s32 $0x108;
	_ =	swait.ge @!p0 [sflag:s8], $0x0  }
0x24: {  	s3 =	sadd.s32 $0x88, s3;
	s6 =	simm.s32 @!p1 $0x1082;
	[sflag:s4] =	ssyncset.s32 $0xFFFFF086  }
0x25: {  	[simem:s6], [sflag:s4] =	dma.local [hbm:s3], $0xF7A  }
0x26: {  	[smem:$0x3F94] =	sst s1;
	(tag) =	ssettag s2;
	_ =	strace s9  }
0x27: {  	s1 =	sld [smem:$0x3FA4]  }
0x28: {  	s2 =	sld [smem:$0x3FA5]  }
0x29: {  	s4 =	sld [smem:$0x3FA7]  }
0x2a: {  	p0 =	seq.s32 s5, $0x0;
	s5 =	sld [smem:$0x3FA8]  }
0x2b: {  	s6 =	sld [smem:$0x3FA9]  }
0x2c: {  	s7 =	sld [smem:$0x3FAA]  }
0x2d: {  	s3 =	simm.s32 $0x108;
	s8 =	sld [smem:$0x3FAB]  }
0x2e: {  	s3 =	simm.s32 @!p0 $0x1082;
	s9 =	sld [smem:$0x3FAC]  }
0x2f: {  	lr =	sadd.s32 s0, s3;
	s0 =	sld [smem:$0x3FA3]  }
0x30: {  	s3 =	sld [smem:$0x3FA6]  }
0x31: {  	[smem:$0x3FAF] =	sst s10  }
0x32: {  	s10 =	sld [smem:$0x3FAD];
	_ =	sdelay $0x3  }
0x33: {  	p0 =	seq.s32 s10, $0x1;
	s10 =	sld [smem:$0x3FAF];
	_ =	sdelay $0x3  }
0x34: {  	[smem:$0x3FAF] =	sst s10  }
0x35: {  	s10 =	sld [smem:$0x3FAE];
	_ =	sdelay $0x3  }
0x36: {  	p1 =	seq.s32 s10, $0x1;
	s10 =	sld [smem:$0x3FAF];
	_ =	sdelay $0x3  }
0x37: {  	[smem:$0x3FAF] =	sst s10  }
0x38: {  	s10 =	sld [smem:$0x3FB0]  }
0x39: {  	_ = 	snop;
	(pc) =	sbr.ind lr, $3  }
0x3a: {  	_ = 	snop  }
0x3b: {  	_ = 	snop  }
0x3c: {  	p2 =	seq.s32 s10, $0x1;
	s10 =	sld [smem:$0x3FAF]  }
0x3d: {  	_ =	shalt  }
0x3e: {  	_ =	shalt  }
0x3f: {  	_ =	shalt  }
0x40: {  	_ =	shalt  }
0x41: {  	_ =	shalt  }
0x42: {  	_ =	shalt  }
0x43: {  	_ =	shalt  }
0x44: {  	_ =	shalt  }
0x45: {  	_ =	shalt  }
0x46: {  	_ =	shalt  }
0x47: {  	_ =	shalt  }
0x48: {  	_ =	shalt  }
0x49: {  	_ =	shalt  }
0x4a: {  	_ =	shalt  }
0x4b: {  	_ =	shalt  }
0x4c: {  	_ =	shalt  }
0x4d: {  	_ =	shalt  }
0x4e: {  	_ =	shalt  }
0x4f: {  	_ =	shalt  }
0x50: {  	_ =	shalt  }
0x51: {  	_ =	shalt  }
0x52: {  	_ =	shalt  }
0x53: {  	_ =	shalt  }
0x54: {  	_ =	shalt  }
0x55: {  	_ =	shalt  }
0x56: {  	_ =	shalt  }
0x57: {  	_ =	shalt  }
0x58: {  	_ =	shalt  }
0x59: {  	_ =	shalt  }
0x5a: {  	_ =	shalt  }
0x5b: {  	_ =	shalt  }
0x5c: {  	_ =	shalt  }
0x5d: {  	_ =	shalt  }
0x5e: {  	_ =	shalt  }
0x5f: {  	_ =	shalt  }
0x60: {  	_ =	shalt  }
0x61: {  	_ =	shalt  }
0x62: {  	_ =	shalt  }
0x63: {  	_ =	shalt  }
0x64: {  	_ =	shalt  }
0x65: {  	_ =	shalt  }
0x66: {  	_ =	shalt  }
0x67: {  	_ =	shalt  }
0x68: {  	_ =	shalt  }
0x69: {  	_ =	shalt  }
0x6a: {  	_ =	shalt  }
0x6b: {  	_ =	shalt  }
0x6c: {  	_ =	shalt  }
0x6d: {  	_ =	shalt  }
0x6e: {  	_ =	shalt  }
0x6f: {  	_ =	shalt  }
0x70: {  	_ =	shalt  }
0x71: {  	_ =	shalt  }
0x72: {  	_ =	shalt  }
0x73: {  	_ =	shalt  }
0x74: {  	_ =	shalt  }
0x75: {  	_ =	shalt  }
0x76: {  	_ =	shalt  }
0x77: {  	_ =	shalt  }
0x78: {  	_ =	shalt  }
0x79: {  	_ =	shalt  }
0x7a: {  	_ =	shalt  }
0x7b: {  	_ =	shalt  }
0x7c: {  	_ =	shalt  }
0x7d: {  	_ =	shalt  }
0x7e: {  	_ =	shalt  }
0x7f: {  	_ =	shalt  }
0x80: {  	_ =	shalt  }
0x81: {  	_ =	shalt  }
0x82: {  	_ =	shalt  }
0x83: {  	_ =	shalt  }
0x84: {  	_ =	shalt  }
0x85: {  	_ =	shalt  }
0x86: {  	_ =	shalt  }
0x87: {  	_ =	shalt  }
.Lfunc_end0:
.L_simem_size_0:
called_computation.2_lowered:
.L_overlay_start_0:
0x88: {  	s2 =	sld [smem:$0x3FD9]  }
0x89: {  	s3 =	sld [smem:$0x3FFE];
	_ =	sdelay $0x1  }
0x8a: {  	s1 =	srdreg.scid  }
0x8b: {  	s0 =	sand.u32 $0x1, s1  }
0x8c: {  	s16 =	sshll.u32 s0, $0xA;
	s2 =	sadd.s32 s3, s2  }
0x8d: {  	s2 =	sadd.s32 s2, s16  }
0x8e: {  	[smem:$0x3FBB] =	sst s2  }
0x8f: {  	_ = 	snop  }
0x90: {  	(tm) =	ssettm $0x1  }
0x91: {  	s17 =	sld [smem:$0x3FFB];
	_ =	sdelay $0x3  }
0x92: {  	_ =	strace s17  }
0x93: {  	s2 =	sld [smem:$0x3FFC];
	_ =	sdelay $0x3  }
0x94: {  	_ =	strace s2  }
0x95: {  	s2 =	sld [smem:$0x3FFD];
	_ =	sdelay $0x3  }
0x96: {  	_ =	strace s2  }
0x97: {  	_ =	strace $0x8FFFFFFF  }
0x98: {  	s18 =	sld [smem:$0x3FDB];
	_ =	sdelay $0x1  }
0x99: {  	s19 =	simm.s32 $_scs_section_size  }
0x9a: {  	s4 =	simm.s32 $_size__tile_overlayer_lowered;
	s5 =	simm.s32 $_tile_overlayer_lowered  }
0x9b: {  	s22 =	simm.s32 $0x1BFF;
	s21 =	sshll.u32 s5, $0x1;
	s2 =	sadd.s32 s19, s18  }
0x9c: {  	s6 =	simm.s32 $0x0;
	s20 =	sshll.u32 s4, $0x1;
	s4 =	sadd.s32 s21, s2  }
0x9d: {  	[timem:s6], [sflag:s22] =	dma.local [hbm:s4], s20  }
0x9e: {  	_ =	swait.ge [sflag:s22], s20  }
0x9f: {  	s3 =	ssub.s32 $0x0, s20;
	[sflag:s22] =	ssyncset.done $0x0  }
0xa0: {  	[sflag:s22] =	ssyncadd.s32 s3;
	_ =	sdelay $0x1  }
0xa1: {  	s23 =	simm.s32 $0x1B8B  }
0xa2: {  	_ =	swait.ge [sflag:s23], $0x1  }
0xa3: {  	[sflag:s23] =	ssyncset.done $0x0  }
0xa4: {  	s25 =	simm.s32 $0x1B8E;
	s24 =	sld [smem:$0x3FFE];
	[sflag:s23] =	ssyncadd.s32 $0xFFFFFFFF  }
0xa5: {  	s26 =	simm.s32 $execute0_lowered;
	[smem:$0x3FD2] =	sst s25  }
0xa6: {  	s4 =	sshll.u32 s26, $0x1;
	_ =	strace $0x8000004C;
	[dreg:$0x1] =	wrdreg $0xFFFFFFFF  }
0xa7: {  	s28 =	simm.s32 $_size_execute0_lowered;
	s2 =	sadd.s32 s2, s4;
	[dreg:$0x0] =	wrdreg $0x0  }
0xa8: {  	s4 =	sshll.u32 s28, $0x1;
	[dreg:$0x2] =	wrdreg s2  }
0xa9: {  	[dreg:$0x3] =	wrdreg s4  }
0xaa: {  	[dreg:$0x4] =	wrdreg $0xC0  }
0xab: {  	_ =	task [dreg:s6], $0x5FFFF  }
0xac: {  	[dreg:$0x1] =	wrdreg $0xFFFFFFFF  }
0xad: {  	[dreg:$0x0] =	wrdreg $0x60  }
0xae: {  	[dreg:$0x2] =	wrdreg s24  }
0xaf: {  	[dreg:$0x3] =	wrdreg $0x83000  }
0xb0: {  	[dreg:$0x4] =	wrdreg $0x9  }
0xb1: {  	_ =	task.clear_ibuf [dreg:s6], $0x5FFFF;
	_ =	strace $0x9000004C  }
0xb2: {  	s29 =	simm.s32 $0x9;
	_ =	strace $0x8000004E  }
0xb3: {  	_ =	swait.ge [sflag:s29], $0x1  }
0xb4: {  	[sflag:s29] =	ssyncadd.s32 $0xFFFFFFFF  }
0xb5: {  	_ =	strace $0x9000004E  }
0xb6: {  	_ =	sfence  }
0xb7: {  	s30 =	sld [smem:$0x0];
	_ =	sdelay $0x2  }
0xb8: {  	s31 =	sshll.u32 s1, $0xD;
	s1 =	sshrl.u32 s1, $0x2  }
0xb9: {  	s3 =	sand.u32 $0x4000, s31;
	s1 =	sadd.s32 s1, s30  }
0xba: {  	s0 =	sor.u32 s3, s0;
	s1 =	sshll.u32 s1, $0x11  }
0xbb: {  	s0 =	sor.u32 s1, s0  }
0xbc: {  	s0 =	sadd.s32 $0x8F2B, s0  }
0xbd: {  	[sflag:s0] =	ssyncadd.remote.s32 $0x1  }
0xbe: {  	_ =	sfence.sel $0xFFFF  }
0xbf: {  	[dreg:$0x0] =	wrdreg $0xFFFFFFFF;
	(pc) =	sbr.abs _section_cstart, $3  }
0xc0: {  	[dreg:$0x1] =	wrdreg $0xFFFFFFFF  }
0xc1: {  	_ =	task.clear_ibuf [dreg:s6], $0x2FFFF;
	_ =	strace $0x9FFFFFFF  }
0xc2: {  	(tm) =	ssettm $0x7FFFFFFF  }
0xc3: {  	_ =	shalt  }
tec
execute0_lowered:
.L_overlay_start_1:
0x0: {  	(tag) =	ssettag $0x1  }
0x1: {  	s0 =	rddreg [dreg:$0x0]  }
0x2: {  	s1 =	srdreg.scid;
	s2 =	rddreg [dreg:$0x1]  }
0x3: {  	s11 =	stileid.u32;
	s3 =	simm.s32 $0x0;
	s16 =	simm.s32 $0x300  }
0x4: {  	s17 =	simm.s32 $0x9;
	s18 =	simm.s32 $0x80;
	s19 =	simm.s32 $0x100  }
0x5: {  	s20 =	simm.s32 $0x180;
	s21 =	simm.s32 $0x200;
	s28 =	simm.s32 $0x4  }
0x6: {  	s29 =	simm.s32 $0x7;
	s30 =	simm.s32 $0x2;
	s6 =	smul.u32 $0x14000, s11  }
0x7: {  	s31 =	simm.s32 $0x4300;
	s1 =	sand.u32 $0x1, s1;
	s22 =	smul.u32 $0x50000, s11  }
0x8: {  	[smem:$0x7FF] =	sst s3;
	s4 =	sadd.s32 $0x21400, s0;
	s11 =	smul.u32 $0xA0, s11  }
0x9: {  	s5 =	smul.u32 $0x140000, s1;
	_ =	strace $0x8000004D;
	s10 =	ssub.s32 $0x2, s1  }
0xa: {  	s9 =	ssub.s32 $0x0, s1;
	p0 =	sne.s32 s1, $0x0;
	s12 =	sshrl.u32 s10, $0x1  }
0xb: {  	s9 =	sand.u32 $0x70, s9;
	s7 =	sadd.s32 s6, s5;
	s5 =	sadd.s32 $0x17400, s0  }
0xc: {  	s6 =	sadd.s32 $0xD400, s0;
	s10 =	ssub.s32 s10, s12;
	s8 =	sshrl.u32 s7, $0x3  }
0xd: {  	s7 =	sadd.s32 $0x3400, s0;
	s0 =	sadd.s32 s8, s0;
	s8 =	sshrl.u32 s22, $0x2  }
0xe: {  	s9 =	sadd.s32 s11, s9;
	s8 =	sadd.s32 s8, s2;
	s0 =	sadd.s32 $0x48600, s0  }
0xf: {  	s13 =	sshll.u32 s9, $0x4;
	s23 =	sadd.s32 $0x4000, s8;
	[dreg:$0x7] =	wrdreg s0  }
.Ltmp0:
0x10: {  	s24 =	sadd.s32 $0x8000, s8;
	[dreg:$0x3] =	wrdreg s23;
	(pc) =	sbr.rel .LBB2_1-.Ltmp0, $4  }
0x11: {  	s15 =	smax.u32 s10, $0x1;
	s25 =	sadd.s32 $0xC000, s8;
	[dreg:$0x4] =	wrdreg s24  }
0x12: {  	s22 =	simm.s32 $0x280;
	s26 =	sadd.s32 $0x10000, s8;
	[dreg:$0x5] =	wrdreg s25  }
0x13: {  	s0 =	simm.s32 $0x8;
	[dreg:$0x6] =	wrdreg s26;
	s23 =	simm.s32 $0x1  }
0x14: {  	v0 =	vimm.f32 $0.0e+00;
	s24 =	simm.s32 $0x5;
	s25 =	simm.s32 $0x6;
	s26 =	simm.s32 $0x3  }
.LBB2_14:
0x15: {  	s1 =	stileid.u32;
	[bflag:$0x0] =	sbarrier.arrive $0xFFFF;
	s3 =	sadd.s32 $0x1, s3  }
0x16: {  	s9 =	sshrl.u32 s8, $0x3;
	s1 =	sshll.u32 s1, $0x6;
	p1 =	sne.s32 s3, s15  }
.Ltmp1:
0x17: {  	s10 =	rddreg [dreg:$0x7];
	s1 =	sor.u32 $0x1C09, s1;
	(pc) =	sbr.rel @!p1 .LBB2_15-.Ltmp1, $4  }
0x18: {  	[hbm:s10], [sflag:s1] =	dma.local [spmem:s9], $0x2800  }
0x19: {  	_ =	swait.ge [sflag:s17], $0x2800  }
0x1a: {  	[sflag:s17] =	ssyncset.done $0x0  }
0x1b: {  	[sflag:s17] =	ssyncadd.s32 $0xFFFFD800  }
.LBB2_1:
0x1c: {  	s1 =	simm.s32 $0x400  }
0x1d: {  	[tilespmem:s1+$0xFFFFFF00] =	vst v0  }
0x1e: {  	[tilespmem:s1+$0xF0] =	vst v0  }
0x1f: {  	[tilespmem:s1+$0xE0] =	vst v0  }
0x20: {  	[tilespmem:s1+$0xD0] =	vst v0  }
0x21: {  	[tilespmem:s1+$0xC0] =	vst v0  }
0x22: {  	[tilespmem:s1+$0xB0] =	vst v0  }
0x23: {  	[tilespmem:s1+$0xA0] =	vst v0  }
0x24: {  	[tilespmem:s1+$0x90] =	vst v0  }
0x25: {  	[tilespmem:s1+$0x80] =	vst v0  }
0x26: {  	[tilespmem:s1+$0x70] =	vst v0  }
0x27: {  	[tilespmem:s1+$0x60] =	vst v0  }
0x28: {  	[tilespmem:s1+$0x50] =	vst v0  }
0x29: {  	[tilespmem:s1+$0x40] =	vst v0  }
0x2a: {  	[tilespmem:s1+$0x30] =	vst v0  }
0x2b: {  	[tilespmem:s1+$0x20] =	vst v0  }
0x2c: {  	[tilespmem:s1+$0x10] =	vst v0  }
0x2d: {  	[tilespmem:s1+$0x0] =	vst v0  }
0x2e: {  	[tilespmem:s1+$0xFFFFFFF0] =	vst v0  }
0x2f: {  	[tilespmem:s1+$0xFFFFFFE0] =	vst v0  }
0x30: {  	[tilespmem:s1+$0xFFFFFFD0] =	vst v0  }
0x31: {  	[tilespmem:s1+$0xFFFFFFC0] =	vst v0  }
0x32: {  	[tilespmem:s1+$0xFFFFFFB0] =	vst v0  }
0x33: {  	[tilespmem:s1+$0xFFFFFFA0] =	vst v0  }
0x34: {  	[tilespmem:s1+$0xFFFFFF90] =	vst v0  }
0x35: {  	[tilespmem:s1+$0xFFFFFF80] =	vst v0  }
0x36: {  	[tilespmem:s1+$0xFFFFFF70] =	vst v0  }
0x37: {  	[tilespmem:s1+$0xFFFFFF60] =	vst v0  }
0x38: {  	[tilespmem:s1+$0xFFFFFF50] =	vst v0  }
0x39: {  	[tilespmem:s1+$0xFFFFFF40] =	vst v0  }
0x3a: {  	[tilespmem:s1+$0xFFFFFF30] =	vst v0  }
0x3b: {  	s9 =	simm.s32 $0x0;
	[tilespmem:s1+$0xFFFFFF20] =	vst v0  }
.LBB2_2:
0x3c: {  	s9 =	sadd.s32 $0x4, s9;
	[tilespmem:s1+$0xFFFFFF10] =	vst v0;
	s1 =	sadd.s32 $0x200, s1  }
0x3d: {  	[tilespmem:s1+$0xFFFFFF00] =	vst v0;
	p1 =	slt.u32 s9, $0x7C  }
0x3e: {  	[tilespmem:s1+$0xF0] =	vst v0  }
0x3f: {  	[tilespmem:s1+$0xE0] =	vst v0  }
0x40: {  	[tilespmem:s1+$0xD0] =	vst v0  }
0x41: {  	[tilespmem:s1+$0xC0] =	vst v0  }
0x42: {  	[tilespmem:s1+$0xB0] =	vst v0  }
0x43: {  	[tilespmem:s1+$0xA0] =	vst v0  }
0x44: {  	[tilespmem:s1+$0x90] =	vst v0  }
0x45: {  	[tilespmem:s1+$0x80] =	vst v0  }
0x46: {  	[tilespmem:s1+$0x70] =	vst v0  }
0x47: {  	[tilespmem:s1+$0x60] =	vst v0  }
0x48: {  	[tilespmem:s1+$0x50] =	vst v0  }
0x49: {  	[tilespmem:s1+$0x40] =	vst v0  }
0x4a: {  	[tilespmem:s1+$0x30] =	vst v0  }
0x4b: {  	[tilespmem:s1+$0x20] =	vst v0  }
0x4c: {  	[tilespmem:s1+$0x10] =	vst v0  }
0x4d: {  	[tilespmem:s1+$0x0] =	vst v0  }
0x4e: {  	[tilespmem:s1+$0xFFFFFFF0] =	vst v0  }
0x4f: {  	[tilespmem:s1+$0xFFFFFFE0] =	vst v0  }
0x50: {  	[tilespmem:s1+$0xFFFFFFD0] =	vst v0  }
0x51: {  	[tilespmem:s1+$0xFFFFFFC0] =	vst v0  }
0x52: {  	[tilespmem:s1+$0xFFFFFFB0] =	vst v0  }
0x53: {  	[tilespmem:s1+$0xFFFFFFA0] =	vst v0  }
0x54: {  	[tilespmem:s1+$0xFFFFFF90] =	vst v0  }
0x55: {  	[tilespmem:s1+$0xFFFFFF80] =	vst v0  }
0x56: {  	[tilespmem:s1+$0xFFFFFF70] =	vst v0  }
.Ltmp2:
0x57: {  	[tilespmem:s1+$0xFFFFFF60] =	vst v0;
	(pc) =	sbr.rel @p1 .LBB2_2-.Ltmp2, $4  }
0x58: {  	[tilespmem:s1+$0xFFFFFF50] =	vst v0  }
0x59: {  	[tilespmem:s1+$0xFFFFFF40] =	vst v0  }
0x5a: {  	[tilespmem:s1+$0xFFFFFF30] =	vst v0  }
0x5b: {  	[tilespmem:s1+$0xFFFFFF20] =	vst v0  }
0x5c: {  	[tilespmem:s1+$0xFFFFFF10] =	vst v0  }
0x5d: {  	[spmem:s8] =	stream.linear.scatter [tilespmem:s16], [sflag:$0x9], $0x4000, $0x38;
	[tilespmem:$0x1C300] =	vst v63  }
0x5e: {  	_ =	swait.ge [sflag:s17], $0x4000  }
0x5f: {  	[sflag:s17] =	ssyncset.done $0x0  }
0x60: {  	s10 =	rddreg [dreg:$0x3];
	[sflag:s17] =	ssyncadd.s32 $0xFFFFC000  }
0x61: {  	[spmem:s10] =	stream.linear.scatter [tilespmem:s16], [sflag:$0x9], $0x4000, $0x38;
	[tilespmem:$0x1C300] =	vst v63  }
0x62: {  	_ =	swait.ge [sflag:s17], $0x4000  }
0x63: {  	[sflag:s17] =	ssyncset.done $0x0  }
0x64: {  	s11 =	rddreg [dreg:$0x4];
	[sflag:s17] =	ssyncadd.s32 $0xFFFFC000  }
0x65: {  	[spmem:s11] =	stream.linear.scatter [tilespmem:s16], [sflag:$0x9], $0x4000, $0x38;
	[tilespmem:$0x1C300] =	vst v63  }
0x66: {  	_ =	swait.ge [sflag:s17], $0x4000  }
0x67: {  	[sflag:s17] =	ssyncset.done $0x0  }
0x68: {  	s12 =	rddreg [dreg:$0x5];
	[sflag:s17] =	ssyncadd.s32 $0xFFFFC000  }
0x69: {  	[spmem:s12] =	stream.linear.scatter [tilespmem:s16], [sflag:$0x9], $0x4000, $0x38;
	[tilespmem:$0x1C300] =	vst v63  }
0x6a: {  	_ =	swait.ge [sflag:s17], $0x4000  }
0x6b: {  	[sflag:s17] =	ssyncset.done $0x0  }
0x6c: {  	s14 =	rddreg [dreg:$0x6];
	[sflag:s17] =	ssyncadd.s32 $0xFFFFC000  }
0x6d: {  	[spmem:s14] =	stream.linear.scatter [tilespmem:s16], [sflag:$0x9], $0x4000, $0x38;
	[tilespmem:$0x1C300] =	vst v63  }
.Ltmp3:
0x6e: {  	_ =	swait.ge [sflag:s17], $0x4000;
	(pc) =	sbr.rel @p0 .LBB2_9-.Ltmp3, $4  }
0x6f: {  	[sflag:s17] =	ssyncset.done $0x0  }
0x70: {  	[sflag:s17] =	ssyncadd.s32 $0xFFFFC000  }
0x71: {  	[bflag:$0x0] =	sbarrier.arrive $0xFFFF  }
0x72: {  	s1 =	simm.s32 $0x0;
	s9 =	simm.s32 $0x0;
	s10 =	simm.s32 $0x0  }
.LBB2_4:
0x73: {  	s10 =	sshll.u32 s9, $0x5  }
0x74: {  	s11 =	sadd.s32 s13, s10  }
0x75: {  	s10 =	sand.u32 $0x60, s10;
	s11 =	sand.u32 $0x3FF80, s11  }
0x76: {  	s10 =	sor.u32 s10, s11  }
0x77: {  	s11 =	sadd.s32 s5, s10  }
0x78: {  	[tilespmem:s1], [sflag:$0x1] =	stream.linear.gather [hbm4b:s11+s1], $0x80, $0x38;
	[tilespmem:$0x1C300] =	vst v63  }
0x79: {  	s11 =	sor.u32 $0x10, s10  }
0x7a: {  	s12 =	sadd.s32 s5, s11  }
0x7b: {  	[tilespmem:s18], [sflag:$0x2] =	stream.linear.gather [hbm4b:s12+s1], $0x80, $0x38;
	[tilespmem:$0x1C300] =	vst v63  }
0x7c: {  	s14 =	sadd.s32 s6, s10  }
0x7d: {  	[tilespmem:s19], [sflag:$0x3] =	stream.linear.gather [hbm4b:s14+s1], $0x80, $0x38;
	[tilespmem:$0x1C300] =	vst v63  }
0x7e: {  	s14 =	sadd.s32 s6, s11  }
0x7f: {  	[tilespmem:s20], [sflag:$0x4] =	stream.linear.gather [hbm4b:s14+s1], $0x80, $0x38;
	[tilespmem:$0x1C300] =	vst v63  }
0x80: {  	s10 =	sadd.s32 s7, s10  }
0x81: {  	[tilespmem:s21], [sflag:$0x5] =	stream.linear.gather [hbm4b:s10+s1], $0x80, $0x38;
	[tilespmem:$0x1C300] =	vst v63  }
0x82: {  	s12 =	sadd.s32 s7, s11  }
0x83: {  	[tilespmem:s22], [sflag:$0x6] =	stream.linear.gather [hbm4b:s12+s1], $0x80, $0x38;
	[tilespmem:$0x1C300] =	vst v63  }
0x84: {  	_ =	swait.ge [sflag:s23], $0x80  }
0x85: {  	[sflag:s23] =	ssyncset.done $0x0  }
0x86: {  	[sflag:s23] =	ssyncadd.s32 $0xFFFFFF80  }
0x87: {  	[tilespmem:s16], [sflag:$0x7] =	stream.indirect.gather [hbm4b:s4+s18], $0x80, s1, s18, $0xb8;
	[tilespmem:$0x1C300] =	vst v63  }
0x88: {  	_ =	swait.ge [sflag:s24], $0x80  }
0x89: {  	[sflag:s24] =	ssyncset.done $0x0  }
0x8a: {  	[sflag:s24] =	ssyncadd.s32 $0xFFFFFF80  }
0x8b: {  	_ =	swait.ge [sflag:s25], $0x80  }
0x8c: {  	[sflag:s25] =	ssyncset.done $0x0  }
0x8d: {  	[sflag:s25] =	ssyncadd.s32 $0xFFFFFF80  }
0x8e: {  	_ =	swait.ge [sflag:s26], $0x80  }
0x8f: {  	[sflag:s26] =	ssyncset.done $0x0  }
0x90: {  	[sflag:s26] =	ssyncadd.s32 $0xFFFFFF80  }
0x91: {  	_ =	swait.ge [sflag:s28], $0x80  }
0x92: {  	[sflag:s28] =	ssyncset.done $0x0  }
0x93: {  	[sflag:s28] =	ssyncadd.s32 $0xFFFFFF80  }
0x94: {  	v1 =	vmov s1;
	_ =	swait.ge [sflag:s29], $0x4000  }
0x95: {  	v1 =	vand.u32 $0xFFFFFFFE, v1;
	[sflag:s29] =	ssyncset.done $0x0  }
0x96: {  	v2 =	vbroadcast v1, $0x0;
	[sflag:s29] =	ssyncadd.s32 $0xFFFFC000  }
0x97: {  	_ =	swait.ge [sflag:s30], $0x80  }
0x98: {  	[sflag:s30] =	ssyncset.done $0x0  }
0x99: {  	s10 =	simm.s32 $0x380;
	[sflag:s30] =	ssyncadd.s32 $0xFFFFFF80  }
0x9a: {  	[tilespmem:s31], [sflag:$0x8] =	stream.indirect.gather [hbm4b:s4+s18], $0x80, s18, s18, $0xb8;
	[tilespmem:$0x1C300] =	vst v63  }
0x9b: {  	v5 =	vld [tilespmem:s10+$0xFFFFFFF0]  }
0x9c: {  	v6 =	vld.idx.msk [tilespmem:v2+s21+$0x0], $0xffff  }
0x9d: {  	v7 =	vld [tilespmem:s10+$0xFFFFFF80]  }
0x9e: {  	v8 =	vld [tilespmem:s10+$0xFFFFFFA0]  }
0x9f: {  	v4 =	vld [tilespmem:s10+$0xFFFFFFB0]  }
0xa0: {  	v3 =	vld [tilespmem:s10+$0xFFFFFFD0]  }
0xa1: {  	v10 =	vld [tilespmem:s10+$0xFFFFFF90];
	v5 =	vmul.f32 v5, v6  }
0xa2: {  	v9 =	vld [tilespmem:s10+$0xFFFFFFE0];
	v7 =	vmul.f32 v7, v6  }
0xa3: {  	v11 =	vld [tilespmem:s10+$0xFFFFFFC0];
	v8 =	vmul.f32 v8, v6;
	[tilespmem:s10+$0xFFFFFFF0] =	vst v5  }
0xa4: {  	v4 =	vmul.f32 v4, v6;
	[tilespmem:s10+$0xFFFFFF80] =	vst v7  }
0xa5: {  	s14 =	simm.s32 $0x1;
	v3 =	vmul.f32 v3, v6;
	[tilespmem:s10+$0xFFFFFFA0] =	vst v8  }
0xa6: {  	v5 =	vmul.f32 v10, v6;
	[tilespmem:s10+$0xFFFFFFB0] =	vst v4;
	v7 =	vmov s14  }
0xa7: {  	v1 =	vld [tilespmem:s10+$0x0];
	v4 =	vmul.f32 v9, v6;
	[tilespmem:s10+$0xFFFFFFD0] =	vst v3  }
0xa8: {  	v2 =	vld [tilespmem:s10+$0x10];
	v3 =	vmul.f32 v11, v6;
	[tilespmem:s10+$0xFFFFFF90] =	vst v5  }
0xa9: {  	[tilespmem:s10+$0xFFFFFFE0] =	vst v4;
	v5 =	vld [tilespmem:s10+$0x30]  }
0xaa: {  	[tilespmem:s10+$0xFFFFFFC0] =	vst v3;
	v4 =	vld [tilespmem:s10+$0x70]  }
0xab: {  	s11 =	simm.s32 $0x2;
	s12 =	simm.s32 $0x380;
	v3 =	vld.idx.msk [tilespmem:v7+s21+$0x0], $0xffff  }
.LBB2_5:
0xac: {  	p1 =	slt.u32 s11, $0x7E  }
0xad: {  	v6 =	vld [tilespmem:s10+$0x20];
	s12 =	sadd.s32 $0x100, s12;
	s14 =	smov.u32 s11;
	s11 =	sadd.s32 $0x2, s11  }
0xae: {  	v7 =	vld [tilespmem:s10+$0x40]  }
0xaf: {  	v8 =	vld [tilespmem:s10+$0x50]  }
0xb0: {  	v9 =	vld [tilespmem:s10+$0x60];
	_ =	sdelay $0x1  }
0xb1: {  	v1 =	vmul.f32 v1, v3;
	v2 =	vmul.f32 v2, v3  }
0xb2: {  	v5 =	vmul.f32 v5, v3;
	v6 =	vmul.f32 v6, v3  }
0xb3: {  	v10 =	vmov s14;
	v7 =	vmul.f32 v7, v3;
	[tilespmem:s10+$0x0] =	vst v1;
	v8 =	vmul.f32 v8, v3  }
0xb4: {  	v10 =	vand.u32 $0xFFFFFFFE, v10;
	v1 =	vld [tilespmem:s12+$0x0];
	[tilespmem:s10+$0x30] =	vst v5;
	v5 =	vmul.f32 v9, v3;
	v3 =	vmul.f32 v4, v3  }
0xb5: {  	v4 =	vbroadcast v10, $0x0;
	[tilespmem:s10+$0x10] =	vst v2  }
0xb6: {  	[tilespmem:s10+$0x70] =	vst v3  }
0xb7: {  	v3 =	vld [tilespmem:s12+$0xFFFFFFD0];
	[tilespmem:s10+$0x20] =	vst v6  }
0xb8: {  	v6 =	vld [tilespmem:s12+$0xFFFFFFB0];
	[tilespmem:s10+$0x60] =	vst v5  }
0xb9: {  	v5 =	vld [tilespmem:s12+$0xFFFFFFE0];
	[tilespmem:s10+$0x40] =	vst v7  }
0xba: {  	v7 =	vld [tilespmem:s12+$0xFFFFFFF0];
	[tilespmem:s10+$0x50] =	vst v8;
	s10 =	smov.u32 s12  }
0xbb: {  	v4 =	vld.idx.msk [tilespmem:v4+s21+$0x0], $0xffff  }
0xbc: {  	v8 =	vld [tilespmem:s12+$0xFFFFFF80]  }
0xbd: {  	v9 =	vld [tilespmem:s12+$0xFFFFFFA0]  }
0xbe: {  	v10 =	vld [tilespmem:s12+$0xFFFFFF90]  }
0xbf: {  	v11 =	vld [tilespmem:s12+$0xFFFFFFC0]  }
0xc0: {  	v2 =	vld [tilespmem:s12+$0x10]  }
0xc1: {  	v7 =	vmul.f32 v7, v4;
	v8 =	vmul.f32 v8, v4  }
0xc2: {  	v5 =	vmul.f32 v5, v4;
	v9 =	vmul.f32 v9, v4  }
0xc3: {  	v6 =	vmul.f32 v6, v4;
	v10 =	vmul.f32 v10, v4;
	[tilespmem:s12+$0xFFFFFFF0] =	vst v7  }
0xc4: {  	v3 =	vmul.f32 v3, v4;
	[tilespmem:s12+$0xFFFFFF80] =	vst v8;
	v7 =	vmul.f32 v11, v4  }
0xc5: {  	s14 =	sadd.s32 $0x1, s14;
	[tilespmem:s12+$0xFFFFFFA0] =	vst v9  }
0xc6: {  	[tilespmem:s12+$0xFFFFFFB0] =	vst v6;
	v6 =	vmov s14  }
.Ltmp4:
0xc7: {  	[tilespmem:s12+$0xFFFFFFD0] =	vst v3;
	(pc) =	sbr.rel @p1 .LBB2_5-.Ltmp4, $4  }
0xc8: {  	[tilespmem:s12+$0xFFFFFF90] =	vst v10  }
0xc9: {  	[tilespmem:s12+$0xFFFFFFE0] =	vst v5;
	v5 =	vld [tilespmem:s12+$0x30]  }
0xca: {  	[tilespmem:s12+$0xFFFFFFC0] =	vst v7;
	v4 =	vld [tilespmem:s12+$0x70]  }
0xcb: {  	v3 =	vld.idx.msk [tilespmem:v6+s21+$0x0], $0xffff  }
0xcc: {  	_ =	sdelay $0x2  }
0xcd: {  	v6 =	vld [tilespmem:s10+$0x20]  }
0xce: {  	v7 =	vld [tilespmem:s10+$0x60];
	v1 =	vmul.f32 v1, v3  }
0xcf: {  	v8 =	vld [tilespmem:s10+$0x40];
	v5 =	vmul.f32 v5, v3  }
0xd0: {  	v9 =	vld [tilespmem:s10+$0x50];
	v2 =	vmul.f32 v2, v3;
	[tilespmem:s10+$0x0] =	vst v1  }
0xd1: {  	[tilespmem:s10+$0x30] =	vst v5;
	v1 =	vmul.f32 v4, v3  }
0xd2: {  	v4 =	vmul.f32 v6, v3;
	[tilespmem:s10+$0x10] =	vst v2  }
0xd3: {  	v2 =	vmul.f32 v7, v3;
	[tilespmem:s10+$0x70] =	vst v1  }
0xd4: {  	v1 =	vmul.f32 v8, v3;
	[tilespmem:s10+$0x20] =	vst v4  }
0xd5: {  	v3 =	vmul.f32 v9, v3;
	[tilespmem:s10+$0x60] =	vst v2  }
0xd6: {  	[tilespmem:s10+$0x40] =	vst v1  }
0xd7: {  	s14 =	simm.s32 $0x0;
	[tilespmem:s10+$0x50] =	vst v3  }
0xd8: {  	v1 =	vmov s14;
	[spmem:s2] =	stream.indirect.scatter.add.f32 [tilespmem:s16], [sflag:$0x9], $0x80, s19, s18, $0xb8;
	[tilespmem:$0x1C300] =	vst v63  }
0xd9: {  	v1 =	vand.u32 $0xFFFFFFFE, v1;
	_ =	swait.ge [sflag:s17], $0x4000  }
0xda: {  	v2 =	vbroadcast v1, $0x0;
	[sflag:s17] =	ssyncset.done $0x0  }
0xdb: {  	[sflag:s17] =	ssyncadd.s32 $0xFFFFC000  }
0xdc: {  	_ =	swait.ge [sflag:s0], $0x4000  }
0xdd: {  	[sflag:s0] =	ssyncset.done $0x0  }
0xde: {  	s10 =	simm.s32 $0x4380;
	[sflag:s0] =	ssyncadd.s32 $0xFFFFC000  }
0xdf: {  	v5 =	vld [tilespmem:s10+$0xFFFFFFF0]  }
0xe0: {  	v6 =	vld.idx.msk [tilespmem:v2+s22+$0x0], $0xffff  }
0xe1: {  	v7 =	vld [tilespmem:s10+$0xFFFFFF80]  }
0xe2: {  	v62 =	vld [tilespmem:s10+$0xFFFFFFA0]  }
0xe3: {  	v4 =	vld [tilespmem:s10+$0xFFFFFFB0]  }
0xe4: {  	v3 =	vld [tilespmem:s10+$0xFFFFFFD0]  }
0xe5: {  	v10 =	vld [tilespmem:s10+$0xFFFFFF90];
	v5 =	vmul.f32 v5, v6  }
0xe6: {  	v63 =	vld [tilespmem:s10+$0xFFFFFFE0];
	v7 =	vmul.f32 v7, v6  }
0xe7: {  	v11 =	vld [tilespmem:s10+$0xFFFFFFC0];
	v8 =	vmul.f32 v62, v6;
	[tilespmem:s10+$0xFFFFFFF0] =	vst v5  }
0xe8: {  	v4 =	vmul.f32 v4, v6;
	[tilespmem:s10+$0xFFFFFF80] =	vst v7  }
0xe9: {  	s11 =	simm.s32 $0x1;
	v3 =	vmul.f32 v3, v6;
	[tilespmem:s10+$0xFFFFFFA0] =	vst v8  }
0xea: {  	v5 =	vmul.f32 v10, v6;
	[tilespmem:s10+$0xFFFFFFB0] =	vst v4;
	v7 =	vmov s11  }
0xeb: {  	v1 =	vld [tilespmem:s10+$0x0];
	v4 =	vmul.f32 v63, v6;
	[tilespmem:s10+$0xFFFFFFD0] =	vst v3  }
0xec: {  	v2 =	vld [tilespmem:s10+$0x10];
	v3 =	vmul.f32 v11, v6;
	[tilespmem:s10+$0xFFFFFF90] =	vst v5  }
0xed: {  	[tilespmem:s10+$0xFFFFFFE0] =	vst v4;
	v5 =	vld [tilespmem:s10+$0x30]  }
0xee: {  	[tilespmem:s10+$0xFFFFFFC0] =	vst v3;
	v4 =	vld [tilespmem:s10+$0x70]  }
0xef: {  	s12 =	simm.s32 $0x4380;
	s11 =	simm.s32 $0x2;
	v3 =	vld.idx.msk [tilespmem:v7+s22+$0x0], $0xffff  }
.LBB2_7:
0xf0: {  	p1 =	slt.u32 s11, $0x7E  }
0xf1: {  	v6 =	vld [tilespmem:s10+$0x20];
	s12 =	sadd.s32 $0x100, s12;
	s14 =	smov.u32 s11;
	s11 =	sadd.s32 $0x2, s11  }
0xf2: {  	v7 =	vld [tilespmem:s10+$0x40]  }
0xf3: {  	v8 =	vld [tilespmem:s10+$0x50]  }
0xf4: {  	v9 =	vld [tilespmem:s10+$0x60];
	_ =	sdelay $0x1  }
0xf5: {  	v1 =	vmul.f32 v1, v3;
	v2 =	vmul.f32 v2, v3  }
0xf6: {  	v5 =	vmul.f32 v5, v3;
	v6 =	vmul.f32 v6, v3  }
0xf7: {  	v10 =	vmov s14;
	v7 =	vmul.f32 v7, v3;
	[tilespmem:s10+$0x0] =	vst v1;
	v8 =	vmul.f32 v8, v3  }
0xf8: {  	v10 =	vand.u32 $0xFFFFFFFE, v10;
	v1 =	vld [tilespmem:s12+$0x0];
	[tilespmem:s10+$0x30] =	vst v5;
	v5 =	vmul.f32 v9, v3;
	v3 =	vmul.f32 v4, v3  }
0xf9: {  	v4 =	vbroadcast v10, $0x0;
	[tilespmem:s10+$0x10] =	vst v2  }
0xfa: {  	[tilespmem:s10+$0x70] =	vst v3  }
0xfb: {  	v3 =	vld [tilespmem:s12+$0xFFFFFFD0];
	[tilespmem:s10+$0x20] =	vst v6  }
0xfc: {  	v6 =	vld [tilespmem:s12+$0xFFFFFFB0];
	[tilespmem:s10+$0x60] =	vst v5  }
0xfd: {  	v5 =	vld [tilespmem:s12+$0xFFFFFFE0];
	[tilespmem:s10+$0x40] =	vst v7  }
0xfe: {  	v7 =	vld [tilespmem:s12+$0xFFFFFFF0];
	[tilespmem:s10+$0x50] =	vst v8;
	s10 =	smov.u32 s12  }
0xff: {  	v4 =	vld.idx.msk [tilespmem:v4+s22+$0x0], $0xffff  }
0x100: {  	v8 =	vld [tilespmem:s12+$0xFFFFFF80]  }
0x101: {  	v9 =	vld [tilespmem:s12+$0xFFFFFFA0]  }
0x102: {  	v10 =	vld [tilespmem:s12+$0xFFFFFF90]  }
0x103: {  	v11 =	vld [tilespmem:s12+$0xFFFFFFC0]  }
0x104: {  	v2 =	vld [tilespmem:s12+$0x10]  }
0x105: {  	v7 =	vmul.f32 v7, v4;
	v8 =	vmul.f32 v8, v4  }
0x106: {  	v5 =	vmul.f32 v5, v4;
	v9 =	vmul.f32 v9, v4  }
0x107: {  	v6 =	vmul.f32 v6, v4;
	v10 =	vmul.f32 v10, v4;
	[tilespmem:s12+$0xFFFFFFF0] =	vst v7  }
0x108: {  	v3 =	vmul.f32 v3, v4;
	[tilespmem:s12+$0xFFFFFF80] =	vst v8;
	v7 =	vmul.f32 v11, v4  }
0x109: {  	s14 =	sadd.s32 $0x1, s14;
	[tilespmem:s12+$0xFFFFFFA0] =	vst v9  }
0x10a: {  	[tilespmem:s12+$0xFFFFFFB0] =	vst v6;
	v6 =	vmov s14  }
.Ltmp5:
0x10b: {  	[tilespmem:s12+$0xFFFFFFD0] =	vst v3;
	(pc) =	sbr.rel @p1 .LBB2_7-.Ltmp5, $4  }
0x10c: {  	[tilespmem:s12+$0xFFFFFF90] =	vst v10  }
0x10d: {  	[tilespmem:s12+$0xFFFFFFE0] =	vst v5;
	v5 =	vld [tilespmem:s12+$0x30]  }
0x10e: {  	[tilespmem:s12+$0xFFFFFFC0] =	vst v7;
	v4 =	vld [tilespmem:s12+$0x70]  }
0x10f: {  	v3 =	vld.idx.msk [tilespmem:v6+s22+$0x0], $0xffff  }
0x110: {  	_ =	sdelay $0x1  }
0x111: {  	v6 =	vld [tilespmem:s10+$0x20];
	_ =	sdelay $0x1  }
0x112: {  	v7 =	vld [tilespmem:s10+$0x60];
	v1 =	vmul.f32 v1, v3  }
0x113: {  	v8 =	vld [tilespmem:s10+$0x40];
	v5 =	vmul.f32 v5, v3  }
0x114: {  	v9 =	vld [tilespmem:s10+$0x50];
	v2 =	vmul.f32 v2, v3;
	[tilespmem:s10+$0x0] =	vst v1  }
0x115: {  	v63 =	vmul.f32 v6, v3;
	[tilespmem:s10+$0x30] =	vst v5  }
0x116: {  	v1 =	vmul.f32 v4, v3;
	[tilespmem:s10+$0x10] =	vst v2  }
0x117: {  	v2 =	vmul.f32 v7, v3;
	[tilespmem:s10+$0x20] =	vst v63  }
0x118: {  	[tilespmem:s10+$0x70] =	vst v1;
	v1 =	vmul.f32 v8, v3  }
0x119: {  	v3 =	vmul.f32 v9, v3;
	[tilespmem:s10+$0x60] =	vst v2  }
0x11a: {  	s9 =	sadd.s32 $0x1, s9;
	[tilespmem:s10+$0x40] =	vst v1  }
0x11b: {  	p1 =	seq.s32 s9, $0x38;
	[tilespmem:s10+$0x50] =	vst v3  }
0x11c: {  	[spmem:s2] =	stream.indirect.scatter.add.f32 [tilespmem:s31], [sflag:$0x9], $0x80, s20, s18, $0xb8;
	[tilespmem:$0x1C300] =	vst v63  }
.Ltmp6:
0x11d: {  	_ = 	snop;
	(pc) =	sbr.rel @!p1 .LBB2_4-.Ltmp6, $4  }
.Ltmp7:
0x11e: {  	_ = 	snop;
	(pc) =	sbr.rel @p1 .LBB2_14-.Ltmp7, $4  }
0x11f: {  	_ =	swait.ge [sflag:s17], $0x4000  }
0x120: {  	[sflag:s17] =	ssyncset.done $0x0  }
0x121: {  	[sflag:s17] =	ssyncadd.s32 $0xFFFFC000  }
0x122: {  	_ = 	snop  }
.LBB2_9:
0x123: {  	s9 =	sshll.u32 s10, $0x5  }
0x124: {  	s11 =	sadd.s32 s13, s9  }
0x125: {  	s9 =	sand.u32 $0x60, s9;
	s11 =	sand.u32 $0x3FF80, s11  }
0x126: {  	s9 =	sor.u32 s9, s11  }
0x127: {  	s11 =	sadd.s32 s5, s9  }
0x128: {  	[tilespmem:s1], [sflag:$0x1] =	stream.linear.gather [hbm4b:s11+s1], $0x80, $0x38;
	[tilespmem:$0x1C300] =	vst v63  }
0x129: {  	s11 =	sor.u32 $0x10, s9  }
0x12a: {  	s12 =	sadd.s32 s5, s11  }
0x12b: {  	[tilespmem:s18], [sflag:$0x2] =	stream.linear.gather [hbm4b:s12+s1], $0x80, $0x38;
	[tilespmem:$0x1C300] =	vst v63  }
0x12c: {  	s14 =	sadd.s32 s6, s9  }
0x12d: {  	[tilespmem:s19], [sflag:$0x3] =	stream.linear.gather [hbm4b:s14+s1], $0x80, $0x38;
	[tilespmem:$0x1C300] =	vst v63  }
0x12e: {  	s14 =	sadd.s32 s6, s11  }
0x12f: {  	[tilespmem:s20], [sflag:$0x4] =	stream.linear.gather [hbm4b:s14+s1], $0x80, $0x38;
	[tilespmem:$0x1C300] =	vst v63  }
0x130: {  	s9 =	sadd.s32 s7, s9  }
0x131: {  	[tilespmem:s21], [sflag:$0x5] =	stream.linear.gather [hbm4b:s9+s1], $0x80, $0x38;
	[tilespmem:$0x1C300] =	vst v63  }
0x132: {  	s12 =	sadd.s32 s7, s11  }
0x133: {  	[tilespmem:s22], [sflag:$0x6] =	stream.linear.gather [hbm4b:s12+s1], $0x80, $0x38;
	[tilespmem:$0x1C300] =	vst v63  }
0x134: {  	_ =	swait.ge [sflag:s23], $0x80  }
0x135: {  	[sflag:s23] =	ssyncset.done $0x0  }
0x136: {  	[sflag:s23] =	ssyncadd.s32 $0xFFFFFF80  }
0x137: {  	[tilespmem:s16], [sflag:$0x7] =	stream.indirect.gather [hbm4b:s4+s18], $0x80, s1, s18, $0xb8;
	[tilespmem:$0x1C300] =	vst v63  }
0x138: {  	_ =	swait.ge [sflag:s24], $0x80  }
0x139: {  	[sflag:s24] =	ssyncset.done $0x0  }
0x13a: {  	[sflag:s24] =	ssyncadd.s32 $0xFFFFFF80  }
0x13b: {  	_ =	swait.ge [sflag:s25], $0x80  }
0x13c: {  	[sflag:s25] =	ssyncset.done $0x0  }
0x13d: {  	[sflag:s25] =	ssyncadd.s32 $0xFFFFFF80  }
0x13e: {  	_ =	swait.ge [sflag:s26], $0x80  }
0x13f: {  	[sflag:s26] =	ssyncset.done $0x0  }
0x140: {  	[sflag:s26] =	ssyncadd.s32 $0xFFFFFF80  }
0x141: {  	_ =	swait.ge [sflag:s28], $0x80  }
0x142: {  	[sflag:s28] =	ssyncset.done $0x0  }
0x143: {  	[sflag:s28] =	ssyncadd.s32 $0xFFFFFF80  }
0x144: {  	v1 =	vmov s1;
	_ =	swait.ge [sflag:s29], $0x4000  }
0x145: {  	v1 =	vand.u32 $0xFFFFFFFE, v1;
	[sflag:s29] =	ssyncset.done $0x0  }
0x146: {  	v2 =	vbroadcast v1, $0x0;
	[sflag:s29] =	ssyncadd.s32 $0xFFFFC000  }
0x147: {  	_ =	swait.ge [sflag:s30], $0x80  }
0x148: {  	[sflag:s30] =	ssyncset.done $0x0  }
0x149: {  	s9 =	simm.s32 $0x380;
	[sflag:s30] =	ssyncadd.s32 $0xFFFFFF80  }
0x14a: {  	[tilespmem:s31], [sflag:$0x8] =	stream.indirect.gather [hbm4b:s4+s18], $0x80, s18, s18, $0xb8;
	[tilespmem:$0x1C300] =	vst v63  }
0x14b: {  	v5 =	vld [tilespmem:s9+$0xFFFFFFF0]  }
0x14c: {  	v6 =	vld.idx.msk [tilespmem:v2+s21+$0x0], $0xffff  }
0x14d: {  	v7 =	vld [tilespmem:s9+$0xFFFFFF80]  }
0x14e: {  	v8 =	vld [tilespmem:s9+$0xFFFFFFA0]  }
0x14f: {  	v4 =	vld [tilespmem:s9+$0xFFFFFFB0]  }
0x150: {  	v3 =	vld [tilespmem:s9+$0xFFFFFFD0]  }
0x151: {  	v10 =	vld [tilespmem:s9+$0xFFFFFF90];
	v5 =	vmul.f32 v5, v6  }
0x152: {  	v9 =	vld [tilespmem:s9+$0xFFFFFFE0];
	v7 =	vmul.f32 v7, v6  }
0x153: {  	v11 =	vld [tilespmem:s9+$0xFFFFFFC0];
	v8 =	vmul.f32 v8, v6;
	[tilespmem:s9+$0xFFFFFFF0] =	vst v5  }
0x154: {  	v4 =	vmul.f32 v4, v6;
	[tilespmem:s9+$0xFFFFFF80] =	vst v7  }
0x155: {  	s14 =	simm.s32 $0x1;
	v3 =	vmul.f32 v3, v6;
	[tilespmem:s9+$0xFFFFFFA0] =	vst v8  }
0x156: {  	v5 =	vmul.f32 v10, v6;
	[tilespmem:s9+$0xFFFFFFB0] =	vst v4;
	v7 =	vmov s14  }
0x157: {  	v1 =	vld [tilespmem:s9+$0x0];
	v4 =	vmul.f32 v9, v6;
	[tilespmem:s9+$0xFFFFFFD0] =	vst v3  }
0x158: {  	v2 =	vld [tilespmem:s9+$0x10];
	v3 =	vmul.f32 v11, v6;
	[tilespmem:s9+$0xFFFFFF90] =	vst v5  }
0x159: {  	[tilespmem:s9+$0xFFFFFFE0] =	vst v4;
	v5 =	vld [tilespmem:s9+$0x30]  }
0x15a: {  	[tilespmem:s9+$0xFFFFFFC0] =	vst v3;
	v4 =	vld [tilespmem:s9+$0x70]  }
0x15b: {  	s11 =	simm.s32 $0x2;
	s12 =	simm.s32 $0x380;
	v3 =	vld.idx.msk [tilespmem:v7+s21+$0x0], $0xffff  }
.LBB2_10:
0x15c: {  	p1 =	slt.u32 s11, $0x7E  }
0x15d: {  	v6 =	vld [tilespmem:s9+$0x20];
	s12 =	sadd.s32 $0x100, s12;
	s14 =	smov.u32 s11;
	s11 =	sadd.s32 $0x2, s11  }
0x15e: {  	v7 =	vld [tilespmem:s9+$0x40]  }
0x15f: {  	v8 =	vld [tilespmem:s9+$0x50]  }
0x160: {  	v9 =	vld [tilespmem:s9+$0x60];
	_ =	sdelay $0x1  }
0x161: {  	v1 =	vmul.f32 v1, v3;
	v2 =	vmul.f32 v2, v3  }
0x162: {  	v5 =	vmul.f32 v5, v3;
	v6 =	vmul.f32 v6, v3  }
0x163: {  	v10 =	vmov s14;
	v7 =	vmul.f32 v7, v3;
	[tilespmem:s9+$0x0] =	vst v1;
	v8 =	vmul.f32 v8, v3  }
0x164: {  	v10 =	vand.u32 $0xFFFFFFFE, v10;
	v1 =	vld [tilespmem:s12+$0x0];
	[tilespmem:s9+$0x30] =	vst v5;
	v5 =	vmul.f32 v9, v3;
	v3 =	vmul.f32 v4, v3  }
0x165: {  	v4 =	vbroadcast v10, $0x0;
	[tilespmem:s9+$0x10] =	vst v2  }
0x166: {  	[tilespmem:s9+$0x70] =	vst v3  }
0x167: {  	v3 =	vld [tilespmem:s12+$0xFFFFFFD0];
	[tilespmem:s9+$0x20] =	vst v6  }
0x168: {  	v6 =	vld [tilespmem:s12+$0xFFFFFFB0];
	[tilespmem:s9+$0x60] =	vst v5  }
0x169: {  	v5 =	vld [tilespmem:s12+$0xFFFFFFE0];
	[tilespmem:s9+$0x40] =	vst v7  }
0x16a: {  	v7 =	vld [tilespmem:s12+$0xFFFFFFF0];
	[tilespmem:s9+$0x50] =	vst v8;
	s9 =	smov.u32 s12  }
0x16b: {  	v4 =	vld.idx.msk [tilespmem:v4+s21+$0x0], $0xffff  }
0x16c: {  	v8 =	vld [tilespmem:s12+$0xFFFFFF80]  }
0x16d: {  	v9 =	vld [tilespmem:s12+$0xFFFFFFA0]  }
0x16e: {  	v10 =	vld [tilespmem:s12+$0xFFFFFF90]  }
0x16f: {  	v11 =	vld [tilespmem:s12+$0xFFFFFFC0]  }
0x170: {  	v2 =	vld [tilespmem:s12+$0x10]  }
0x171: {  	v7 =	vmul.f32 v7, v4;
	v8 =	vmul.f32 v8, v4  }
0x172: {  	v5 =	vmul.f32 v5, v4;
	v9 =	vmul.f32 v9, v4  }
0x173: {  	v6 =	vmul.f32 v6, v4;
	v10 =	vmul.f32 v10, v4;
	[tilespmem:s12+$0xFFFFFFF0] =	vst v7  }
0x174: {  	v3 =	vmul.f32 v3, v4;
	[tilespmem:s12+$0xFFFFFF80] =	vst v8;
	v7 =	vmul.f32 v11, v4  }
0x175: {  	s14 =	sadd.s32 $0x1, s14;
	[tilespmem:s12+$0xFFFFFFA0] =	vst v9  }
0x176: {  	[tilespmem:s12+$0xFFFFFFB0] =	vst v6;
	v6 =	vmov s14  }
.Ltmp8:
0x177: {  	[tilespmem:s12+$0xFFFFFFD0] =	vst v3;
	(pc) =	sbr.rel @p1 .LBB2_10-.Ltmp8, $4  }
0x178: {  	[tilespmem:s12+$0xFFFFFF90] =	vst v10  }
0x179: {  	[tilespmem:s12+$0xFFFFFFE0] =	vst v5;
	v5 =	vld [tilespmem:s12+$0x30]  }
0x17a: {  	[tilespmem:s12+$0xFFFFFFC0] =	vst v7;
	v4 =	vld [tilespmem:s12+$0x70]  }
0x17b: {  	v3 =	vld.idx.msk [tilespmem:v6+s21+$0x0], $0xffff  }
0x17c: {  	_ =	sdelay $0x2  }
0x17d: {  	v6 =	vld [tilespmem:s9+$0x20]  }
0x17e: {  	v7 =	vld [tilespmem:s9+$0x60];
	v1 =	vmul.f32 v1, v3  }
0x17f: {  	v8 =	vld [tilespmem:s9+$0x40];
	v5 =	vmul.f32 v5, v3  }
0x180: {  	v9 =	vld [tilespmem:s9+$0x50];
	v2 =	vmul.f32 v2, v3;
	[tilespmem:s9+$0x0] =	vst v1  }
0x181: {  	[tilespmem:s9+$0x30] =	vst v5;
	v1 =	vmul.f32 v4, v3  }
0x182: {  	v4 =	vmul.f32 v6, v3;
	[tilespmem:s9+$0x10] =	vst v2  }
0x183: {  	v2 =	vmul.f32 v7, v3;
	[tilespmem:s9+$0x70] =	vst v1  }
0x184: {  	v1 =	vmul.f32 v8, v3;
	[tilespmem:s9+$0x20] =	vst v4  }
0x185: {  	v3 =	vmul.f32 v9, v3;
	[tilespmem:s9+$0x60] =	vst v2  }
0x186: {  	[tilespmem:s9+$0x40] =	vst v1  }
0x187: {  	s14 =	simm.s32 $0x0;
	[tilespmem:s9+$0x50] =	vst v3  }
0x188: {  	v1 =	vmov s14;
	[spmem:s2] =	stream.indirect.scatter.add.f32 [tilespmem:s16], [sflag:$0x9], $0x80, s19, s18, $0xb8;
	[tilespmem:$0x1C300] =	vst v63  }
0x189: {  	v1 =	vand.u32 $0xFFFFFFFE, v1;
	_ =	swait.ge [sflag:s17], $0x4000  }
0x18a: {  	v2 =	vbroadcast v1, $0x0;
	[sflag:s17] =	ssyncset.done $0x0  }
0x18b: {  	[sflag:s17] =	ssyncadd.s32 $0xFFFFC000  }
0x18c: {  	_ =	swait.ge [sflag:s0], $0x4000  }
0x18d: {  	[sflag:s0] =	ssyncset.done $0x0  }
0x18e: {  	s9 =	simm.s32 $0x4380;
	[sflag:s0] =	ssyncadd.s32 $0xFFFFC000  }
0x18f: {  	v5 =	vld [tilespmem:s9+$0xFFFFFFF0]  }
0x190: {  	v6 =	vld.idx.msk [tilespmem:v2+s22+$0x0], $0xffff  }
0x191: {  	v7 =	vld [tilespmem:s9+$0xFFFFFF80]  }
0x192: {  	v62 =	vld [tilespmem:s9+$0xFFFFFFA0]  }
0x193: {  	v4 =	vld [tilespmem:s9+$0xFFFFFFB0]  }
0x194: {  	v3 =	vld [tilespmem:s9+$0xFFFFFFD0]  }
0x195: {  	v10 =	vld [tilespmem:s9+$0xFFFFFF90];
	v5 =	vmul.f32 v5, v6  }
0x196: {  	v63 =	vld [tilespmem:s9+$0xFFFFFFE0];
	v7 =	vmul.f32 v7, v6  }
0x197: {  	v11 =	vld [tilespmem:s9+$0xFFFFFFC0];
	v8 =	vmul.f32 v62, v6;
	[tilespmem:s9+$0xFFFFFFF0] =	vst v5  }
0x198: {  	v4 =	vmul.f32 v4, v6;
	[tilespmem:s9+$0xFFFFFF80] =	vst v7  }
0x199: {  	s11 =	simm.s32 $0x1;
	v3 =	vmul.f32 v3, v6;
	[tilespmem:s9+$0xFFFFFFA0] =	vst v8  }
0x19a: {  	v5 =	vmul.f32 v10, v6;
	[tilespmem:s9+$0xFFFFFFB0] =	vst v4;
	v7 =	vmov s11  }
0x19b: {  	v1 =	vld [tilespmem:s9+$0x0];
	v4 =	vmul.f32 v63, v6;
	[tilespmem:s9+$0xFFFFFFD0] =	vst v3  }
0x19c: {  	v2 =	vld [tilespmem:s9+$0x10];
	v3 =	vmul.f32 v11, v6;
	[tilespmem:s9+$0xFFFFFF90] =	vst v5  }
0x19d: {  	[tilespmem:s9+$0xFFFFFFE0] =	vst v4;
	v5 =	vld [tilespmem:s9+$0x30]  }
0x19e: {  	[tilespmem:s9+$0xFFFFFFC0] =	vst v3;
	v4 =	vld [tilespmem:s9+$0x70]  }
0x19f: {  	s12 =	simm.s32 $0x4380;
	s11 =	simm.s32 $0x2;
	v3 =	vld.idx.msk [tilespmem:v7+s22+$0x0], $0xffff  }
.LBB2_12:
0x1a0: {  	p1 =	slt.u32 s11, $0x7E  }
0x1a1: {  	v6 =	vld [tilespmem:s9+$0x20];
	s12 =	sadd.s32 $0x100, s12;
	s14 =	smov.u32 s11;
	s11 =	sadd.s32 $0x2, s11  }
0x1a2: {  	v7 =	vld [tilespmem:s9+$0x40]  }
0x1a3: {  	v8 =	vld [tilespmem:s9+$0x50]  }
0x1a4: {  	v9 =	vld [tilespmem:s9+$0x60];
	_ =	sdelay $0x1  }
0x1a5: {  	v1 =	vmul.f32 v1, v3;
	v2 =	vmul.f32 v2, v3  }
0x1a6: {  	v5 =	vmul.f32 v5, v3;
	v6 =	vmul.f32 v6, v3  }
0x1a7: {  	v10 =	vmov s14;
	v7 =	vmul.f32 v7, v3;
	[tilespmem:s9+$0x0] =	vst v1;
	v8 =	vmul.f32 v8, v3  }
0x1a8: {  	v10 =	vand.u32 $0xFFFFFFFE, v10;
	v1 =	vld [tilespmem:s12+$0x0];
	[tilespmem:s9+$0x30] =	vst v5;
	v5 =	vmul.f32 v9, v3;
	v3 =	vmul.f32 v4, v3  }
0x1a9: {  	v4 =	vbroadcast v10, $0x0;
	[tilespmem:s9+$0x10] =	vst v2  }
0x1aa: {  	[tilespmem:s9+$0x70] =	vst v3  }
0x1ab: {  	v3 =	vld [tilespmem:s12+$0xFFFFFFD0];
	[tilespmem:s9+$0x20] =	vst v6  }
0x1ac: {  	v6 =	vld [tilespmem:s12+$0xFFFFFFB0];
	[tilespmem:s9+$0x60] =	vst v5  }
0x1ad: {  	v5 =	vld [tilespmem:s12+$0xFFFFFFE0];
	[tilespmem:s9+$0x40] =	vst v7  }
0x1ae: {  	v7 =	vld [tilespmem:s12+$0xFFFFFFF0];
	[tilespmem:s9+$0x50] =	vst v8;
	s9 =	smov.u32 s12  }
0x1af: {  	v4 =	vld.idx.msk [tilespmem:v4+s22+$0x0], $0xffff  }
0x1b0: {  	v8 =	vld [tilespmem:s12+$0xFFFFFF80]  }
0x1b1: {  	v9 =	vld [tilespmem:s12+$0xFFFFFFA0]  }
0x1b2: {  	v10 =	vld [tilespmem:s12+$0xFFFFFF90]  }
0x1b3: {  	v11 =	vld [tilespmem:s12+$0xFFFFFFC0]  }
0x1b4: {  	v2 =	vld [tilespmem:s12+$0x10]  }
0x1b5: {  	v7 =	vmul.f32 v7, v4;
	v8 =	vmul.f32 v8, v4  }
0x1b6: {  	v5 =	vmul.f32 v5, v4;
	v9 =	vmul.f32 v9, v4  }
0x1b7: {  	v6 =	vmul.f32 v6, v4;
	v10 =	vmul.f32 v10, v4;
	[tilespmem:s12+$0xFFFFFFF0] =	vst v7  }
0x1b8: {  	v3 =	vmul.f32 v3, v4;
	[tilespmem:s12+$0xFFFFFF80] =	vst v8;
	v7 =	vmul.f32 v11, v4  }
0x1b9: {  	s14 =	sadd.s32 $0x1, s14;
	[tilespmem:s12+$0xFFFFFFA0] =	vst v9  }
0x1ba: {  	[tilespmem:s12+$0xFFFFFFB0] =	vst v6;
	v6 =	vmov s14  }
.Ltmp9:
0x1bb: {  	[tilespmem:s12+$0xFFFFFFD0] =	vst v3;
	(pc) =	sbr.rel @p1 .LBB2_12-.Ltmp9, $4  }
0x1bc: {  	[tilespmem:s12+$0xFFFFFF90] =	vst v10  }
0x1bd: {  	[tilespmem:s12+$0xFFFFFFE0] =	vst v5;
	v5 =	vld [tilespmem:s12+$0x30]  }
0x1be: {  	[tilespmem:s12+$0xFFFFFFC0] =	vst v7;
	v4 =	vld [tilespmem:s12+$0x70]  }
0x1bf: {  	v3 =	vld.idx.msk [tilespmem:v6+s22+$0x0], $0xffff  }
0x1c0: {  	_ =	sdelay $0x1  }
0x1c1: {  	v6 =	vld [tilespmem:s9+$0x20];
	_ =	sdelay $0x1  }
0x1c2: {  	v7 =	vld [tilespmem:s9+$0x60];
	v1 =	vmul.f32 v1, v3  }
0x1c3: {  	v8 =	vld [tilespmem:s9+$0x40];
	v5 =	vmul.f32 v5, v3  }
0x1c4: {  	v9 =	vld [tilespmem:s9+$0x50];
	v2 =	vmul.f32 v2, v3;
	[tilespmem:s9+$0x0] =	vst v1  }
0x1c5: {  	v63 =	vmul.f32 v6, v3;
	[tilespmem:s9+$0x30] =	vst v5  }
0x1c6: {  	v1 =	vmul.f32 v4, v3;
	[tilespmem:s9+$0x10] =	vst v2  }
0x1c7: {  	v2 =	vmul.f32 v7, v3;
	[tilespmem:s9+$0x20] =	vst v63  }
0x1c8: {  	[tilespmem:s9+$0x70] =	vst v1;
	v1 =	vmul.f32 v8, v3  }
0x1c9: {  	v3 =	vmul.f32 v9, v3;
	[tilespmem:s9+$0x60] =	vst v2  }
0x1ca: {  	s10 =	sadd.s32 $0x1, s10;
	[tilespmem:s9+$0x40] =	vst v1  }
0x1cb: {  	p1 =	sne.s32 s10, $0x18;
	[tilespmem:s9+$0x50] =	vst v3  }
0x1cc: {  	[spmem:s2] =	stream.indirect.scatter.add.f32 [tilespmem:s31], [sflag:$0x9], $0x80, s20, s18, $0xb8;
	[tilespmem:$0x1C300] =	vst v63  }
.Ltmp10:
0x1cd: {  	_ = 	snop;
	(pc) =	sbr.rel @p1 .LBB2_9-.Ltmp10, $4  }
.Ltmp11:
0x1ce: {  	_ = 	snop;
	(pc) =	sbr.rel @!p1 .LBB2_14-.Ltmp11, $4  }
0x1cf: {  	_ =	swait.ge [sflag:s17], $0x4000  }
0x1d0: {  	[sflag:s17] =	ssyncset.done $0x0  }
0x1d1: {  	[sflag:s17] =	ssyncadd.s32 $0xFFFFC000  }
0x1d2: {  	_ = 	snop  }
.LBB2_15:
0x1d3: {  	_ =	sfence.sel $0x180000  }
0x1d4: {  	[bflag:$0x0] =	sbarrier.arrive $0xFFFF  }
0x1d5: {  	_ =	strace $0x9000004D  }
0x1d6: {  	s0 =	stileid.u32;
	[bflag:$0x2] =	sbarrier.arrive $0xFFFF  }
0x1d7: {  	p0 =	sne.s32 s0, $0x0;
	s0 =	rddreg [dreg:$0x2]  }
0x1d8: {  	s0 =	sadd.s32 @!p0 $0x100000, s0  }
0x1d9: {  	[sflag:s0] =	ssyncadd.tile.s32 @!p0 $0x1;
	_ =	shalt  }
.Lfunc_end2:
_tile_overlayer_lowered:
.L_overlay_start_2:
0x1da: {  	(tag) =	ssettag $0x2  }
0x1db: {  	s0 =	rddreg [dreg:$0x0];
	s2 =	stileid.u32  }
0x1dc: {  	s1 =	rddreg [dreg:$0x1];
	p0 =	sne.s32 s2, $0x0  }
0x1dd: {  	s3 =	rddreg [dreg:$0x2];
	[bflag:$0x3] =	sbarrier.arrive $0xFFFF;
	s2 =	simm.s32 @!p0 $0x1C09  }
0x1de: {  	[timem:s3], [sflag:s2] =	dma.local @!p0 [hbm:s0], s1  }
0x1df: {  	s0 =	simm.s32 @!p0 $0x9  }
0x1e0: {  	_ =	swait.ge @!p0 [sflag:s0], s1  }
0x1e1: {  	s1 =	ssub.s32 @!p0 $0x0, s1;
	[sflag:s0] =	ssyncset.done @!p0 $0x0  }
0x1e2: {  	[sflag:s0] =	ssyncadd.s32 @!p0 s1  }
0x1e3: {  	[bflag:$0x3] =	sbarrier.arrive $0xFFFF  }
0x1e4: {  	_ =	shalt  }

// kernel: kernel.8.cloned.1.call-start
scs
__scs_entry_jumppad:
0x0: {  	(pc) =	sbr.rel $0x88, $3  }
0x1: {  	(tag) =	ssettag $0x0;
	lr =	simm.s32 $0x1  }
0x2: {  	[smem:$0x3F94] =	sst lr;
	_ =	strace $0xD0000000  }
0x3: {  	_ = 	snop  }
0x4: {  	_ = 	snop  }
0x5: {  	_ = 	snop  }
0x6: {  	_ = 	snop  }
0x7: {  	_ = 	snop  }
__scs_overlays_trampoline_lowered:
0x8: {  	[smem:$0x3FA3] =	sst s0  }
0x9: {  	[smem:$0x3FA4] =	sst s1  }
0xa: {  	[smem:$0x3FA5] =	sst s2  }
0xb: {  	[smem:$0x3FA6] =	sst s3  }
0xc: {  	[smem:$0x3FA7] =	sst s4  }
0xd: {  	[smem:$0x3FA8] =	sst s5  }
0xe: {  	[smem:$0x3FA9] =	sst s6  }
0xf: {  	[smem:$0x3FAA] =	sst s7  }
0x10: {  	[smem:$0x3FAB] =	sst s8  }
0x11: {  	[smem:$0x3FAC] =	sst s9;
	s0 =	simm.s32 @!p0 $0x0  }
0x12: {  	s1 =	sld [smem:$0x3F92];
	s0 =	simm.s32 @p0 $0x1  }
0x13: {  	[smem:$0x3FAD] =	sst s0;
	s0 =	simm.s32 @!p1 $0x0  }
0x14: {  	s2 =	sld [smem:$0x3F91];
	s0 =	simm.s32 @p1 $0x1  }
0x15: {  	[smem:$0x3FAE] =	sst s0;
	s0 =	simm.s32 @!p2 $0x0  }
0x16: {  	s3 =	sld [smem:$0x3FDB];
	s0 =	simm.s32 @p2 $0x1  }
0x17: {  	s4 =	simm.s32 $0x1BF5;
	[smem:$0x3FB0] =	sst s0  }
0x18: {  	s0 =	sld [smem:$0x3F93];
	_ =	swait.ge [sflag:s4], $0x0  }
0x19: {  	s7 =	sld [smem:$0x3F94]  }
0x1a: {  	s8 =	sadd.s32 $0xFFFFE003, lr  }
0x1b: {  	s9 =	sadd.s32 $0xFFFFFEF7, lr;
	s5 =	simm.s32 $0xFFFFFFFF;
	p2 =	slt.u32 s8, $0xFFFFF086  }
0x1c: {  	p1 =	slt.u32 s9, $0xF7A;
	s5 =	simm.s32 @!p2 $0x0  }
0x1d: {  	s5 =	simm.s32 @p1 $0x1;
	p0 =	seq.s32 s7, s2  }
0x1e: {  	s7 =	smul.u32 @!p0 $0xF7A, s2;
	p2 =	seq.s32 @!p0 s5, $0x0  }
0x1f: {  	s9 =	smul.u32 $0xF7A, s1;
	s8 =	simm.s32 @!p0 $0x1BF5;
	p2 =	por !p2, p0  }
0x20: {  	[sflag:s8] =	ssyncset.s32 @!p0 $0xFFFFF086;
	s6 =	sadd.s32 @!p0 s3, s7;
	s7 =	simm.s32 @!p0 $0x108  }
0x21: {  	s3 =	sadd.s32 s3, s9;
	s6 =	sadd.s32 @!p0 $0x88, s6;
	s7 =	simm.s32 @p2 $0x1082  }
0x22: {  	[simem:s7], [sflag:s8] =	dma.local @!p0 [hbm:s6], $0xF7A  }
0x23: {  	s9 =	sor.u32 $0xD0000000, s2;
	s6 =	simm.s32 $0x108;
	_ =	swait.ge @!p0 [sflag:s8], $0x0  }
0x24: {  	s3 =	sadd.s32 $0x88, s3;
	s6 =	simm.s32 @!p1 $0x1082;
	[sflag:s4] =	ssyncset.s32 $0xFFFFF086  }
0x25: {  	[simem:s6], [sflag:s4] =	dma.local [hbm:s3], $0xF7A  }
0x26: {  	[smem:$0x3F94] =	sst s1;
	(tag) =	ssettag s2;
	_ =	strace s9  }
0x27: {  	s1 =	sld [smem:$0x3FA4]  }
0x28: {  	s2 =	sld [smem:$0x3FA5]  }
0x29: {  	s4 =	sld [smem:$0x3FA7]  }
0x2a: {  	p0 =	seq.s32 s5, $0x0;
	s5 =	sld [smem:$0x3FA8]  }
0x2b: {  	s6 =	sld [smem:$0x3FA9]  }
0x2c: {  	s7 =	sld [smem:$0x3FAA]  }
0x2d: {  	s3 =	simm.s32 $0x108;
	s8 =	sld [smem:$0x3FAB]  }
0x2e: {  	s3 =	simm.s32 @!p0 $0x1082;
	s9 =	sld [smem:$0x3FAC]  }
0x2f: {  	lr =	sadd.s32 s0, s3;
	s0 =	sld [smem:$0x3FA3]  }
0x30: {  	s3 =	sld [smem:$0x3FA6]  }
0x31: {  	[smem:$0x3FAF] =	sst s10  }
0x32: {  	s10 =	sld [smem:$0x3FAD];
	_ =	sdelay $0x3  }
0x33: {  	p0 =	seq.s32 s10, $0x1;
	s10 =	sld [smem:$0x3FAF];
	_ =	sdelay $0x3  }
0x34: {  	[smem:$0x3FAF] =	sst s10  }
0x35: {  	s10 =	sld [smem:$0x3FAE];
	_ =	sdelay $0x3  }
0x36: {  	p1 =	seq.s32 s10, $0x1;
	s10 =	sld [smem:$0x3FAF];
	_ =	sdelay $0x3  }
0x37: {  	[smem:$0x3FAF] =	sst s10  }
0x38: {  	s10 =	sld [smem:$0x3FB0]  }
0x39: {  	_ = 	snop;
	(pc) =	sbr.ind lr, $3  }
0x3a: {  	_ = 	snop  }
0x3b: {  	_ = 	snop  }
0x3c: {  	p2 =	seq.s32 s10, $0x1;
	s10 =	sld [smem:$0x3FAF]  }
0x3d: {  	_ =	shalt  }
0x3e: {  	_ =	shalt  }
0x3f: {  	_ =	shalt  }
0x40: {  	_ =	shalt  }
0x41: {  	_ =	shalt  }
0x42: {  	_ =	shalt  }
0x43: {  	_ =	shalt  }
0x44: {  	_ =	shalt  }
0x45: {  	_ =	shalt  }
0x46: {  	_ =	shalt  }
0x47: {  	_ =	shalt  }
0x48: {  	_ =	shalt  }
0x49: {  	_ =	shalt  }
0x4a: {  	_ =	shalt  }
0x4b: {  	_ =	shalt  }
0x4c: {  	_ =	shalt  }
0x4d: {  	_ =	shalt  }
0x4e: {  	_ =	shalt  }
0x4f: {  	_ =	shalt  }
0x50: {  	_ =	shalt  }
0x51: {  	_ =	shalt  }
0x52: {  	_ =	shalt  }
0x53: {  	_ =	shalt  }
0x54: {  	_ =	shalt  }
0x55: {  	_ =	shalt  }
0x56: {  	_ =	shalt  }
0x57: {  	_ =	shalt  }
0x58: {  	_ =	shalt  }
0x59: {  	_ =	shalt  }
0x5a: {  	_ =	shalt  }
0x5b: {  	_ =	shalt  }
0x5c: {  	_ =	shalt  }
0x5d: {  	_ =	shalt  }
0x5e: {  	_ =	shalt  }
0x5f: {  	_ =	shalt  }
0x60: {  	_ =	shalt  }
0x61: {  	_ =	shalt  }
0x62: {  	_ =	shalt  }
0x63: {  	_ =	shalt  }
0x64: {  	_ =	shalt  }
0x65: {  	_ =	shalt  }
0x66: {  	_ =	shalt  }
0x67: {  	_ =	shalt  }
0x68: {  	_ =	shalt  }
0x69: {  	_ =	shalt  }
0x6a: {  	_ =	shalt  }
0x6b: {  	_ =	shalt  }
0x6c: {  	_ =	shalt  }
0x6d: {  	_ =	shalt  }
0x6e: {  	_ =	shalt  }
0x6f: {  	_ =	shalt  }
0x70: {  	_ =	shalt  }
0x71: {  	_ =	shalt  }
0x72: {  	_ =	shalt  }
0x73: {  	_ =	shalt  }
0x74: {  	_ =	shalt  }
0x75: {  	_ =	shalt  }
0x76: {  	_ =	shalt  }
0x77: {  	_ =	shalt  }
0x78: {  	_ =	shalt  }
0x79: {  	_ =	shalt  }
0x7a: {  	_ =	shalt  }
0x7b: {  	_ =	shalt  }
0x7c: {  	_ =	shalt  }
0x7d: {  	_ =	shalt  }
0x7e: {  	_ =	shalt  }
0x7f: {  	_ =	shalt  }
0x80: {  	_ =	shalt  }
0x81: {  	_ =	shalt  }
0x82: {  	_ =	shalt  }
0x83: {  	_ =	shalt  }
0x84: {  	_ =	shalt  }
0x85: {  	_ =	shalt  }
0x86: {  	_ =	shalt  }
0x87: {  	_ =	shalt  }
.Lfunc_end0:
.L_simem_size_0:
called_computation_lowered:
.L_overlay_start_0:
0x88: {  	s2 =	sld [smem:$0x3FD9]  }
0x89: {  	s3 =	sld [smem:$0x3FFE];
	_ =	sdelay $0x1  }
0x8a: {  	s1 =	srdreg.scid  }
0x8b: {  	s0 =	sand.u32 $0x1, s1  }
0x8c: {  	s16 =	sshll.u32 s0, $0xA;
	s2 =	sadd.s32 s3, s2  }
0x8d: {  	s2 =	sadd.s32 s2, s16  }
0x8e: {  	[smem:$0x3FBB] =	sst s2  }
0x8f: {  	_ = 	snop  }
0x90: {  	(tm) =	ssettm $0x1  }
0x91: {  	s17 =	sld [smem:$0x3FFB];
	_ =	sdelay $0x3  }
0x92: {  	_ =	strace s17  }
0x93: {  	s2 =	sld [smem:$0x3FFC];
	_ =	sdelay $0x3  }
0x94: {  	_ =	strace s2  }
0x95: {  	s2 =	sld [smem:$0x3FFD];
	_ =	sdelay $0x3  }
0x96: {  	_ =	strace s2  }
0x97: {  	_ =	strace $0x8FFFFFFF  }
0x98: {  	s18 =	sld [smem:$0x3FDB];
	_ =	sdelay $0x1  }
0x99: {  	s19 =	simm.s32 $_scs_section_size  }
0x9a: {  	s4 =	simm.s32 $_size__tile_overlayer_lowered;
	s5 =	simm.s32 $_tile_overlayer_lowered  }
0x9b: {  	s22 =	simm.s32 $0x1BFF;
	s21 =	sshll.u32 s5, $0x1;
	s2 =	sadd.s32 s19, s18  }
0x9c: {  	s6 =	simm.s32 $0x0;
	s20 =	sshll.u32 s4, $0x1;
	s4 =	sadd.s32 s21, s2  }
0x9d: {  	[timem:s6], [sflag:s22] =	dma.local [hbm:s4], s20  }
0x9e: {  	_ =	swait.ge [sflag:s22], s20  }
0x9f: {  	s3 =	ssub.s32 $0x0, s20;
	[sflag:s22] =	ssyncset.done $0x0  }
0xa0: {  	[sflag:s22] =	ssyncadd.s32 s3;
	_ =	sdelay $0x1  }
0xa1: {  	s23 =	simm.s32 $0x1B8B  }
0xa2: {  	_ =	swait.ge [sflag:s23], $0x1  }
0xa3: {  	[sflag:s23] =	ssyncset.done $0x0  }
0xa4: {  	s25 =	simm.s32 $0x1B8E;
	s24 =	sld [smem:$0x3FFE];
	[sflag:s23] =	ssyncadd.s32 $0xFFFFFFFF  }
0xa5: {  	s26 =	simm.s32 $execute0_lowered;
	[smem:$0x3FD2] =	sst s25  }
0xa6: {  	s4 =	sshll.u32 s26, $0x1;
	_ =	strace $0x80000046;
	[dreg:$0x1] =	wrdreg $0xFFFFFFFF  }
0xa7: {  	s28 =	simm.s32 $_size_execute0_lowered;
	s2 =	sadd.s32 s2, s4;
	[dreg:$0x0] =	wrdreg $0x0  }
0xa8: {  	s4 =	sshll.u32 s28, $0x1;
	[dreg:$0x2] =	wrdreg s2  }
0xa9: {  	[dreg:$0x3] =	wrdreg s4  }
0xaa: {  	[dreg:$0x4] =	wrdreg $0xC0  }
0xab: {  	_ =	task [dreg:s6], $0x5FFFF  }
0xac: {  	[dreg:$0x1] =	wrdreg $0xFFFFFFFF  }
0xad: {  	[dreg:$0x0] =	wrdreg $0x60  }
0xae: {  	[dreg:$0x2] =	wrdreg s24  }
0xaf: {  	[dreg:$0x3] =	wrdreg $0xA9000  }
0xb0: {  	[dreg:$0x4] =	wrdreg $0x9  }
0xb1: {  	_ =	task.clear_ibuf [dreg:s6], $0x5FFFF;
	_ =	strace $0x90000046  }
0xb2: {  	s29 =	simm.s32 $0x9;
	_ =	strace $0x80000048  }
0xb3: {  	_ =	swait.ge [sflag:s29], $0x1  }
0xb4: {  	[sflag:s29] =	ssyncadd.s32 $0xFFFFFFFF  }
0xb5: {  	_ =	strace $0x90000048  }
0xb6: {  	_ =	sfence  }
0xb7: {  	s30 =	sld [smem:$0x0];
	_ =	sdelay $0x2  }
0xb8: {  	s31 =	sshll.u32 s1, $0xD;
	s1 =	sshrl.u32 s1, $0x2  }
0xb9: {  	s3 =	sand.u32 $0x4000, s31;
	s1 =	sadd.s32 s1, s30  }
0xba: {  	s0 =	sor.u32 s3, s0;
	s1 =	sshll.u32 s1, $0x11  }
0xbb: {  	s0 =	sor.u32 s1, s0  }
0xbc: {  	s0 =	sadd.s32 $0x8F2B, s0  }
0xbd: {  	[sflag:s0] =	ssyncadd.remote.s32 $0x1  }
0xbe: {  	_ =	sfence.sel $0xFFFF  }
0xbf: {  	[dreg:$0x0] =	wrdreg $0xFFFFFFFF;
	(pc) =	sbr.abs _section_cstart, $3  }
0xc0: {  	[dreg:$0x1] =	wrdreg $0xFFFFFFFF  }
0xc1: {  	_ =	task.clear_ibuf [dreg:s6], $0x2FFFF;
	_ =	strace $0x9FFFFFFF  }
0xc2: {  	(tm) =	ssettm $0x7FFFFFFF  }
0xc3: {  	_ =	shalt  }
tec
execute0_lowered:
.L_overlay_start_1:
0x0: {  	(tag) =	ssettag $0x1  }
0x1: {  	s1 =	srdreg.scid  }
0x2: {  	s0 =	stileid.u32;
	s5 =	rddreg [dreg:$0x0]  }
0x3: {  	s2 =	rddreg [dreg:$0x1];
	s3 =	simm.s32 $0x0;
	s14 =	simm.s32 $0x3  }
0x4: {  	s15 =	simm.s32 $0x2900;
	s16 =	simm.s32 $0x2800;
	s17 =	simm.s32 $0x2880  }
0x5: {  	s18 =	simm.s32 $0x1;
	s19 =	simm.s32 $0x80;
	s20 =	simm.s32 $0x2  }
0x6: {  	s21 =	simm.s32 $0x6900;
	s22 =	simm.s32 $0x0;
	s9 =	smul.u32 $0x14000, s0  }
0x7: {  	s4 =	sand.u32 $0x1, s1;
	s1 =	rddreg [dreg:$0x2];
	s10 =	smul.u32 $0x50000, s0  }
0x8: {  	s29 =	sshll.u32 s0, $0x1;
	[smem:$0x7FF] =	sst s3;
	s8 =	smul.u32 $0x140000, s4  }
0x9: {  	s6 =	sor.u32 s4, s29;
	_ =	strace $0x80000047;
	s30 =	ssub.s32 $0x2, s4  }
0xa: {  	s4 =	sadd.s32 $0xD400, s5;
	s7 =	smul.u32 $0x500, s6;
	s8 =	sadd.s32 s9, s8  }
0xb: {  	s11 =	sshrl.u32 s30, $0x1;
	s31 =	sshrl.u32 s10, $0x2;
	s8 =	sshrl.u32 s8, $0x3  }
0xc: {  	s13 =	ssub.s32 s30, s11;
	s7 =	sadd.s32 s7, s5;
	s12 =	sadd.s32 s8, s5  }
0xd: {  	s5 =	smul.u32 $0x50, s6;
	s6 =	sadd.s32 $0x3400, s7;
	s7 =	sadd.s32 s31, s2  }
0xe: {  	s13 =	smax.u32 s13, $0x1;
	s8 =	sadd.s32 $0x4000, s7;
	s9 =	sadd.s32 $0x8000, s7  }
0xf: {  	v0 =	vimm.f32 $0.0e+00;
	s10 =	sadd.s32 $0xC000, s7;
	s11 =	sadd.s32 $0x10000, s7;
	s12 =	sadd.s32 $0x21400, s12  }
.LBB2_1:
0x10: {  	[tilespmem:s3], [sflag:$0x3] =	stream.linear.gather [hbm4b:s6+s3], $0x2800, $0x38;
	[tilespmem:$0xD100] =	vst v63  }
0x11: {  	_ =	swait.ge [sflag:s14], $0x2800  }
0x12: {  	[sflag:s14] =	ssyncset.done $0x0  }
0x13: {  	s23 =	simm.s32 $0x2A00;
	[sflag:s14] =	ssyncadd.s32 $0xFFFFD800  }
0x14: {  	[tilespmem:s23+$0xFFFFFF00] =	vst v0  }
0x15: {  	[tilespmem:s23+$0x80] =	vst v0  }
0x16: {  	s24 =	simm.s32 $0x0;
	[tilespmem:s23+$0x0] =	vst v0  }
.LBB2_2:
0x17: {  	s24 =	sadd.s32 $0x4, s24  }
0x18: {  	[tilespmem:s23+$0xFFFFFF80] =	vst v0;
	s23 =	sadd.s32 $0x200, s23;
	p0 =	slt.u32 s24, $0x7C  }
.Ltmp0:
0x19: {  	[tilespmem:s23+$0xFFFFFF00] =	vst v0;
	(pc) =	sbr.rel @p0 .LBB2_2-.Ltmp0, $3  }
0x1a: {  	_ =	sdelay $0x1  }
0x1b: {  	[tilespmem:s23+$0x80] =	vst v0  }
0x1c: {  	[tilespmem:s23+$0x0] =	vst v0  }
0x1d: {  	[tilespmem:s23+$0xFFFFFF80] =	vst v0  }
0x1e: {  	[spmem:s7] =	stream.linear.scatter [tilespmem:s15], [sflag:$0x3], $0x4000, $0x38;
	[tilespmem:$0xD100] =	vst v63  }
0x1f: {  	_ =	swait.ge [sflag:s14], $0x4000  }
0x20: {  	[sflag:s14] =	ssyncset.done $0x0  }
0x21: {  	[sflag:s14] =	ssyncadd.s32 $0xFFFFC000  }
0x22: {  	[spmem:s8] =	stream.linear.scatter [tilespmem:s15], [sflag:$0x3], $0x4000, $0x38;
	[tilespmem:$0xD100] =	vst v63  }
0x23: {  	_ =	swait.ge [sflag:s14], $0x4000  }
0x24: {  	[sflag:s14] =	ssyncset.done $0x0  }
0x25: {  	[sflag:s14] =	ssyncadd.s32 $0xFFFFC000  }
0x26: {  	[spmem:s9] =	stream.linear.scatter [tilespmem:s15], [sflag:$0x3], $0x4000, $0x38;
	[tilespmem:$0xD100] =	vst v63  }
0x27: {  	_ =	swait.ge [sflag:s14], $0x4000  }
0x28: {  	[sflag:s14] =	ssyncset.done $0x0  }
0x29: {  	[sflag:s14] =	ssyncadd.s32 $0xFFFFC000  }
0x2a: {  	[spmem:s10] =	stream.linear.scatter [tilespmem:s15], [sflag:$0x3], $0x4000, $0x38;
	[tilespmem:$0xD100] =	vst v63  }
0x2b: {  	_ =	swait.ge [sflag:s14], $0x4000  }
0x2c: {  	[sflag:s14] =	ssyncset.done $0x0  }
0x2d: {  	[sflag:s14] =	ssyncadd.s32 $0xFFFFC000  }
0x2e: {  	[spmem:s11] =	stream.linear.scatter [tilespmem:s15], [sflag:$0x3], $0x4000, $0x38;
	[tilespmem:$0xD100] =	vst v63  }
0x2f: {  	_ =	swait.ge [sflag:s14], $0x4000  }
0x30: {  	[sflag:s14] =	ssyncset.done $0x0  }
0x31: {  	[sflag:s14] =	ssyncadd.s32 $0xFFFFC000  }
0x32: {  	s23 =	simm.s32 $0x0;
	s24 =	simm.s32 $0x0;
	[bflag:$0x0] =	sbarrier.arrive $0xFFFF  }
.LBB2_4:
0x33: {  	s26 =	sshll.u32 s24, $0x8;
	v2 =	vmov s23  }
0x34: {  	s25 =	sshll.u32 s24, $0x1;
	v1 =	vmov s26;
	v2 =	vand.u32 $0x78, v2  }
0x35: {  	s28 =	sshll.u32 s24, $0x5;
	s30 =	sadd.s32 s5, s25;
	v2 =	vor.u32 v1, v2  }
0x36: {  	s28 =	sand.u32 $0x60, s28;
	s26 =	sshll.u32 s30, $0x4;
	v2 =	vbroadcast v2, $0x0  }
0x37: {  	s28 =	sadd.s32 s4, s28;
	s26 =	sand.u32 $0xFFFFF80, s26  }
0x38: {  	s26 =	sadd.s32 s26, s28;
	s28 =	simm.s32 $0x1  }
0x39: {  	[tilespmem:s16], [sflag:$0x1] =	stream.linear.gather [hbm4b:s26+s23], $0x80, $0x38;
	v3 =	vmov s28;
	[tilespmem:$0xD100] =	vst v63  }
0x3a: {  	s26 =	sadd.s32 $0x10, s26;
	v3 =	vand.u32 $0x79, v3  }
0x3b: {  	[tilespmem:s17], [sflag:$0x2] =	stream.linear.gather [hbm4b:s26+s23], $0x80, $0x38;
	v3 =	vor.u32 v1, v3;
	[tilespmem:$0xD100] =	vst v63  }
0x3c: {  	v3 =	vbroadcast v3, $0x0;
	v2 =	vld.idx.msk [tilespmem:v2+s3+$0x0], $0xffff;
	_ =	sdelay $0x1  }
0x3d: {  	s31 =	simm.s32 $0x2  }
0x3e: {  	v4 =	vmov s31  }
0x3f: {  	v4 =	vand.u32 $0x7A, v4;
	s26 =	simm.s32 $0x2B00  }
0x40: {  	[tilespmem:s26+$0xFFFFFE00] =	vst v2;
	v2 =	vor.u32 v1, v4  }
0x41: {  	v3 =	vld.idx.msk [tilespmem:v3+s3+$0x0], $0xffff;
	v2 =	vbroadcast v2, $0x0;
	_ =	sdelay $0x1  }
0x42: {  	s28 =	simm.s32 $0x3  }
0x43: {  	v4 =	vmov s28  }
0x44: {  	v4 =	vand.u32 $0x7B, v4  }
0x45: {  	[tilespmem:s26+$0xFFFFFE80] =	vst v3;
	v3 =	vor.u32 v1, v4  }
0x46: {  	v2 =	vld.idx.msk [tilespmem:v2+s3+$0x0], $0xffff;
	v3 =	vbroadcast v3, $0x0;
	_ =	sdelay $0x1  }
0x47: {  	s28 =	simm.s32 $0x4  }
0x48: {  	v4 =	vmov s28  }
0x49: {  	v4 =	vand.u32 $0x7C, v4  }
0x4a: {  	[tilespmem:s26+$0xFFFFFF00] =	vst v2;
	v2 =	vor.u32 v1, v4  }
0x4b: {  	v3 =	vld.idx.msk [tilespmem:v3+s3+$0x0], $0xffff;
	v2 =	vbroadcast v2, $0x0;
	_ =	sdelay $0x1  }
0x4c: {  	s28 =	simm.s32 $0x5  }
0x4d: {  	v4 =	vmov s28  }
0x4e: {  	v4 =	vand.u32 $0x7D, v4  }
0x4f: {  	[tilespmem:s26+$0xFFFFFF80] =	vst v3;
	v3 =	vor.u32 v1, v4  }
0x50: {  	v2 =	vld.idx.msk [tilespmem:v2+s3+$0x0], $0xffff;
	v3 =	vbroadcast v3, $0x0;
	_ =	sdelay $0x1  }
0x51: {  	s28 =	simm.s32 $0x6  }
0x52: {  	v4 =	vmov s28  }
0x53: {  	v4 =	vand.u32 $0x7E, v4  }
0x54: {  	[tilespmem:s26+$0x0] =	vst v2;
	v2 =	vor.u32 v1, v4  }
0x55: {  	v3 =	vld.idx.msk [tilespmem:v3+s3+$0x0], $0xffff;
	v2 =	vbroadcast v2, $0x0;
	_ =	sdelay $0x1  }
0x56: {  	s28 =	simm.s32 $0x7  }
0x57: {  	v4 =	vmov s28  }
0x58: {  	v4 =	vand.u32 $0x7F, v4  }
0x59: {  	v4 =	vor.u32 v1, v4;
	[tilespmem:s26+$0x80] =	vst v3  }
0x5a: {  	v3 =	vld.idx.msk [tilespmem:v2+s3+$0x0], $0xffff;
	v2 =	vbroadcast v4, $0x0;
	_ =	sdelay $0x2  }
0x5b: {  	s28 =	simm.s32 $0x8  }
0x5c: {  	s29 =	simm.s32 $0x10;
	v4 =	vmov s28  }
.LBB2_5:
0x5d: {  	p0 =	slt.u32 s29, $0x78;
	v4 =	vand.u32 $0x78, v4;
	[tilespmem:s26+$0x100] =	vst v3  }
0x5e: {  	v3 =	vor.u32 v1, v4;
	v2 =	vld.idx.msk [tilespmem:v2+s3+$0x0], $0xffff  }
0x5f: {  	v3 =	vbroadcast v3, $0x0;
	_ =	sdelay $0x2  }
0x60: {  	s30 =	sadd.s32 $0x1, s28  }
0x61: {  	v4 =	vmov s30  }
0x62: {  	v4 =	vand.u32 $0x79, v4;
	[tilespmem:s26+$0x180] =	vst v2  }
0x63: {  	v2 =	vld.idx.msk [tilespmem:v3+s3+$0x0], $0xffff;
	v3 =	vor.u32 v1, v4  }
0x64: {  	v3 =	vbroadcast v3, $0x0;
	_ =	sdelay $0x2  }
0x65: {  	s30 =	sadd.s32 $0x2, s28  }
0x66: {  	s26 =	sadd.s32 $0x400, s26;
	v4 =	vmov s30  }
0x67: {  	[tilespmem:s26+$0xFFFFFE00] =	vst v2;
	v2 =	vand.u32 $0x7A, v4  }
0x68: {  	v3 =	vld.idx.msk [tilespmem:v3+s3+$0x0], $0xffff;
	v2 =	vor.u32 v1, v2  }
0x69: {  	v2 =	vbroadcast v2, $0x0;
	_ =	sdelay $0x2  }
0x6a: {  	s30 =	sadd.s32 $0x3, s28  }
0x6b: {  	v4 =	vmov s30  }
0x6c: {  	[tilespmem:s26+$0xFFFFFE80] =	vst v3;
	v3 =	vand.u32 $0x7B, v4  }
0x6d: {  	v2 =	vld.idx.msk [tilespmem:v2+s3+$0x0], $0xffff;
	v3 =	vor.u32 v1, v3  }
0x6e: {  	v3 =	vbroadcast v3, $0x0;
	_ =	sdelay $0x2  }
0x6f: {  	s30 =	sadd.s32 $0x4, s28  }
0x70: {  	v4 =	vmov s30  }
0x71: {  	[tilespmem:s26+$0xFFFFFF00] =	vst v2;
	v2 =	vand.u32 $0x7C, v4  }
0x72: {  	v3 =	vld.idx.msk [tilespmem:v3+s3+$0x0], $0xffff;
	v2 =	vor.u32 v1, v2  }
0x73: {  	v2 =	vbroadcast v2, $0x0;
	_ =	sdelay $0x2  }
0x74: {  	s30 =	sadd.s32 $0x5, s28  }
0x75: {  	v4 =	vmov s30  }
0x76: {  	[tilespmem:s26+$0xFFFFFF80] =	vst v3;
	v3 =	vand.u32 $0x7D, v4  }
0x77: {  	v2 =	vld.idx.msk [tilespmem:v2+s3+$0x0], $0xffff;
	v3 =	vor.u32 v1, v3  }
0x78: {  	v3 =	vbroadcast v3, $0x0;
	_ =	sdelay $0x2  }
0x79: {  	s30 =	sadd.s32 $0x6, s28  }
0x7a: {  	v4 =	vmov s30  }
0x7b: {  	[tilespmem:s26+$0x0] =	vst v2;
	v2 =	vand.u32 $0x7E, v4  }
0x7c: {  	v3 =	vld.idx.msk [tilespmem:v3+s3+$0x0], $0xffff;
	v2 =	vor.u32 v1, v2  }
0x7d: {  	v2 =	vbroadcast v2, $0x0;
	_ =	sdelay $0x2  }
0x7e: {  	s30 =	sadd.s32 $0x7, s28;
	s28 =	smov.u32 s29  }
0x7f: {  	v4 =	vmov s30  }
0x80: {  	v4 =	vand.u32 $0x7F, v4;
	[tilespmem:s26+$0x80] =	vst v3  }
0x81: {  	v3 =	vld.idx.msk [tilespmem:v2+s3+$0x0], $0xffff;
	v2 =	vor.u32 v1, v4  }
.Ltmp1:
0x82: {  	v2 =	vbroadcast v2, $0x0;
	(pc) =	sbr.rel @p0 .LBB2_5-.Ltmp1, $2  }
0x83: {  	_ =	sdelay $0x2  }
0x84: {  	s29 =	sadd.s32 $0x8, s29;
	v4 =	vmov s28  }
0x85: {  	_ =	sdelay $0x1  }
0x86: {  	v4 =	vand.u32 $0x78, v4  }
0x87: {  	[tilespmem:s26+$0x100] =	vst v3;
	v3 =	vor.u32 v1, v4  }
0x88: {  	v2 =	vld.idx.msk [tilespmem:v2+s3+$0x0], $0xffff;
	v3 =	vbroadcast v3, $0x0;
	_ =	sdelay $0x1  }
0x89: {  	s29 =	sadd.s32 $0x1, s28  }
0x8a: {  	v4 =	vmov s29  }
0x8b: {  	v4 =	vand.u32 $0x79, v4  }
0x8c: {  	[tilespmem:s26+$0x180] =	vst v2;
	v2 =	vor.u32 v1, v4  }
0x8d: {  	v2 =	vbroadcast v2, $0x0;
	v3 =	vld.idx.msk [tilespmem:v3+s3+$0x0], $0xffff;
	_ =	sdelay $0x1  }
0x8e: {  	s31 =	sadd.s32 $0x2, s28  }
0x8f: {  	v4 =	vmov s31  }
0x90: {  	s26 =	sadd.s32 $0x400, s26;
	v4 =	vand.u32 $0x7A, v4  }
0x91: {  	[tilespmem:s26+$0xFFFFFE00] =	vst v3;
	v3 =	vor.u32 v1, v4  }
0x92: {  	v2 =	vld.idx.msk [tilespmem:v2+s3+$0x0], $0xffff;
	v3 =	vbroadcast v3, $0x0;
	_ =	sdelay $0x1  }
0x93: {  	s30 =	sadd.s32 $0x3, s28  }
0x94: {  	v4 =	vmov s30  }
0x95: {  	v4 =	vand.u32 $0x7B, v4  }
0x96: {  	[tilespmem:s26+$0xFFFFFE80] =	vst v2;
	v2 =	vor.u32 v1, v4  }
0x97: {  	v3 =	vld.idx.msk [tilespmem:v3+s3+$0x0], $0xffff;
	v2 =	vbroadcast v2, $0x0;
	_ =	sdelay $0x1  }
0x98: {  	s31 =	sadd.s32 $0x4, s28  }
0x99: {  	v4 =	vmov s31  }
0x9a: {  	v4 =	vand.u32 $0x7C, v4  }
0x9b: {  	[tilespmem:s26+$0xFFFFFF00] =	vst v3;
	v3 =	vor.u32 v1, v4  }
0x9c: {  	v2 =	vld.idx.msk [tilespmem:v2+s3+$0x0], $0xffff;
	v3 =	vbroadcast v3, $0x0;
	_ =	sdelay $0x1  }
0x9d: {  	s30 =	sadd.s32 $0x5, s28  }
0x9e: {  	v4 =	vmov s30  }
0x9f: {  	v4 =	vand.u32 $0x7D, v4  }
0xa0: {  	[tilespmem:s26+$0xFFFFFF80] =	vst v2;
	v2 =	vor.u32 v1, v4  }
0xa1: {  	v3 =	vld.idx.msk [tilespmem:v3+s3+$0x0], $0xffff;
	v2 =	vbroadcast v2, $0x0;
	_ =	sdelay $0x1  }
0xa2: {  	s31 =	sadd.s32 $0x6, s28  }
0xa3: {  	v4 =	vmov s31  }
0xa4: {  	v4 =	vand.u32 $0x7E, v4  }
0xa5: {  	[tilespmem:s26+$0x0] =	vst v3;
	v3 =	vor.u32 v1, v4  }
0xa6: {  	v2 =	vld.idx.msk [tilespmem:v2+s3+$0x0], $0xffff;
	v3 =	vbroadcast v3, $0x0;
	_ =	sdelay $0x1  }
0xa7: {  	s28 =	sadd.s32 $0x7, s28  }
0xa8: {  	v4 =	vmov s28  }
0xa9: {  	v4 =	vand.u32 $0x7F, v4  }
0xaa: {  	v1 =	vor.u32 v1, v4;
	[tilespmem:s26+$0x80] =	vst v2  }
0xab: {  	v1 =	vbroadcast v1, $0x0;
	v2 =	vld.idx.msk [tilespmem:v3+s3+$0x0], $0xffff;
	_ =	sdelay $0x4  }
0xac: {  	[tilespmem:s26+$0x100] =	vst v2  }
0xad: {  	v1 =	vld.idx.msk [tilespmem:v1+s3+$0x0], $0xffff;
	_ =	sdelay $0x2  }
0xae: {  	s25 =	sshll.u32 s25, $0x7;
	s28 =	simm.s32 $0x0  }
0xaf: {  	s25 =	sor.u32 $0x80, s25;
	v2 =	vmov s28  }
0xb0: {  	v2 =	vand.u32 $0x78, v2;
	[tilespmem:s26+$0x180] =	vst v1;
	v1 =	vmov s25  }
0xb1: {  	_ =	swait.ge [sflag:s18], $0x80;
	v2 =	vor.u32 v1, v2  }
0xb2: {  	[sflag:s18] =	ssyncset.done $0x0;
	v2 =	vbroadcast v2, $0x0  }
0xb3: {  	s26 =	simm.s32 $0x1;
	[sflag:s18] =	ssyncadd.s32 $0xFFFFFF80  }
0xb4: {  	[spmem:s2] =	stream.indirect.scatter.add.f32 [tilespmem:s15], [sflag:$0x3], $0x10, s16, s19, $0xb8;
	[tilespmem:$0xD100] =	vst v63  }
0xb5: {  	v3 =	vmov s26;
	_ =	swait.ge [sflag:s14], $0x800  }
0xb6: {  	v3 =	vand.u32 $0x79, v3;
	[sflag:s14] =	ssyncset.done $0x0  }
0xb7: {  	v3 =	vor.u32 v1, v3;
	[sflag:s14] =	ssyncadd.s32 $0xFFFFF800  }
0xb8: {  	v3 =	vbroadcast v3, $0x0;
	v2 =	vld.idx.msk [tilespmem:v2+s3+$0x0], $0xffff;
	_ =	sdelay $0x1  }
0xb9: {  	s29 =	simm.s32 $0x2  }
0xba: {  	v4 =	vmov s29  }
0xbb: {  	v4 =	vand.u32 $0x7A, v4;
	s25 =	simm.s32 $0x6B00  }
0xbc: {  	[tilespmem:s25+$0xFFFFFE00] =	vst v2;
	v2 =	vor.u32 v1, v4  }
0xbd: {  	v3 =	vld.idx.msk [tilespmem:v3+s3+$0x0], $0xffff;
	v2 =	vbroadcast v2, $0x0;
	_ =	sdelay $0x1  }
0xbe: {  	s30 =	simm.s32 $0x3  }
0xbf: {  	v4 =	vmov s30  }
0xc0: {  	v4 =	vand.u32 $0x7B, v4  }
0xc1: {  	[tilespmem:s25+$0xFFFFFE80] =	vst v3;
	v3 =	vor.u32 v1, v4  }
0xc2: {  	v2 =	vld.idx.msk [tilespmem:v2+s3+$0x0], $0xffff;
	v3 =	vbroadcast v3, $0x0;
	_ =	sdelay $0x1  }
0xc3: {  	s31 =	simm.s32 $0x4  }
0xc4: {  	v4 =	vmov s31  }
0xc5: {  	v4 =	vand.u32 $0x7C, v4  }
0xc6: {  	[tilespmem:s25+$0xFFFFFF00] =	vst v2;
	v2 =	vor.u32 v1, v4  }
0xc7: {  	v3 =	vld.idx.msk [tilespmem:v3+s3+$0x0], $0xffff;
	v2 =	vbroadcast v2, $0x0;
	_ =	sdelay $0x1  }
0xc8: {  	s29 =	simm.s32 $0x5  }
0xc9: {  	v4 =	vmov s29  }
0xca: {  	v4 =	vand.u32 $0x7D, v4  }
0xcb: {  	[tilespmem:s25+$0xFFFFFF80] =	vst v3;
	v3 =	vor.u32 v1, v4  }
0xcc: {  	v2 =	vld.idx.msk [tilespmem:v2+s3+$0x0], $0xffff;
	v3 =	vbroadcast v3, $0x0;
	_ =	sdelay $0x1  }
0xcd: {  	s30 =	simm.s32 $0x6  }
0xce: {  	v4 =	vmov s30  }
0xcf: {  	v4 =	vand.u32 $0x7E, v4  }
0xd0: {  	[tilespmem:s25+$0x0] =	vst v2;
	v2 =	vor.u32 v1, v4  }
0xd1: {  	v3 =	vld.idx.msk [tilespmem:v3+s3+$0x0], $0xffff;
	v2 =	vbroadcast v2, $0x0;
	_ =	sdelay $0x1  }
0xd2: {  	s31 =	simm.s32 $0x7  }
0xd3: {  	v4 =	vmov s31  }
0xd4: {  	v4 =	vand.u32 $0x7F, v4  }
0xd5: {  	v4 =	vor.u32 v1, v4;
	[tilespmem:s25+$0x80] =	vst v3  }
0xd6: {  	v3 =	vld.idx.msk [tilespmem:v2+s3+$0x0], $0xffff;
	v2 =	vbroadcast v4, $0x0;
	_ =	sdelay $0x2  }
0xd7: {  	s26 =	simm.s32 $0x8  }
0xd8: {  	s28 =	simm.s32 $0x10;
	v4 =	vmov s26  }
.LBB2_7:
0xd9: {  	p0 =	slt.u32 s28, $0x78;
	v4 =	vand.u32 $0x78, v4;
	[tilespmem:s25+$0x100] =	vst v3  }
0xda: {  	v3 =	vor.u32 v1, v4;
	v2 =	vld.idx.msk [tilespmem:v2+s3+$0x0], $0xffff  }
0xdb: {  	v3 =	vbroadcast v3, $0x0;
	_ =	sdelay $0x2  }
0xdc: {  	s29 =	sadd.s32 $0x1, s26  }
0xdd: {  	v4 =	vmov s29  }
0xde: {  	v4 =	vand.u32 $0x79, v4;
	[tilespmem:s25+$0x180] =	vst v2  }
0xdf: {  	v2 =	vld.idx.msk [tilespmem:v3+s3+$0x0], $0xffff;
	v3 =	vor.u32 v1, v4  }
0xe0: {  	v3 =	vbroadcast v3, $0x0;
	_ =	sdelay $0x2  }
0xe1: {  	s29 =	sadd.s32 $0x2, s26  }
0xe2: {  	s25 =	sadd.s32 $0x400, s25;
	v4 =	vmov s29  }
0xe3: {  	[tilespmem:s25+$0xFFFFFE00] =	vst v2;
	v2 =	vand.u32 $0x7A, v4  }
0xe4: {  	v3 =	vld.idx.msk [tilespmem:v3+s3+$0x0], $0xffff;
	v2 =	vor.u32 v1, v2  }
0xe5: {  	v2 =	vbroadcast v2, $0x0;
	_ =	sdelay $0x2  }
0xe6: {  	s29 =	sadd.s32 $0x3, s26  }
0xe7: {  	v4 =	vmov s29  }
0xe8: {  	[tilespmem:s25+$0xFFFFFE80] =	vst v3;
	v3 =	vand.u32 $0x7B, v4  }
0xe9: {  	v2 =	vld.idx.msk [tilespmem:v2+s3+$0x0], $0xffff;
	v3 =	vor.u32 v1, v3  }
0xea: {  	v3 =	vbroadcast v3, $0x0;
	_ =	sdelay $0x2  }
0xeb: {  	s29 =	sadd.s32 $0x4, s26  }
0xec: {  	v4 =	vmov s29  }
0xed: {  	[tilespmem:s25+$0xFFFFFF00] =	vst v2;
	v2 =	vand.u32 $0x7C, v4  }
0xee: {  	v3 =	vld.idx.msk [tilespmem:v3+s3+$0x0], $0xffff;
	v2 =	vor.u32 v1, v2  }
0xef: {  	v2 =	vbroadcast v2, $0x0;
	_ =	sdelay $0x2  }
0xf0: {  	s29 =	sadd.s32 $0x5, s26  }
0xf1: {  	v4 =	vmov s29  }
0xf2: {  	[tilespmem:s25+$0xFFFFFF80] =	vst v3;
	v3 =	vand.u32 $0x7D, v4  }
0xf3: {  	v2 =	vld.idx.msk [tilespmem:v2+s3+$0x0], $0xffff;
	v3 =	vor.u32 v1, v3  }
0xf4: {  	v3 =	vbroadcast v3, $0x0;
	_ =	sdelay $0x2  }
0xf5: {  	s29 =	sadd.s32 $0x6, s26  }
0xf6: {  	v4 =	vmov s29  }
0xf7: {  	[tilespmem:s25+$0x0] =	vst v2;
	v2 =	vand.u32 $0x7E, v4  }
0xf8: {  	v3 =	vld.idx.msk [tilespmem:v3+s3+$0x0], $0xffff;
	v2 =	vor.u32 v1, v2  }
0xf9: {  	v2 =	vbroadcast v2, $0x0;
	_ =	sdelay $0x2  }
0xfa: {  	s29 =	sadd.s32 $0x7, s26;
	s26 =	smov.u32 s28  }
0xfb: {  	v4 =	vmov s29  }
0xfc: {  	v4 =	vand.u32 $0x7F, v4;
	[tilespmem:s25+$0x80] =	vst v3  }
0xfd: {  	v3 =	vld.idx.msk [tilespmem:v2+s3+$0x0], $0xffff;
	v2 =	vor.u32 v1, v4  }
.Ltmp2:
0xfe: {  	v2 =	vbroadcast v2, $0x0;
	(pc) =	sbr.rel @p0 .LBB2_7-.Ltmp2, $2  }
0xff: {  	_ =	sdelay $0x2  }
0x100: {  	s28 =	sadd.s32 $0x8, s28;
	v4 =	vmov s26  }
0x101: {  	_ =	sdelay $0x1  }
0x102: {  	v4 =	vand.u32 $0x78, v4  }
0x103: {  	[tilespmem:s25+$0x100] =	vst v3;
	v3 =	vor.u32 v1, v4  }
0x104: {  	v2 =	vld.idx.msk [tilespmem:v2+s3+$0x0], $0xffff;
	v3 =	vbroadcast v3, $0x0;
	_ =	sdelay $0x1  }
0x105: {  	s28 =	sadd.s32 $0x1, s26  }
0x106: {  	v57 =	vmov s28  }
0x107: {  	v4 =	vand.u32 $0x79, v57  }
0x108: {  	[tilespmem:s25+$0x180] =	vst v2;
	v2 =	vor.u32 v1, v4  }
0x109: {  	v2 =	vbroadcast v2, $0x0;
	v3 =	vld.idx.msk [tilespmem:v3+s3+$0x0], $0xffff;
	_ =	sdelay $0x1  }
0x10a: {  	s29 =	sadd.s32 $0x2, s26  }
0x10b: {  	v58 =	vmov s29  }
0x10c: {  	s25 =	sadd.s32 $0x400, s25;
	v4 =	vand.u32 $0x7A, v58  }
0x10d: {  	[tilespmem:s25+$0xFFFFFE00] =	vst v3;
	v3 =	vor.u32 v1, v4  }
0x10e: {  	v2 =	vld.idx.msk [tilespmem:v2+s3+$0x0], $0xffff;
	v3 =	vbroadcast v3, $0x0;
	_ =	sdelay $0x1  }
0x10f: {  	s30 =	sadd.s32 $0x3, s26  }
0x110: {  	v59 =	vmov s30  }
0x111: {  	v4 =	vand.u32 $0x7B, v59  }
0x112: {  	[tilespmem:s25+$0xFFFFFE80] =	vst v2;
	v2 =	vor.u32 v1, v4  }
0x113: {  	v3 =	vld.idx.msk [tilespmem:v3+s3+$0x0], $0xffff;
	v2 =	vbroadcast v2, $0x0;
	_ =	sdelay $0x1  }
0x114: {  	s31 =	sadd.s32 $0x4, s26  }
0x115: {  	v60 =	vmov s31  }
0x116: {  	v4 =	vand.u32 $0x7C, v60  }
0x117: {  	[tilespmem:s25+$0xFFFFFF00] =	vst v3;
	v3 =	vor.u32 v1, v4  }
0x118: {  	v2 =	vld.idx.msk [tilespmem:v2+s3+$0x0], $0xffff;
	v3 =	vbroadcast v3, $0x0;
	_ =	sdelay $0x1  }
0x119: {  	s29 =	sadd.s32 $0x5, s26  }
0x11a: {  	v61 =	vmov s29  }
0x11b: {  	v4 =	vand.u32 $0x7D, v61  }
0x11c: {  	[tilespmem:s25+$0xFFFFFF80] =	vst v2;
	v2 =	vor.u32 v1, v4  }
0x11d: {  	v3 =	vld.idx.msk [tilespmem:v3+s3+$0x0], $0xffff;
	v2 =	vbroadcast v2, $0x0;
	_ =	sdelay $0x1  }
0x11e: {  	s30 =	sadd.s32 $0x6, s26  }
0x11f: {  	v62 =	vmov s30  }
0x120: {  	v4 =	vand.u32 $0x7E, v62  }
0x121: {  	[tilespmem:s25+$0x0] =	vst v3;
	v3 =	vor.u32 v1, v4  }
0x122: {  	v2 =	vld.idx.msk [tilespmem:v2+s3+$0x0], $0xffff;
	v3 =	vbroadcast v3, $0x0;
	_ =	sdelay $0x1  }
0x123: {  	s31 =	sadd.s32 $0x7, s26  }
0x124: {  	v63 =	vmov s31  }
0x125: {  	v4 =	vand.u32 $0x7F, v63  }
0x126: {  	v1 =	vor.u32 v1, v4;
	[tilespmem:s25+$0x80] =	vst v2  }
0x127: {  	v1 =	vbroadcast v1, $0x0;
	v2 =	vld.idx.msk [tilespmem:v3+s3+$0x0], $0xffff;
	_ =	sdelay $0x4  }
0x128: {  	[tilespmem:s25+$0x100] =	vst v2  }
0x129: {  	v1 =	vld.idx.msk [tilespmem:v1+s3+$0x0], $0xffff;
	_ =	sdelay $0x4  }
0x12a: {  	[tilespmem:s25+$0x180] =	vst v1  }
0x12b: {  	s24 =	sadd.s32 $0x1, s24;
	_ =	swait.ge [sflag:s20], $0x80  }
0x12c: {  	p0 =	sne.s32 s24, $0x28;
	[sflag:s20] =	ssyncset.done $0x0  }
.Ltmp3:
0x12d: {  	[sflag:s20] =	ssyncadd.s32 $0xFFFFFF80;
	(pc) =	sbr.rel @p0 .LBB2_4-.Ltmp3, $4  }
0x12e: {  	[spmem:s2] =	stream.indirect.scatter.add.f32 [tilespmem:s21], [sflag:$0x3], $0x10, s17, s19, $0xb8;
	[tilespmem:$0xD100] =	vst v63  }
0x12f: {  	_ =	swait.ge [sflag:s14], $0x800  }
0x130: {  	[sflag:s14] =	ssyncset.done $0x0  }
0x131: {  	[sflag:s14] =	ssyncadd.s32 $0xFFFFF800  }
0x132: {  	s22 =	sadd.s32 $0x1, s22  }
0x133: {  	s23 =	sshll.u32 s0, $0x6;
	[bflag:$0x0] =	sbarrier.arrive $0xFFFF;
	p0 =	sne.s32 s22, s13  }
.Ltmp4:
0x134: {  	s24 =	sshrl.u32 s7, $0x3;
	s23 =	sor.u32 $0x1C03, s23;
	(pc) =	sbr.rel @p0 .LBB2_1-.Ltmp4, $4  }
0x135: {  	[hbm:s12], [sflag:s23] =	dma.local [spmem:s24], $0x2800  }
0x136: {  	_ =	swait.ge [sflag:s14], $0x2800  }
0x137: {  	[sflag:s14] =	ssyncset.done $0x0  }
0x138: {  	[sflag:s14] =	ssyncadd.s32 $0xFFFFD800  }
0x139: {  	_ =	sfence.sel $0x180000  }
0x13a: {  	[bflag:$0x0] =	sbarrier.arrive $0xFFFF  }
0x13b: {  	p0 =	sne.s32 s0, $0x0;
	_ =	strace $0x90000047  }
0x13c: {  	s0 =	sadd.s32 @!p0 $0x100000, s1;
	[bflag:$0x2] =	sbarrier.arrive $0xFFFF  }
0x13d: {  	[sflag:s0] =	ssyncadd.tile.s32 @!p0 $0x1;
	_ =	shalt  }
.Lfunc_end2:
_tile_overlayer_lowered:
.L_overlay_start_2:
0x13e: {  	(tag) =	ssettag $0x2  }
0x13f: {  	s0 =	rddreg [dreg:$0x0];
	s2 =	stileid.u32  }
0x140: {  	s1 =	rddreg [dreg:$0x1];
	p0 =	sne.s32 s2, $0x0  }
0x141: {  	s3 =	rddreg [dreg:$0x2];
	[bflag:$0x3] =	sbarrier.arrive $0xFFFF;
	s2 =	simm.s32 @!p0 $0x1C03  }
0x142: {  	[timem:s3], [sflag:s2] =	dma.local @!p0 [hbm:s0], s1  }
0x143: {  	s0 =	simm.s32 @!p0 $0x3  }
0x144: {  	_ =	swait.ge @!p0 [sflag:s0], s1  }
0x145: {  	s1 =	ssub.s32 @!p0 $0x0, s1;
	[sflag:s0] =	ssyncset.done @!p0 $0x0  }
0x146: {  	[sflag:s0] =	ssyncadd.s32 @!p0 s1  }
0x147: {  	[bflag:$0x3] =	sbarrier.arrive $0xFFFF  }
0x148: {  	_ =	shalt  }

</sc_bundles>
